<compile_context>
chip_gen: v7x
topology: tpu7x:2x2x1
jax: 0.10.2.dev20260603
libtpu: 0.0.44.dev20260713+nightly
codegen_flags: <defaults>
</compile_context>

<pallas_src>
import functools

import jax
import jax.numpy as jnp
from jax import lax
from jax.experimental import pallas as pl
from jax.experimental.pallas import tpu as pltpu
from jax.experimental.pallas import tpu_sc as plsc

N_NODES = 10000
N_PAD = 10112
DUMMY = 10000
E_EDGES = 320000
E_PAD = 327680
CHUNK = 128
ROWS_PER_TILE = N_PAD // 16
DEG_CH = E_PAD // 2 // 16 // CHUNK
MAIN_CH = E_PAD // 16 // CHUNK

_SC_MESH = plsc.VectorSubcoreMesh(core_axis_name="c", subcore_axis_name="s")
_SC_PARAMS = pltpu.CompilerParams(use_tc_tiling_on_sc=False)



def _deg_body(dst_hbm, zeros16_hbm, ones_hbm, out_hbm, dst_v, ones_v, hist_sh):
    c = lax.axis_index("c")
    s = lax.axis_index("s")
    r0 = s * ROWS_PER_TILE
    pltpu.sync_copy(zeros16_hbm.at[pl.ds(r0, ROWS_PER_TILE)],
                    hist_sh.at[pl.ds(r0, ROWS_PER_TILE)])
    pltpu.sync_copy(dst_hbm.at[c, s], dst_v)
    pltpu.sync_copy(ones_hbm, ones_v)
    plsc.subcore_barrier()

    def step(k, carry):
        pltpu.sync_copy(ones_v, hist_sh.at[dst_v.at[k]], add=True)
        return carry

    lax.fori_loop(0, DEG_CH, step, 0)
    plsc.subcore_barrier()
    pltpu.sync_copy(hist_sh.at[pl.ds(r0, ROWS_PER_TILE)],
                    out_hbm.at[c].at[pl.ds(r0, ROWS_PER_TILE)])


_deg_kernel = functools.partial(
    pl.kernel,
    out_type=jax.ShapeDtypeStruct((2, N_PAD, 16), jnp.float32),
    mesh=_SC_MESH,
    compiler_params=_SC_PARAMS,
    scratch_types=[
        pltpu.VMEM((DEG_CH, CHUNK), jnp.int32),
        pltpu.VMEM((CHUNK, 16), jnp.float32),
        pltpu.VMEM_SHARED((N_PAD, 16), jnp.float32),
    ],
)(_deg_body)


NBUF = 10


def _scat_body(y_hbm, src_hbm, dst_hbm, zeros_hbm, out_hbm,
               src_v, dst_v, rows_v, gsems, ssems, z_sh):
    c = lax.axis_index("c")
    s = lax.axis_index("s")
    r0 = s * ROWS_PER_TILE
    pltpu.sync_copy(zeros_hbm.at[pl.ds(r0, ROWS_PER_TILE)],
                    z_sh.at[pl.ds(r0, ROWS_PER_TILE)])
    pltpu.sync_copy(src_hbm.at[c, s], src_v)
    pltpu.sync_copy(dst_hbm.at[s], dst_v)
    plsc.subcore_barrier()

    for b in range(NBUF - 1):
        pltpu.async_copy(y_hbm.at[src_v.at[b]], rows_v.at[b], gsems[b])

    def outer(j, carry):
        k0 = j * NBUF
        for b in range(NBUF):
            k = k0 + b
            pltpu.make_async_copy(y_hbm.at[src_v.at[k]],
                                  rows_v.at[b], gsems[b]).wait()
            pltpu.async_copy(rows_v.at[b], z_sh.at[dst_v.at[k]],
                             ssems[b], add=True)
            bp = (b + NBUF - 1) % NBUF
            nk = k + NBUF - 1

            @pl.when(jnp.logical_and(k >= 1, nk < MAIN_CH))
            def _():
                pltpu.make_async_copy(rows_v.at[bp],
                                      z_sh.at[dst_v.at[k - 1]],
                                      ssems[bp]).wait()
                pltpu.async_copy(y_hbm.at[src_v.at[nk]],
                                 rows_v.at[bp], gsems[bp])

            if b == 0:
                @pl.when(k == 0)
                def _():
                    pltpu.async_copy(y_hbm.at[src_v.at[NBUF - 1]],
                                     rows_v.at[NBUF - 1], gsems[NBUF - 1])
        return carry

    lax.fori_loop(0, MAIN_CH // NBUF, outer, 0)
    for b in range(NBUF):
        pltpu.make_async_copy(rows_v.at[b],
                              z_sh.at[dst_v.at[MAIN_CH - NBUF + b]],
                              ssems[b]).wait()
    plsc.subcore_barrier()
    pltpu.sync_copy(z_sh.at[pl.ds(r0, ROWS_PER_TILE)],
                    out_hbm.at[c].at[pl.ds(r0, ROWS_PER_TILE)])


_scat_kernel = functools.partial(
    pl.kernel,
    out_type=jax.ShapeDtypeStruct((2, N_PAD, 64), jnp.bfloat16),
    mesh=_SC_MESH,
    compiler_params=_SC_PARAMS,
    scratch_types=[
        pltpu.VMEM((MAIN_CH, CHUNK), jnp.int32),
        pltpu.VMEM((MAIN_CH, CHUNK), jnp.int32),
        pltpu.VMEM((NBUF, CHUNK, 64), jnp.bfloat16),
        [pltpu.SemaphoreType.DMA] * NBUF,
        [pltpu.SemaphoreType.DMA] * NBUF,
        pltpu.VMEM_SHARED((N_PAD, 64), jnp.bfloat16),
    ],
)(_scat_body)



def _dis_from_hist(hist_ref):
    deg = 1.0 + hist_ref[0, :, 0:1] + hist_ref[1, :, 0:1]
    return lax.rsqrt(deg)


def _t0_body(x_ref, w1_ref, hist_ref, y_ref, xw_ref):
    dis = _dis_from_hist(hist_ref)
    xw = jnp.dot(x_ref[...], w1_ref[...], preferred_element_type=jnp.float32)
    xw_ref[...] = xw
    y = (dis * xw).astype(jnp.bfloat16)
    y_ref[0] = y[:, :64]
    y_ref[1] = y[:, 64:]


def _t0(x_pad, w1, hist):
    return pl.pallas_call(
        _t0_body,
        out_shape=(
            jax.ShapeDtypeStruct((2, N_PAD, 64), jnp.bfloat16),
            jax.ShapeDtypeStruct((N_PAD, 128), jnp.float32),
        ),
    )(x_pad, w1, hist)


def _mid_body(z_ref, xw_ref, hist_ref, w_ref, b_ref, y_ref, xw2_ref):
    dis = _dis_from_hist(hist_ref)
    zcat = jnp.concatenate([z_ref[0], z_ref[1]],
                           axis=1).astype(jnp.float32)
    pre = dis * zcat + (dis * dis) * xw_ref[...] + b_ref[...]
    h = jnp.maximum(pre, 0.0)
    row = lax.broadcasted_iota(jnp.int32, (N_PAD, 1), 0)
    h = jnp.where(row < N_NODES, h, 0.0)
    xw2 = jnp.dot(h, w_ref[...], preferred_element_type=jnp.float32)
    xw2_ref[...] = xw2
    y2 = (dis * xw2).astype(jnp.bfloat16)
    y_ref[0] = y2[:, :64]
    y_ref[1] = y2[:, 64:]


def _t1(z, xw1, hist, w2, b1r):
    return pl.pallas_call(
        _mid_body,
        out_shape=(
            jax.ShapeDtypeStruct((2, N_PAD, 64), jnp.bfloat16),
            jax.ShapeDtypeStruct((N_PAD, 128), jnp.float32),
        ),
    )(z, xw1, hist, w2, b1r)


def _t2_body(z_ref, xw_ref, hist_ref, b_ref, wfc_ref, bfc_ref, out_ref):
    dis = _dis_from_hist(hist_ref)
    zcat = jnp.concatenate([z_ref[0], z_ref[1]],
                           axis=1).astype(jnp.float32)
    pre = dis * zcat + (dis * dis) * xw_ref[...] + b_ref[...]
    h = jnp.maximum(pre, 0.0)
    row = lax.broadcasted_iota(jnp.int32, (N_PAD, 1), 0)
    h = jnp.where(row < N_NODES, h, 0.0)
    g = jnp.sum(h, axis=0, keepdims=True) * (1.0 / N_NODES)
    logits = jnp.dot(g, wfc_ref[...],
                     preferred_element_type=jnp.float32) + bfc_ref[...]
    m = jnp.max(logits, axis=1, keepdims=True)
    lse = jnp.log(jnp.sum(jnp.exp(logits - m), axis=1, keepdims=True))
    out_ref[...] = logits - m - lse


def _t2(z, xw2, hist, b2r, wfc, bfcr):
    return pl.pallas_call(
        _t2_body,
        out_shape=jax.ShapeDtypeStruct((1, 5), jnp.float32),
    )(z, xw2, hist, b2r, wfc, bfcr)



def kernel(x, edge_index, W1, b1, W2, b2, Wfc, bfc):
    src = edge_index[0].astype(jnp.int32)
    dst = edge_index[1].astype(jnp.int32)
    pad = jnp.full((E_PAD - E_EDGES,), DUMMY, jnp.int32)
    srcp = jnp.concatenate([src, pad])
    dstp = jnp.concatenate([dst, pad])

    dst_deg = dstp.reshape(2, 16, DEG_CH, CHUNK)
    dst_main = dstp.reshape(16, MAIN_CH, CHUNK)
    src_main = srcp.reshape(16, MAIN_CH, CHUNK)
    src2 = jnp.stack([src_main, src_main + N_PAD])

    zeros64 = jnp.zeros((N_PAD, 64), jnp.bfloat16)
    zeros16 = jnp.zeros((N_PAD, 16), jnp.float32)
    ones_rows = jnp.ones((CHUNK, 16), jnp.float32)
    x_pad = jnp.pad(x, ((0, N_PAD - N_NODES), (0, 0)))

    b1r = b1.reshape(1, 128)
    b2r = b2.reshape(1, 128)
    bfcr = bfc.reshape(1, 5)

    hist = _deg_kernel(dst_deg, zeros16, ones_rows)
    y1, xw1 = _t0(x_pad, W1, hist)
    z1 = _scat_kernel(y1.reshape(2 * N_PAD, 64), src2, dst_main, zeros64)
    y2, xw2 = _t1(z1, xw1, hist, W2, b1r)
    z2 = _scat_kernel(y2.reshape(2 * N_PAD, 64), src2, dst_main, zeros64)
    out = _t2(z2, xw2, hist, b2r, Wfc, bfcr)
    return out.reshape(5)

# --- scband reference (transcript-rebuilt; emitter-appended) ---
"""Pipeline reference for scband-action-prediction-gnn-8718783610954 (READ-ONLY COPY).

The authoritative reference and input builder live on the scoring server;
editing this copy changes nothing except your own understanding.
"""

import jax, jax.numpy as jnp
import numpy as np

N = 10000
E = 320000
D_IN = 128
D_HID = 128
D_OUT = 5


def gcn_conv(x, edge_index, W, b):
    # PyG GCNConv: add self-loops, symmetric normalization D^-1/2 (A+I) D^-1/2 X W + b
    n = x.shape[0]
    loop = jnp.arange(n, dtype=edge_index.dtype)
    src = jnp.concatenate([edge_index[0], loop])
    dst = jnp.concatenate([edge_index[1], loop])
    deg = jnp.zeros((n,), dtype=x.dtype).at[dst].add(1.0)
    dis = jnp.where(deg > 0, 1.0 / jnp.sqrt(deg), 0.0)
    norm = dis[src] * dis[dst]
    xw = x @ W
    msg = xw[src] * norm[:, None]
    out = jnp.zeros((n, W.shape[1]), dtype=x.dtype).at[dst].add(msg)
    return out + b


def setup_inputs(seed: int = 0) -> dict:
    key = jax.random.key(seed)
    k1, k2, k3, k4, k5 = jax.random.split(key, 5)
    x = jax.random.normal(k1, (N, D_IN), dtype=jnp.float32)
    edge_index = jax.random.randint(k2, (2, E), 0, N, dtype=jnp.int64)
    s1 = 1.0 / np.sqrt(D_IN)
    s2 = 1.0 / np.sqrt(D_HID)
    W1 = jax.random.uniform(k3, (D_IN, D_HID), jnp.float32, -s1, s1)
    b1 = jnp.zeros((D_HID,), dtype=jnp.float32)
    W2 = jax.random.uniform(k4, (D_HID, D_HID), jnp.float32, -s2, s2)
    b2 = jnp.zeros((D_HID,), dtype=jnp.float32)
    Wfc = jax.random.uniform(k5, (D_HID, D_OUT), jnp.float32, -s2, s2)
    bfc = jnp.zeros((D_OUT,), dtype=jnp.float32)
    return {"x": x, "edge_index": edge_index, "W1": W1, "b1": b1, "W2": W2, "b2": b2, "Wfc": Wfc, "bfc": bfc}


def reference(x, edge_index, W1, b1, W2, b2, Wfc, bfc):
    h = jax.nn.relu(gcn_conv(x, edge_index, W1, b1))
    h = jax.nn.relu(gcn_conv(h, edge_index, W2, b2))
    g = jnp.mean(h, axis=0)
    logits = g @ Wfc + bfc
    return jax.nn.log_softmax(logits, axis=0)

if __name__ == "__main__":
    import jax
    _d = setup_inputs()
    print(jax.jit(kernel)(*tuple(_d.values())))

</pallas_src>

<mosaic_0001>
#map = affine_map<(d0, d1) -> (0, 0)>
#map1 = affine_map<(d0, d1) -> (0, 0, 0, 0)>
#map2 = affine_map<(d0, d1) -> (0, 0, 0)>
module attributes {stable_mosaic.version = 14 : i64} {
  func.func @_scat_body(%arg0: i32, %arg1: i32, %arg2: memref<20224x64xbf16, #tpu.memory_space<hbm>>, %arg3: memref<2x16x160x128xi32, #tpu.memory_space<hbm>>, %arg4: memref<16x160x128xi32, #tpu.memory_space<hbm>>, %arg5: memref<10112x64xbf16, #tpu.memory_space<hbm>>, %arg6: memref<2x10112x64xbf16, #tpu.memory_space<hbm>>, %arg7: memref<160x128xi32, #tpu.memory_space<vmem>>, %arg8: memref<160x128xi32, #tpu.memory_space<vmem>>, %arg9: memref<10x128x64xbf16, #tpu.memory_space<vmem>>, %arg10: memref<!tpu.dma_semaphore, #tpu.memory_space<semaphore_mem>>, %arg11: memref<!tpu.dma_semaphore, #tpu.memory_space<semaphore_mem>>, %arg12: memref<!tpu.dma_semaphore, #tpu.memory_space<semaphore_mem>>, %arg13: memref<!tpu.dma_semaphore, #tpu.memory_space<semaphore_mem>>, %arg14: memref<!tpu.dma_semaphore, #tpu.memory_space<semaphore_mem>>, %arg15: memref<!tpu.dma_semaphore, #tpu.memory_space<semaphore_mem>>, %arg16: memref<!tpu.dma_semaphore, #tpu.memory_space<semaphore_mem>>, %arg17: memref<!tpu.dma_semaphore, #tpu.memory_space<semaphore_mem>>, %arg18: memref<!tpu.dma_semaphore, #tpu.memory_space<semaphore_mem>>, %arg19: memref<!tpu.dma_semaphore, #tpu.memory_space<semaphore_mem>>, %arg20: memref<!tpu.dma_semaphore, #tpu.memory_space<semaphore_mem>>, %arg21: memref<!tpu.dma_semaphore, #tpu.memory_space<semaphore_mem>>, %arg22: memref<!tpu.dma_semaphore, #tpu.memory_space<semaphore_mem>>, %arg23: memref<!tpu.dma_semaphore, #tpu.memory_space<semaphore_mem>>, %arg24: memref<!tpu.dma_semaphore, #tpu.memory_space<semaphore_mem>>, %arg25: memref<!tpu.dma_semaphore, #tpu.memory_space<semaphore_mem>>, %arg26: memref<!tpu.dma_semaphore, #tpu.memory_space<semaphore_mem>>, %arg27: memref<!tpu.dma_semaphore, #tpu.memory_space<semaphore_mem>>, %arg28: memref<!tpu.dma_semaphore, #tpu.memory_space<semaphore_mem>>, %arg29: memref<!tpu.dma_semaphore, #tpu.memory_space<semaphore_mem>>, %arg30: memref<10112x64xbf16, #tpu.memory_space<vmem_shared>>) attributes {dimension_semantics = [#tpu.dimension_semantics<core_parallel>, #tpu.dimension_semantics<subcore_parallel>], iteration_bounds = array<i64: 2, 16>, scalar_prefetch = 0 : i64, scratch_operands = 24 : i64, tpu.core_type = #tpu.core_type<sc_vector_subcore>, window_params = [{transform_indices = #map}, {transform_indices = #map1}, {transform_indices = #map2}, {transform_indices = #map}, {transform_indices = #map2}]} {
    %mul3A = arith.constant 632 : i32
    %mul3A_0 = arith.muli %arg1, %mul3A : i32
    "tpu.region"() ({
      %run_scoped3A = tpu.sem_alloc : memref<!tpu.dma_semaphore, #tpu.memory_space<semaphore_mem>>
      %dma_start3A_233 = arith.constant 0 : i32
      %dma_start3A_234 = tpu.memref_slice %arg30[%mul3A_0, %dma_start3A_233] : memref<10112x64xbf16, #tpu.memory_space<vmem_shared>> -> memref<632x64xbf16, #tpu.memory_space<vmem_shared>>
      %dma_start3A_235 = arith.constant 0 : i32
      %dma_start3A_236 = tpu.memref_slice %arg5[%mul3A_0, %dma_start3A_235] : memref<10112x64xbf16, #tpu.memory_space<hbm>> -> memref<632x64xbf16, #tpu.memory_space<hbm>>
      tpu.enqueue_dma source(%dma_start3A_236 : memref<632x64xbf16, #tpu.memory_space<hbm>>) target(%dma_start3A_234 : memref<632x64xbf16, #tpu.memory_space<vmem_shared>>) target_semaphore(%run_scoped3A : memref<!tpu.dma_semaphore, #tpu.memory_space<semaphore_mem>>)
      %dma_wait3A_237 = arith.constant 0 : i32
      %dma_wait3A_238 = tpu.memref_slice %arg30[%mul3A_0, %dma_wait3A_237] : memref<10112x64xbf16, #tpu.memory_space<vmem_shared>> -> memref<632x64xbf16, #tpu.memory_space<vmem_shared>>
      %dma_wait3A_239 = arith.constant 0 : i32
      %dma_wait3A_240 = tpu.memref_slice %arg5[%mul3A_0, %dma_wait3A_239] : memref<10112x64xbf16, #tpu.memory_space<hbm>> -> memref<632x64xbf16, #tpu.memory_space<hbm>>
      tpu.wait_dma2 semaphore(%run_scoped3A : memref<!tpu.dma_semaphore, #tpu.memory_space<semaphore_mem>>) src(%dma_wait3A_240 : memref<632x64xbf16, #tpu.memory_space<hbm>>) dst(%dma_wait3A_238 : memref<632x64xbf16, #tpu.memory_space<vmem_shared>>)
      tpu.yield
    }) : () -> ()
    "tpu.region"() ({
      %run_scoped3A = tpu.sem_alloc : memref<!tpu.dma_semaphore, #tpu.memory_space<semaphore_mem>>
      %dma_start3A_233 = arith.constant 0 : i32
      %dma_start3A_234 = arith.constant 0 : i32
      %dma_start3A_235 = tpu.memref_slice %arg3[%arg0, %arg1, %dma_start3A_233, %dma_start3A_234] : memref<2x16x160x128xi32, #tpu.memory_space<hbm>> -> memref<1x1x160x128xi32, #tpu.memory_space<hbm>>
      %dma_start3A_236 = tpu.memref_squeeze %dma_start3A_235 : memref<1x1x160x128xi32, #tpu.memory_space<hbm>> -> memref<160x128xi32, #tpu.memory_space<hbm>>
      %dma_start3A_237 = arith.constant 0 : i32
      %dma_start3A_238 = arith.constant 0 : i32
      %dma_start3A_239 = tpu.memref_slice %arg3[%arg0, %arg1, %dma_start3A_237, %dma_start3A_238] : memref<2x16x160x128xi32, #tpu.memory_space<hbm>> -> memref<1x1x160x128xi32, #tpu.memory_space<hbm>>
      %dma_start3A_240 = tpu.memref_squeeze %dma_start3A_239 : memref<1x1x160x128xi32, #tpu.memory_space<hbm>> -> memref<160x128xi32, #tpu.memory_space<hbm>>
      tpu.enqueue_dma source(%dma_start3A_240 : memref<160x128xi32, #tpu.memory_space<hbm>>) target(%arg7 : memref<160x128xi32, #tpu.memory_space<vmem>>) target_semaphore(%run_scoped3A : memref<!tpu.dma_semaphore, #tpu.memory_space<semaphore_mem>>)
      %dma_wait3A_241 = arith.constant 0 : i32
      %dma_wait3A_242 = arith.constant 0 : i32
      %dma_wait3A_243 = tpu.memref_slice %arg3[%arg0, %arg1, %dma_wait3A_241, %dma_wait3A_242] : memref<2x16x160x128xi32, #tpu.memory_space<hbm>> -> memref<1x1x160x128xi32, #tpu.memory_space<hbm>>
      %dma_wait3A_244 = tpu.memref_squeeze %dma_wait3A_243 : memref<1x1x160x128xi32, #tpu.memory_space<hbm>> -> memref<160x128xi32, #tpu.memory_space<hbm>>
      %dma_wait3A_245 = arith.constant 0 : i32
      %dma_wait3A_246 = arith.constant 0 : i32
      %dma_wait3A_247 = tpu.memref_slice %arg3[%arg0, %arg1, %dma_wait3A_245, %dma_wait3A_246] : memref<2x16x160x128xi32, #tpu.memory_space<hbm>> -> memref<1x1x160x128xi32, #tpu.memory_space<hbm>>
      %dma_wait3A_248 = tpu.memref_squeeze %dma_wait3A_247 : memref<1x1x160x128xi32, #tpu.memory_space<hbm>> -> memref<160x128xi32, #tpu.memory_space<hbm>>
      tpu.wait_dma2 semaphore(%run_scoped3A : memref<!tpu.dma_semaphore, #tpu.memory_space<semaphore_mem>>) src(%dma_wait3A_248 : memref<160x128xi32, #tpu.memory_space<hbm>>) dst(%arg7 : memref<160x128xi32, #tpu.memory_space<vmem>>)
      tpu.yield
    }) : () -> ()
    "tpu.region"() ({
      %run_scoped3A = tpu.sem_alloc : memref<!tpu.dma_semaphore, #tpu.memory_space<semaphore_mem>>
      %dma_start3A_233 = arith.constant 0 : i32
      %dma_start3A_234 = arith.constant 0 : i32
      %dma_start3A_235 = tpu.memref_slice %arg4[%arg1, %dma_start3A_233, %dma_start3A_234] : memref<16x160x128xi32, #tpu.memory_space<hbm>> -> memref<1x160x128xi32, #tpu.memory_space<hbm>>
      %dma_start3A_236 = tpu.memref_squeeze %dma_start3A_235 : memref<1x160x128xi32, #tpu.memory_space<hbm>> -> memref<160x128xi32, #tpu.memory_space<hbm>>
      %dma_start3A_237 = arith.constant 0 : i32
      %dma_start3A_238 = arith.constant 0 : i32
      %dma_start3A_239 = tpu.memref_slice %arg4[%arg1, %dma_start3A_237, %dma_start3A_238] : memref<16x160x128xi32, #tpu.memory_space<hbm>> -> memref<1x160x128xi32, #tpu.memory_space<hbm>>
      %dma_start3A_240 = tpu.memref_squeeze %dma_start3A_239 : memref<1x160x128xi32, #tpu.memory_space<hbm>> -> memref<160x128xi32, #tpu.memory_space<hbm>>
      tpu.enqueue_dma source(%dma_start3A_240 : memref<160x128xi32, #tpu.memory_space<hbm>>) target(%arg8 : memref<160x128xi32, #tpu.memory_space<vmem>>) target_semaphore(%run_scoped3A : memref<!tpu.dma_semaphore, #tpu.memory_space<semaphore_mem>>)
      %dma_wait3A_241 = arith.constant 0 : i32
      %dma_wait3A_242 = arith.constant 0 : i32
      %dma_wait3A_243 = tpu.memref_slice %arg4[%arg1, %dma_wait3A_241, %dma_wait3A_242] : memref<16x160x128xi32, #tpu.memory_space<hbm>> -> memref<1x160x128xi32, #tpu.memory_space<hbm>>
      %dma_wait3A_244 = tpu.memref_squeeze %dma_wait3A_243 : memref<1x160x128xi32, #tpu.memory_space<hbm>> -> memref<160x128xi32, #tpu.memory_space<hbm>>
      %dma_wait3A_245 = arith.constant 0 : i32
      %dma_wait3A_246 = arith.constant 0 : i32
      %dma_wait3A_247 = tpu.memref_slice %arg4[%arg1, %dma_wait3A_245, %dma_wait3A_246] : memref<16x160x128xi32, #tpu.memory_space<hbm>> -> memref<1x160x128xi32, #tpu.memory_space<hbm>>
      %dma_wait3A_248 = tpu.memref_squeeze %dma_wait3A_247 : memref<1x160x128xi32, #tpu.memory_space<hbm>> -> memref<160x128xi32, #tpu.memory_space<hbm>>
      tpu.wait_dma2 semaphore(%run_scoped3A : memref<!tpu.dma_semaphore, #tpu.memory_space<semaphore_mem>>) src(%dma_wait3A_248 : memref<160x128xi32, #tpu.memory_space<hbm>>) dst(%arg8 : memref<160x128xi32, #tpu.memory_space<vmem>>)
      tpu.yield
    }) : () -> ()
    %barrier3A = arith.constant 0 : index
    tpu.barrier barrier_id(%barrier3A)
    %dma_start3A = arith.constant 0 : i32
    %dma_start3A_1 = arith.constant 0 : i32
    %dma_start3A_2 = arith.constant 0 : i32
    %dma_start3A_3 = arith.constant 0 : i32
    %dma_start3A_4 = tpu.memref_slice %arg9[%dma_start3A_1, %dma_start3A_2, %dma_start3A_3] : memref<10x128x64xbf16, #tpu.memory_space<vmem>> -> memref<1x128x64xbf16, #tpu.memory_space<vmem>>
    %dma_start3A_5 = tpu.memref_squeeze %dma_start3A_4 : memref<1x128x64xbf16, #tpu.memory_space<vmem>> -> memref<128x64xbf16, #tpu.memory_space<vmem>>
    %dma_start3A_6 = arith.constant 0 : i32
    %dma_start3A_7 = tpu.memref_slice %arg7[%dma_start3A, %dma_start3A_6] : memref<160x128xi32, #tpu.memory_space<vmem>> -> memref<1x128xi32, #tpu.memory_space<vmem>>
    %dma_start3A_8 = tpu.memref_squeeze %dma_start3A_7 : memref<1x128xi32, #tpu.memory_space<vmem>> -> memref<128xi32, #tpu.memory_space<vmem>>
    %dma_start3A_9 = arith.constant 0 : i32
    %dma_start3A_10 = arith.constant 0 : i32
    %dma_start3A_11 = tpu.memref_slice %arg2[%dma_start3A_9, %dma_start3A_10] : memref<20224x64xbf16, #tpu.memory_space<hbm>> -> memref<20224x64xbf16, #tpu.memory_space<hbm>>
    tpu.enqueue_indirect_dma source(%dma_start3A_11 : memref<20224x64xbf16, #tpu.memory_space<hbm>>) target(%dma_start3A_5 : memref<128x64xbf16, #tpu.memory_space<vmem>>) offsets(%dma_start3A_8 : memref<128xi32, #tpu.memory_space<vmem>>) semaphore(%arg10 : memref<!tpu.dma_semaphore, #tpu.memory_space<semaphore_mem>>)
    %dma_start3A_12 = arith.constant 1 : i32
    %dma_start3A_13 = arith.constant 1 : i32
    %dma_start3A_14 = arith.constant 0 : i32
    %dma_start3A_15 = arith.constant 0 : i32
    %dma_start3A_16 = tpu.memref_slice %arg9[%dma_start3A_13, %dma_start3A_14, %dma_start3A_15] : memref<10x128x64xbf16, #tpu.memory_space<vmem>> -> memref<1x128x64xbf16, #tpu.memory_space<vmem>>
    %dma_start3A_17 = tpu.memref_squeeze %dma_start3A_16 : memref<1x128x64xbf16, #tpu.memory_space<vmem>> -> memref<128x64xbf16, #tpu.memory_space<vmem>>
    %dma_start3A_18 = arith.constant 0 : i32
    %dma_start3A_19 = tpu.memref_slice %arg7[%dma_start3A_12, %dma_start3A_18] : memref<160x128xi32, #tpu.memory_space<vmem>> -> memref<1x128xi32, #tpu.memory_space<vmem>>
    %dma_start3A_20 = tpu.memref_squeeze %dma_start3A_19 : memref<1x128xi32, #tpu.memory_space<vmem>> -> memref<128xi32, #tpu.memory_space<vmem>>
    %dma_start3A_21 = arith.constant 0 : i32
    %dma_start3A_22 = arith.constant 0 : i32
    %dma_start3A_23 = tpu.memref_slice %arg2[%dma_start3A_21, %dma_start3A_22] : memref<20224x64xbf16, #tpu.memory_space<hbm>> -> memref<20224x64xbf16, #tpu.memory_space<hbm>>
    tpu.enqueue_indirect_dma source(%dma_start3A_23 : memref<20224x64xbf16, #tpu.memory_space<hbm>>) target(%dma_start3A_17 : memref<128x64xbf16, #tpu.memory_space<vmem>>) offsets(%dma_start3A_20 : memref<128xi32, #tpu.memory_space<vmem>>) semaphore(%arg11 : memref<!tpu.dma_semaphore, #tpu.memory_space<semaphore_mem>>)
    %dma_start3A_24 = arith.constant 2 : i32
    %dma_start3A_25 = arith.constant 2 : i32
    %dma_start3A_26 = arith.constant 0 : i32
    %dma_start3A_27 = arith.constant 0 : i32
    %dma_start3A_28 = tpu.memref_slice %arg9[%dma_start3A_25, %dma_start3A_26, %dma_start3A_27] : memref<10x128x64xbf16, #tpu.memory_space<vmem>> -> memref<1x128x64xbf16, #tpu.memory_space<vmem>>
    %dma_start3A_29 = tpu.memref_squeeze %dma_start3A_28 : memref<1x128x64xbf16, #tpu.memory_space<vmem>> -> memref<128x64xbf16, #tpu.memory_space<vmem>>
    %dma_start3A_30 = arith.constant 0 : i32
    %dma_start3A_31 = tpu.memref_slice %arg7[%dma_start3A_24, %dma_start3A_30] : memref<160x128xi32, #tpu.memory_space<vmem>> -> memref<1x128xi32, #tpu.memory_space<vmem>>
    %dma_start3A_32 = tpu.memref_squeeze %dma_start3A_31 : memref<1x128xi32, #tpu.memory_space<vmem>> -> memref<128xi32, #tpu.memory_space<vmem>>
    %dma_start3A_33 = arith.constant 0 : i32
    %dma_start3A_34 = arith.constant 0 : i32
    %dma_start3A_35 = tpu.memref_slice %arg2[%dma_start3A_33, %dma_start3A_34] : memref<20224x64xbf16, #tpu.memory_space<hbm>> -> memref<20224x64xbf16, #tpu.memory_space<hbm>>
    tpu.enqueue_indirect_dma source(%dma_start3A_35 : memref<20224x64xbf16, #tpu.memory_space<hbm>>) target(%dma_start3A_29 : memref<128x64xbf16, #tpu.memory_space<vmem>>) offsets(%dma_start3A_32 : memref<128xi32, #tpu.memory_space<vmem>>) semaphore(%arg12 : memref<!tpu.dma_semaphore, #tpu.memory_space<semaphore_mem>>)
    %dma_start3A_36 = arith.constant 3 : i32
    %dma_start3A_37 = arith.constant 3 : i32
    %dma_start3A_38 = arith.constant 0 : i32
    %dma_start3A_39 = arith.constant 0 : i32
    %dma_start3A_40 = tpu.memref_slice %arg9[%dma_start3A_37, %dma_start3A_38, %dma_start3A_39] : memref<10x128x64xbf16, #tpu.memory_space<vmem>> -> memref<1x128x64xbf16, #tpu.memory_space<vmem>>
    %dma_start3A_41 = tpu.memref_squeeze %dma_start3A_40 : memref<1x128x64xbf16, #tpu.memory_space<vmem>> -> memref<128x64xbf16, #tpu.memory_space<vmem>>
    %dma_start3A_42 = arith.constant 0 : i32
    %dma_start3A_43 = tpu.memref_slice %arg7[%dma_start3A_36, %dma_start3A_42] : memref<160x128xi32, #tpu.memory_space<vmem>> -> memref<1x128xi32, #tpu.memory_space<vmem>>
    %dma_start3A_44 = tpu.memref_squeeze %dma_start3A_43 : memref<1x128xi32, #tpu.memory_space<vmem>> -> memref<128xi32, #tpu.memory_space<vmem>>
    %dma_start3A_45 = arith.constant 0 : i32
    %dma_start3A_46 = arith.constant 0 : i32
    %dma_start3A_47 = tpu.memref_slice %arg2[%dma_start3A_45, %dma_start3A_46] : memref<20224x64xbf16, #tpu.memory_space<hbm>> -> memref<20224x64xbf16, #tpu.memory_space<hbm>>
    tpu.enqueue_indirect_dma source(%dma_start3A_47 : memref<20224x64xbf16, #tpu.memory_space<hbm>>) target(%dma_start3A_41 : memref<128x64xbf16, #tpu.memory_space<vmem>>) offsets(%dma_start3A_44 : memref<128xi32, #tpu.memory_space<vmem>>) semaphore(%arg13 : memref<!tpu.dma_semaphore, #tpu.memory_space<semaphore_mem>>)
    %dma_start3A_48 = arith.constant 4 : i32
    %dma_start3A_49 = arith.constant 4 : i32
    %dma_start3A_50 = arith.constant 0 : i32
    %dma_start3A_51 = arith.constant 0 : i32
    %dma_start3A_52 = tpu.memref_slice %arg9[%dma_start3A_49, %dma_start3A_50, %dma_start3A_51] : memref<10x128x64xbf16, #tpu.memory_space<vmem>> -> memref<1x128x64xbf16, #tpu.memory_space<vmem>>
    %dma_start3A_53 = tpu.memref_squeeze %dma_start3A_52 : memref<1x128x64xbf16, #tpu.memory_space<vmem>> -> memref<128x64xbf16, #tpu.memory_space<vmem>>
    %dma_start3A_54 = arith.constant 0 : i32
    %dma_start3A_55 = tpu.memref_slice %arg7[%dma_start3A_48, %dma_start3A_54] : memref<160x128xi32, #tpu.memory_space<vmem>> -> memref<1x128xi32, #tpu.memory_space<vmem>>
    %dma_start3A_56 = tpu.memref_squeeze %dma_start3A_55 : memref<1x128xi32, #tpu.memory_space<vmem>> -> memref<128xi32, #tpu.memory_space<vmem>>
    %dma_start3A_57 = arith.constant 0 : i32
    %dma_start3A_58 = arith.constant 0 : i32
    %dma_start3A_59 = tpu.memref_slice %arg2[%dma_start3A_57, %dma_start3A_58] : memref<20224x64xbf16, #tpu.memory_space<hbm>> -> memref<20224x64xbf16, #tpu.memory_space<hbm>>
    tpu.enqueue_indirect_dma source(%dma_start3A_59 : memref<20224x64xbf16, #tpu.memory_space<hbm>>) target(%dma_start3A_53 : memref<128x64xbf16, #tpu.memory_space<vmem>>) offsets(%dma_start3A_56 : memref<128xi32, #tpu.memory_space<vmem>>) semaphore(%arg14 : memref<!tpu.dma_semaphore, #tpu.memory_space<semaphore_mem>>)
    %dma_start3A_60 = arith.constant 5 : i32
    %dma_start3A_61 = arith.constant 5 : i32
    %dma_start3A_62 = arith.constant 0 : i32
    %dma_start3A_63 = arith.constant 0 : i32
    %dma_start3A_64 = tpu.memref_slice %arg9[%dma_start3A_61, %dma_start3A_62, %dma_start3A_63] : memref<10x128x64xbf16, #tpu.memory_space<vmem>> -> memref<1x128x64xbf16, #tpu.memory_space<vmem>>
    %dma_start3A_65 = tpu.memref_squeeze %dma_start3A_64 : memref<1x128x64xbf16, #tpu.memory_space<vmem>> -> memref<128x64xbf16, #tpu.memory_space<vmem>>
    %dma_start3A_66 = arith.constant 0 : i32
    %dma_start3A_67 = tpu.memref_slice %arg7[%dma_start3A_60, %dma_start3A_66] : memref<160x128xi32, #tpu.memory_space<vmem>> -> memref<1x128xi32, #tpu.memory_space<vmem>>
    %dma_start3A_68 = tpu.memref_squeeze %dma_start3A_67 : memref<1x128xi32, #tpu.memory_space<vmem>> -> memref<128xi32, #tpu.memory_space<vmem>>
    %dma_start3A_69 = arith.constant 0 : i32
    %dma_start3A_70 = arith.constant 0 : i32
    %dma_start3A_71 = tpu.memref_slice %arg2[%dma_start3A_69, %dma_start3A_70] : memref<20224x64xbf16, #tpu.memory_space<hbm>> -> memref<20224x64xbf16, #tpu.memory_space<hbm>>
    tpu.enqueue_indirect_dma source(%dma_start3A_71 : memref<20224x64xbf16, #tpu.memory_space<hbm>>) target(%dma_start3A_65 : memref<128x64xbf16, #tpu.memory_space<vmem>>) offsets(%dma_start3A_68 : memref<128xi32, #tpu.memory_space<vmem>>) semaphore(%arg15 : memref<!tpu.dma_semaphore, #tpu.memory_space<semaphore_mem>>)
    %dma_start3A_72 = arith.constant 6 : i32
    %dma_start3A_73 = arith.constant 6 : i32
    %dma_start3A_74 = arith.constant 0 : i32
    %dma_start3A_75 = arith.constant 0 : i32
    %dma_start3A_76 = tpu.memref_slice %arg9[%dma_start3A_73, %dma_start3A_74, %dma_start3A_75] : memref<10x128x64xbf16, #tpu.memory_space<vmem>> -> memref<1x128x64xbf16, #tpu.memory_space<vmem>>
    %dma_start3A_77 = tpu.memref_squeeze %dma_start3A_76 : memref<1x128x64xbf16, #tpu.memory_space<vmem>> -> memref<128x64xbf16, #tpu.memory_space<vmem>>
    %dma_start3A_78 = arith.constant 0 : i32
    %dma_start3A_79 = tpu.memref_slice %arg7[%dma_start3A_72, %dma_start3A_78] : memref<160x128xi32, #tpu.memory_space<vmem>> -> memref<1x128xi32, #tpu.memory_space<vmem>>
    %dma_start3A_80 = tpu.memref_squeeze %dma_start3A_79 : memref<1x128xi32, #tpu.memory_space<vmem>> -> memref<128xi32, #tpu.memory_space<vmem>>
    %dma_start3A_81 = arith.constant 0 : i32
    %dma_start3A_82 = arith.constant 0 : i32
    %dma_start3A_83 = tpu.memref_slice %arg2[%dma_start3A_81, %dma_start3A_82] : memref<20224x64xbf16, #tpu.memory_space<hbm>> -> memref<20224x64xbf16, #tpu.memory_space<hbm>>
    tpu.enqueue_indirect_dma source(%dma_start3A_83 : memref<20224x64xbf16, #tpu.memory_space<hbm>>) target(%dma_start3A_77 : memref<128x64xbf16, #tpu.memory_space<vmem>>) offsets(%dma_start3A_80 : memref<128xi32, #tpu.memory_space<vmem>>) semaphore(%arg16 : memref<!tpu.dma_semaphore, #tpu.memory_space<semaphore_mem>>)
    %dma_start3A_84 = arith.constant 7 : i32
    %dma_start3A_85 = arith.constant 7 : i32
    %dma_start3A_86 = arith.constant 0 : i32
    %dma_start3A_87 = arith.constant 0 : i32
    %dma_start3A_88 = tpu.memref_slice %arg9[%dma_start3A_85, %dma_start3A_86, %dma_start3A_87] : memref<10x128x64xbf16, #tpu.memory_space<vmem>> -> memref<1x128x64xbf16, #tpu.memory_space<vmem>>
    %dma_start3A_89 = tpu.memref_squeeze %dma_start3A_88 : memref<1x128x64xbf16, #tpu.memory_space<vmem>> -> memref<128x64xbf16, #tpu.memory_space<vmem>>
    %dma_start3A_90 = arith.constant 0 : i32
    %dma_start3A_91 = tpu.memref_slice %arg7[%dma_start3A_84, %dma_start3A_90] : memref<160x128xi32, #tpu.memory_space<vmem>> -> memref<1x128xi32, #tpu.memory_space<vmem>>
    %dma_start3A_92 = tpu.memref_squeeze %dma_start3A_91 : memref<1x128xi32, #tpu.memory_space<vmem>> -> memref<128xi32, #tpu.memory_space<vmem>>
    %dma_start3A_93 = arith.constant 0 : i32
    %dma_start3A_94 = arith.constant 0 : i32
    %dma_start3A_95 = tpu.memref_slice %arg2[%dma_start3A_93, %dma_start3A_94] : memref<20224x64xbf16, #tpu.memory_space<hbm>> -> memref<20224x64xbf16, #tpu.memory_space<hbm>>
    tpu.enqueue_indirect_dma source(%dma_start3A_95 : memref<20224x64xbf16, #tpu.memory_space<hbm>>) target(%dma_start3A_89 : memref<128x64xbf16, #tpu.memory_space<vmem>>) offsets(%dma_start3A_92 : memref<128xi32, #tpu.memory_space<vmem>>) semaphore(%arg17 : memref<!tpu.dma_semaphore, #tpu.memory_space<semaphore_mem>>)
    %dma_start3A_96 = arith.constant 8 : i32
    %dma_start3A_97 = arith.constant 8 : i32
    %dma_start3A_98 = arith.constant 0 : i32
    %dma_start3A_99 = arith.constant 0 : i32
    %dma_start3A_100 = tpu.memref_slice %arg9[%dma_start3A_97, %dma_start3A_98, %dma_start3A_99] : memref<10x128x64xbf16, #tpu.memory_space<vmem>> -> memref<1x128x64xbf16, #tpu.memory_space<vmem>>
    %dma_start3A_101 = tpu.memref_squeeze %dma_start3A_100 : memref<1x128x64xbf16, #tpu.memory_space<vmem>> -> memref<128x64xbf16, #tpu.memory_space<vmem>>
    %dma_start3A_102 = arith.constant 0 : i32
    %dma_start3A_103 = tpu.memref_slice %arg7[%dma_start3A_96, %dma_start3A_102] : memref<160x128xi32, #tpu.memory_space<vmem>> -> memref<1x128xi32, #tpu.memory_space<vmem>>
    %dma_start3A_104 = tpu.memref_squeeze %dma_start3A_103 : memref<1x128xi32, #tpu.memory_space<vmem>> -> memref<128xi32, #tpu.memory_space<vmem>>
    %dma_start3A_105 = arith.constant 0 : i32
    %dma_start3A_106 = arith.constant 0 : i32
    %dma_start3A_107 = tpu.memref_slice %arg2[%dma_start3A_105, %dma_start3A_106] : memref<20224x64xbf16, #tpu.memory_space<hbm>> -> memref<20224x64xbf16, #tpu.memory_space<hbm>>
    tpu.enqueue_indirect_dma source(%dma_start3A_107 : memref<20224x64xbf16, #tpu.memory_space<hbm>>) target(%dma_start3A_101 : memref<128x64xbf16, #tpu.memory_space<vmem>>) offsets(%dma_start3A_104 : memref<128xi32, #tpu.memory_space<vmem>>) semaphore(%arg18 : memref<!tpu.dma_semaphore, #tpu.memory_space<semaphore_mem>>)
    %scan3A = arith.constant 0 : i32
    %scan3A_108 = arith.constant 0 : i32
    %scan3A_109 = arith.constant 16 : i32
    %scan3A_110 = arith.addi %scan3A_108, %scan3A_109 : i32
    %scan3A_111 = arith.constant 1 : i32
    scf.for %scan3A_233 = %scan3A_108 to %scan3A_110 step %scan3A_111  : i32 {
      %mul3A_234 = arith.constant 10 : i32
      %mul3A_235 = arith.muli %scan3A_233, %mul3A_234 : i32
      %add3A = arith.constant 0 : i32
      %add3A_236 = arith.addi %mul3A_235, %add3A : i32
      %dma_wait3A_237 = arith.constant 0 : i32
      %dma_wait3A_238 = arith.constant 0 : i32
      %dma_wait3A_239 = arith.constant 0 : i32
      %dma_wait3A_240 = tpu.memref_slice %arg9[%dma_wait3A_237, %dma_wait3A_238, %dma_wait3A_239] : memref<10x128x64xbf16, #tpu.memory_space<vmem>> -> memref<1x128x64xbf16, #tpu.memory_space<vmem>>
      %dma_wait3A_241 = tpu.memref_squeeze %dma_wait3A_240 : memref<1x128x64xbf16, #tpu.memory_space<vmem>> -> memref<128x64xbf16, #tpu.memory_space<vmem>>
      %dma_wait3A_242 = arith.constant 0 : i32
      %dma_wait3A_243 = tpu.memref_slice %arg7[%add3A_236, %dma_wait3A_242] : memref<160x128xi32, #tpu.memory_space<vmem>> -> memref<1x128xi32, #tpu.memory_space<vmem>>
      %dma_wait3A_244 = tpu.memref_squeeze %dma_wait3A_243 : memref<1x128xi32, #tpu.memory_space<vmem>> -> memref<128xi32, #tpu.memory_space<vmem>>
      %dma_wait3A_245 = arith.constant 0 : i32
      %dma_wait3A_246 = arith.constant 0 : i32
      %dma_wait3A_247 = tpu.memref_slice %arg2[%dma_wait3A_245, %dma_wait3A_246] : memref<20224x64xbf16, #tpu.memory_space<hbm>> -> memref<20224x64xbf16, #tpu.memory_space<hbm>>
      tpu.wait_indirect_dma semaphore(%arg10 : memref<!tpu.dma_semaphore, #tpu.memory_space<semaphore_mem>>) src(%dma_wait3A_247 : memref<20224x64xbf16, #tpu.memory_space<hbm>>) dst(%dma_wait3A_241 : memref<128x64xbf16, #tpu.memory_space<vmem>>)
      %dma_start3A_248 = arith.constant 0 : i32
      %dma_start3A_249 = arith.constant 0 : i32
      %dma_start3A_250 = arith.constant 0 : i32
      %dma_start3A_251 = tpu.memref_slice %arg9[%dma_start3A_248, %dma_start3A_249, %dma_start3A_250] : memref<10x128x64xbf16, #tpu.memory_space<vmem>> -> memref<1x128x64xbf16, #tpu.memory_space<vmem>>
      %dma_start3A_252 = tpu.memref_squeeze %dma_start3A_251 : memref<1x128x64xbf16, #tpu.memory_space<vmem>> -> memref<128x64xbf16, #tpu.memory_space<vmem>>
      %dma_start3A_253 = arith.constant 0 : i32
      %dma_start3A_254 = tpu.memref_slice %arg8[%add3A_236, %dma_start3A_253] : memref<160x128xi32, #tpu.memory_space<vmem>> -> memref<1x128xi32, #tpu.memory_space<vmem>>
      %dma_start3A_255 = tpu.memref_squeeze %dma_start3A_254 : memref<1x128xi32, #tpu.memory_space<vmem>> -> memref<128xi32, #tpu.memory_space<vmem>>
      %dma_start3A_256 = arith.constant 0 : i32
      %dma_start3A_257 = arith.constant 0 : i32
      %dma_start3A_258 = tpu.memref_slice %arg30[%dma_start3A_256, %dma_start3A_257] : memref<10112x64xbf16, #tpu.memory_space<vmem_shared>> -> memref<10112x64xbf16, #tpu.memory_space<vmem_shared>>
      tpu.enqueue_indirect_dma source(%dma_start3A_252 : memref<128x64xbf16, #tpu.memory_space<vmem>>) target(%dma_start3A_258 : memref<10112x64xbf16, #tpu.memory_space<vmem_shared>>) offsets(%dma_start3A_255 : memref<128xi32, #tpu.memory_space<vmem>>) semaphore(%arg20 : memref<!tpu.dma_semaphore, #tpu.memory_space<semaphore_mem>>) {add = true}
      %add3A_259 = arith.constant 10 : i32
      %add3A_260 = arith.addi %add3A_236, %add3A_259 : i32
      %sub3A = arith.constant 1 : i32
      %sub3A_261 = arith.subi %add3A_260, %sub3A : i32
      %ge3A = arith.constant 1 : i32
      %ge3A_262 = arith.cmpi sge, %add3A_236, %ge3A : i32
      %lt3A = arith.constant 160 : i32
      %lt3A_263 = arith.cmpi slt, %sub3A_261, %lt3A : i32
      %and3A = arith.andi %ge3A_262, %lt3A_263 : i1
      %convert_element_type3A = arith.extui %and3A : i1 to i32
      %cond3A = arith.constant 0 : i32
      %cond3A_264 = arith.cmpi ne, %convert_element_type3A, %cond3A : i32
      scf.if %cond3A_264 {
        %sub3A_593 = arith.constant 1 : i32
        %sub3A_594 = arith.subi %add3A_236, %sub3A_593 : i32
        %dma_wait3A_595 = arith.constant 9 : i32
        %dma_wait3A_596 = arith.constant 0 : i32
        %dma_wait3A_597 = arith.constant 0 : i32
        %dma_wait3A_598 = tpu.memref_slice %arg9[%dma_wait3A_595, %dma_wait3A_596, %dma_wait3A_597] : memref<10x128x64xbf16, #tpu.memory_space<vmem>> -> memref<1x128x64xbf16, #tpu.memory_space<vmem>>
        %dma_wait3A_599 = tpu.memref_squeeze %dma_wait3A_598 : memref<1x128x64xbf16, #tpu.memory_space<vmem>> -> memref<128x64xbf16, #tpu.memory_space<vmem>>
        %dma_wait3A_600 = arith.constant 0 : i32
        %dma_wait3A_601 = tpu.memref_slice %arg8[%sub3A_594, %dma_wait3A_600] : memref<160x128xi32, #tpu.memory_space<vmem>> -> memref<1x128xi32, #tpu.memory_space<vmem>>
        %dma_wait3A_602 = tpu.memref_squeeze %dma_wait3A_601 : memref<1x128xi32, #tpu.memory_space<vmem>> -> memref<128xi32, #tpu.memory_space<vmem>>
        %dma_wait3A_603 = arith.constant 0 : i32
        %dma_wait3A_604 = arith.constant 0 : i32
        %dma_wait3A_605 = tpu.memref_slice %arg30[%dma_wait3A_603, %dma_wait3A_604] : memref<10112x64xbf16, #tpu.memory_space<vmem_shared>> -> memref<10112x64xbf16, #tpu.memory_space<vmem_shared>>
        tpu.wait_indirect_dma semaphore(%arg29 : memref<!tpu.dma_semaphore, #tpu.memory_space<semaphore_mem>>) src(%dma_wait3A_599 : memref<128x64xbf16, #tpu.memory_space<vmem>>) dst(%dma_wait3A_605 : memref<10112x64xbf16, #tpu.memory_space<vmem_shared>>)
        %dma_start3A_606 = arith.constant 9 : i32
        %dma_start3A_607 = arith.constant 0 : i32
        %dma_start3A_608 = arith.constant 0 : i32
        %dma_start3A_609 = tpu.memref_slice %arg9[%dma_start3A_606, %dma_start3A_607, %dma_start3A_608] : memref<10x128x64xbf16, #tpu.memory_space<vmem>> -> memref<1x128x64xbf16, #tpu.memory_space<vmem>>
        %dma_start3A_610 = tpu.memref_squeeze %dma_start3A_609 : memref<1x128x64xbf16, #tpu.memory_space<vmem>> -> memref<128x64xbf16, #tpu.memory_space<vmem>>
        %dma_start3A_611 = arith.constant 0 : i32
        %dma_start3A_612 = tpu.memref_slice %arg7[%sub3A_261, %dma_start3A_611] : memref<160x128xi32, #tpu.memory_space<vmem>> -> memref<1x128xi32, #tpu.memory_space<vmem>>
        %dma_start3A_613 = tpu.memref_squeeze %dma_start3A_612 : memref<1x128xi32, #tpu.memory_space<vmem>> -> memref<128xi32, #tpu.memory_space<vmem>>
        %dma_start3A_614 = arith.constant 0 : i32
        %dma_start3A_615 = arith.constant 0 : i32
        %dma_start3A_616 = tpu.memref_slice %arg2[%dma_start3A_614, %dma_start3A_615] : memref<20224x64xbf16, #tpu.memory_space<hbm>> -> memref<20224x64xbf16, #tpu.memory_space<hbm>>
        tpu.enqueue_indirect_dma source(%dma_start3A_616 : memref<20224x64xbf16, #tpu.memory_space<hbm>>) target(%dma_start3A_610 : memref<128x64xbf16, #tpu.memory_space<vmem>>) offsets(%dma_start3A_613 : memref<128xi32, #tpu.memory_space<vmem>>) semaphore(%arg19 : memref<!tpu.dma_semaphore, #tpu.memory_space<semaphore_mem>>)
      } else {
      }
      %eq3A = arith.constant 0 : i32
      %eq3A_265 = arith.cmpi eq, %add3A_236, %eq3A : i32
      %convert_element_type3A_266 = arith.extui %eq3A_265 : i1 to i32
      %cond3A_267 = arith.constant 0 : i32
      %cond3A_268 = arith.cmpi ne, %convert_element_type3A_266, %cond3A_267 : i32
      scf.if %cond3A_268 {
        %dma_start3A_593 = arith.constant 9 : i32
        %dma_start3A_594 = arith.constant 9 : i32
        %dma_start3A_595 = arith.constant 0 : i32
        %dma_start3A_596 = arith.constant 0 : i32
        %dma_start3A_597 = tpu.memref_slice %arg9[%dma_start3A_594, %dma_start3A_595, %dma_start3A_596] : memref<10x128x64xbf16, #tpu.memory_space<vmem>> -> memref<1x128x64xbf16, #tpu.memory_space<vmem>>
        %dma_start3A_598 = tpu.memref_squeeze %dma_start3A_597 : memref<1x128x64xbf16, #tpu.memory_space<vmem>> -> memref<128x64xbf16, #tpu.memory_space<vmem>>
        %dma_start3A_599 = arith.constant 0 : i32
        %dma_start3A_600 = tpu.memref_slice %arg7[%dma_start3A_593, %dma_start3A_599] : memref<160x128xi32, #tpu.memory_space<vmem>> -> memref<1x128xi32, #tpu.memory_space<vmem>>
        %dma_start3A_601 = tpu.memref_squeeze %dma_start3A_600 : memref<1x128xi32, #tpu.memory_space<vmem>> -> memref<128xi32, #tpu.memory_space<vmem>>
        %dma_start3A_602 = arith.constant 0 : i32
        %dma_start3A_603 = arith.constant 0 : i32
        %dma_start3A_604 = tpu.memref_slice %arg2[%dma_start3A_602, %dma_start3A_603] : memref<20224x64xbf16, #tpu.memory_space<hbm>> -> memref<20224x64xbf16, #tpu.memory_space<hbm>>
        tpu.enqueue_indirect_dma source(%dma_start3A_604 : memref<20224x64xbf16, #tpu.memory_space<hbm>>) target(%dma_start3A_598 : memref<128x64xbf16, #tpu.memory_space<vmem>>) offsets(%dma_start3A_601 : memref<128xi32, #tpu.memory_space<vmem>>) semaphore(%arg19 : memref<!tpu.dma_semaphore, #tpu.memory_space<semaphore_mem>>)
      } else {
      }
      %add3A_269 = arith.constant 1 : i32
      %add3A_270 = arith.addi %mul3A_235, %add3A_269 : i32
      %dma_wait3A_271 = arith.constant 1 : i32
      %dma_wait3A_272 = arith.constant 0 : i32
      %dma_wait3A_273 = arith.constant 0 : i32
      %dma_wait3A_274 = tpu.memref_slice %arg9[%dma_wait3A_271, %dma_wait3A_272, %dma_wait3A_273] : memref<10x128x64xbf16, #tpu.memory_space<vmem>> -> memref<1x128x64xbf16, #tpu.memory_space<vmem>>
      %dma_wait3A_275 = tpu.memref_squeeze %dma_wait3A_274 : memref<1x128x64xbf16, #tpu.memory_space<vmem>> -> memref<128x64xbf16, #tpu.memory_space<vmem>>
      %dma_wait3A_276 = arith.constant 0 : i32
      %dma_wait3A_277 = tpu.memref_slice %arg7[%add3A_270, %dma_wait3A_276] : memref<160x128xi32, #tpu.memory_space<vmem>> -> memref<1x128xi32, #tpu.memory_space<vmem>>
      %dma_wait3A_278 = tpu.memref_squeeze %dma_wait3A_277 : memref<1x128xi32, #tpu.memory_space<vmem>> -> memref<128xi32, #tpu.memory_space<vmem>>
      %dma_wait3A_279 = arith.constant 0 : i32
      %dma_wait3A_280 = arith.constant 0 : i32
      %dma_wait3A_281 = tpu.memref_slice %arg2[%dma_wait3A_279, %dma_wait3A_280] : memref<20224x64xbf16, #tpu.memory_space<hbm>> -> memref<20224x64xbf16, #tpu.memory_space<hbm>>
      tpu.wait_indirect_dma semaphore(%arg11 : memref<!tpu.dma_semaphore, #tpu.memory_space<semaphore_mem>>) src(%dma_wait3A_281 : memref<20224x64xbf16, #tpu.memory_space<hbm>>) dst(%dma_wait3A_275 : memref<128x64xbf16, #tpu.memory_space<vmem>>)
      %dma_start3A_282 = arith.constant 1 : i32
      %dma_start3A_283 = arith.constant 0 : i32
      %dma_start3A_284 = arith.constant 0 : i32
      %dma_start3A_285 = tpu.memref_slice %arg9[%dma_start3A_282, %dma_start3A_283, %dma_start3A_284] : memref<10x128x64xbf16, #tpu.memory_space<vmem>> -> memref<1x128x64xbf16, #tpu.memory_space<vmem>>
      %dma_start3A_286 = tpu.memref_squeeze %dma_start3A_285 : memref<1x128x64xbf16, #tpu.memory_space<vmem>> -> memref<128x64xbf16, #tpu.memory_space<vmem>>
      %dma_start3A_287 = arith.constant 0 : i32
      %dma_start3A_288 = tpu.memref_slice %arg8[%add3A_270, %dma_start3A_287] : memref<160x128xi32, #tpu.memory_space<vmem>> -> memref<1x128xi32, #tpu.memory_space<vmem>>
      %dma_start3A_289 = tpu.memref_squeeze %dma_start3A_288 : memref<1x128xi32, #tpu.memory_space<vmem>> -> memref<128xi32, #tpu.memory_space<vmem>>
      %dma_start3A_290 = arith.constant 0 : i32
      %dma_start3A_291 = arith.constant 0 : i32
      %dma_start3A_292 = tpu.memref_slice %arg30[%dma_start3A_290, %dma_start3A_291] : memref<10112x64xbf16, #tpu.memory_space<vmem_shared>> -> memref<10112x64xbf16, #tpu.memory_space<vmem_shared>>
      tpu.enqueue_indirect_dma source(%dma_start3A_286 : memref<128x64xbf16, #tpu.memory_space<vmem>>) target(%dma_start3A_292 : memref<10112x64xbf16, #tpu.memory_space<vmem_shared>>) offsets(%dma_start3A_289 : memref<128xi32, #tpu.memory_space<vmem>>) semaphore(%arg21 : memref<!tpu.dma_semaphore, #tpu.memory_space<semaphore_mem>>) {add = true}
      %add3A_293 = arith.constant 10 : i32
      %add3A_294 = arith.addi %add3A_270, %add3A_293 : i32
      %sub3A_295 = arith.constant 1 : i32
      %sub3A_296 = arith.subi %add3A_294, %sub3A_295 : i32
      %ge3A_297 = arith.constant 1 : i32
      %ge3A_298 = arith.cmpi sge, %add3A_270, %ge3A_297 : i32
      %lt3A_299 = arith.constant 160 : i32
      %lt3A_300 = arith.cmpi slt, %sub3A_296, %lt3A_299 : i32
      %and3A_301 = arith.andi %ge3A_298, %lt3A_300 : i1
      %convert_element_type3A_302 = arith.extui %and3A_301 : i1 to i32
      %cond3A_303 = arith.constant 0 : i32
      %cond3A_304 = arith.cmpi ne, %convert_element_type3A_302, %cond3A_303 : i32
      scf.if %cond3A_304 {
        %sub3A_593 = arith.constant 1 : i32
        %sub3A_594 = arith.subi %add3A_270, %sub3A_593 : i32
        %dma_wait3A_595 = arith.constant 0 : i32
        %dma_wait3A_596 = arith.constant 0 : i32
        %dma_wait3A_597 = arith.constant 0 : i32
        %dma_wait3A_598 = tpu.memref_slice %arg9[%dma_wait3A_595, %dma_wait3A_596, %dma_wait3A_597] : memref<10x128x64xbf16, #tpu.memory_space<vmem>> -> memref<1x128x64xbf16, #tpu.memory_space<vmem>>
        %dma_wait3A_599 = tpu.memref_squeeze %dma_wait3A_598 : memref<1x128x64xbf16, #tpu.memory_space<vmem>> -> memref<128x64xbf16, #tpu.memory_space<vmem>>
        %dma_wait3A_600 = arith.constant 0 : i32
        %dma_wait3A_601 = tpu.memref_slice %arg8[%sub3A_594, %dma_wait3A_600] : memref<160x128xi32, #tpu.memory_space<vmem>> -> memref<1x128xi32, #tpu.memory_space<vmem>>
        %dma_wait3A_602 = tpu.memref_squeeze %dma_wait3A_601 : memref<1x128xi32, #tpu.memory_space<vmem>> -> memref<128xi32, #tpu.memory_space<vmem>>
        %dma_wait3A_603 = arith.constant 0 : i32
        %dma_wait3A_604 = arith.constant 0 : i32
        %dma_wait3A_605 = tpu.memref_slice %arg30[%dma_wait3A_603, %dma_wait3A_604] : memref<10112x64xbf16, #tpu.memory_space<vmem_shared>> -> memref<10112x64xbf16, #tpu.memory_space<vmem_shared>>
        tpu.wait_indirect_dma semaphore(%arg20 : memref<!tpu.dma_semaphore, #tpu.memory_space<semaphore_mem>>) src(%dma_wait3A_599 : memref<128x64xbf16, #tpu.memory_space<vmem>>) dst(%dma_wait3A_605 : memref<10112x64xbf16, #tpu.memory_space<vmem_shared>>)
        %dma_start3A_606 = arith.constant 0 : i32
        %dma_start3A_607 = arith.constant 0 : i32
        %dma_start3A_608 = arith.constant 0 : i32
        %dma_start3A_609 = tpu.memref_slice %arg9[%dma_start3A_606, %dma_start3A_607, %dma_start3A_608] : memref<10x128x64xbf16, #tpu.memory_space<vmem>> -> memref<1x128x64xbf16, #tpu.memory_space<vmem>>
        %dma_start3A_610 = tpu.memref_squeeze %dma_start3A_609 : memref<1x128x64xbf16, #tpu.memory_space<vmem>> -> memref<128x64xbf16, #tpu.memory_space<vmem>>
        %dma_start3A_611 = arith.constant 0 : i32
        %dma_start3A_612 = tpu.memref_slice %arg7[%sub3A_296, %dma_start3A_611] : memref<160x128xi32, #tpu.memory_space<vmem>> -> memref<1x128xi32, #tpu.memory_space<vmem>>
        %dma_start3A_613 = tpu.memref_squeeze %dma_start3A_612 : memref<1x128xi32, #tpu.memory_space<vmem>> -> memref<128xi32, #tpu.memory_space<vmem>>
        %dma_start3A_614 = arith.constant 0 : i32
        %dma_start3A_615 = arith.constant 0 : i32
        %dma_start3A_616 = tpu.memref_slice %arg2[%dma_start3A_614, %dma_start3A_615] : memref<20224x64xbf16, #tpu.memory_space<hbm>> -> memref<20224x64xbf16, #tpu.memory_space<hbm>>
        tpu.enqueue_indirect_dma source(%dma_start3A_616 : memref<20224x64xbf16, #tpu.memory_space<hbm>>) target(%dma_start3A_610 : memref<128x64xbf16, #tpu.memory_space<vmem>>) offsets(%dma_start3A_613 : memref<128xi32, #tpu.memory_space<vmem>>) semaphore(%arg10 : memref<!tpu.dma_semaphore, #tpu.memory_space<semaphore_mem>>)
      } else {
      }
      %add3A_305 = arith.constant 2 : i32
      %add3A_306 = arith.addi %mul3A_235, %add3A_305 : i32
      %dma_wait3A_307 = arith.constant 2 : i32
      %dma_wait3A_308 = arith.constant 0 : i32
      %dma_wait3A_309 = arith.constant 0 : i32
      %dma_wait3A_310 = tpu.memref_slice %arg9[%dma_wait3A_307, %dma_wait3A_308, %dma_wait3A_309] : memref<10x128x64xbf16, #tpu.memory_space<vmem>> -> memref<1x128x64xbf16, #tpu.memory_space<vmem>>
      %dma_wait3A_311 = tpu.memref_squeeze %dma_wait3A_310 : memref<1x128x64xbf16, #tpu.memory_space<vmem>> -> memref<128x64xbf16, #tpu.memory_space<vmem>>
      %dma_wait3A_312 = arith.constant 0 : i32
      %dma_wait3A_313 = tpu.memref_slice %arg7[%add3A_306, %dma_wait3A_312] : memref<160x128xi32, #tpu.memory_space<vmem>> -> memref<1x128xi32, #tpu.memory_space<vmem>>
      %dma_wait3A_314 = tpu.memref_squeeze %dma_wait3A_313 : memref<1x128xi32, #tpu.memory_space<vmem>> -> memref<128xi32, #tpu.memory_space<vmem>>
      %dma_wait3A_315 = arith.constant 0 : i32
      %dma_wait3A_316 = arith.constant 0 : i32
      %dma_wait3A_317 = tpu.memref_slice %arg2[%dma_wait3A_315, %dma_wait3A_316] : memref<20224x64xbf16, #tpu.memory_space<hbm>> -> memref<20224x64xbf16, #tpu.memory_space<hbm>>
      tpu.wait_indirect_dma semaphore(%arg12 : memref<!tpu.dma_semaphore, #tpu.memory_space<semaphore_mem>>) src(%dma_wait3A_317 : memref<20224x64xbf16, #tpu.memory_space<hbm>>) dst(%dma_wait3A_311 : memref<128x64xbf16, #tpu.memory_space<vmem>>)
      %dma_start3A_318 = arith.constant 2 : i32
      %dma_start3A_319 = arith.constant 0 : i32
      %dma_start3A_320 = arith.constant 0 : i32
      %dma_start3A_321 = tpu.memref_slice %arg9[%dma_start3A_318, %dma_start3A_319, %dma_start3A_320] : memref<10x128x64xbf16, #tpu.memory_space<vmem>> -> memref<1x128x64xbf16, #tpu.memory_space<vmem>>
      %dma_start3A_322 = tpu.memref_squeeze %dma_start3A_321 : memref<1x128x64xbf16, #tpu.memory_space<vmem>> -> memref<128x64xbf16, #tpu.memory_space<vmem>>
      %dma_start3A_323 = arith.constant 0 : i32
      %dma_start3A_324 = tpu.memref_slice %arg8[%add3A_306, %dma_start3A_323] : memref<160x128xi32, #tpu.memory_space<vmem>> -> memref<1x128xi32, #tpu.memory_space<vmem>>
      %dma_start3A_325 = tpu.memref_squeeze %dma_start3A_324 : memref<1x128xi32, #tpu.memory_space<vmem>> -> memref<128xi32, #tpu.memory_space<vmem>>
      %dma_start3A_326 = arith.constant 0 : i32
      %dma_start3A_327 = arith.constant 0 : i32
      %dma_start3A_328 = tpu.memref_slice %arg30[%dma_start3A_326, %dma_start3A_327] : memref<10112x64xbf16, #tpu.memory_space<vmem_shared>> -> memref<10112x64xbf16, #tpu.memory_space<vmem_shared>>
      tpu.enqueue_indirect_dma source(%dma_start3A_322 : memref<128x64xbf16, #tpu.memory_space<vmem>>) target(%dma_start3A_328 : memref<10112x64xbf16, #tpu.memory_space<vmem_shared>>) offsets(%dma_start3A_325 : memref<128xi32, #tpu.memory_space<vmem>>) semaphore(%arg22 : memref<!tpu.dma_semaphore, #tpu.memory_space<semaphore_mem>>) {add = true}
      %add3A_329 = arith.constant 10 : i32
      %add3A_330 = arith.addi %add3A_306, %add3A_329 : i32
      %sub3A_331 = arith.constant 1 : i32
      %sub3A_332 = arith.subi %add3A_330, %sub3A_331 : i32
      %ge3A_333 = arith.constant 1 : i32
      %ge3A_334 = arith.cmpi sge, %add3A_306, %ge3A_333 : i32
      %lt3A_335 = arith.constant 160 : i32
      %lt3A_336 = arith.cmpi slt, %sub3A_332, %lt3A_335 : i32
      %and3A_337 = arith.andi %ge3A_334, %lt3A_336 : i1
      %convert_element_type3A_338 = arith.extui %and3A_337 : i1 to i32
      %cond3A_339 = arith.constant 0 : i32
      %cond3A_340 = arith.cmpi ne, %convert_element_type3A_338, %cond3A_339 : i32
      scf.if %cond3A_340 {
        %sub3A_593 = arith.constant 1 : i32
        %sub3A_594 = arith.subi %add3A_306, %sub3A_593 : i32
        %dma_wait3A_595 = arith.constant 1 : i32
        %dma_wait3A_596 = arith.constant 0 : i32
        %dma_wait3A_597 = arith.constant 0 : i32
        %dma_wait3A_598 = tpu.memref_slice %arg9[%dma_wait3A_595, %dma_wait3A_596, %dma_wait3A_597] : memref<10x128x64xbf16, #tpu.memory_space<vmem>> -> memref<1x128x64xbf16, #tpu.memory_space<vmem>>
        %dma_wait3A_599 = tpu.memref_squeeze %dma_wait3A_598 : memref<1x128x64xbf16, #tpu.memory_space<vmem>> -> memref<128x64xbf16, #tpu.memory_space<vmem>>
        %dma_wait3A_600 = arith.constant 0 : i32
        %dma_wait3A_601 = tpu.memref_slice %arg8[%sub3A_594, %dma_wait3A_600] : memref<160x128xi32, #tpu.memory_space<vmem>> -> memref<1x128xi32, #tpu.memory_space<vmem>>
        %dma_wait3A_602 = tpu.memref_squeeze %dma_wait3A_601 : memref<1x128xi32, #tpu.memory_space<vmem>> -> memref<128xi32, #tpu.memory_space<vmem>>
        %dma_wait3A_603 = arith.constant 0 : i32
        %dma_wait3A_604 = arith.constant 0 : i32
        %dma_wait3A_605 = tpu.memref_slice %arg30[%dma_wait3A_603, %dma_wait3A_604] : memref<10112x64xbf16, #tpu.memory_space<vmem_shared>> -> memref<10112x64xbf16, #tpu.memory_space<vmem_shared>>
        tpu.wait_indirect_dma semaphore(%arg21 : memref<!tpu.dma_semaphore, #tpu.memory_space<semaphore_mem>>) src(%dma_wait3A_599 : memref<128x64xbf16, #tpu.memory_space<vmem>>) dst(%dma_wait3A_605 : memref<10112x64xbf16, #tpu.memory_space<vmem_shared>>)
        %dma_start3A_606 = arith.constant 1 : i32
        %dma_start3A_607 = arith.constant 0 : i32
        %dma_start3A_608 = arith.constant 0 : i32
        %dma_start3A_609 = tpu.memref_slice %arg9[%dma_start3A_606, %dma_start3A_607, %dma_start3A_608] : memref<10x128x64xbf16, #tpu.memory_space<vmem>> -> memref<1x128x64xbf16, #tpu.memory_space<vmem>>
        %dma_start3A_610 = tpu.memref_squeeze %dma_start3A_609 : memref<1x128x64xbf16, #tpu.memory_space<vmem>> -> memref<128x64xbf16, #tpu.memory_space<vmem>>
        %dma_start3A_611 = arith.constant 0 : i32
        %dma_start3A_612 = tpu.memref_slice %arg7[%sub3A_332, %dma_start3A_611] : memref<160x128xi32, #tpu.memory_space<vmem>> -> memref<1x128xi32, #tpu.memory_space<vmem>>
        %dma_start3A_613 = tpu.memref_squeeze %dma_start3A_612 : memref<1x128xi32, #tpu.memory_space<vmem>> -> memref<128xi32, #tpu.memory_space<vmem>>
        %dma_start3A_614 = arith.constant 0 : i32
        %dma_start3A_615 = arith.constant 0 : i32
        %dma_start3A_616 = tpu.memref_slice %arg2[%dma_start3A_614, %dma_start3A_615] : memref<20224x64xbf16, #tpu.memory_space<hbm>> -> memref<20224x64xbf16, #tpu.memory_space<hbm>>
        tpu.enqueue_indirect_dma source(%dma_start3A_616 : memref<20224x64xbf16, #tpu.memory_space<hbm>>) target(%dma_start3A_610 : memref<128x64xbf16, #tpu.memory_space<vmem>>) offsets(%dma_start3A_613 : memref<128xi32, #tpu.memory_space<vmem>>) semaphore(%arg11 : memref<!tpu.dma_semaphore, #tpu.memory_space<semaphore_mem>>)
      } else {
      }
      %add3A_341 = arith.constant 3 : i32
      %add3A_342 = arith.addi %mul3A_235, %add3A_341 : i32
      %dma_wait3A_343 = arith.constant 3 : i32
      %dma_wait3A_344 = arith.constant 0 : i32
      %dma_wait3A_345 = arith.constant 0 : i32
      %dma_wait3A_346 = tpu.memref_slice %arg9[%dma_wait3A_343, %dma_wait3A_344, %dma_wait3A_345] : memref<10x128x64xbf16, #tpu.memory_space<vmem>> -> memref<1x128x64xbf16, #tpu.memory_space<vmem>>
      %dma_wait3A_347 = tpu.memref_squeeze %dma_wait3A_346 : memref<1x128x64xbf16, #tpu.memory_space<vmem>> -> memref<128x64xbf16, #tpu.memory_space<vmem>>
      %dma_wait3A_348 = arith.constant 0 : i32
      %dma_wait3A_349 = tpu.memref_slice %arg7[%add3A_342, %dma_wait3A_348] : memref<160x128xi32, #tpu.memory_space<vmem>> -> memref<1x128xi32, #tpu.memory_space<vmem>>
      %dma_wait3A_350 = tpu.memref_squeeze %dma_wait3A_349 : memref<1x128xi32, #tpu.memory_space<vmem>> -> memref<128xi32, #tpu.memory_space<vmem>>
      %dma_wait3A_351 = arith.constant 0 : i32
      %dma_wait3A_352 = arith.constant 0 : i32
      %dma_wait3A_353 = tpu.memref_slice %arg2[%dma_wait3A_351, %dma_wait3A_352] : memref<20224x64xbf16, #tpu.memory_space<hbm>> -> memref<20224x64xbf16, #tpu.memory_space<hbm>>
      tpu.wait_indirect_dma semaphore(%arg13 : memref<!tpu.dma_semaphore, #tpu.memory_space<semaphore_mem>>) src(%dma_wait3A_353 : memref<20224x64xbf16, #tpu.memory_space<hbm>>) dst(%dma_wait3A_347 : memref<128x64xbf16, #tpu.memory_space<vmem>>)
      %dma_start3A_354 = arith.constant 3 : i32
      %dma_start3A_355 = arith.constant 0 : i32
      %dma_start3A_356 = arith.constant 0 : i32
      %dma_start3A_357 = tpu.memref_slice %arg9[%dma_start3A_354, %dma_start3A_355, %dma_start3A_356] : memref<10x128x64xbf16, #tpu.memory_space<vmem>> -> memref<1x128x64xbf16, #tpu.memory_space<vmem>>
      %dma_start3A_358 = tpu.memref_squeeze %dma_start3A_357 : memref<1x128x64xbf16, #tpu.memory_space<vmem>> -> memref<128x64xbf16, #tpu.memory_space<vmem>>
      %dma_start3A_359 = arith.constant 0 : i32
      %dma_start3A_360 = tpu.memref_slice %arg8[%add3A_342, %dma_start3A_359] : memref<160x128xi32, #tpu.memory_space<vmem>> -> memref<1x128xi32, #tpu.memory_space<vmem>>
      %dma_start3A_361 = tpu.memref_squeeze %dma_start3A_360 : memref<1x128xi32, #tpu.memory_space<vmem>> -> memref<128xi32, #tpu.memory_space<vmem>>
      %dma_start3A_362 = arith.constant 0 : i32
      %dma_start3A_363 = arith.constant 0 : i32
      %dma_start3A_364 = tpu.memref_slice %arg30[%dma_start3A_362, %dma_start3A_363] : memref<10112x64xbf16, #tpu.memory_space<vmem_shared>> -> memref<10112x64xbf16, #tpu.memory_space<vmem_shared>>
      tpu.enqueue_indirect_dma source(%dma_start3A_358 : memref<128x64xbf16, #tpu.memory_space<vmem>>) target(%dma_start3A_364 : memref<10112x64xbf16, #tpu.memory_space<vmem_shared>>) offsets(%dma_start3A_361 : memref<128xi32, #tpu.memory_space<vmem>>) semaphore(%arg23 : memref<!tpu.dma_semaphore, #tpu.memory_space<semaphore_mem>>) {add = true}
      %add3A_365 = arith.constant 10 : i32
      %add3A_366 = arith.addi %add3A_342, %add3A_365 : i32
      %sub3A_367 = arith.constant 1 : i32
      %sub3A_368 = arith.subi %add3A_366, %sub3A_367 : i32
      %ge3A_369 = arith.constant 1 : i32
      %ge3A_370 = arith.cmpi sge, %add3A_342, %ge3A_369 : i32
      %lt3A_371 = arith.constant 160 : i32
      %lt3A_372 = arith.cmpi slt, %sub3A_368, %lt3A_371 : i32
      %and3A_373 = arith.andi %ge3A_370, %lt3A_372 : i1
      %convert_element_type3A_374 = arith.extui %and3A_373 : i1 to i32
      %cond3A_375 = arith.constant 0 : i32
      %cond3A_376 = arith.cmpi ne, %convert_element_type3A_374, %cond3A_375 : i32
      scf.if %cond3A_376 {
        %sub3A_593 = arith.constant 1 : i32
        %sub3A_594 = arith.subi %add3A_342, %sub3A_593 : i32
        %dma_wait3A_595 = arith.constant 2 : i32
        %dma_wait3A_596 = arith.constant 0 : i32
        %dma_wait3A_597 = arith.constant 0 : i32
        %dma_wait3A_598 = tpu.memref_slice %arg9[%dma_wait3A_595, %dma_wait3A_596, %dma_wait3A_597] : memref<10x128x64xbf16, #tpu.memory_space<vmem>> -> memref<1x128x64xbf16, #tpu.memory_space<vmem>>
        %dma_wait3A_599 = tpu.memref_squeeze %dma_wait3A_598 : memref<1x128x64xbf16, #tpu.memory_space<vmem>> -> memref<128x64xbf16, #tpu.memory_space<vmem>>
        %dma_wait3A_600 = arith.constant 0 : i32
        %dma_wait3A_601 = tpu.memref_slice %arg8[%sub3A_594, %dma_wait3A_600] : memref<160x128xi32, #tpu.memory_space<vmem>> -> memref<1x128xi32, #tpu.memory_space<vmem>>
        %dma_wait3A_602 = tpu.memref_squeeze %dma_wait3A_601 : memref<1x128xi32, #tpu.memory_space<vmem>> -> memref<128xi32, #tpu.memory_space<vmem>>
        %dma_wait3A_603 = arith.constant 0 : i32
        %dma_wait3A_604 = arith.constant 0 : i32
        %dma_wait3A_605 = tpu.memref_slice %arg30[%dma_wait3A_603, %dma_wait3A_604] : memref<10112x64xbf16, #tpu.memory_space<vmem_shared>> -> memref<10112x64xbf16, #tpu.memory_space<vmem_shared>>
        tpu.wait_indirect_dma semaphore(%arg22 : memref<!tpu.dma_semaphore, #tpu.memory_space<semaphore_mem>>) src(%dma_wait3A_599 : memref<128x64xbf16, #tpu.memory_space<vmem>>) dst(%dma_wait3A_605 : memref<10112x64xbf16, #tpu.memory_space<vmem_shared>>)
        %dma_start3A_606 = arith.constant 2 : i32
        %dma_start3A_607 = arith.constant 0 : i32
        %dma_start3A_608 = arith.constant 0 : i32
        %dma_start3A_609 = tpu.memref_slice %arg9[%dma_start3A_606, %dma_start3A_607, %dma_start3A_608] : memref<10x128x64xbf16, #tpu.memory_space<vmem>> -> memref<1x128x64xbf16, #tpu.memory_space<vmem>>
        %dma_start3A_610 = tpu.memref_squeeze %dma_start3A_609 : memref<1x128x64xbf16, #tpu.memory_space<vmem>> -> memref<128x64xbf16, #tpu.memory_space<vmem>>
        %dma_start3A_611 = arith.constant 0 : i32
        %dma_start3A_612 = tpu.memref_slice %arg7[%sub3A_368, %dma_start3A_611] : memref<160x128xi32, #tpu.memory_space<vmem>> -> memref<1x128xi32, #tpu.memory_space<vmem>>
        %dma_start3A_613 = tpu.memref_squeeze %dma_start3A_612 : memref<1x128xi32, #tpu.memory_space<vmem>> -> memref<128xi32, #tpu.memory_space<vmem>>
        %dma_start3A_614 = arith.constant 0 : i32
        %dma_start3A_615 = arith.constant 0 : i32
        %dma_start3A_616 = tpu.memref_slice %arg2[%dma_start3A_614, %dma_start3A_615] : memref<20224x64xbf16, #tpu.memory_space<hbm>> -> memref<20224x64xbf16, #tpu.memory_space<hbm>>
        tpu.enqueue_indirect_dma source(%dma_start3A_616 : memref<20224x64xbf16, #tpu.memory_space<hbm>>) target(%dma_start3A_610 : memref<128x64xbf16, #tpu.memory_space<vmem>>) offsets(%dma_start3A_613 : memref<128xi32, #tpu.memory_space<vmem>>) semaphore(%arg12 : memref<!tpu.dma_semaphore, #tpu.memory_space<semaphore_mem>>)
      } else {
      }
      %add3A_377 = arith.constant 4 : i32
      %add3A_378 = arith.addi %mul3A_235, %add3A_377 : i32
      %dma_wait3A_379 = arith.constant 4 : i32
      %dma_wait3A_380 = arith.constant 0 : i32
      %dma_wait3A_381 = arith.constant 0 : i32
      %dma_wait3A_382 = tpu.memref_slice %arg9[%dma_wait3A_379, %dma_wait3A_380, %dma_wait3A_381] : memref<10x128x64xbf16, #tpu.memory_space<vmem>> -> memref<1x128x64xbf16, #tpu.memory_space<vmem>>
      %dma_wait3A_383 = tpu.memref_squeeze %dma_wait3A_382 : memref<1x128x64xbf16, #tpu.memory_space<vmem>> -> memref<128x64xbf16, #tpu.memory_space<vmem>>
      %dma_wait3A_384 = arith.constant 0 : i32
      %dma_wait3A_385 = tpu.memref_slice %arg7[%add3A_378, %dma_wait3A_384] : memref<160x128xi32, #tpu.memory_space<vmem>> -> memref<1x128xi32, #tpu.memory_space<vmem>>
      %dma_wait3A_386 = tpu.memref_squeeze %dma_wait3A_385 : memref<1x128xi32, #tpu.memory_space<vmem>> -> memref<128xi32, #tpu.memory_space<vmem>>
      %dma_wait3A_387 = arith.constant 0 : i32
      %dma_wait3A_388 = arith.constant 0 : i32
      %dma_wait3A_389 = tpu.memref_slice %arg2[%dma_wait3A_387, %dma_wait3A_388] : memref<20224x64xbf16, #tpu.memory_space<hbm>> -> memref<20224x64xbf16, #tpu.memory_space<hbm>>
      tpu.wait_indirect_dma semaphore(%arg14 : memref<!tpu.dma_semaphore, #tpu.memory_space<semaphore_mem>>) src(%dma_wait3A_389 : memref<20224x64xbf16, #tpu.memory_space<hbm>>) dst(%dma_wait3A_383 : memref<128x64xbf16, #tpu.memory_space<vmem>>)
      %dma_start3A_390 = arith.constant 4 : i32
      %dma_start3A_391 = arith.constant 0 : i32
      %dma_start3A_392 = arith.constant 0 : i32
      %dma_start3A_393 = tpu.memref_slice %arg9[%dma_start3A_390, %dma_start3A_391, %dma_start3A_392] : memref<10x128x64xbf16, #tpu.memory_space<vmem>> -> memref<1x128x64xbf16, #tpu.memory_space<vmem>>
      %dma_start3A_394 = tpu.memref_squeeze %dma_start3A_393 : memref<1x128x64xbf16, #tpu.memory_space<vmem>> -> memref<128x64xbf16, #tpu.memory_space<vmem>>
      %dma_start3A_395 = arith.constant 0 : i32
      %dma_start3A_396 = tpu.memref_slice %arg8[%add3A_378, %dma_start3A_395] : memref<160x128xi32, #tpu.memory_space<vmem>> -> memref<1x128xi32, #tpu.memory_space<vmem>>
      %dma_start3A_397 = tpu.memref_squeeze %dma_start3A_396 : memref<1x128xi32, #tpu.memory_space<vmem>> -> memref<128xi32, #tpu.memory_space<vmem>>
      %dma_start3A_398 = arith.constant 0 : i32
      %dma_start3A_399 = arith.constant 0 : i32
      %dma_start3A_400 = tpu.memref_slice %arg30[%dma_start3A_398, %dma_start3A_399] : memref<10112x64xbf16, #tpu.memory_space<vmem_shared>> -> memref<10112x64xbf16, #tpu.memory_space<vmem_shared>>
      tpu.enqueue_indirect_dma source(%dma_start3A_394 : memref<128x64xbf16, #tpu.memory_space<vmem>>) target(%dma_start3A_400 : memref<10112x64xbf16, #tpu.memory_space<vmem_shared>>) offsets(%dma_start3A_397 : memref<128xi32, #tpu.memory_space<vmem>>) semaphore(%arg24 : memref<!tpu.dma_semaphore, #tpu.memory_space<semaphore_mem>>) {add = true}
      %add3A_401 = arith.constant 10 : i32
      %add3A_402 = arith.addi %add3A_378, %add3A_401 : i32
      %sub3A_403 = arith.constant 1 : i32
      %sub3A_404 = arith.subi %add3A_402, %sub3A_403 : i32
      %ge3A_405 = arith.constant 1 : i32
      %ge3A_406 = arith.cmpi sge, %add3A_378, %ge3A_405 : i32
      %lt3A_407 = arith.constant 160 : i32
      %lt3A_408 = arith.cmpi slt, %sub3A_404, %lt3A_407 : i32
      %and3A_409 = arith.andi %ge3A_406, %lt3A_408 : i1
      %convert_element_type3A_410 = arith.extui %and3A_409 : i1 to i32
      %cond3A_411 = arith.constant 0 : i32
      %cond3A_412 = arith.cmpi ne, %convert_element_type3A_410, %cond3A_411 : i32
      scf.if %cond3A_412 {
        %sub3A_593 = arith.constant 1 : i32
        %sub3A_594 = arith.subi %add3A_378, %sub3A_593 : i32
        %dma_wait3A_595 = arith.constant 3 : i32
        %dma_wait3A_596 = arith.constant 0 : i32
        %dma_wait3A_597 = arith.constant 0 : i32
        %dma_wait3A_598 = tpu.memref_slice %arg9[%dma_wait3A_595, %dma_wait3A_596, %dma_wait3A_597] : memref<10x128x64xbf16, #tpu.memory_space<vmem>> -> memref<1x128x64xbf16, #tpu.memory_space<vmem>>
        %dma_wait3A_599 = tpu.memref_squeeze %dma_wait3A_598 : memref<1x128x64xbf16, #tpu.memory_space<vmem>> -> memref<128x64xbf16, #tpu.memory_space<vmem>>
        %dma_wait3A_600 = arith.constant 0 : i32
        %dma_wait3A_601 = tpu.memref_slice %arg8[%sub3A_594, %dma_wait3A_600] : memref<160x128xi32, #tpu.memory_space<vmem>> -> memref<1x128xi32, #tpu.memory_space<vmem>>
        %dma_wait3A_602 = tpu.memref_squeeze %dma_wait3A_601 : memref<1x128xi32, #tpu.memory_space<vmem>> -> memref<128xi32, #tpu.memory_space<vmem>>
        %dma_wait3A_603 = arith.constant 0 : i32
        %dma_wait3A_604 = arith.constant 0 : i32
        %dma_wait3A_605 = tpu.memref_slice %arg30[%dma_wait3A_603, %dma_wait3A_604] : memref<10112x64xbf16, #tpu.memory_space<vmem_shared>> -> memref<10112x64xbf16, #tpu.memory_space<vmem_shared>>
        tpu.wait_indirect_dma semaphore(%arg23 : memref<!tpu.dma_semaphore, #tpu.memory_space<semaphore_mem>>) src(%dma_wait3A_599 : memref<128x64xbf16, #tpu.memory_space<vmem>>) dst(%dma_wait3A_605 : memref<10112x64xbf16, #tpu.memory_space<vmem_shared>>)
        %dma_start3A_606 = arith.constant 3 : i32
        %dma_start3A_607 = arith.constant 0 : i32
        %dma_start3A_608 = arith.constant 0 : i32
        %dma_start3A_609 = tpu.memref_slice %arg9[%dma_start3A_606, %dma_start3A_607, %dma_start3A_608] : memref<10x128x64xbf16, #tpu.memory_space<vmem>> -> memref<1x128x64xbf16, #tpu.memory_space<vmem>>
        %dma_start3A_610 = tpu.memref_squeeze %dma_start3A_609 : memref<1x128x64xbf16, #tpu.memory_space<vmem>> -> memref<128x64xbf16, #tpu.memory_space<vmem>>
        %dma_start3A_611 = arith.constant 0 : i32
        %dma_start3A_612 = tpu.memref_slice %arg7[%sub3A_404, %dma_start3A_611] : memref<160x128xi32, #tpu.memory_space<vmem>> -> memref<1x128xi32, #tpu.memory_space<vmem>>
        %dma_start3A_613 = tpu.memref_squeeze %dma_start3A_612 : memref<1x128xi32, #tpu.memory_space<vmem>> -> memref<128xi32, #tpu.memory_space<vmem>>
        %dma_start3A_614 = arith.constant 0 : i32
        %dma_start3A_615 = arith.constant 0 : i32
        %dma_start3A_616 = tpu.memref_slice %arg2[%dma_start3A_614, %dma_start3A_615] : memref<20224x64xbf16, #tpu.memory_space<hbm>> -> memref<20224x64xbf16, #tpu.memory_space<hbm>>
        tpu.enqueue_indirect_dma source(%dma_start3A_616 : memref<20224x64xbf16, #tpu.memory_space<hbm>>) target(%dma_start3A_610 : memref<128x64xbf16, #tpu.memory_space<vmem>>) offsets(%dma_start3A_613 : memref<128xi32, #tpu.memory_space<vmem>>) semaphore(%arg13 : memref<!tpu.dma_semaphore, #tpu.memory_space<semaphore_mem>>)
      } else {
      }
      %add3A_413 = arith.constant 5 : i32
      %add3A_414 = arith.addi %mul3A_235, %add3A_413 : i32
      %dma_wait3A_415 = arith.constant 5 : i32
      %dma_wait3A_416 = arith.constant 0 : i32
      %dma_wait3A_417 = arith.constant 0 : i32
      %dma_wait3A_418 = tpu.memref_slice %arg9[%dma_wait3A_415, %dma_wait3A_416, %dma_wait3A_417] : memref<10x128x64xbf16, #tpu.memory_space<vmem>> -> memref<1x128x64xbf16, #tpu.memory_space<vmem>>
      %dma_wait3A_419 = tpu.memref_squeeze %dma_wait3A_418 : memref<1x128x64xbf16, #tpu.memory_space<vmem>> -> memref<128x64xbf16, #tpu.memory_space<vmem>>
      %dma_wait3A_420 = arith.constant 0 : i32
      %dma_wait3A_421 = tpu.memref_slice %arg7[%add3A_414, %dma_wait3A_420] : memref<160x128xi32, #tpu.memory_space<vmem>> -> memref<1x128xi32, #tpu.memory_space<vmem>>
      %dma_wait3A_422 = tpu.memref_squeeze %dma_wait3A_421 : memref<1x128xi32, #tpu.memory_space<vmem>> -> memref<128xi32, #tpu.memory_space<vmem>>
      %dma_wait3A_423 = arith.constant 0 : i32
      %dma_wait3A_424 = arith.constant 0 : i32
      %dma_wait3A_425 = tpu.memref_slice %arg2[%dma_wait3A_423, %dma_wait3A_424] : memref<20224x64xbf16, #tpu.memory_space<hbm>> -> memref<20224x64xbf16, #tpu.memory_space<hbm>>
      tpu.wait_indirect_dma semaphore(%arg15 : memref<!tpu.dma_semaphore, #tpu.memory_space<semaphore_mem>>) src(%dma_wait3A_425 : memref<20224x64xbf16, #tpu.memory_space<hbm>>) dst(%dma_wait3A_419 : memref<128x64xbf16, #tpu.memory_space<vmem>>)
      %dma_start3A_426 = arith.constant 5 : i32
      %dma_start3A_427 = arith.constant 0 : i32
      %dma_start3A_428 = arith.constant 0 : i32
      %dma_start3A_429 = tpu.memref_slice %arg9[%dma_start3A_426, %dma_start3A_427, %dma_start3A_428] : memref<10x128x64xbf16, #tpu.memory_space<vmem>> -> memref<1x128x64xbf16, #tpu.memory_space<vmem>>
      %dma_start3A_430 = tpu.memref_squeeze %dma_start3A_429 : memref<1x128x64xbf16, #tpu.memory_space<vmem>> -> memref<128x64xbf16, #tpu.memory_space<vmem>>
      %dma_start3A_431 = arith.constant 0 : i32
      %dma_start3A_432 = tpu.memref_slice %arg8[%add3A_414, %dma_start3A_431] : memref<160x128xi32, #tpu.memory_space<vmem>> -> memref<1x128xi32, #tpu.memory_space<vmem>>
      %dma_start3A_433 = tpu.memref_squeeze %dma_start3A_432 : memref<1x128xi32, #tpu.memory_space<vmem>> -> memref<128xi32, #tpu.memory_space<vmem>>
      %dma_start3A_434 = arith.constant 0 : i32
      %dma_start3A_435 = arith.constant 0 : i32
      %dma_start3A_436 = tpu.memref_slice %arg30[%dma_start3A_434, %dma_start3A_435] : memref<10112x64xbf16, #tpu.memory_space<vmem_shared>> -> memref<10112x64xbf16, #tpu.memory_space<vmem_shared>>
      tpu.enqueue_indirect_dma source(%dma_start3A_430 : memref<128x64xbf16, #tpu.memory_space<vmem>>) target(%dma_start3A_436 : memref<10112x64xbf16, #tpu.memory_space<vmem_shared>>) offsets(%dma_start3A_433 : memref<128xi32, #tpu.memory_space<vmem>>) semaphore(%arg25 : memref<!tpu.dma_semaphore, #tpu.memory_space<semaphore_mem>>) {add = true}
      %add3A_437 = arith.constant 10 : i32
      %add3A_438 = arith.addi %add3A_414, %add3A_437 : i32
      %sub3A_439 = arith.constant 1 : i32
      %sub3A_440 = arith.subi %add3A_438, %sub3A_439 : i32
      %ge3A_441 = arith.constant 1 : i32
      %ge3A_442 = arith.cmpi sge, %add3A_414, %ge3A_441 : i32
      %lt3A_443 = arith.constant 160 : i32
      %lt3A_444 = arith.cmpi slt, %sub3A_440, %lt3A_443 : i32
      %and3A_445 = arith.andi %ge3A_442, %lt3A_444 : i1
      %convert_element_type3A_446 = arith.extui %and3A_445 : i1 to i32
      %cond3A_447 = arith.constant 0 : i32
      %cond3A_448 = arith.cmpi ne, %convert_element_type3A_446, %cond3A_447 : i32
      scf.if %cond3A_448 {
        %sub3A_593 = arith.constant 1 : i32
        %sub3A_594 = arith.subi %add3A_414, %sub3A_593 : i32
        %dma_wait3A_595 = arith.constant 4 : i32
        %dma_wait3A_596 = arith.constant 0 : i32
        %dma_wait3A_597 = arith.constant 0 : i32
        %dma_wait3A_598 = tpu.memref_slice %arg9[%dma_wait3A_595, %dma_wait3A_596, %dma_wait3A_597] : memref<10x128x64xbf16, #tpu.memory_space<vmem>> -> memref<1x128x64xbf16, #tpu.memory_space<vmem>>
        %dma_wait3A_599 = tpu.memref_squeeze %dma_wait3A_598 : memref<1x128x64xbf16, #tpu.memory_space<vmem>> -> memref<128x64xbf16, #tpu.memory_space<vmem>>
        %dma_wait3A_600 = arith.constant 0 : i32
        %dma_wait3A_601 = tpu.memref_slice %arg8[%sub3A_594, %dma_wait3A_600] : memref<160x128xi32, #tpu.memory_space<vmem>> -> memref<1x128xi32, #tpu.memory_space<vmem>>
        %dma_wait3A_602 = tpu.memref_squeeze %dma_wait3A_601 : memref<1x128xi32, #tpu.memory_space<vmem>> -> memref<128xi32, #tpu.memory_space<vmem>>
        %dma_wait3A_603 = arith.constant 0 : i32
        %dma_wait3A_604 = arith.constant 0 : i32
        %dma_wait3A_605 = tpu.memref_slice %arg30[%dma_wait3A_603, %dma_wait3A_604] : memref<10112x64xbf16, #tpu.memory_space<vmem_shared>> -> memref<10112x64xbf16, #tpu.memory_space<vmem_shared>>
        tpu.wait_indirect_dma semaphore(%arg24 : memref<!tpu.dma_semaphore, #tpu.memory_space<semaphore_mem>>) src(%dma_wait3A_599 : memref<128x64xbf16, #tpu.memory_space<vmem>>) dst(%dma_wait3A_605 : memref<10112x64xbf16, #tpu.memory_space<vmem_shared>>)
        %dma_start3A_606 = arith.constant 4 : i32
        %dma_start3A_607 = arith.constant 0 : i32
        %dma_start3A_608 = arith.constant 0 : i32
        %dma_start3A_609 = tpu.memref_slice %arg9[%dma_start3A_606, %dma_start3A_607, %dma_start3A_608] : memref<10x128x64xbf16, #tpu.memory_space<vmem>> -> memref<1x128x64xbf16, #tpu.memory_space<vmem>>
        %dma_start3A_610 = tpu.memref_squeeze %dma_start3A_609 : memref<1x128x64xbf16, #tpu.memory_space<vmem>> -> memref<128x64xbf16, #tpu.memory_space<vmem>>
        %dma_start3A_611 = arith.constant 0 : i32
        %dma_start3A_612 = tpu.memref_slice %arg7[%sub3A_440, %dma_start3A_611] : memref<160x128xi32, #tpu.memory_space<vmem>> -> memref<1x128xi32, #tpu.memory_space<vmem>>
        %dma_start3A_613 = tpu.memref_squeeze %dma_start3A_612 : memref<1x128xi32, #tpu.memory_space<vmem>> -> memref<128xi32, #tpu.memory_space<vmem>>
        %dma_start3A_614 = arith.constant 0 : i32
        %dma_start3A_615 = arith.constant 0 : i32
        %dma_start3A_616 = tpu.memref_slice %arg2[%dma_start3A_614, %dma_start3A_615] : memref<20224x64xbf16, #tpu.memory_space<hbm>> -> memref<20224x64xbf16, #tpu.memory_space<hbm>>
        tpu.enqueue_indirect_dma source(%dma_start3A_616 : memref<20224x64xbf16, #tpu.memory_space<hbm>>) target(%dma_start3A_610 : memref<128x64xbf16, #tpu.memory_space<vmem>>) offsets(%dma_start3A_613 : memref<128xi32, #tpu.memory_space<vmem>>) semaphore(%arg14 : memref<!tpu.dma_semaphore, #tpu.memory_space<semaphore_mem>>)
      } else {
      }
      %add3A_449 = arith.constant 6 : i32
      %add3A_450 = arith.addi %mul3A_235, %add3A_449 : i32
      %dma_wait3A_451 = arith.constant 6 : i32
      %dma_wait3A_452 = arith.constant 0 : i32
      %dma_wait3A_453 = arith.constant 0 : i32
      %dma_wait3A_454 = tpu.memref_slice %arg9[%dma_wait3A_451, %dma_wait3A_452, %dma_wait3A_453] : memref<10x128x64xbf16, #tpu.memory_space<vmem>> -> memref<1x128x64xbf16, #tpu.memory_space<vmem>>
      %dma_wait3A_455 = tpu.memref_squeeze %dma_wait3A_454 : memref<1x128x64xbf16, #tpu.memory_space<vmem>> -> memref<128x64xbf16, #tpu.memory_space<vmem>>
      %dma_wait3A_456 = arith.constant 0 : i32
      %dma_wait3A_457 = tpu.memref_slice %arg7[%add3A_450, %dma_wait3A_456] : memref<160x128xi32, #tpu.memory_space<vmem>> -> memref<1x128xi32, #tpu.memory_space<vmem>>
      %dma_wait3A_458 = tpu.memref_squeeze %dma_wait3A_457 : memref<1x128xi32, #tpu.memory_space<vmem>> -> memref<128xi32, #tpu.memory_space<vmem>>
      %dma_wait3A_459 = arith.constant 0 : i32
      %dma_wait3A_460 = arith.constant 0 : i32
      %dma_wait3A_461 = tpu.memref_slice %arg2[%dma_wait3A_459, %dma_wait3A_460] : memref<20224x64xbf16, #tpu.memory_space<hbm>> -> memref<20224x64xbf16, #tpu.memory_space<hbm>>
      tpu.wait_indirect_dma semaphore(%arg16 : memref<!tpu.dma_semaphore, #tpu.memory_space<semaphore_mem>>) src(%dma_wait3A_461 : memref<20224x64xbf16, #tpu.memory_space<hbm>>) dst(%dma_wait3A_455 : memref<128x64xbf16, #tpu.memory_space<vmem>>)
      %dma_start3A_462 = arith.constant 6 : i32
      %dma_start3A_463 = arith.constant 0 : i32
      %dma_start3A_464 = arith.constant 0 : i32
      %dma_start3A_465 = tpu.memref_slice %arg9[%dma_start3A_462, %dma_start3A_463, %dma_start3A_464] : memref<10x128x64xbf16, #tpu.memory_space<vmem>> -> memref<1x128x64xbf16, #tpu.memory_space<vmem>>
      %dma_start3A_466 = tpu.memref_squeeze %dma_start3A_465 : memref<1x128x64xbf16, #tpu.memory_space<vmem>> -> memref<128x64xbf16, #tpu.memory_space<vmem>>
      %dma_start3A_467 = arith.constant 0 : i32
      %dma_start3A_468 = tpu.memref_slice %arg8[%add3A_450, %dma_start3A_467] : memref<160x128xi32, #tpu.memory_space<vmem>> -> memref<1x128xi32, #tpu.memory_space<vmem>>
      %dma_start3A_469 = tpu.memref_squeeze %dma_start3A_468 : memref<1x128xi32, #tpu.memory_space<vmem>> -> memref<128xi32, #tpu.memory_space<vmem>>
      %dma_start3A_470 = arith.constant 0 : i32
      %dma_start3A_471 = arith.constant 0 : i32
      %dma_start3A_472 = tpu.memref_slice %arg30[%dma_start3A_470, %dma_start3A_471] : memref<10112x64xbf16, #tpu.memory_space<vmem_shared>> -> memref<10112x64xbf16, #tpu.memory_space<vmem_shared>>
      tpu.enqueue_indirect_dma source(%dma_start3A_466 : memref<128x64xbf16, #tpu.memory_space<vmem>>) target(%dma_start3A_472 : memref<10112x64xbf16, #tpu.memory_space<vmem_shared>>) offsets(%dma_start3A_469 : memref<128xi32, #tpu.memory_space<vmem>>) semaphore(%arg26 : memref<!tpu.dma_semaphore, #tpu.memory_space<semaphore_mem>>) {add = true}
      %add3A_473 = arith.constant 10 : i32
      %add3A_474 = arith.addi %add3A_450, %add3A_473 : i32
      %sub3A_475 = arith.constant 1 : i32
      %sub3A_476 = arith.subi %add3A_474, %sub3A_475 : i32
      %ge3A_477 = arith.constant 1 : i32
      %ge3A_478 = arith.cmpi sge, %add3A_450, %ge3A_477 : i32
      %lt3A_479 = arith.constant 160 : i32
      %lt3A_480 = arith.cmpi slt, %sub3A_476, %lt3A_479 : i32
      %and3A_481 = arith.andi %ge3A_478, %lt3A_480 : i1
      %convert_element_type3A_482 = arith.extui %and3A_481 : i1 to i32
      %cond3A_483 = arith.constant 0 : i32
      %cond3A_484 = arith.cmpi ne, %convert_element_type3A_482, %cond3A_483 : i32
      scf.if %cond3A_484 {
        %sub3A_593 = arith.constant 1 : i32
        %sub3A_594 = arith.subi %add3A_450, %sub3A_593 : i32
        %dma_wait3A_595 = arith.constant 5 : i32
        %dma_wait3A_596 = arith.constant 0 : i32
        %dma_wait3A_597 = arith.constant 0 : i32
        %dma_wait3A_598 = tpu.memref_slice %arg9[%dma_wait3A_595, %dma_wait3A_596, %dma_wait3A_597] : memref<10x128x64xbf16, #tpu.memory_space<vmem>> -> memref<1x128x64xbf16, #tpu.memory_space<vmem>>
        %dma_wait3A_599 = tpu.memref_squeeze %dma_wait3A_598 : memref<1x128x64xbf16, #tpu.memory_space<vmem>> -> memref<128x64xbf16, #tpu.memory_space<vmem>>
        %dma_wait3A_600 = arith.constant 0 : i32
        %dma_wait3A_601 = tpu.memref_slice %arg8[%sub3A_594, %dma_wait3A_600] : memref<160x128xi32, #tpu.memory_space<vmem>> -> memref<1x128xi32, #tpu.memory_space<vmem>>
        %dma_wait3A_602 = tpu.memref_squeeze %dma_wait3A_601 : memref<1x128xi32, #tpu.memory_space<vmem>> -> memref<128xi32, #tpu.memory_space<vmem>>
        %dma_wait3A_603 = arith.constant 0 : i32
        %dma_wait3A_604 = arith.constant 0 : i32
        %dma_wait3A_605 = tpu.memref_slice %arg30[%dma_wait3A_603, %dma_wait3A_604] : memref<10112x64xbf16, #tpu.memory_space<vmem_shared>> -> memref<10112x64xbf16, #tpu.memory_space<vmem_shared>>
        tpu.wait_indirect_dma semaphore(%arg25 : memref<!tpu.dma_semaphore, #tpu.memory_space<semaphore_mem>>) src(%dma_wait3A_599 : memref<128x64xbf16, #tpu.memory_space<vmem>>) dst(%dma_wait3A_605 : memref<10112x64xbf16, #tpu.memory_space<vmem_shared>>)
        %dma_start3A_606 = arith.constant 5 : i32
        %dma_start3A_607 = arith.constant 0 : i32
        %dma_start3A_608 = arith.constant 0 : i32
        %dma_start3A_609 = tpu.memref_slice %arg9[%dma_start3A_606, %dma_start3A_607, %dma_start3A_608] : memref<10x128x64xbf16, #tpu.memory_space<vmem>> -> memref<1x128x64xbf16, #tpu.memory_space<vmem>>
        %dma_start3A_610 = tpu.memref_squeeze %dma_start3A_609 : memref<1x128x64xbf16, #tpu.memory_space<vmem>> -> memref<128x64xbf16, #tpu.memory_space<vmem>>
        %dma_start3A_611 = arith.constant 0 : i32
        %dma_start3A_612 = tpu.memref_slice %arg7[%sub3A_476, %dma_start3A_611] : memref<160x128xi32, #tpu.memory_space<vmem>> -> memref<1x128xi32, #tpu.memory_space<vmem>>
        %dma_start3A_613 = tpu.memref_squeeze %dma_start3A_612 : memref<1x128xi32, #tpu.memory_space<vmem>> -> memref<128xi32, #tpu.memory_space<vmem>>
        %dma_start3A_614 = arith.constant 0 : i32
        %dma_start3A_615 = arith.constant 0 : i32
        %dma_start3A_616 = tpu.memref_slice %arg2[%dma_start3A_614, %dma_start3A_615] : memref<20224x64xbf16, #tpu.memory_space<hbm>> -> memref<20224x64xbf16, #tpu.memory_space<hbm>>
        tpu.enqueue_indirect_dma source(%dma_start3A_616 : memref<20224x64xbf16, #tpu.memory_space<hbm>>) target(%dma_start3A_610 : memref<128x64xbf16, #tpu.memory_space<vmem>>) offsets(%dma_start3A_613 : memref<128xi32, #tpu.memory_space<vmem>>) semaphore(%arg15 : memref<!tpu.dma_semaphore, #tpu.memory_space<semaphore_mem>>)
      } else {
      }
      %add3A_485 = arith.constant 7 : i32
      %add3A_486 = arith.addi %mul3A_235, %add3A_485 : i32
      %dma_wait3A_487 = arith.constant 7 : i32
      %dma_wait3A_488 = arith.constant 0 : i32
      %dma_wait3A_489 = arith.constant 0 : i32
      %dma_wait3A_490 = tpu.memref_slice %arg9[%dma_wait3A_487, %dma_wait3A_488, %dma_wait3A_489] : memref<10x128x64xbf16, #tpu.memory_space<vmem>> -> memref<1x128x64xbf16, #tpu.memory_space<vmem>>
      %dma_wait3A_491 = tpu.memref_squeeze %dma_wait3A_490 : memref<1x128x64xbf16, #tpu.memory_space<vmem>> -> memref<128x64xbf16, #tpu.memory_space<vmem>>
      %dma_wait3A_492 = arith.constant 0 : i32
      %dma_wait3A_493 = tpu.memref_slice %arg7[%add3A_486, %dma_wait3A_492] : memref<160x128xi32, #tpu.memory_space<vmem>> -> memref<1x128xi32, #tpu.memory_space<vmem>>
      %dma_wait3A_494 = tpu.memref_squeeze %dma_wait3A_493 : memref<1x128xi32, #tpu.memory_space<vmem>> -> memref<128xi32, #tpu.memory_space<vmem>>
      %dma_wait3A_495 = arith.constant 0 : i32
      %dma_wait3A_496 = arith.constant 0 : i32
      %dma_wait3A_497 = tpu.memref_slice %arg2[%dma_wait3A_495, %dma_wait3A_496] : memref<20224x64xbf16, #tpu.memory_space<hbm>> -> memref<20224x64xbf16, #tpu.memory_space<hbm>>
      tpu.wait_indirect_dma semaphore(%arg17 : memref<!tpu.dma_semaphore, #tpu.memory_space<semaphore_mem>>) src(%dma_wait3A_497 : memref<20224x64xbf16, #tpu.memory_space<hbm>>) dst(%dma_wait3A_491 : memref<128x64xbf16, #tpu.memory_space<vmem>>)
      %dma_start3A_498 = arith.constant 7 : i32
      %dma_start3A_499 = arith.constant 0 : i32
      %dma_start3A_500 = arith.constant 0 : i32
      %dma_start3A_501 = tpu.memref_slice %arg9[%dma_start3A_498, %dma_start3A_499, %dma_start3A_500] : memref<10x128x64xbf16, #tpu.memory_space<vmem>> -> memref<1x128x64xbf16, #tpu.memory_space<vmem>>
      %dma_start3A_502 = tpu.memref_squeeze %dma_start3A_501 : memref<1x128x64xbf16, #tpu.memory_space<vmem>> -> memref<128x64xbf16, #tpu.memory_space<vmem>>
      %dma_start3A_503 = arith.constant 0 : i32
      %dma_start3A_504 = tpu.memref_slice %arg8[%add3A_486, %dma_start3A_503] : memref<160x128xi32, #tpu.memory_space<vmem>> -> memref<1x128xi32, #tpu.memory_space<vmem>>
      %dma_start3A_505 = tpu.memref_squeeze %dma_start3A_504 : memref<1x128xi32, #tpu.memory_space<vmem>> -> memref<128xi32, #tpu.memory_space<vmem>>
      %dma_start3A_506 = arith.constant 0 : i32
      %dma_start3A_507 = arith.constant 0 : i32
      %dma_start3A_508 = tpu.memref_slice %arg30[%dma_start3A_506, %dma_start3A_507] : memref<10112x64xbf16, #tpu.memory_space<vmem_shared>> -> memref<10112x64xbf16, #tpu.memory_space<vmem_shared>>
      tpu.enqueue_indirect_dma source(%dma_start3A_502 : memref<128x64xbf16, #tpu.memory_space<vmem>>) target(%dma_start3A_508 : memref<10112x64xbf16, #tpu.memory_space<vmem_shared>>) offsets(%dma_start3A_505 : memref<128xi32, #tpu.memory_space<vmem>>) semaphore(%arg27 : memref<!tpu.dma_semaphore, #tpu.memory_space<semaphore_mem>>) {add = true}
      %add3A_509 = arith.constant 10 : i32
      %add3A_510 = arith.addi %add3A_486, %add3A_509 : i32
      %sub3A_511 = arith.constant 1 : i32
      %sub3A_512 = arith.subi %add3A_510, %sub3A_511 : i32
      %ge3A_513 = arith.constant 1 : i32
      %ge3A_514 = arith.cmpi sge, %add3A_486, %ge3A_513 : i32
      %lt3A_515 = arith.constant 160 : i32
      %lt3A_516 = arith.cmpi slt, %sub3A_512, %lt3A_515 : i32
      %and3A_517 = arith.andi %ge3A_514, %lt3A_516 : i1
      %convert_element_type3A_518 = arith.extui %and3A_517 : i1 to i32
      %cond3A_519 = arith.constant 0 : i32
      %cond3A_520 = arith.cmpi ne, %convert_element_type3A_518, %cond3A_519 : i32
      scf.if %cond3A_520 {
        %sub3A_593 = arith.constant 1 : i32
        %sub3A_594 = arith.subi %add3A_486, %sub3A_593 : i32
        %dma_wait3A_595 = arith.constant 6 : i32
        %dma_wait3A_596 = arith.constant 0 : i32
        %dma_wait3A_597 = arith.constant 0 : i32
        %dma_wait3A_598 = tpu.memref_slice %arg9[%dma_wait3A_595, %dma_wait3A_596, %dma_wait3A_597] : memref<10x128x64xbf16, #tpu.memory_space<vmem>> -> memref<1x128x64xbf16, #tpu.memory_space<vmem>>
        %dma_wait3A_599 = tpu.memref_squeeze %dma_wait3A_598 : memref<1x128x64xbf16, #tpu.memory_space<vmem>> -> memref<128x64xbf16, #tpu.memory_space<vmem>>
        %dma_wait3A_600 = arith.constant 0 : i32
        %dma_wait3A_601 = tpu.memref_slice %arg8[%sub3A_594, %dma_wait3A_600] : memref<160x128xi32, #tpu.memory_space<vmem>> -> memref<1x128xi32, #tpu.memory_space<vmem>>
        %dma_wait3A_602 = tpu.memref_squeeze %dma_wait3A_601 : memref<1x128xi32, #tpu.memory_space<vmem>> -> memref<128xi32, #tpu.memory_space<vmem>>
        %dma_wait3A_603 = arith.constant 0 : i32
        %dma_wait3A_604 = arith.constant 0 : i32
        %dma_wait3A_605 = tpu.memref_slice %arg30[%dma_wait3A_603, %dma_wait3A_604] : memref<10112x64xbf16, #tpu.memory_space<vmem_shared>> -> memref<10112x64xbf16, #tpu.memory_space<vmem_shared>>
        tpu.wait_indirect_dma semaphore(%arg26 : memref<!tpu.dma_semaphore, #tpu.memory_space<semaphore_mem>>) src(%dma_wait3A_599 : memref<128x64xbf16, #tpu.memory_space<vmem>>) dst(%dma_wait3A_605 : memref<10112x64xbf16, #tpu.memory_space<vmem_shared>>)
        %dma_start3A_606 = arith.constant 6 : i32
        %dma_start3A_607 = arith.constant 0 : i32
        %dma_start3A_608 = arith.constant 0 : i32
        %dma_start3A_609 = tpu.memref_slice %arg9[%dma_start3A_606, %dma_start3A_607, %dma_start3A_608] : memref<10x128x64xbf16, #tpu.memory_space<vmem>> -> memref<1x128x64xbf16, #tpu.memory_space<vmem>>
        %dma_start3A_610 = tpu.memref_squeeze %dma_start3A_609 : memref<1x128x64xbf16, #tpu.memory_space<vmem>> -> memref<128x64xbf16, #tpu.memory_space<vmem>>
        %dma_start3A_611 = arith.constant 0 : i32
        %dma_start3A_612 = tpu.memref_slice %arg7[%sub3A_512, %dma_start3A_611] : memref<160x128xi32, #tpu.memory_space<vmem>> -> memref<1x128xi32, #tpu.memory_space<vmem>>
        %dma_start3A_613 = tpu.memref_squeeze %dma_start3A_612 : memref<1x128xi32, #tpu.memory_space<vmem>> -> memref<128xi32, #tpu.memory_space<vmem>>
        %dma_start3A_614 = arith.constant 0 : i32
        %dma_start3A_615 = arith.constant 0 : i32
        %dma_start3A_616 = tpu.memref_slice %arg2[%dma_start3A_614, %dma_start3A_615] : memref<20224x64xbf16, #tpu.memory_space<hbm>> -> memref<20224x64xbf16, #tpu.memory_space<hbm>>
        tpu.enqueue_indirect_dma source(%dma_start3A_616 : memref<20224x64xbf16, #tpu.memory_space<hbm>>) target(%dma_start3A_610 : memref<128x64xbf16, #tpu.memory_space<vmem>>) offsets(%dma_start3A_613 : memref<128xi32, #tpu.memory_space<vmem>>) semaphore(%arg16 : memref<!tpu.dma_semaphore, #tpu.memory_space<semaphore_mem>>)
      } else {
      }
      %add3A_521 = arith.constant 8 : i32
      %add3A_522 = arith.addi %mul3A_235, %add3A_521 : i32
      %dma_wait3A_523 = arith.constant 8 : i32
      %dma_wait3A_524 = arith.constant 0 : i32
      %dma_wait3A_525 = arith.constant 0 : i32
      %dma_wait3A_526 = tpu.memref_slice %arg9[%dma_wait3A_523, %dma_wait3A_524, %dma_wait3A_525] : memref<10x128x64xbf16, #tpu.memory_space<vmem>> -> memref<1x128x64xbf16, #tpu.memory_space<vmem>>
      %dma_wait3A_527 = tpu.memref_squeeze %dma_wait3A_526 : memref<1x128x64xbf16, #tpu.memory_space<vmem>> -> memref<128x64xbf16, #tpu.memory_space<vmem>>
      %dma_wait3A_528 = arith.constant 0 : i32
      %dma_wait3A_529 = tpu.memref_slice %arg7[%add3A_522, %dma_wait3A_528] : memref<160x128xi32, #tpu.memory_space<vmem>> -> memref<1x128xi32, #tpu.memory_space<vmem>>
      %dma_wait3A_530 = tpu.memref_squeeze %dma_wait3A_529 : memref<1x128xi32, #tpu.memory_space<vmem>> -> memref<128xi32, #tpu.memory_space<vmem>>
      %dma_wait3A_531 = arith.constant 0 : i32
      %dma_wait3A_532 = arith.constant 0 : i32
      %dma_wait3A_533 = tpu.memref_slice %arg2[%dma_wait3A_531, %dma_wait3A_532] : memref<20224x64xbf16, #tpu.memory_space<hbm>> -> memref<20224x64xbf16, #tpu.memory_space<hbm>>
      tpu.wait_indirect_dma semaphore(%arg18 : memref<!tpu.dma_semaphore, #tpu.memory_space<semaphore_mem>>) src(%dma_wait3A_533 : memref<20224x64xbf16, #tpu.memory_space<hbm>>) dst(%dma_wait3A_527 : memref<128x64xbf16, #tpu.memory_space<vmem>>)
      %dma_start3A_534 = arith.constant 8 : i32
      %dma_start3A_535 = arith.constant 0 : i32
      %dma_start3A_536 = arith.constant 0 : i32
      %dma_start3A_537 = tpu.memref_slice %arg9[%dma_start3A_534, %dma_start3A_535, %dma_start3A_536] : memref<10x128x64xbf16, #tpu.memory_space<vmem>> -> memref<1x128x64xbf16, #tpu.memory_space<vmem>>
      %dma_start3A_538 = tpu.memref_squeeze %dma_start3A_537 : memref<1x128x64xbf16, #tpu.memory_space<vmem>> -> memref<128x64xbf16, #tpu.memory_space<vmem>>
      %dma_start3A_539 = arith.constant 0 : i32
      %dma_start3A_540 = tpu.memref_slice %arg8[%add3A_522, %dma_start3A_539] : memref<160x128xi32, #tpu.memory_space<vmem>> -> memref<1x128xi32, #tpu.memory_space<vmem>>
      %dma_start3A_541 = tpu.memref_squeeze %dma_start3A_540 : memref<1x128xi32, #tpu.memory_space<vmem>> -> memref<128xi32, #tpu.memory_space<vmem>>
      %dma_start3A_542 = arith.constant 0 : i32
      %dma_start3A_543 = arith.constant 0 : i32
      %dma_start3A_544 = tpu.memref_slice %arg30[%dma_start3A_542, %dma_start3A_543] : memref<10112x64xbf16, #tpu.memory_space<vmem_shared>> -> memref<10112x64xbf16, #tpu.memory_space<vmem_shared>>
      tpu.enqueue_indirect_dma source(%dma_start3A_538 : memref<128x64xbf16, #tpu.memory_space<vmem>>) target(%dma_start3A_544 : memref<10112x64xbf16, #tpu.memory_space<vmem_shared>>) offsets(%dma_start3A_541 : memref<128xi32, #tpu.memory_space<vmem>>) semaphore(%arg28 : memref<!tpu.dma_semaphore, #tpu.memory_space<semaphore_mem>>) {add = true}
      %add3A_545 = arith.constant 10 : i32
      %add3A_546 = arith.addi %add3A_522, %add3A_545 : i32
      %sub3A_547 = arith.constant 1 : i32
      %sub3A_548 = arith.subi %add3A_546, %sub3A_547 : i32
      %ge3A_549 = arith.constant 1 : i32
      %ge3A_550 = arith.cmpi sge, %add3A_522, %ge3A_549 : i32
      %lt3A_551 = arith.constant 160 : i32
      %lt3A_552 = arith.cmpi slt, %sub3A_548, %lt3A_551 : i32
      %and3A_553 = arith.andi %ge3A_550, %lt3A_552 : i1
      %convert_element_type3A_554 = arith.extui %and3A_553 : i1 to i32
      %cond3A_555 = arith.constant 0 : i32
      %cond3A_556 = arith.cmpi ne, %convert_element_type3A_554, %cond3A_555 : i32
      scf.if %cond3A_556 {
        %sub3A_593 = arith.constant 1 : i32
        %sub3A_594 = arith.subi %add3A_522, %sub3A_593 : i32
        %dma_wait3A_595 = arith.constant 7 : i32
        %dma_wait3A_596 = arith.constant 0 : i32
        %dma_wait3A_597 = arith.constant 0 : i32
        %dma_wait3A_598 = tpu.memref_slice %arg9[%dma_wait3A_595, %dma_wait3A_596, %dma_wait3A_597] : memref<10x128x64xbf16, #tpu.memory_space<vmem>> -> memref<1x128x64xbf16, #tpu.memory_space<vmem>>
        %dma_wait3A_599 = tpu.memref_squeeze %dma_wait3A_598 : memref<1x128x64xbf16, #tpu.memory_space<vmem>> -> memref<128x64xbf16, #tpu.memory_space<vmem>>
        %dma_wait3A_600 = arith.constant 0 : i32
        %dma_wait3A_601 = tpu.memref_slice %arg8[%sub3A_594, %dma_wait3A_600] : memref<160x128xi32, #tpu.memory_space<vmem>> -> memref<1x128xi32, #tpu.memory_space<vmem>>
        %dma_wait3A_602 = tpu.memref_squeeze %dma_wait3A_601 : memref<1x128xi32, #tpu.memory_space<vmem>> -> memref<128xi32, #tpu.memory_space<vmem>>
        %dma_wait3A_603 = arith.constant 0 : i32
        %dma_wait3A_604 = arith.constant 0 : i32
        %dma_wait3A_605 = tpu.memref_slice %arg30[%dma_wait3A_603, %dma_wait3A_604] : memref<10112x64xbf16, #tpu.memory_space<vmem_shared>> -> memref<10112x64xbf16, #tpu.memory_space<vmem_shared>>
        tpu.wait_indirect_dma semaphore(%arg27 : memref<!tpu.dma_semaphore, #tpu.memory_space<semaphore_mem>>) src(%dma_wait3A_599 : memref<128x64xbf16, #tpu.memory_space<vmem>>) dst(%dma_wait3A_605 : memref<10112x64xbf16, #tpu.memory_space<vmem_shared>>)
        %dma_start3A_606 = arith.constant 7 : i32
        %dma_start3A_607 = arith.constant 0 : i32
        %dma_start3A_608 = arith.constant 0 : i32
        %dma_start3A_609 = tpu.memref_slice %arg9[%dma_start3A_606, %dma_start3A_607, %dma_start3A_608] : memref<10x128x64xbf16, #tpu.memory_space<vmem>> -> memref<1x128x64xbf16, #tpu.memory_space<vmem>>
        %dma_start3A_610 = tpu.memref_squeeze %dma_start3A_609 : memref<1x128x64xbf16, #tpu.memory_space<vmem>> -> memref<128x64xbf16, #tpu.memory_space<vmem>>
        %dma_start3A_611 = arith.constant 0 : i32
        %dma_start3A_612 = tpu.memref_slice %arg7[%sub3A_548, %dma_start3A_611] : memref<160x128xi32, #tpu.memory_space<vmem>> -> memref<1x128xi32, #tpu.memory_space<vmem>>
        %dma_start3A_613 = tpu.memref_squeeze %dma_start3A_612 : memref<1x128xi32, #tpu.memory_space<vmem>> -> memref<128xi32, #tpu.memory_space<vmem>>
        %dma_start3A_614 = arith.constant 0 : i32
        %dma_start3A_615 = arith.constant 0 : i32
        %dma_start3A_616 = tpu.memref_slice %arg2[%dma_start3A_614, %dma_start3A_615] : memref<20224x64xbf16, #tpu.memory_space<hbm>> -> memref<20224x64xbf16, #tpu.memory_space<hbm>>
        tpu.enqueue_indirect_dma source(%dma_start3A_616 : memref<20224x64xbf16, #tpu.memory_space<hbm>>) target(%dma_start3A_610 : memref<128x64xbf16, #tpu.memory_space<vmem>>) offsets(%dma_start3A_613 : memref<128xi32, #tpu.memory_space<vmem>>) semaphore(%arg17 : memref<!tpu.dma_semaphore, #tpu.memory_space<semaphore_mem>>)
      } else {
      }
      %add3A_557 = arith.constant 9 : i32
      %add3A_558 = arith.addi %mul3A_235, %add3A_557 : i32
      %dma_wait3A_559 = arith.constant 9 : i32
      %dma_wait3A_560 = arith.constant 0 : i32
      %dma_wait3A_561 = arith.constant 0 : i32
      %dma_wait3A_562 = tpu.memref_slice %arg9[%dma_wait3A_559, %dma_wait3A_560, %dma_wait3A_561] : memref<10x128x64xbf16, #tpu.memory_space<vmem>> -> memref<1x128x64xbf16, #tpu.memory_space<vmem>>
      %dma_wait3A_563 = tpu.memref_squeeze %dma_wait3A_562 : memref<1x128x64xbf16, #tpu.memory_space<vmem>> -> memref<128x64xbf16, #tpu.memory_space<vmem>>
      %dma_wait3A_564 = arith.constant 0 : i32
      %dma_wait3A_565 = tpu.memref_slice %arg7[%add3A_558, %dma_wait3A_564] : memref<160x128xi32, #tpu.memory_space<vmem>> -> memref<1x128xi32, #tpu.memory_space<vmem>>
      %dma_wait3A_566 = tpu.memref_squeeze %dma_wait3A_565 : memref<1x128xi32, #tpu.memory_space<vmem>> -> memref<128xi32, #tpu.memory_space<vmem>>
      %dma_wait3A_567 = arith.constant 0 : i32
      %dma_wait3A_568 = arith.constant 0 : i32
      %dma_wait3A_569 = tpu.memref_slice %arg2[%dma_wait3A_567, %dma_wait3A_568] : memref<20224x64xbf16, #tpu.memory_space<hbm>> -> memref<20224x64xbf16, #tpu.memory_space<hbm>>
      tpu.wait_indirect_dma semaphore(%arg19 : memref<!tpu.dma_semaphore, #tpu.memory_space<semaphore_mem>>) src(%dma_wait3A_569 : memref<20224x64xbf16, #tpu.memory_space<hbm>>) dst(%dma_wait3A_563 : memref<128x64xbf16, #tpu.memory_space<vmem>>)
      %dma_start3A_570 = arith.constant 9 : i32
      %dma_start3A_571 = arith.constant 0 : i32
      %dma_start3A_572 = arith.constant 0 : i32
      %dma_start3A_573 = tpu.memref_slice %arg9[%dma_start3A_570, %dma_start3A_571, %dma_start3A_572] : memref<10x128x64xbf16, #tpu.memory_space<vmem>> -> memref<1x128x64xbf16, #tpu.memory_space<vmem>>
      %dma_start3A_574 = tpu.memref_squeeze %dma_start3A_573 : memref<1x128x64xbf16, #tpu.memory_space<vmem>> -> memref<128x64xbf16, #tpu.memory_space<vmem>>
      %dma_start3A_575 = arith.constant 0 : i32
      %dma_start3A_576 = tpu.memref_slice %arg8[%add3A_558, %dma_start3A_575] : memref<160x128xi32, #tpu.memory_space<vmem>> -> memref<1x128xi32, #tpu.memory_space<vmem>>
      %dma_start3A_577 = tpu.memref_squeeze %dma_start3A_576 : memref<1x128xi32, #tpu.memory_space<vmem>> -> memref<128xi32, #tpu.memory_space<vmem>>
      %dma_start3A_578 = arith.constant 0 : i32
      %dma_start3A_579 = arith.constant 0 : i32
      %dma_start3A_580 = tpu.memref_slice %arg30[%dma_start3A_578, %dma_start3A_579] : memref<10112x64xbf16, #tpu.memory_space<vmem_shared>> -> memref<10112x64xbf16, #tpu.memory_space<vmem_shared>>
      tpu.enqueue_indirect_dma source(%dma_start3A_574 : memref<128x64xbf16, #tpu.memory_space<vmem>>) target(%dma_start3A_580 : memref<10112x64xbf16, #tpu.memory_space<vmem_shared>>) offsets(%dma_start3A_577 : memref<128xi32, #tpu.memory_space<vmem>>) semaphore(%arg29 : memref<!tpu.dma_semaphore, #tpu.memory_space<semaphore_mem>>) {add = true}
      %add3A_581 = arith.constant 10 : i32
      %add3A_582 = arith.addi %add3A_558, %add3A_581 : i32
      %sub3A_583 = arith.constant 1 : i32
      %sub3A_584 = arith.subi %add3A_582, %sub3A_583 : i32
      %ge3A_585 = arith.constant 1 : i32
      %ge3A_586 = arith.cmpi sge, %add3A_558, %ge3A_585 : i32
      %lt3A_587 = arith.constant 160 : i32
      %lt3A_588 = arith.cmpi slt, %sub3A_584, %lt3A_587 : i32
      %and3A_589 = arith.andi %ge3A_586, %lt3A_588 : i1
      %convert_element_type3A_590 = arith.extui %and3A_589 : i1 to i32
      %cond3A_591 = arith.constant 0 : i32
      %cond3A_592 = arith.cmpi ne, %convert_element_type3A_590, %cond3A_591 : i32
      scf.if %cond3A_592 {
        %sub3A_593 = arith.constant 1 : i32
        %sub3A_594 = arith.subi %add3A_558, %sub3A_593 : i32
        %dma_wait3A_595 = arith.constant 8 : i32
        %dma_wait3A_596 = arith.constant 0 : i32
        %dma_wait3A_597 = arith.constant 0 : i32
        %dma_wait3A_598 = tpu.memref_slice %arg9[%dma_wait3A_595, %dma_wait3A_596, %dma_wait3A_597] : memref<10x128x64xbf16, #tpu.memory_space<vmem>> -> memref<1x128x64xbf16, #tpu.memory_space<vmem>>
        %dma_wait3A_599 = tpu.memref_squeeze %dma_wait3A_598 : memref<1x128x64xbf16, #tpu.memory_space<vmem>> -> memref<128x64xbf16, #tpu.memory_space<vmem>>
        %dma_wait3A_600 = arith.constant 0 : i32
        %dma_wait3A_601 = tpu.memref_slice %arg8[%sub3A_594, %dma_wait3A_600] : memref<160x128xi32, #tpu.memory_space<vmem>> -> memref<1x128xi32, #tpu.memory_space<vmem>>
        %dma_wait3A_602 = tpu.memref_squeeze %dma_wait3A_601 : memref<1x128xi32, #tpu.memory_space<vmem>> -> memref<128xi32, #tpu.memory_space<vmem>>
        %dma_wait3A_603 = arith.constant 0 : i32
        %dma_wait3A_604 = arith.constant 0 : i32
        %dma_wait3A_605 = tpu.memref_slice %arg30[%dma_wait3A_603, %dma_wait3A_604] : memref<10112x64xbf16, #tpu.memory_space<vmem_shared>> -> memref<10112x64xbf16, #tpu.memory_space<vmem_shared>>
        tpu.wait_indirect_dma semaphore(%arg28 : memref<!tpu.dma_semaphore, #tpu.memory_space<semaphore_mem>>) src(%dma_wait3A_599 : memref<128x64xbf16, #tpu.memory_space<vmem>>) dst(%dma_wait3A_605 : memref<10112x64xbf16, #tpu.memory_space<vmem_shared>>)
        %dma_start3A_606 = arith.constant 8 : i32
        %dma_start3A_607 = arith.constant 0 : i32
        %dma_start3A_608 = arith.constant 0 : i32
        %dma_start3A_609 = tpu.memref_slice %arg9[%dma_start3A_606, %dma_start3A_607, %dma_start3A_608] : memref<10x128x64xbf16, #tpu.memory_space<vmem>> -> memref<1x128x64xbf16, #tpu.memory_space<vmem>>
        %dma_start3A_610 = tpu.memref_squeeze %dma_start3A_609 : memref<1x128x64xbf16, #tpu.memory_space<vmem>> -> memref<128x64xbf16, #tpu.memory_space<vmem>>
        %dma_start3A_611 = arith.constant 0 : i32
        %dma_start3A_612 = tpu.memref_slice %arg7[%sub3A_584, %dma_start3A_611] : memref<160x128xi32, #tpu.memory_space<vmem>> -> memref<1x128xi32, #tpu.memory_space<vmem>>
        %dma_start3A_613 = tpu.memref_squeeze %dma_start3A_612 : memref<1x128xi32, #tpu.memory_space<vmem>> -> memref<128xi32, #tpu.memory_space<vmem>>
        %dma_start3A_614 = arith.constant 0 : i32
        %dma_start3A_615 = arith.constant 0 : i32
        %dma_start3A_616 = tpu.memref_slice %arg2[%dma_start3A_614, %dma_start3A_615] : memref<20224x64xbf16, #tpu.memory_space<hbm>> -> memref<20224x64xbf16, #tpu.memory_space<hbm>>
        tpu.enqueue_indirect_dma source(%dma_start3A_616 : memref<20224x64xbf16, #tpu.memory_space<hbm>>) target(%dma_start3A_610 : memref<128x64xbf16, #tpu.memory_space<vmem>>) offsets(%dma_start3A_613 : memref<128xi32, #tpu.memory_space<vmem>>) semaphore(%arg18 : memref<!tpu.dma_semaphore, #tpu.memory_space<semaphore_mem>>)
      } else {
      }
    }
    %scan3A_112 = arith.constant 16 : i32
    %dma_wait3A = arith.constant 0 : i32
    %dma_wait3A_113 = arith.constant 150 : i32
    %dma_wait3A_114 = arith.constant 0 : i32
    %dma_wait3A_115 = arith.constant 0 : i32
    %dma_wait3A_116 = tpu.memref_slice %arg9[%dma_wait3A, %dma_wait3A_114, %dma_wait3A_115] : memref<10x128x64xbf16, #tpu.memory_space<vmem>> -> memref<1x128x64xbf16, #tpu.memory_space<vmem>>
    %dma_wait3A_117 = tpu.memref_squeeze %dma_wait3A_116 : memref<1x128x64xbf16, #tpu.memory_space<vmem>> -> memref<128x64xbf16, #tpu.memory_space<vmem>>
    %dma_wait3A_118 = arith.constant 0 : i32
    %dma_wait3A_119 = tpu.memref_slice %arg8[%dma_wait3A_113, %dma_wait3A_118] : memref<160x128xi32, #tpu.memory_space<vmem>> -> memref<1x128xi32, #tpu.memory_space<vmem>>
    %dma_wait3A_120 = tpu.memref_squeeze %dma_wait3A_119 : memref<1x128xi32, #tpu.memory_space<vmem>> -> memref<128xi32, #tpu.memory_space<vmem>>
    %dma_wait3A_121 = arith.constant 0 : i32
    %dma_wait3A_122 = arith.constant 0 : i32
    %dma_wait3A_123 = tpu.memref_slice %arg30[%dma_wait3A_121, %dma_wait3A_122] : memref<10112x64xbf16, #tpu.memory_space<vmem_shared>> -> memref<10112x64xbf16, #tpu.memory_space<vmem_shared>>
    tpu.wait_indirect_dma semaphore(%arg20 : memref<!tpu.dma_semaphore, #tpu.memory_space<semaphore_mem>>) src(%dma_wait3A_117 : memref<128x64xbf16, #tpu.memory_space<vmem>>) dst(%dma_wait3A_123 : memref<10112x64xbf16, #tpu.memory_space<vmem_shared>>)
    %dma_wait3A_124 = arith.constant 1 : i32
    %dma_wait3A_125 = arith.constant 151 : i32
    %dma_wait3A_126 = arith.constant 0 : i32
    %dma_wait3A_127 = arith.constant 0 : i32
    %dma_wait3A_128 = tpu.memref_slice %arg9[%dma_wait3A_124, %dma_wait3A_126, %dma_wait3A_127] : memref<10x128x64xbf16, #tpu.memory_space<vmem>> -> memref<1x128x64xbf16, #tpu.memory_space<vmem>>
    %dma_wait3A_129 = tpu.memref_squeeze %dma_wait3A_128 : memref<1x128x64xbf16, #tpu.memory_space<vmem>> -> memref<128x64xbf16, #tpu.memory_space<vmem>>
    %dma_wait3A_130 = arith.constant 0 : i32
    %dma_wait3A_131 = tpu.memref_slice %arg8[%dma_wait3A_125, %dma_wait3A_130] : memref<160x128xi32, #tpu.memory_space<vmem>> -> memref<1x128xi32, #tpu.memory_space<vmem>>
    %dma_wait3A_132 = tpu.memref_squeeze %dma_wait3A_131 : memref<1x128xi32, #tpu.memory_space<vmem>> -> memref<128xi32, #tpu.memory_space<vmem>>
    %dma_wait3A_133 = arith.constant 0 : i32
    %dma_wait3A_134 = arith.constant 0 : i32
    %dma_wait3A_135 = tpu.memref_slice %arg30[%dma_wait3A_133, %dma_wait3A_134] : memref<10112x64xbf16, #tpu.memory_space<vmem_shared>> -> memref<10112x64xbf16, #tpu.memory_space<vmem_shared>>
    tpu.wait_indirect_dma semaphore(%arg21 : memref<!tpu.dma_semaphore, #tpu.memory_space<semaphore_mem>>) src(%dma_wait3A_129 : memref<128x64xbf16, #tpu.memory_space<vmem>>) dst(%dma_wait3A_135 : memref<10112x64xbf16, #tpu.memory_space<vmem_shared>>)
    %dma_wait3A_136 = arith.constant 2 : i32
    %dma_wait3A_137 = arith.constant 152 : i32
    %dma_wait3A_138 = arith.constant 0 : i32
    %dma_wait3A_139 = arith.constant 0 : i32
    %dma_wait3A_140 = tpu.memref_slice %arg9[%dma_wait3A_136, %dma_wait3A_138, %dma_wait3A_139] : memref<10x128x64xbf16, #tpu.memory_space<vmem>> -> memref<1x128x64xbf16, #tpu.memory_space<vmem>>
    %dma_wait3A_141 = tpu.memref_squeeze %dma_wait3A_140 : memref<1x128x64xbf16, #tpu.memory_space<vmem>> -> memref<128x64xbf16, #tpu.memory_space<vmem>>
    %dma_wait3A_142 = arith.constant 0 : i32
    %dma_wait3A_143 = tpu.memref_slice %arg8[%dma_wait3A_137, %dma_wait3A_142] : memref<160x128xi32, #tpu.memory_space<vmem>> -> memref<1x128xi32, #tpu.memory_space<vmem>>
    %dma_wait3A_144 = tpu.memref_squeeze %dma_wait3A_143 : memref<1x128xi32, #tpu.memory_space<vmem>> -> memref<128xi32, #tpu.memory_space<vmem>>
    %dma_wait3A_145 = arith.constant 0 : i32
    %dma_wait3A_146 = arith.constant 0 : i32
    %dma_wait3A_147 = tpu.memref_slice %arg30[%dma_wait3A_145, %dma_wait3A_146] : memref<10112x64xbf16, #tpu.memory_space<vmem_shared>> -> memref<10112x64xbf16, #tpu.memory_space<vmem_shared>>
    tpu.wait_indirect_dma semaphore(%arg22 : memref<!tpu.dma_semaphore, #tpu.memory_space<semaphore_mem>>) src(%dma_wait3A_141 : memref<128x64xbf16, #tpu.memory_space<vmem>>) dst(%dma_wait3A_147 : memref<10112x64xbf16, #tpu.memory_space<vmem_shared>>)
    %dma_wait3A_148 = arith.constant 3 : i32
    %dma_wait3A_149 = arith.constant 153 : i32
    %dma_wait3A_150 = arith.constant 0 : i32
    %dma_wait3A_151 = arith.constant 0 : i32
    %dma_wait3A_152 = tpu.memref_slice %arg9[%dma_wait3A_148, %dma_wait3A_150, %dma_wait3A_151] : memref<10x128x64xbf16, #tpu.memory_space<vmem>> -> memref<1x128x64xbf16, #tpu.memory_space<vmem>>
    %dma_wait3A_153 = tpu.memref_squeeze %dma_wait3A_152 : memref<1x128x64xbf16, #tpu.memory_space<vmem>> -> memref<128x64xbf16, #tpu.memory_space<vmem>>
    %dma_wait3A_154 = arith.constant 0 : i32
    %dma_wait3A_155 = tpu.memref_slice %arg8[%dma_wait3A_149, %dma_wait3A_154] : memref<160x128xi32, #tpu.memory_space<vmem>> -> memref<1x128xi32, #tpu.memory_space<vmem>>
    %dma_wait3A_156 = tpu.memref_squeeze %dma_wait3A_155 : memref<1x128xi32, #tpu.memory_space<vmem>> -> memref<128xi32, #tpu.memory_space<vmem>>
    %dma_wait3A_157 = arith.constant 0 : i32
    %dma_wait3A_158 = arith.constant 0 : i32
    %dma_wait3A_159 = tpu.memref_slice %arg30[%dma_wait3A_157, %dma_wait3A_158] : memref<10112x64xbf16, #tpu.memory_space<vmem_shared>> -> memref<10112x64xbf16, #tpu.memory_space<vmem_shared>>
    tpu.wait_indirect_dma semaphore(%arg23 : memref<!tpu.dma_semaphore, #tpu.memory_space<semaphore_mem>>) src(%dma_wait3A_153 : memref<128x64xbf16, #tpu.memory_space<vmem>>) dst(%dma_wait3A_159 : memref<10112x64xbf16, #tpu.memory_space<vmem_shared>>)
    %dma_wait3A_160 = arith.constant 4 : i32
    %dma_wait3A_161 = arith.constant 154 : i32
    %dma_wait3A_162 = arith.constant 0 : i32
    %dma_wait3A_163 = arith.constant 0 : i32
    %dma_wait3A_164 = tpu.memref_slice %arg9[%dma_wait3A_160, %dma_wait3A_162, %dma_wait3A_163] : memref<10x128x64xbf16, #tpu.memory_space<vmem>> -> memref<1x128x64xbf16, #tpu.memory_space<vmem>>
    %dma_wait3A_165 = tpu.memref_squeeze %dma_wait3A_164 : memref<1x128x64xbf16, #tpu.memory_space<vmem>> -> memref<128x64xbf16, #tpu.memory_space<vmem>>
    %dma_wait3A_166 = arith.constant 0 : i32
    %dma_wait3A_167 = tpu.memref_slice %arg8[%dma_wait3A_161, %dma_wait3A_166] : memref<160x128xi32, #tpu.memory_space<vmem>> -> memref<1x128xi32, #tpu.memory_space<vmem>>
    %dma_wait3A_168 = tpu.memref_squeeze %dma_wait3A_167 : memref<1x128xi32, #tpu.memory_space<vmem>> -> memref<128xi32, #tpu.memory_space<vmem>>
    %dma_wait3A_169 = arith.constant 0 : i32
    %dma_wait3A_170 = arith.constant 0 : i32
    %dma_wait3A_171 = tpu.memref_slice %arg30[%dma_wait3A_169, %dma_wait3A_170] : memref<10112x64xbf16, #tpu.memory_space<vmem_shared>> -> memref<10112x64xbf16, #tpu.memory_space<vmem_shared>>
    tpu.wait_indirect_dma semaphore(%arg24 : memref<!tpu.dma_semaphore, #tpu.memory_space<semaphore_mem>>) src(%dma_wait3A_165 : memref<128x64xbf16, #tpu.memory_space<vmem>>) dst(%dma_wait3A_171 : memref<10112x64xbf16, #tpu.memory_space<vmem_shared>>)
    %dma_wait3A_172 = arith.constant 5 : i32
    %dma_wait3A_173 = arith.constant 155 : i32
    %dma_wait3A_174 = arith.constant 0 : i32
    %dma_wait3A_175 = arith.constant 0 : i32
    %dma_wait3A_176 = tpu.memref_slice %arg9[%dma_wait3A_172, %dma_wait3A_174, %dma_wait3A_175] : memref<10x128x64xbf16, #tpu.memory_space<vmem>> -> memref<1x128x64xbf16, #tpu.memory_space<vmem>>
    %dma_wait3A_177 = tpu.memref_squeeze %dma_wait3A_176 : memref<1x128x64xbf16, #tpu.memory_space<vmem>> -> memref<128x64xbf16, #tpu.memory_space<vmem>>
    %dma_wait3A_178 = arith.constant 0 : i32
    %dma_wait3A_179 = tpu.memref_slice %arg8[%dma_wait3A_173, %dma_wait3A_178] : memref<160x128xi32, #tpu.memory_space<vmem>> -> memref<1x128xi32, #tpu.memory_space<vmem>>
    %dma_wait3A_180 = tpu.memref_squeeze %dma_wait3A_179 : memref<1x128xi32, #tpu.memory_space<vmem>> -> memref<128xi32, #tpu.memory_space<vmem>>
    %dma_wait3A_181 = arith.constant 0 : i32
    %dma_wait3A_182 = arith.constant 0 : i32
    %dma_wait3A_183 = tpu.memref_slice %arg30[%dma_wait3A_181, %dma_wait3A_182] : memref<10112x64xbf16, #tpu.memory_space<vmem_shared>> -> memref<10112x64xbf16, #tpu.memory_space<vmem_shared>>
    tpu.wait_indirect_dma semaphore(%arg25 : memref<!tpu.dma_semaphore, #tpu.memory_space<semaphore_mem>>) src(%dma_wait3A_177 : memref<128x64xbf16, #tpu.memory_space<vmem>>) dst(%dma_wait3A_183 : memref<10112x64xbf16, #tpu.memory_space<vmem_shared>>)
    %dma_wait3A_184 = arith.constant 6 : i32
    %dma_wait3A_185 = arith.constant 156 : i32
    %dma_wait3A_186 = arith.constant 0 : i32
    %dma_wait3A_187 = arith.constant 0 : i32
    %dma_wait3A_188 = tpu.memref_slice %arg9[%dma_wait3A_184, %dma_wait3A_186, %dma_wait3A_187] : memref<10x128x64xbf16, #tpu.memory_space<vmem>> -> memref<1x128x64xbf16, #tpu.memory_space<vmem>>
    %dma_wait3A_189 = tpu.memref_squeeze %dma_wait3A_188 : memref<1x128x64xbf16, #tpu.memory_space<vmem>> -> memref<128x64xbf16, #tpu.memory_space<vmem>>
    %dma_wait3A_190 = arith.constant 0 : i32
    %dma_wait3A_191 = tpu.memref_slice %arg8[%dma_wait3A_185, %dma_wait3A_190] : memref<160x128xi32, #tpu.memory_space<vmem>> -> memref<1x128xi32, #tpu.memory_space<vmem>>
    %dma_wait3A_192 = tpu.memref_squeeze %dma_wait3A_191 : memref<1x128xi32, #tpu.memory_space<vmem>> -> memref<128xi32, #tpu.memory_space<vmem>>
    %dma_wait3A_193 = arith.constant 0 : i32
    %dma_wait3A_194 = arith.constant 0 : i32
    %dma_wait3A_195 = tpu.memref_slice %arg30[%dma_wait3A_193, %dma_wait3A_194] : memref<10112x64xbf16, #tpu.memory_space<vmem_shared>> -> memref<10112x64xbf16, #tpu.memory_space<vmem_shared>>
    tpu.wait_indirect_dma semaphore(%arg26 : memref<!tpu.dma_semaphore, #tpu.memory_space<semaphore_mem>>) src(%dma_wait3A_189 : memref<128x64xbf16, #tpu.memory_space<vmem>>) dst(%dma_wait3A_195 : memref<10112x64xbf16, #tpu.memory_space<vmem_shared>>)
    %dma_wait3A_196 = arith.constant 7 : i32
    %dma_wait3A_197 = arith.constant 157 : i32
    %dma_wait3A_198 = arith.constant 0 : i32
    %dma_wait3A_199 = arith.constant 0 : i32
    %dma_wait3A_200 = tpu.memref_slice %arg9[%dma_wait3A_196, %dma_wait3A_198, %dma_wait3A_199] : memref<10x128x64xbf16, #tpu.memory_space<vmem>> -> memref<1x128x64xbf16, #tpu.memory_space<vmem>>
    %dma_wait3A_201 = tpu.memref_squeeze %dma_wait3A_200 : memref<1x128x64xbf16, #tpu.memory_space<vmem>> -> memref<128x64xbf16, #tpu.memory_space<vmem>>
    %dma_wait3A_202 = arith.constant 0 : i32
    %dma_wait3A_203 = tpu.memref_slice %arg8[%dma_wait3A_197, %dma_wait3A_202] : memref<160x128xi32, #tpu.memory_space<vmem>> -> memref<1x128xi32, #tpu.memory_space<vmem>>
    %dma_wait3A_204 = tpu.memref_squeeze %dma_wait3A_203 : memref<1x128xi32, #tpu.memory_space<vmem>> -> memref<128xi32, #tpu.memory_space<vmem>>
    %dma_wait3A_205 = arith.constant 0 : i32
    %dma_wait3A_206 = arith.constant 0 : i32
    %dma_wait3A_207 = tpu.memref_slice %arg30[%dma_wait3A_205, %dma_wait3A_206] : memref<10112x64xbf16, #tpu.memory_space<vmem_shared>> -> memref<10112x64xbf16, #tpu.memory_space<vmem_shared>>
    tpu.wait_indirect_dma semaphore(%arg27 : memref<!tpu.dma_semaphore, #tpu.memory_space<semaphore_mem>>) src(%dma_wait3A_201 : memref<128x64xbf16, #tpu.memory_space<vmem>>) dst(%dma_wait3A_207 : memref<10112x64xbf16, #tpu.memory_space<vmem_shared>>)
    %dma_wait3A_208 = arith.constant 8 : i32
    %dma_wait3A_209 = arith.constant 158 : i32
    %dma_wait3A_210 = arith.constant 0 : i32
    %dma_wait3A_211 = arith.constant 0 : i32
    %dma_wait3A_212 = tpu.memref_slice %arg9[%dma_wait3A_208, %dma_wait3A_210, %dma_wait3A_211] : memref<10x128x64xbf16, #tpu.memory_space<vmem>> -> memref<1x128x64xbf16, #tpu.memory_space<vmem>>
    %dma_wait3A_213 = tpu.memref_squeeze %dma_wait3A_212 : memref<1x128x64xbf16, #tpu.memory_space<vmem>> -> memref<128x64xbf16, #tpu.memory_space<vmem>>
    %dma_wait3A_214 = arith.constant 0 : i32
    %dma_wait3A_215 = tpu.memref_slice %arg8[%dma_wait3A_209, %dma_wait3A_214] : memref<160x128xi32, #tpu.memory_space<vmem>> -> memref<1x128xi32, #tpu.memory_space<vmem>>
    %dma_wait3A_216 = tpu.memref_squeeze %dma_wait3A_215 : memref<1x128xi32, #tpu.memory_space<vmem>> -> memref<128xi32, #tpu.memory_space<vmem>>
    %dma_wait3A_217 = arith.constant 0 : i32
    %dma_wait3A_218 = arith.constant 0 : i32
    %dma_wait3A_219 = tpu.memref_slice %arg30[%dma_wait3A_217, %dma_wait3A_218] : memref<10112x64xbf16, #tpu.memory_space<vmem_shared>> -> memref<10112x64xbf16, #tpu.memory_space<vmem_shared>>
    tpu.wait_indirect_dma semaphore(%arg28 : memref<!tpu.dma_semaphore, #tpu.memory_space<semaphore_mem>>) src(%dma_wait3A_213 : memref<128x64xbf16, #tpu.memory_space<vmem>>) dst(%dma_wait3A_219 : memref<10112x64xbf16, #tpu.memory_space<vmem_shared>>)
    %dma_wait3A_220 = arith.constant 9 : i32
    %dma_wait3A_221 = arith.constant 159 : i32
    %dma_wait3A_222 = arith.constant 0 : i32
    %dma_wait3A_223 = arith.constant 0 : i32
    %dma_wait3A_224 = tpu.memref_slice %arg9[%dma_wait3A_220, %dma_wait3A_222, %dma_wait3A_223] : memref<10x128x64xbf16, #tpu.memory_space<vmem>> -> memref<1x128x64xbf16, #tpu.memory_space<vmem>>
    %dma_wait3A_225 = tpu.memref_squeeze %dma_wait3A_224 : memref<1x128x64xbf16, #tpu.memory_space<vmem>> -> memref<128x64xbf16, #tpu.memory_space<vmem>>
    %dma_wait3A_226 = arith.constant 0 : i32
    %dma_wait3A_227 = tpu.memref_slice %arg8[%dma_wait3A_221, %dma_wait3A_226] : memref<160x128xi32, #tpu.memory_space<vmem>> -> memref<1x128xi32, #tpu.memory_space<vmem>>
    %dma_wait3A_228 = tpu.memref_squeeze %dma_wait3A_227 : memref<1x128xi32, #tpu.memory_space<vmem>> -> memref<128xi32, #tpu.memory_space<vmem>>
    %dma_wait3A_229 = arith.constant 0 : i32
    %dma_wait3A_230 = arith.constant 0 : i32
    %dma_wait3A_231 = tpu.memref_slice %arg30[%dma_wait3A_229, %dma_wait3A_230] : memref<10112x64xbf16, #tpu.memory_space<vmem_shared>> -> memref<10112x64xbf16, #tpu.memory_space<vmem_shared>>
    tpu.wait_indirect_dma semaphore(%arg29 : memref<!tpu.dma_semaphore, #tpu.memory_space<semaphore_mem>>) src(%dma_wait3A_225 : memref<128x64xbf16, #tpu.memory_space<vmem>>) dst(%dma_wait3A_231 : memref<10112x64xbf16, #tpu.memory_space<vmem_shared>>)
    %barrier3A_232 = arith.constant 0 : index
    tpu.barrier barrier_id(%barrier3A_232)
    "tpu.region"() ({
      %run_scoped3A = tpu.sem_alloc : memref<!tpu.dma_semaphore, #tpu.memory_space<semaphore_mem>>
      %dma_start3A_233 = arith.constant 0 : i32
      %dma_start3A_234 = arith.constant 0 : i32
      %dma_start3A_235 = tpu.memref_slice %arg6[%arg0, %dma_start3A_233, %dma_start3A_234] : memref<2x10112x64xbf16, #tpu.memory_space<hbm>> -> memref<1x10112x64xbf16, #tpu.memory_space<hbm>>
      %dma_start3A_236 = tpu.memref_squeeze %dma_start3A_235 : memref<1x10112x64xbf16, #tpu.memory_space<hbm>> -> memref<10112x64xbf16, #tpu.memory_space<hbm>>
      %dma_start3A_237 = arith.constant 0 : i32
      %dma_start3A_238 = tpu.memref_slice %dma_start3A_236[%mul3A_0, %dma_start3A_237] : memref<10112x64xbf16, #tpu.memory_space<hbm>> -> memref<632x64xbf16, #tpu.memory_space<hbm>>
      %dma_start3A_239 = arith.constant 0 : i32
      %dma_start3A_240 = tpu.memref_slice %arg30[%mul3A_0, %dma_start3A_239] : memref<10112x64xbf16, #tpu.memory_space<vmem_shared>> -> memref<632x64xbf16, #tpu.memory_space<vmem_shared>>
      tpu.enqueue_dma source(%dma_start3A_240 : memref<632x64xbf16, #tpu.memory_space<vmem_shared>>) target(%dma_start3A_238 : memref<632x64xbf16, #tpu.memory_space<hbm>>) target_semaphore(%run_scoped3A : memref<!tpu.dma_semaphore, #tpu.memory_space<semaphore_mem>>)
      %dma_wait3A_241 = arith.constant 0 : i32
      %dma_wait3A_242 = arith.constant 0 : i32
      %dma_wait3A_243 = tpu.memref_slice %arg6[%arg0, %dma_wait3A_241, %dma_wait3A_242] : memref<2x10112x64xbf16, #tpu.memory_space<hbm>> -> memref<1x10112x64xbf16, #tpu.memory_space<hbm>>
      %dma_wait3A_244 = tpu.memref_squeeze %dma_wait3A_243 : memref<1x10112x64xbf16, #tpu.memory_space<hbm>> -> memref<10112x64xbf16, #tpu.memory_space<hbm>>
      %dma_wait3A_245 = arith.constant 0 : i32
      %dma_wait3A_246 = tpu.memref_slice %dma_wait3A_244[%mul3A_0, %dma_wait3A_245] : memref<10112x64xbf16, #tpu.memory_space<hbm>> -> memref<632x64xbf16, #tpu.memory_space<hbm>>
      %dma_wait3A_247 = arith.constant 0 : i32
      %dma_wait3A_248 = tpu.memref_slice %arg30[%mul3A_0, %dma_wait3A_247] : memref<10112x64xbf16, #tpu.memory_space<vmem_shared>> -> memref<632x64xbf16, #tpu.memory_space<vmem_shared>>
      tpu.wait_dma2 semaphore(%run_scoped3A : memref<!tpu.dma_semaphore, #tpu.memory_space<semaphore_mem>>) src(%dma_wait3A_248 : memref<632x64xbf16, #tpu.memory_space<vmem_shared>>) dst(%dma_wait3A_246 : memref<632x64xbf16, #tpu.memory_space<hbm>>)
      tpu.yield
    }) : () -> ()
    return
  }
}

#map = affine_map<(d0, d1) -> (0, 0)>
#map1 = affine_map<(d0, d1) -> (0, 0, 0, 0)>
#map2 = affine_map<(d0, d1) -> (0, 0, 0)>
module attributes {stable_mosaic.version = 14 : i64} {
  func.func @_scat_body(%arg0: i32, %arg1: i32, %arg2: memref<20224x64xbf16, #tpu.memory_space<hbm>>, %arg3: memref<2x16x160x128xi32, #tpu.memory_space<hbm>>, %arg4: memref<16x160x128xi32, #tpu.memory_space<hbm>>, %arg5: memref<10112x64xbf16, #tpu.memory_space<hbm>>, %arg6: memref<2x10112x64xbf16, #tpu.memory_space<hbm>>, %arg7: memref<160x128xi32, #tpu.memory_space<vmem>>, %arg8: memref<160x128xi32, #tpu.memory_space<vmem>>, %arg9: memref<10x128x64xbf16, #tpu.memory_space<vmem>>, %arg10: memref<!tpu.dma_semaphore, #tpu.memory_space<semaphore_mem>>, %arg11: memref<!tpu.dma_semaphore, #tpu.memory_space<semaphore_mem>>, %arg12: memref<!tpu.dma_semaphore, #tpu.memory_space<semaphore_mem>>, %arg13: memref<!tpu.dma_semaphore, #tpu.memory_space<semaphore_mem>>, %arg14: memref<!tpu.dma_semaphore, #tpu.memory_space<semaphore_mem>>, %arg15: memref<!tpu.dma_semaphore, #tpu.memory_space<semaphore_mem>>, %arg16: memref<!tpu.dma_semaphore, #tpu.memory_space<semaphore_mem>>, %arg17: memref<!tpu.dma_semaphore, #tpu.memory_space<semaphore_mem>>, %arg18: memref<!tpu.dma_semaphore, #tpu.memory_space<semaphore_mem>>, %arg19: memref<!tpu.dma_semaphore, #tpu.memory_space<semaphore_mem>>, %arg20: memref<!tpu.dma_semaphore, #tpu.memory_space<semaphore_mem>>, %arg21: memref<!tpu.dma_semaphore, #tpu.memory_space<semaphore_mem>>, %arg22: memref<!tpu.dma_semaphore, #tpu.memory_space<semaphore_mem>>, %arg23: memref<!tpu.dma_semaphore, #tpu.memory_space<semaphore_mem>>, %arg24: memref<!tpu.dma_semaphore, #tpu.memory_space<semaphore_mem>>, %arg25: memref<!tpu.dma_semaphore, #tpu.memory_space<semaphore_mem>>, %arg26: memref<!tpu.dma_semaphore, #tpu.memory_space<semaphore_mem>>, %arg27: memref<!tpu.dma_semaphore, #tpu.memory_space<semaphore_mem>>, %arg28: memref<!tpu.dma_semaphore, #tpu.memory_space<semaphore_mem>>, %arg29: memref<!tpu.dma_semaphore, #tpu.memory_space<semaphore_mem>>, %arg30: memref<10112x64xbf16, #tpu.memory_space<vmem_shared>>) attributes {dimension_semantics = [#tpu.dimension_semantics<core_parallel>, #tpu.dimension_semantics<subcore_parallel>], iteration_bounds = array<i64: 2, 16>, scalar_prefetch = 0 : i64, scratch_operands = 24 : i64, tpu.core_type = #tpu.core_type<sc_vector_subcore>, window_params = [{transform_indices = #map}, {transform_indices = #map1}, {transform_indices = #map2}, {transform_indices = #map}, {transform_indices = #map2}]} {
    %mul3A = arith.constant 632 : i32
    %mul3A_0 = arith.muli %arg1, %mul3A : i32
    "tpu.region"() ({
      %run_scoped3A = tpu.sem_alloc : memref<!tpu.dma_semaphore, #tpu.memory_space<semaphore_mem>>
      %dma_start3A_233 = arith.constant 0 : i32
      %dma_start3A_234 = tpu.memref_slice %arg30[%mul3A_0, %dma_start3A_233] : memref<10112x64xbf16, #tpu.memory_space<vmem_shared>> -> memref<632x64xbf16, #tpu.memory_space<vmem_shared>>
      %dma_start3A_235 = arith.constant 0 : i32
      %dma_start3A_236 = tpu.memref_slice %arg5[%mul3A_0, %dma_start3A_235] : memref<10112x64xbf16, #tpu.memory_space<hbm>> -> memref<632x64xbf16, #tpu.memory_space<hbm>>
      tpu.enqueue_dma source(%dma_start3A_236 : memref<632x64xbf16, #tpu.memory_space<hbm>>) target(%dma_start3A_234 : memref<632x64xbf16, #tpu.memory_space<vmem_shared>>) target_semaphore(%run_scoped3A : memref<!tpu.dma_semaphore, #tpu.memory_space<semaphore_mem>>)
      %dma_wait3A_237 = arith.constant 0 : i32
      %dma_wait3A_238 = tpu.memref_slice %arg30[%mul3A_0, %dma_wait3A_237] : memref<10112x64xbf16, #tpu.memory_space<vmem_shared>> -> memref<632x64xbf16, #tpu.memory_space<vmem_shared>>
      %dma_wait3A_239 = arith.constant 0 : i32
      %dma_wait3A_240 = tpu.memref_slice %arg5[%mul3A_0, %dma_wait3A_239] : memref<10112x64xbf16, #tpu.memory_space<hbm>> -> memref<632x64xbf16, #tpu.memory_space<hbm>>
      tpu.wait_dma2 semaphore(%run_scoped3A : memref<!tpu.dma_semaphore, #tpu.memory_space<semaphore_mem>>) src(%dma_wait3A_240 : memref<632x64xbf16, #tpu.memory_space<hbm>>) dst(%dma_wait3A_238 : memref<632x64xbf16, #tpu.memory_space<vmem_shared>>)
      tpu.yield
    }) : () -> ()
    "tpu.region"() ({
      %run_scoped3A = tpu.sem_alloc : memref<!tpu.dma_semaphore, #tpu.memory_space<semaphore_mem>>
      %dma_start3A_233 = arith.constant 0 : i32
      %dma_start3A_234 = arith.constant 0 : i32
      %dma_start3A_235 = tpu.memref_slice %arg3[%arg0, %arg1, %dma_start3A_233, %dma_start3A_234] : memref<2x16x160x128xi32, #tpu.memory_space<hbm>> -> memref<1x1x160x128xi32, #tpu.memory_space<hbm>>
      %dma_start3A_236 = tpu.memref_squeeze %dma_start3A_235 : memref<1x1x160x128xi32, #tpu.memory_space<hbm>> -> memref<160x128xi32, #tpu.memory_space<hbm>>
      %dma_start3A_237 = arith.constant 0 : i32
      %dma_start3A_238 = arith.constant 0 : i32
      %dma_start3A_239 = tpu.memref_slice %arg3[%arg0, %arg1, %dma_start3A_237, %dma_start3A_238] : memref<2x16x160x128xi32, #tpu.memory_space<hbm>> -> memref<1x1x160x128xi32, #tpu.memory_space<hbm>>
      %dma_start3A_240 = tpu.memref_squeeze %dma_start3A_239 : memref<1x1x160x128xi32, #tpu.memory_space<hbm>> -> memref<160x128xi32, #tpu.memory_space<hbm>>
      tpu.enqueue_dma source(%dma_start3A_240 : memref<160x128xi32, #tpu.memory_space<hbm>>) target(%arg7 : memref<160x128xi32, #tpu.memory_space<vmem>>) target_semaphore(%run_scoped3A : memref<!tpu.dma_semaphore, #tpu.memory_space<semaphore_mem>>)
      %dma_wait3A_241 = arith.constant 0 : i32
      %dma_wait3A_242 = arith.constant 0 : i32
      %dma_wait3A_243 = tpu.memref_slice %arg3[%arg0, %arg1, %dma_wait3A_241, %dma_wait3A_242] : memref<2x16x160x128xi32, #tpu.memory_space<hbm>> -> memref<1x1x160x128xi32, #tpu.memory_space<hbm>>
      %dma_wait3A_244 = tpu.memref_squeeze %dma_wait3A_243 : memref<1x1x160x128xi32, #tpu.memory_space<hbm>> -> memref<160x128xi32, #tpu.memory_space<hbm>>
      %dma_wait3A_245 = arith.constant 0 : i32
      %dma_wait3A_246 = arith.constant 0 : i32
      %dma_wait3A_247 = tpu.memref_slice %arg3[%arg0, %arg1, %dma_wait3A_245, %dma_wait3A_246] : memref<2x16x160x128xi32, #tpu.memory_space<hbm>> -> memref<1x1x160x128xi32, #tpu.memory_space<hbm>>
      %dma_wait3A_248 = tpu.memref_squeeze %dma_wait3A_247 : memref<1x1x160x128xi32, #tpu.memory_space<hbm>> -> memref<160x128xi32, #tpu.memory_space<hbm>>
      tpu.wait_dma2 semaphore(%run_scoped3A : memref<!tpu.dma_semaphore, #tpu.memory_space<semaphore_mem>>) src(%dma_wait3A_248 : memref<160x128xi32, #tpu.memory_space<hbm>>) dst(%arg7 : memref<160x128xi32, #tpu.memory_space<vmem>>)
      tpu.yield
    }) : () -> ()
    "tpu.region"() ({
      %run_scoped3A = tpu.sem_alloc : memref<!tpu.dma_semaphore, #tpu.memory_space<semaphore_mem>>
      %dma_start3A_233 = arith.constant 0 : i32
      %dma_start3A_234 = arith.constant 0 : i32
      %dma_start3A_235 = tpu.memref_slice %arg4[%arg1, %dma_start3A_233, %dma_start3A_234] : memref<16x160x128xi32, #tpu.memory_space<hbm>> -> memref<1x160x128xi32, #tpu.memory_space<hbm>>
      %dma_start3A_236 = tpu.memref_squeeze %dma_start3A_235 : memref<1x160x128xi32, #tpu.memory_space<hbm>> -> memref<160x128xi32, #tpu.memory_space<hbm>>
      %dma_start3A_237 = arith.constant 0 : i32
      %dma_start3A_238 = arith.constant 0 : i32
      %dma_start3A_239 = tpu.memref_slice %arg4[%arg1, %dma_start3A_237, %dma_start3A_238] : memref<16x160x128xi32, #tpu.memory_space<hbm>> -> memref<1x160x128xi32, #tpu.memory_space<hbm>>
      %dma_start3A_240 = tpu.memref_squeeze %dma_start3A_239 : memref<1x160x128xi32, #tpu.memory_space<hbm>> -> memref<160x128xi32, #tpu.memory_space<hbm>>
      tpu.enqueue_dma source(%dma_start3A_240 : memref<160x128xi32, #tpu.memory_space<hbm>>) target(%arg8 : memref<160x128xi32, #tpu.memory_space<vmem>>) target_semaphore(%run_scoped3A : memref<!tpu.dma_semaphore, #tpu.memory_space<semaphore_mem>>)
      %dma_wait3A_241 = arith.constant 0 : i32
      %dma_wait3A_242 = arith.constant 0 : i32
      %dma_wait3A_243 = tpu.memref_slice %arg4[%arg1, %dma_wait3A_241, %dma_wait3A_242] : memref<16x160x128xi32, #tpu.memory_space<hbm>> -> memref<1x160x128xi32, #tpu.memory_space<hbm>>
      %dma_wait3A_244 = tpu.memref_squeeze %dma_wait3A_243 : memref<1x160x128xi32, #tpu.memory_space<hbm>> -> memref<160x128xi32, #tpu.memory_space<hbm>>
      %dma_wait3A_245 = arith.constant 0 : i32
      %dma_wait3A_246 = arith.constant 0 : i32
      %dma_wait3A_247 = tpu.memref_slice %arg4[%arg1, %dma_wait3A_245, %dma_wait3A_246] : memref<16x160x128xi32, #tpu.memory_space<hbm>> -> memref<1x160x128xi32, #tpu.memory_space<hbm>>
      %dma_wait3A_248 = tpu.memref_squeeze %dma_wait3A_247 : memref<1x160x128xi32, #tpu.memory_space<hbm>> -> memref<160x128xi32, #tpu.memory_space<hbm>>
      tpu.wait_dma2 semaphore(%run_scoped3A : memref<!tpu.dma_semaphore, #tpu.memory_space<semaphore_mem>>) src(%dma_wait3A_248 : memref<160x128xi32, #tpu.memory_space<hbm>>) dst(%arg8 : memref<160x128xi32, #tpu.memory_space<vmem>>)
      tpu.yield
    }) : () -> ()
    %barrier3A = arith.constant 0 : index
    tpu.barrier barrier_id(%barrier3A)
    %dma_start3A = arith.constant 0 : i32
    %dma_start3A_1 = arith.constant 0 : i32
    %dma_start3A_2 = arith.constant 0 : i32
    %dma_start3A_3 = arith.constant 0 : i32
    %dma_start3A_4 = tpu.memref_slice %arg9[%dma_start3A_1, %dma_start3A_2, %dma_start3A_3] : memref<10x128x64xbf16, #tpu.memory_space<vmem>> -> memref<1x128x64xbf16, #tpu.memory_space<vmem>>
    %dma_start3A_5 = tpu.memref_squeeze %dma_start3A_4 : memref<1x128x64xbf16, #tpu.memory_space<vmem>> -> memref<128x64xbf16, #tpu.memory_space<vmem>>
    %dma_start3A_6 = arith.constant 0 : i32
    %dma_start3A_7 = tpu.memref_slice %arg7[%dma_start3A, %dma_start3A_6] : memref<160x128xi32, #tpu.memory_space<vmem>> -> memref<1x128xi32, #tpu.memory_space<vmem>>
    %dma_start3A_8 = tpu.memref_squeeze %dma_start3A_7 : memref<1x128xi32, #tpu.memory_space<vmem>> -> memref<128xi32, #tpu.memory_space<vmem>>
    %dma_start3A_9 = arith.constant 0 : i32
    %dma_start3A_10 = arith.constant 0 : i32
    %dma_start3A_11 = tpu.memref_slice %arg2[%dma_start3A_9, %dma_start3A_10] : memref<20224x64xbf16, #tpu.memory_space<hbm>> -> memref<20224x64xbf16, #tpu.memory_space<hbm>>
    tpu.enqueue_indirect_dma source(%dma_start3A_11 : memref<20224x64xbf16, #tpu.memory_space<hbm>>) target(%dma_start3A_5 : memref<128x64xbf16, #tpu.memory_space<vmem>>) offsets(%dma_start3A_8 : memref<128xi32, #tpu.memory_space<vmem>>) semaphore(%arg10 : memref<!tpu.dma_semaphore, #tpu.memory_space<semaphore_mem>>)
    %dma_start3A_12 = arith.constant 1 : i32
    %dma_start3A_13 = arith.constant 1 : i32
    %dma_start3A_14 = arith.constant 0 : i32
    %dma_start3A_15 = arith.constant 0 : i32
    %dma_start3A_16 = tpu.memref_slice %arg9[%dma_start3A_13, %dma_start3A_14, %dma_start3A_15] : memref<10x128x64xbf16, #tpu.memory_space<vmem>> -> memref<1x128x64xbf16, #tpu.memory_space<vmem>>
    %dma_start3A_17 = tpu.memref_squeeze %dma_start3A_16 : memref<1x128x64xbf16, #tpu.memory_space<vmem>> -> memref<128x64xbf16, #tpu.memory_space<vmem>>
    %dma_start3A_18 = arith.constant 0 : i32
    %dma_start3A_19 = tpu.memref_slice %arg7[%dma_start3A_12, %dma_start3A_18] : memref<160x128xi32, #tpu.memory_space<vmem>> -> memref<1x128xi32, #tpu.memory_space<vmem>>
    %dma_start3A_20 = tpu.memref_squeeze %dma_start3A_19 : memref<1x128xi32, #tpu.memory_space<vmem>> -> memref<128xi32, #tpu.memory_space<vmem>>
    %dma_start3A_21 = arith.constant 0 : i32
    %dma_start3A_22 = arith.constant 0 : i32
    %dma_start3A_23 = tpu.memref_slice %arg2[%dma_start3A_21, %dma_start3A_22] : memref<20224x64xbf16, #tpu.memory_space<hbm>> -> memref<20224x64xbf16, #tpu.memory_space<hbm>>
    tpu.enqueue_indirect_dma source(%dma_start3A_23 : memref<20224x64xbf16, #tpu.memory_space<hbm>>) target(%dma_start3A_17 : memref<128x64xbf16, #tpu.memory_space<vmem>>) offsets(%dma_start3A_20 : memref<128xi32, #tpu.memory_space<vmem>>) semaphore(%arg11 : memref<!tpu.dma_semaphore, #tpu.memory_space<semaphore_mem>>)
    %dma_start3A_24 = arith.constant 2 : i32
    %dma_start3A_25 = arith.constant 2 : i32
    %dma_start3A_26 = arith.constant 0 : i32
    %dma_start3A_27 = arith.constant 0 : i32
    %dma_start3A_28 = tpu.memref_slice %arg9[%dma_start3A_25, %dma_start3A_26, %dma_start3A_27] : memref<10x128x64xbf16, #tpu.memory_space<vmem>> -> memref<1x128x64xbf16, #tpu.memory_space<vmem>>
    %dma_start3A_29 = tpu.memref_squeeze %dma_start3A_28 : memref<1x128x64xbf16, #tpu.memory_space<vmem>> -> memref<128x64xbf16, #tpu.memory_space<vmem>>
    %dma_start3A_30 = arith.constant 0 : i32
    %dma_start3A_31 = tpu.memref_slice %arg7[%dma_start3A_24, %dma_start3A_30] : memref<160x128xi32, #tpu.memory_space<vmem>> -> memref<1x128xi32, #tpu.memory_space<vmem>>
    %dma_start3A_32 = tpu.memref_squeeze %dma_start3A_31 : memref<1x128xi32, #tpu.memory_space<vmem>> -> memref<128xi32, #tpu.memory_space<vmem>>
    %dma_start3A_33 = arith.constant 0 : i32
    %dma_start3A_34 = arith.constant 0 : i32
    %dma_start3A_35 = tpu.memref_slice %arg2[%dma_start3A_33, %dma_start3A_34] : memref<20224x64xbf16, #tpu.memory_space<hbm>> -> memref<20224x64xbf16, #tpu.memory_space<hbm>>
    tpu.enqueue_indirect_dma source(%dma_start3A_35 : memref<20224x64xbf16, #tpu.memory_space<hbm>>) target(%dma_start3A_29 : memref<128x64xbf16, #tpu.memory_space<vmem>>) offsets(%dma_start3A_32 : memref<128xi32, #tpu.memory_space<vmem>>) semaphore(%arg12 : memref<!tpu.dma_semaphore, #tpu.memory_space<semaphore_mem>>)
    %dma_start3A_36 = arith.constant 3 : i32
    %dma_start3A_37 = arith.constant 3 : i32
    %dma_start3A_38 = arith.constant 0 : i32
    %dma_start3A_39 = arith.constant 0 : i32
    %dma_start3A_40 = tpu.memref_slice %arg9[%dma_start3A_37, %dma_start3A_38, %dma_start3A_39] : memref<10x128x64xbf16, #tpu.memory_space<vmem>> -> memref<1x128x64xbf16, #tpu.memory_space<vmem>>
    %dma_start3A_41 = tpu.memref_squeeze %dma_start3A_40 : memref<1x128x64xbf16, #tpu.memory_space<vmem>> -> memref<128x64xbf16, #tpu.memory_space<vmem>>
    %dma_start3A_42 = arith.constant 0 : i32
    %dma_start3A_43 = tpu.memref_slice %arg7[%dma_start3A_36, %dma_start3A_42] : memref<160x128xi32, #tpu.memory_space<vmem>> -> memref<1x128xi32, #tpu.memory_space<vmem>>
    %dma_start3A_44 = tpu.memref_squeeze %dma_start3A_43 : memref<1x128xi32, #tpu.memory_space<vmem>> -> memref<128xi32, #tpu.memory_space<vmem>>
    %dma_start3A_45 = arith.constant 0 : i32
    %dma_start3A_46 = arith.constant 0 : i32
    %dma_start3A_47 = tpu.memref_slice %arg2[%dma_start3A_45, %dma_start3A_46] : memref<20224x64xbf16, #tpu.memory_space<hbm>> -> memref<20224x64xbf16, #tpu.memory_space<hbm>>
    tpu.enqueue_indirect_dma source(%dma_start3A_47 : memref<20224x64xbf16, #tpu.memory_space<hbm>>) target(%dma_start3A_41 : memref<128x64xbf16, #tpu.memory_space<vmem>>) offsets(%dma_start3A_44 : memref<128xi32, #tpu.memory_space<vmem>>) semaphore(%arg13 : memref<!tpu.dma_semaphore, #tpu.memory_space<semaphore_mem>>)
    %dma_start3A_48 = arith.constant 4 : i32
    %dma_start3A_49 = arith.constant 4 : i32
    %dma_start3A_50 = arith.constant 0 : i32
    %dma_start3A_51 = arith.constant 0 : i32
    %dma_start3A_52 = tpu.memref_slice %arg9[%dma_start3A_49, %dma_start3A_50, %dma_start3A_51] : memref<10x128x64xbf16, #tpu.memory_space<vmem>> -> memref<1x128x64xbf16, #tpu.memory_space<vmem>>
    %dma_start3A_53 = tpu.memref_squeeze %dma_start3A_52 : memref<1x128x64xbf16, #tpu.memory_space<vmem>> -> memref<128x64xbf16, #tpu.memory_space<vmem>>
    %dma_start3A_54 = arith.constant 0 : i32
    %dma_start3A_55 = tpu.memref_slice %arg7[%dma_start3A_48, %dma_start3A_54] : memref<160x128xi32, #tpu.memory_space<vmem>> -> memref<1x128xi32, #tpu.memory_space<vmem>>
    %dma_start3A_56 = tpu.memref_squeeze %dma_start3A_55 : memref<1x128xi32, #tpu.memory_space<vmem>> -> memref<128xi32, #tpu.memory_space<vmem>>
    %dma_start3A_57 = arith.constant 0 : i32
    %dma_start3A_58 = arith.constant 0 : i32
    %dma_start3A_59 = tpu.memref_slice %arg2[%dma_start3A_57, %dma_start3A_58] : memref<20224x64xbf16, #tpu.memory_space<hbm>> -> memref<20224x64xbf16, #tpu.memory_space<hbm>>
    tpu.enqueue_indirect_dma source(%dma_start3A_59 : memref<20224x64xbf16, #tpu.memory_space<hbm>>) target(%dma_start3A_53 : memref<128x64xbf16, #tpu.memory_space<vmem>>) offsets(%dma_start3A_56 : memref<128xi32, #tpu.memory_space<vmem>>) semaphore(%arg14 : memref<!tpu.dma_semaphore, #tpu.memory_space<semaphore_mem>>)
    %dma_start3A_60 = arith.constant 5 : i32
    %dma_start3A_61 = arith.constant 5 : i32
    %dma_start3A_62 = arith.constant 0 : i32
    %dma_start3A_63 = arith.constant 0 : i32
    %dma_start3A_64 = tpu.memref_slice %arg9[%dma_start3A_61, %dma_start3A_62, %dma_start3A_63] : memref<10x128x64xbf16, #tpu.memory_space<vmem>> -> memref<1x128x64xbf16, #tpu.memory_space<vmem>>
    %dma_start3A_65 = tpu.memref_squeeze %dma_start3A_64 : memref<1x128x64xbf16, #tpu.memory_space<vmem>> -> memref<128x64xbf16, #tpu.memory_space<vmem>>
    %dma_start3A_66 = arith.constant 0 : i32
    %dma_start3A_67 = tpu.memref_slice %arg7[%dma_start3A_60, %dma_start3A_66] : memref<160x128xi32, #tpu.memory_space<vmem>> -> memref<1x128xi32, #tpu.memory_space<vmem>>
    %dma_start3A_68 = tpu.memref_squeeze %dma_start3A_67 : memref<1x128xi32, #tpu.memory_space<vmem>> -> memref<128xi32, #tpu.memory_space<vmem>>
    %dma_start3A_69 = arith.constant 0 : i32
    %dma_start3A_70 = arith.constant 0 : i32
    %dma_start3A_71 = tpu.memref_slice %arg2[%dma_start3A_69, %dma_start3A_70] : memref<20224x64xbf16, #tpu.memory_space<hbm>> -> memref<20224x64xbf16, #tpu.memory_space<hbm>>
    tpu.enqueue_indirect_dma source(%dma_start3A_71 : memref<20224x64xbf16, #tpu.memory_space<hbm>>) target(%dma_start3A_65 : memref<128x64xbf16, #tpu.memory_space<vmem>>) offsets(%dma_start3A_68 : memref<128xi32, #tpu.memory_space<vmem>>) semaphore(%arg15 : memref<!tpu.dma_semaphore, #tpu.memory_space<semaphore_mem>>)
    %dma_start3A_72 = arith.constant 6 : i32
    %dma_start3A_73 = arith.constant 6 : i32
    %dma_start3A_74 = arith.constant 0 : i32
    %dma_start3A_75 = arith.constant 0 : i32
    %dma_start3A_76 = tpu.memref_slice %arg9[%dma_start3A_73, %dma_start3A_74, %dma_start3A_75] : memref<10x128x64xbf16, #tpu.memory_space<vmem>> -> memref<1x128x64xbf16, #tpu.memory_space<vmem>>
    %dma_start3A_77 = tpu.memref_squeeze %dma_start3A_76 : memref<1x128x64xbf16, #tpu.memory_space<vmem>> -> memref<128x64xbf16, #tpu.memory_space<vmem>>
    %dma_start3A_78 = arith.constant 0 : i32
    %dma_start3A_79 = tpu.memref_slice %arg7[%dma_start3A_72, %dma_start3A_78] : memref<160x128xi32, #tpu.memory_space<vmem>> -> memref<1x128xi32, #tpu.memory_space<vmem>>
    %dma_start3A_80 = tpu.memref_squeeze %dma_start3A_79 : memref<1x128xi32, #tpu.memory_space<vmem>> -> memref<128xi32, #tpu.memory_space<vmem>>
    %dma_start3A_81 = arith.constant 0 : i32
    %dma_start3A_82 = arith.constant 0 : i32
    %dma_start3A_83 = tpu.memref_slice %arg2[%dma_start3A_81, %dma_start3A_82] : memref<20224x64xbf16, #tpu.memory_space<hbm>> -> memref<20224x64xbf16, #tpu.memory_space<hbm>>
    tpu.enqueue_indirect_dma source(%dma_start3A_83 : memref<20224x64xbf16, #tpu.memory_space<hbm>>) target(%dma_start3A_77 : memref<128x64xbf16, #tpu.memory_space<vmem>>) offsets(%dma_start3A_80 : memref<128xi32, #tpu.memory_space<vmem>>) semaphore(%arg16 : memref<!tpu.dma_semaphore, #tpu.memory_space<semaphore_mem>>)
    %dma_start3A_84 = arith.constant 7 : i32
    %dma_start3A_85 = arith.constant 7 : i32
    %dma_start3A_86 = arith.constant 0 : i32
    %dma_start3A_87 = arith.constant 0 : i32
    %dma_start3A_88 = tpu.memref_slice %arg9[%dma_start3A_85, %dma_start3A_86, %dma_start3A_87] : memref<10x128x64xbf16, #tpu.memory_space<vmem>> -> memref<1x128x64xbf16, #tpu.memory_space<vmem>>
    %dma_start3A_89 = tpu.memref_squeeze %dma_start3A_88 : memref<1x128x64xbf16, #tpu.memory_space<vmem>> -> memref<128x64xbf16, #tpu.memory_space<vmem>>
    %dma_start3A_90 = arith.constant 0 : i32
    %dma_start3A_91 = tpu.memref_slice %arg7[%dma_start3A_84, %dma_start3A_90] : memref<160x128xi32, #tpu.memory_space<vmem>> -> memref<1x128xi32, #tpu.memory_space<vmem>>
    %dma_start3A_92 = tpu.memref_squeeze %dma_start3A_91 : memref<1x128xi32, #tpu.memory_space<vmem>> -> memref<128xi32, #tpu.memory_space<vmem>>
    %dma_start3A_93 = arith.constant 0 : i32
    %dma_start3A_94 = arith.constant 0 : i32
    %dma_start3A_95 = tpu.memref_slice %arg2[%dma_start3A_93, %dma_start3A_94] : memref<20224x64xbf16, #tpu.memory_space<hbm>> -> memref<20224x64xbf16, #tpu.memory_space<hbm>>
    tpu.enqueue_indirect_dma source(%dma_start3A_95 : memref<20224x64xbf16, #tpu.memory_space<hbm>>) target(%dma_start3A_89 : memref<128x64xbf16, #tpu.memory_space<vmem>>) offsets(%dma_start3A_92 : memref<128xi32, #tpu.memory_space<vmem>>) semaphore(%arg17 : memref<!tpu.dma_semaphore, #tpu.memory_space<semaphore_mem>>)
    %dma_start3A_96 = arith.constant 8 : i32
    %dma_start3A_97 = arith.constant 8 : i32
    %dma_start3A_98 = arith.constant 0 : i32
    %dma_start3A_99 = arith.constant 0 : i32
    %dma_start3A_100 = tpu.memref_slice %arg9[%dma_start3A_97, %dma_start3A_98, %dma_start3A_99] : memref<10x128x64xbf16, #tpu.memory_space<vmem>> -> memref<1x128x64xbf16, #tpu.memory_space<vmem>>
    %dma_start3A_101 = tpu.memref_squeeze %dma_start3A_100 : memref<1x128x64xbf16, #tpu.memory_space<vmem>> -> memref<128x64xbf16, #tpu.memory_space<vmem>>
    %dma_start3A_102 = arith.constant 0 : i32
    %dma_start3A_103 = tpu.memref_slice %arg7[%dma_start3A_96, %dma_start3A_102] : memref<160x128xi32, #tpu.memory_space<vmem>> -> memref<1x128xi32, #tpu.memory_space<vmem>>
    %dma_start3A_104 = tpu.memref_squeeze %dma_start3A_103 : memref<1x128xi32, #tpu.memory_space<vmem>> -> memref<128xi32, #tpu.memory_space<vmem>>
    %dma_start3A_105 = arith.constant 0 : i32
    %dma_start3A_106 = arith.constant 0 : i32
    %dma_start3A_107 = tpu.memref_slice %arg2[%dma_start3A_105, %dma_start3A_106] : memref<20224x64xbf16, #tpu.memory_space<hbm>> -> memref<20224x64xbf16, #tpu.memory_space<hbm>>
    tpu.enqueue_indirect_dma source(%dma_start3A_107 : memref<20224x64xbf16, #tpu.memory_space<hbm>>) target(%dma_start3A_101 : memref<128x64xbf16, #tpu.memory_space<vmem>>) offsets(%dma_start3A_104 : memref<128xi32, #tpu.memory_space<vmem>>) semaphore(%arg18 : memref<!tpu.dma_semaphore, #tpu.memory_space<semaphore_mem>>)
    %scan3A = arith.constant 0 : i32
    %scan3A_108 = arith.constant 0 : i32
    %scan3A_109 = arith.constant 16 : i32
    %scan3A_110 = arith.addi %scan3A_108, %scan3A_109 : i32
    %scan3A_111 = arith.constant 1 : i32
    scf.for %scan3A_233 = %scan3A_108 to %scan3A_110 step %scan3A_111  : i32 {
      %mul3A_234 = arith.constant 10 : i32
      %mul3A_235 = arith.muli %scan3A_233, %mul3A_234 : i32
      %add3A = arith.constant 0 : i32
      %add3A_236 = arith.addi %mul3A_235, %add3A : i32
      %dma_wait3A_237 = arith.constant 0 : i32
      %dma_wait3A_238 = arith.constant 0 : i32
      %dma_wait3A_239 = arith.constant 0 : i32
      %dma_wait3A_240 = tpu.memref_slice %arg9[%dma_wait3A_237, %dma_wait3A_238, %dma_wait3A_239] : memref<10x128x64xbf16, #tpu.memory_space<vmem>> -> memref<1x128x64xbf16, #tpu.memory_space<vmem>>
      %dma_wait3A_241 = tpu.memref_squeeze %dma_wait3A_240 : memref<1x128x64xbf16, #tpu.memory_space<vmem>> -> memref<128x64xbf16, #tpu.memory_space<vmem>>
      %dma_wait3A_242 = arith.constant 0 : i32
      %dma_wait3A_243 = tpu.memref_slice %arg7[%add3A_236, %dma_wait3A_242] : memref<160x128xi32, #tpu.memory_space<vmem>> -> memref<1x128xi32, #tpu.memory_space<vmem>>
      %dma_wait3A_244 = tpu.memref_squeeze %dma_wait3A_243 : memref<1x128xi32, #tpu.memory_space<vmem>> -> memref<128xi32, #tpu.memory_space<vmem>>
      %dma_wait3A_245 = arith.constant 0 : i32
      %dma_wait3A_246 = arith.constant 0 : i32
      %dma_wait3A_247 = tpu.memref_slice %arg2[%dma_wait3A_245, %dma_wait3A_246] : memref<20224x64xbf16, #tpu.memory_space<hbm>> -> memref<20224x64xbf16, #tpu.memory_space<hbm>>
      tpu.wait_indirect_dma semaphore(%arg10 : memref<!tpu.dma_semaphore, #tpu.memory_space<semaphore_mem>>) src(%dma_wait3A_247 : memref<20224x64xbf16, #tpu.memory_space<hbm>>) dst(%dma_wait3A_241 : memref<128x64xbf16, #tpu.memory_space<vmem>>)
      %dma_start3A_248 = arith.constant 0 : i32
      %dma_start3A_249 = arith.constant 0 : i32
      %dma_start3A_250 = arith.constant 0 : i32
      %dma_start3A_251 = tpu.memref_slice %arg9[%dma_start3A_248, %dma_start3A_249, %dma_start3A_250] : memref<10x128x64xbf16, #tpu.memory_space<vmem>> -> memref<1x128x64xbf16, #tpu.memory_space<vmem>>
      %dma_start3A_252 = tpu.memref_squeeze %dma_start3A_251 : memref<1x128x64xbf16, #tpu.memory_space<vmem>> -> memref<128x64xbf16, #tpu.memory_space<vmem>>
      %dma_start3A_253 = arith.constant 0 : i32
      %dma_start3A_254 = tpu.memref_slice %arg8[%add3A_236, %dma_start3A_253] : memref<160x128xi32, #tpu.memory_space<vmem>> -> memref<1x128xi32, #tpu.memory_space<vmem>>
      %dma_start3A_255 = tpu.memref_squeeze %dma_start3A_254 : memref<1x128xi32, #tpu.memory_space<vmem>> -> memref<128xi32, #tpu.memory_space<vmem>>
      %dma_start3A_256 = arith.constant 0 : i32
      %dma_start3A_257 = arith.constant 0 : i32
      %dma_start3A_258 = tpu.memref_slice %arg30[%dma_start3A_256, %dma_start3A_257] : memref<10112x64xbf16, #tpu.memory_space<vmem_shared>> -> memref<10112x64xbf16, #tpu.memory_space<vmem_shared>>
      tpu.enqueue_indirect_dma source(%dma_start3A_252 : memref<128x64xbf16, #tpu.memory_space<vmem>>) target(%dma_start3A_258 : memref<10112x64xbf16, #tpu.memory_space<vmem_shared>>) offsets(%dma_start3A_255 : memref<128xi32, #tpu.memory_space<vmem>>) semaphore(%arg20 : memref<!tpu.dma_semaphore, #tpu.memory_space<semaphore_mem>>) {add = true}
      %add3A_259 = arith.constant 10 : i32
      %add3A_260 = arith.addi %add3A_236, %add3A_259 : i32
      %sub3A = arith.constant 1 : i32
      %sub3A_261 = arith.subi %add3A_260, %sub3A : i32
      %ge3A = arith.constant 1 : i32
      %ge3A_262 = arith.cmpi sge, %add3A_236, %ge3A : i32
      %lt3A = arith.constant 160 : i32
      %lt3A_263 = arith.cmpi slt, %sub3A_261, %lt3A : i32
      %and3A = arith.andi %ge3A_262, %lt3A_263 : i1
      %convert_element_type3A = arith.extui %and3A : i1 to i32
      %cond3A = arith.constant 0 : i32
      %cond3A_264 = arith.cmpi ne, %convert_element_type3A, %cond3A : i32
      scf.if %cond3A_264 {
        %sub3A_593 = arith.constant 1 : i32
        %sub3A_594 = arith.subi %add3A_236, %sub3A_593 : i32
        %dma_wait3A_595 = arith.constant 9 : i32
        %dma_wait3A_596 = arith.constant 0 : i32
        %dma_wait3A_597 = arith.constant 0 : i32
        %dma_wait3A_598 = tpu.memref_slice %arg9[%dma_wait3A_595, %dma_wait3A_596, %dma_wait3A_597] : memref<10x128x64xbf16, #tpu.memory_space<vmem>> -> memref<1x128x64xbf16, #tpu.memory_space<vmem>>
        %dma_wait3A_599 = tpu.memref_squeeze %dma_wait3A_598 : memref<1x128x64xbf16, #tpu.memory_space<vmem>> -> memref<128x64xbf16, #tpu.memory_space<vmem>>
        %dma_wait3A_600 = arith.constant 0 : i32
        %dma_wait3A_601 = tpu.memref_slice %arg8[%sub3A_594, %dma_wait3A_600] : memref<160x128xi32, #tpu.memory_space<vmem>> -> memref<1x128xi32, #tpu.memory_space<vmem>>
        %dma_wait3A_602 = tpu.memref_squeeze %dma_wait3A_601 : memref<1x128xi32, #tpu.memory_space<vmem>> -> memref<128xi32, #tpu.memory_space<vmem>>
        %dma_wait3A_603 = arith.constant 0 : i32
        %dma_wait3A_604 = arith.constant 0 : i32
        %dma_wait3A_605 = tpu.memref_slice %arg30[%dma_wait3A_603, %dma_wait3A_604] : memref<10112x64xbf16, #tpu.memory_space<vmem_shared>> -> memref<10112x64xbf16, #tpu.memory_space<vmem_shared>>
        tpu.wait_indirect_dma semaphore(%arg29 : memref<!tpu.dma_semaphore, #tpu.memory_space<semaphore_mem>>) src(%dma_wait3A_599 : memref<128x64xbf16, #tpu.memory_space<vmem>>) dst(%dma_wait3A_605 : memref<10112x64xbf16, #tpu.memory_space<vmem_shared>>)
        %dma_start3A_606 = arith.constant 9 : i32
        %dma_start3A_607 = arith.constant 0 : i32
        %dma_start3A_608 = arith.constant 0 : i32
        %dma_start3A_609 = tpu.memref_slice %arg9[%dma_start3A_606, %dma_start3A_607, %dma_start3A_608] : memref<10x128x64xbf16, #tpu.memory_space<vmem>> -> memref<1x128x64xbf16, #tpu.memory_space<vmem>>
        %dma_start3A_610 = tpu.memref_squeeze %dma_start3A_609 : memref<1x128x64xbf16, #tpu.memory_space<vmem>> -> memref<128x64xbf16, #tpu.memory_space<vmem>>
        %dma_start3A_611 = arith.constant 0 : i32
        %dma_start3A_612 = tpu.memref_slice %arg7[%sub3A_261, %dma_start3A_611] : memref<160x128xi32, #tpu.memory_space<vmem>> -> memref<1x128xi32, #tpu.memory_space<vmem>>
        %dma_start3A_613 = tpu.memref_squeeze %dma_start3A_612 : memref<1x128xi32, #tpu.memory_space<vmem>> -> memref<128xi32, #tpu.memory_space<vmem>>
        %dma_start3A_614 = arith.constant 0 : i32
        %dma_start3A_615 = arith.constant 0 : i32
        %dma_start3A_616 = tpu.memref_slice %arg2[%dma_start3A_614, %dma_start3A_615] : memref<20224x64xbf16, #tpu.memory_space<hbm>> -> memref<20224x64xbf16, #tpu.memory_space<hbm>>
        tpu.enqueue_indirect_dma source(%dma_start3A_616 : memref<20224x64xbf16, #tpu.memory_space<hbm>>) target(%dma_start3A_610 : memref<128x64xbf16, #tpu.memory_space<vmem>>) offsets(%dma_start3A_613 : memref<128xi32, #tpu.memory_space<vmem>>) semaphore(%arg19 : memref<!tpu.dma_semaphore, #tpu.memory_space<semaphore_mem>>)
      } else {
      }
      %eq3A = arith.constant 0 : i32
      %eq3A_265 = arith.cmpi eq, %add3A_236, %eq3A : i32
      %convert_element_type3A_266 = arith.extui %eq3A_265 : i1 to i32
      %cond3A_267 = arith.constant 0 : i32
      %cond3A_268 = arith.cmpi ne, %convert_element_type3A_266, %cond3A_267 : i32
      scf.if %cond3A_268 {
        %dma_start3A_593 = arith.constant 9 : i32
        %dma_start3A_594 = arith.constant 9 : i32
        %dma_start3A_595 = arith.constant 0 : i32
        %dma_start3A_596 = arith.constant 0 : i32
        %dma_start3A_597 = tpu.memref_slice %arg9[%dma_start3A_594, %dma_start3A_595, %dma_start3A_596] : memref<10x128x64xbf16, #tpu.memory_space<vmem>> -> memref<1x128x64xbf16, #tpu.memory_space<vmem>>
        %dma_start3A_598 = tpu.memref_squeeze %dma_start3A_597 : memref<1x128x64xbf16, #tpu.memory_space<vmem>> -> memref<128x64xbf16, #tpu.memory_space<vmem>>
        %dma_start3A_599 = arith.constant 0 : i32
        %dma_start3A_600 = tpu.memref_slice %arg7[%dma_start3A_593, %dma_start3A_599] : memref<160x128xi32, #tpu.memory_space<vmem>> -> memref<1x128xi32, #tpu.memory_space<vmem>>
        %dma_start3A_601 = tpu.memref_squeeze %dma_start3A_600 : memref<1x128xi32, #tpu.memory_space<vmem>> -> memref<128xi32, #tpu.memory_space<vmem>>
        %dma_start3A_602 = arith.constant 0 : i32
        %dma_start3A_603 = arith.constant 0 : i32
        %dma_start3A_604 = tpu.memref_slice %arg2[%dma_start3A_602, %dma_start3A_603] : memref<20224x64xbf16, #tpu.memory_space<hbm>> -> memref<20224x64xbf16, #tpu.memory_space<hbm>>
        tpu.enqueue_indirect_dma source(%dma_start3A_604 : memref<20224x64xbf16, #tpu.memory_space<hbm>>) target(%dma_start3A_598 : memref<128x64xbf16, #tpu.memory_space<vmem>>) offsets(%dma_start3A_601 : memref<128xi32, #tpu.memory_space<vmem>>) semaphore(%arg19 : memref<!tpu.dma_semaphore, #tpu.memory_space<semaphore_mem>>)
      } else {
      }
      %add3A_269 = arith.constant 1 : i32
      %add3A_270 = arith.addi %mul3A_235, %add3A_269 : i32
      %dma_wait3A_271 = arith.constant 1 : i32
      %dma_wait3A_272 = arith.constant 0 : i32
      %dma_wait3A_273 = arith.constant 0 : i32
      %dma_wait3A_274 = tpu.memref_slice %arg9[%dma_wait3A_271, %dma_wait3A_272, %dma_wait3A_273] : memref<10x128x64xbf16, #tpu.memory_space<vmem>> -> memref<1x128x64xbf16, #tpu.memory_space<vmem>>
      %dma_wait3A_275 = tpu.memref_squeeze %dma_wait3A_274 : memref<1x128x64xbf16, #tpu.memory_space<vmem>> -> memref<128x64xbf16, #tpu.memory_space<vmem>>
      %dma_wait3A_276 = arith.constant 0 : i32
      %dma_wait3A_277 = tpu.memref_slice %arg7[%add3A_270, %dma_wait3A_276] : memref<160x128xi32, #tpu.memory_space<vmem>> -> memref<1x128xi32, #tpu.memory_space<vmem>>
      %dma_wait3A_278 = tpu.memref_squeeze %dma_wait3A_277 : memref<1x128xi32, #tpu.memory_space<vmem>> -> memref<128xi32, #tpu.memory_space<vmem>>
      %dma_wait3A_279 = arith.constant 0 : i32
      %dma_wait3A_280 = arith.constant 0 : i32
      %dma_wait3A_281 = tpu.memref_slice %arg2[%dma_wait3A_279, %dma_wait3A_280] : memref<20224x64xbf16, #tpu.memory_space<hbm>> -> memref<20224x64xbf16, #tpu.memory_space<hbm>>
      tpu.wait_indirect_dma semaphore(%arg11 : memref<!tpu.dma_semaphore, #tpu.memory_space<semaphore_mem>>) src(%dma_wait3A_281 : memref<20224x64xbf16, #tpu.memory_space<hbm>>) dst(%dma_wait3A_275 : memref<128x64xbf16, #tpu.memory_space<vmem>>)
      %dma_start3A_282 = arith.constant 1 : i32
      %dma_start3A_283 = arith.constant 0 : i32
      %dma_start3A_284 = arith.constant 0 : i32
      %dma_start3A_285 = tpu.memref_slice %arg9[%dma_start3A_282, %dma_start3A_283, %dma_start3A_284] : memref<10x128x64xbf16, #tpu.memory_space<vmem>> -> memref<1x128x64xbf16, #tpu.memory_space<vmem>>
      %dma_start3A_286 = tpu.memref_squeeze %dma_start3A_285 : memref<1x128x64xbf16, #tpu.memory_space<vmem>> -> memref<128x64xbf16, #tpu.memory_space<vmem>>
      %dma_start3A_287 = arith.constant 0 : i32
      %dma_start3A_288 = tpu.memref_slice %arg8[%add3A_270, %dma_start3A_287] : memref<160x128xi32, #tpu.memory_space<vmem>> -> memref<1x128xi32, #tpu.memory_space<vmem>>
      %dma_start3A_289 = tpu.memref_squeeze %dma_start3A_288 : memref<1x128xi32, #tpu.memory_space<vmem>> -> memref<128xi32, #tpu.memory_space<vmem>>
      %dma_start3A_290 = arith.constant 0 : i32
      %dma_start3A_291 = arith.constant 0 : i32
      %dma_start3A_292 = tpu.memref_slice %arg30[%dma_start3A_290, %dma_start3A_291] : memref<10112x64xbf16, #tpu.memory_space<vmem_shared>> -> memref<10112x64xbf16, #tpu.memory_space<vmem_shared>>
      tpu.enqueue_indirect_dma source(%dma_start3A_286 : memref<128x64xbf16, #tpu.memory_space<vmem>>) target(%dma_start3A_292 : memref<10112x64xbf16, #tpu.memory_space<vmem_shared>>) offsets(%dma_start3A_289 : memref<128xi32, #tpu.memory_space<vmem>>) semaphore(%arg21 : memref<!tpu.dma_semaphore, #tpu.memory_space<semaphore_mem>>) {add = true}
      %add3A_293 = arith.constant 10 : i32
      %add3A_294 = arith.addi %add3A_270, %add3A_293 : i32
      %sub3A_295 = arith.constant 1 : i32
      %sub3A_296 = arith.subi %add3A_294, %sub3A_295 : i32
      %ge3A_297 = arith.constant 1 : i32
      %ge3A_298 = arith.cmpi sge, %add3A_270, %ge3A_297 : i32
      %lt3A_299 = arith.constant 160 : i32
      %lt3A_300 = arith.cmpi slt, %sub3A_296, %lt3A_299 : i32
      %and3A_301 = arith.andi %ge3A_298, %lt3A_300 : i1
      %convert_element_type3A_302 = arith.extui %and3A_301 : i1 to i32
      %cond3A_303 = arith.constant 0 : i32
      %cond3A_304 = arith.cmpi ne, %convert_element_type3A_302, %cond3A_303 : i32
      scf.if %cond3A_304 {
        %sub3A_593 = arith.constant 1 : i32
        %sub3A_594 = arith.subi %add3A_270, %sub3A_593 : i32
        %dma_wait3A_595 = arith.constant 0 : i32
        %dma_wait3A_596 = arith.constant 0 : i32
        %dma_wait3A_597 = arith.constant 0 : i32
        %dma_wait3A_598 = tpu.memref_slice %arg9[%dma_wait3A_595, %dma_wait3A_596, %dma_wait3A_597] : memref<10x128x64xbf16, #tpu.memory_space<vmem>> -> memref<1x128x64xbf16, #tpu.memory_space<vmem>>
        %dma_wait3A_599 = tpu.memref_squeeze %dma_wait3A_598 : memref<1x128x64xbf16, #tpu.memory_space<vmem>> -> memref<128x64xbf16, #tpu.memory_space<vmem>>
        %dma_wait3A_600 = arith.constant 0 : i32
        %dma_wait3A_601 = tpu.memref_slice %arg8[%sub3A_594, %dma_wait3A_600] : memref<160x128xi32, #tpu.memory_space<vmem>> -> memref<1x128xi32, #tpu.memory_space<vmem>>
        %dma_wait3A_602 = tpu.memref_squeeze %dma_wait3A_601 : memref<1x128xi32, #tpu.memory_space<vmem>> -> memref<128xi32, #tpu.memory_space<vmem>>
        %dma_wait3A_603 = arith.constant 0 : i32
        %dma_wait3A_604 = arith.constant 0 : i32
        %dma_wait3A_605 = tpu.memref_slice %arg30[%dma_wait3A_603, %dma_wait3A_604] : memref<10112x64xbf16, #tpu.memory_space<vmem_shared>> -> memref<10112x64xbf16, #tpu.memory_space<vmem_shared>>
        tpu.wait_indirect_dma semaphore(%arg20 : memref<!tpu.dma_semaphore, #tpu.memory_space<semaphore_mem>>) src(%dma_wait3A_599 : memref<128x64xbf16, #tpu.memory_space<vmem>>) dst(%dma_wait3A_605 : memref<10112x64xbf16, #tpu.memory_space<vmem_shared>>)
        %dma_start3A_606 = arith.constant 0 : i32
        %dma_start3A_607 = arith.constant 0 : i32
        %dma_start3A_608 = arith.constant 0 : i32
        %dma_start3A_609 = tpu.memref_slice %arg9[%dma_start3A_606, %dma_start3A_607, %dma_start3A_608] : memref<10x128x64xbf16, #tpu.memory_space<vmem>> -> memref<1x128x64xbf16, #tpu.memory_space<vmem>>
        %dma_start3A_610 = tpu.memref_squeeze %dma_start3A_609 : memref<1x128x64xbf16, #tpu.memory_space<vmem>> -> memref<128x64xbf16, #tpu.memory_space<vmem>>
        %dma_start3A_611 = arith.constant 0 : i32
        %dma_start3A_612 = tpu.memref_slice %arg7[%sub3A_296, %dma_start3A_611] : memref<160x128xi32, #tpu.memory_space<vmem>> -> memref<1x128xi32, #tpu.memory_space<vmem>>
        %dma_start3A_613 = tpu.memref_squeeze %dma_start3A_612 : memref<1x128xi32, #tpu.memory_space<vmem>> -> memref<128xi32, #tpu.memory_space<vmem>>
        %dma_start3A_614 = arith.constant 0 : i32
        %dma_start3A_615 = arith.constant 0 : i32
        %dma_start3A_616 = tpu.memref_slice %arg2[%dma_start3A_614, %dma_start3A_615] : memref<20224x64xbf16, #tpu.memory_space<hbm>> -> memref<20224x64xbf16, #tpu.memory_space<hbm>>
        tpu.enqueue_indirect_dma source(%dma_start3A_616 : memref<20224x64xbf16, #tpu.memory_space<hbm>>) target(%dma_start3A_610 : memref<128x64xbf16, #tpu.memory_space<vmem>>) offsets(%dma_start3A_613 : memref<128xi32, #tpu.memory_space<vmem>>) semaphore(%arg10 : memref<!tpu.dma_semaphore, #tpu.memory_space<semaphore_mem>>)
      } else {
      }
      %add3A_305 = arith.constant 2 : i32
      %add3A_306 = arith.addi %mul3A_235, %add3A_305 : i32
      %dma_wait3A_307 = arith.constant 2 : i32
      %dma_wait3A_308 = arith.constant 0 : i32
      %dma_wait3A_309 = arith.constant 0 : i32
      %dma_wait3A_310 = tpu.memref_slice %arg9[%dma_wait3A_307, %dma_wait3A_308, %dma_wait3A_309] : memref<10x128x64xbf16, #tpu.memory_space<vmem>> -> memref<1x128x64xbf16, #tpu.memory_space<vmem>>
      %dma_wait3A_311 = tpu.memref_squeeze %dma_wait3A_310 : memref<1x128x64xbf16, #tpu.memory_space<vmem>> -> memref<128x64xbf16, #tpu.memory_space<vmem>>
      %dma_wait3A_312 = arith.constant 0 : i32
      %dma_wait3A_313 = tpu.memref_slice %arg7[%add3A_306, %dma_wait3A_312] : memref<160x128xi32, #tpu.memory_space<vmem>> -> memref<1x128xi32, #tpu.memory_space<vmem>>
      %dma_wait3A_314 = tpu.memref_squeeze %dma_wait3A_313 : memref<1x128xi32, #tpu.memory_space<vmem>> -> memref<128xi32, #tpu.memory_space<vmem>>
      %dma_wait3A_315 = arith.constant 0 : i32
      %dma_wait3A_316 = arith.constant 0 : i32
      %dma_wait3A_317 = tpu.memref_slice %arg2[%dma_wait3A_315, %dma_wait3A_316] : memref<20224x64xbf16, #tpu.memory_space<hbm>> -> memref<20224x64xbf16, #tpu.memory_space<hbm>>
      tpu.wait_indirect_dma semaphore(%arg12 : memref<!tpu.dma_semaphore, #tpu.memory_space<semaphore_mem>>) src(%dma_wait3A_317 : memref<20224x64xbf16, #tpu.memory_space<hbm>>) dst(%dma_wait3A_311 : memref<128x64xbf16, #tpu.memory_space<vmem>>)
      %dma_start3A_318 = arith.constant 2 : i32
      %dma_start3A_319 = arith.constant 0 : i32
      %dma_start3A_320 = arith.constant 0 : i32
      %dma_start3A_321 = tpu.memref_slice %arg9[%dma_start3A_318, %dma_start3A_319, %dma_start3A_320] : memref<10x128x64xbf16, #tpu.memory_space<vmem>> -> memref<1x128x64xbf16, #tpu.memory_space<vmem>>
      %dma_start3A_322 = tpu.memref_squeeze %dma_start3A_321 : memref<1x128x64xbf16, #tpu.memory_space<vmem>> -> memref<128x64xbf16, #tpu.memory_space<vmem>>
      %dma_start3A_323 = arith.constant 0 : i32
      %dma_start3A_324 = tpu.memref_slice %arg8[%add3A_306, %dma_start3A_323] : memref<160x128xi32, #tpu.memory_space<vmem>> -> memref<1x128xi32, #tpu.memory_space<vmem>>
      %dma_start3A_325 = tpu.memref_squeeze %dma_start3A_324 : memref<1x128xi32, #tpu.memory_space<vmem>> -> memref<128xi32, #tpu.memory_space<vmem>>
      %dma_start3A_326 = arith.constant 0 : i32
      %dma_start3A_327 = arith.constant 0 : i32
      %dma_start3A_328 = tpu.memref_slice %arg30[%dma_start3A_326, %dma_start3A_327] : memref<10112x64xbf16, #tpu.memory_space<vmem_shared>> -> memref<10112x64xbf16, #tpu.memory_space<vmem_shared>>
      tpu.enqueue_indirect_dma source(%dma_start3A_322 : memref<128x64xbf16, #tpu.memory_space<vmem>>) target(%dma_start3A_328 : memref<10112x64xbf16, #tpu.memory_space<vmem_shared>>) offsets(%dma_start3A_325 : memref<128xi32, #tpu.memory_space<vmem>>) semaphore(%arg22 : memref<!tpu.dma_semaphore, #tpu.memory_space<semaphore_mem>>) {add = true}
      %add3A_329 = arith.constant 10 : i32
      %add3A_330 = arith.addi %add3A_306, %add3A_329 : i32
      %sub3A_331 = arith.constant 1 : i32
      %sub3A_332 = arith.subi %add3A_330, %sub3A_331 : i32
      %ge3A_333 = arith.constant 1 : i32
      %ge3A_334 = arith.cmpi sge, %add3A_306, %ge3A_333 : i32
      %lt3A_335 = arith.constant 160 : i32
      %lt3A_336 = arith.cmpi slt, %sub3A_332, %lt3A_335 : i32
      %and3A_337 = arith.andi %ge3A_334, %lt3A_336 : i1
      %convert_element_type3A_338 = arith.extui %and3A_337 : i1 to i32
      %cond3A_339 = arith.constant 0 : i32
      %cond3A_340 = arith.cmpi ne, %convert_element_type3A_338, %cond3A_339 : i32
      scf.if %cond3A_340 {
        %sub3A_593 = arith.constant 1 : i32
        %sub3A_594 = arith.subi %add3A_306, %sub3A_593 : i32
        %dma_wait3A_595 = arith.constant 1 : i32
        %dma_wait3A_596 = arith.constant 0 : i32
        %dma_wait3A_597 = arith.constant 0 : i32
        %dma_wait3A_598 = tpu.memref_slice %arg9[%dma_wait3A_595, %dma_wait3A_596, %dma_wait3A_597] : memref<10x128x64xbf16, #tpu.memory_space<vmem>> -> memref<1x128x64xbf16, #tpu.memory_space<vmem>>
        %dma_wait3A_599 = tpu.memref_squeeze %dma_wait3A_598 : memref<1x128x64xbf16, #tpu.memory_space<vmem>> -> memref<128x64xbf16, #tpu.memory_space<vmem>>
        %dma_wait3A_600 = arith.constant 0 : i32
        %dma_wait3A_601 = tpu.memref_slice %arg8[%sub3A_594, %dma_wait3A_600] : memref<160x128xi32, #tpu.memory_space<vmem>> -> memref<1x128xi32, #tpu.memory_space<vmem>>
        %dma_wait3A_602 = tpu.memref_squeeze %dma_wait3A_601 : memref<1x128xi32, #tpu.memory_space<vmem>> -> memref<128xi32, #tpu.memory_space<vmem>>
        %dma_wait3A_603 = arith.constant 0 : i32
        %dma_wait3A_604 = arith.constant 0 : i32
        %dma_wait3A_605 = tpu.memref_slice %arg30[%dma_wait3A_603, %dma_wait3A_604] : memref<10112x64xbf16, #tpu.memory_space<vmem_shared>> -> memref<10112x64xbf16, #tpu.memory_space<vmem_shared>>
        tpu.wait_indirect_dma semaphore(%arg21 : memref<!tpu.dma_semaphore, #tpu.memory_space<semaphore_mem>>) src(%dma_wait3A_599 : memref<128x64xbf16, #tpu.memory_space<vmem>>) dst(%dma_wait3A_605 : memref<10112x64xbf16, #tpu.memory_space<vmem_shared>>)
        %dma_start3A_606 = arith.constant 1 : i32
        %dma_start3A_607 = arith.constant 0 : i32
        %dma_start3A_608 = arith.constant 0 : i32
        %dma_start3A_609 = tpu.memref_slice %arg9[%dma_start3A_606, %dma_start3A_607, %dma_start3A_608] : memref<10x128x64xbf16, #tpu.memory_space<vmem>> -> memref<1x128x64xbf16, #tpu.memory_space<vmem>>
        %dma_start3A_610 = tpu.memref_squeeze %dma_start3A_609 : memref<1x128x64xbf16, #tpu.memory_space<vmem>> -> memref<128x64xbf16, #tpu.memory_space<vmem>>
        %dma_start3A_611 = arith.constant 0 : i32
        %dma_start3A_612 = tpu.memref_slice %arg7[%sub3A_332, %dma_start3A_611] : memref<160x128xi32, #tpu.memory_space<vmem>> -> memref<1x128xi32, #tpu.memory_space<vmem>>
        %dma_start3A_613 = tpu.memref_squeeze %dma_start3A_612 : memref<1x128xi32, #tpu.memory_space<vmem>> -> memref<128xi32, #tpu.memory_space<vmem>>
        %dma_start3A_614 = arith.constant 0 : i32
        %dma_start3A_615 = arith.constant 0 : i32
        %dma_start3A_616 = tpu.memref_slice %arg2[%dma_start3A_614, %dma_start3A_615] : memref<20224x64xbf16, #tpu.memory_space<hbm>> -> memref<20224x64xbf16, #tpu.memory_space<hbm>>
        tpu.enqueue_indirect_dma source(%dma_start3A_616 : memref<20224x64xbf16, #tpu.memory_space<hbm>>) target(%dma_start3A_610 : memref<128x64xbf16, #tpu.memory_space<vmem>>) offsets(%dma_start3A_613 : memref<128xi32, #tpu.memory_space<vmem>>) semaphore(%arg11 : memref<!tpu.dma_semaphore, #tpu.memory_space<semaphore_mem>>)
      } else {
      }
      %add3A_341 = arith.constant 3 : i32
      %add3A_342 = arith.addi %mul3A_235, %add3A_341 : i32
      %dma_wait3A_343 = arith.constant 3 : i32
      %dma_wait3A_344 = arith.constant 0 : i32
      %dma_wait3A_345 = arith.constant 0 : i32
      %dma_wait3A_346 = tpu.memref_slice %arg9[%dma_wait3A_343, %dma_wait3A_344, %dma_wait3A_345] : memref<10x128x64xbf16, #tpu.memory_space<vmem>> -> memref<1x128x64xbf16, #tpu.memory_space<vmem>>
      %dma_wait3A_347 = tpu.memref_squeeze %dma_wait3A_346 : memref<1x128x64xbf16, #tpu.memory_space<vmem>> -> memref<128x64xbf16, #tpu.memory_space<vmem>>
      %dma_wait3A_348 = arith.constant 0 : i32
      %dma_wait3A_349 = tpu.memref_slice %arg7[%add3A_342, %dma_wait3A_348] : memref<160x128xi32, #tpu.memory_space<vmem>> -> memref<1x128xi32, #tpu.memory_space<vmem>>
      %dma_wait3A_350 = tpu.memref_squeeze %dma_wait3A_349 : memref<1x128xi32, #tpu.memory_space<vmem>> -> memref<128xi32, #tpu.memory_space<vmem>>
      %dma_wait3A_351 = arith.constant 0 : i32
      %dma_wait3A_352 = arith.constant 0 : i32
      %dma_wait3A_353 = tpu.memref_slice %arg2[%dma_wait3A_351, %dma_wait3A_352] : memref<20224x64xbf16, #tpu.memory_space<hbm>> -> memref<20224x64xbf16, #tpu.memory_space<hbm>>
      tpu.wait_indirect_dma semaphore(%arg13 : memref<!tpu.dma_semaphore, #tpu.memory_space<semaphore_mem>>) src(%dma_wait3A_353 : memref<20224x64xbf16, #tpu.memory_space<hbm>>) dst(%dma_wait3A_347 : memref<128x64xbf16, #tpu.memory_space<vmem>>)
      %dma_start3A_354 = arith.constant 3 : i32
      %dma_start3A_355 = arith.constant 0 : i32
      %dma_start3A_356 = arith.constant 0 : i32
      %dma_start3A_357 = tpu.memref_slice %arg9[%dma_start3A_354, %dma_start3A_355, %dma_start3A_356] : memref<10x128x64xbf16, #tpu.memory_space<vmem>> -> memref<1x128x64xbf16, #tpu.memory_space<vmem>>
      %dma_start3A_358 = tpu.memref_squeeze %dma_start3A_357 : memref<1x128x64xbf16, #tpu.memory_space<vmem>> -> memref<128x64xbf16, #tpu.memory_space<vmem>>
      %dma_start3A_359 = arith.constant 0 : i32
      %dma_start3A_360 = tpu.memref_slice %arg8[%add3A_342, %dma_start3A_359] : memref<160x128xi32, #tpu.memory_space<vmem>> -> memref<1x128xi32, #tpu.memory_space<vmem>>
      %dma_start3A_361 = tpu.memref_squeeze %dma_start3A_360 : memref<1x128xi32, #tpu.memory_space<vmem>> -> memref<128xi32, #tpu.memory_space<vmem>>
      %dma_start3A_362 = arith.constant 0 : i32
      %dma_start3A_363 = arith.constant 0 : i32
      %dma_start3A_364 = tpu.memref_slice %arg30[%dma_start3A_362, %dma_start3A_363] : memref<10112x64xbf16, #tpu.memory_space<vmem_shared>> -> memref<10112x64xbf16, #tpu.memory_space<vmem_shared>>
      tpu.enqueue_indirect_dma source(%dma_start3A_358 : memref<128x64xbf16, #tpu.memory_space<vmem>>) target(%dma_start3A_364 : memref<10112x64xbf16, #tpu.memory_space<vmem_shared>>) offsets(%dma_start3A_361 : memref<128xi32, #tpu.memory_space<vmem>>) semaphore(%arg23 : memref<!tpu.dma_semaphore, #tpu.memory_space<semaphore_mem>>) {add = true}
      %add3A_365 = arith.constant 10 : i32
      %add3A_366 = arith.addi %add3A_342, %add3A_365 : i32
      %sub3A_367 = arith.constant 1 : i32
      %sub3A_368 = arith.subi %add3A_366, %sub3A_367 : i32
      %ge3A_369 = arith.constant 1 : i32
      %ge3A_370 = arith.cmpi sge, %add3A_342, %ge3A_369 : i32
      %lt3A_371 = arith.constant 160 : i32
      %lt3A_372 = arith.cmpi slt, %sub3A_368, %lt3A_371 : i32
      %and3A_373 = arith.andi %ge3A_370, %lt3A_372 : i1
      %convert_element_type3A_374 = arith.extui %and3A_373 : i1 to i32
      %cond3A_375 = arith.constant 0 : i32
      %cond3A_376 = arith.cmpi ne, %convert_element_type3A_374, %cond3A_375 : i32
      scf.if %cond3A_376 {
        %sub3A_593 = arith.constant 1 : i32
        %sub3A_594 = arith.subi %add3A_342, %sub3A_593 : i32
        %dma_wait3A_595 = arith.constant 2 : i32
        %dma_wait3A_596 = arith.constant 0 : i32
        %dma_wait3A_597 = arith.constant 0 : i32
        %dma_wait3A_598 = tpu.memref_slice %arg9[%dma_wait3A_595, %dma_wait3A_596, %dma_wait3A_597] : memref<10x128x64xbf16, #tpu.memory_space<vmem>> -> memref<1x128x64xbf16, #tpu.memory_space<vmem>>
        %dma_wait3A_599 = tpu.memref_squeeze %dma_wait3A_598 : memref<1x128x64xbf16, #tpu.memory_space<vmem>> -> memref<128x64xbf16, #tpu.memory_space<vmem>>
        %dma_wait3A_600 = arith.constant 0 : i32
        %dma_wait3A_601 = tpu.memref_slice %arg8[%sub3A_594, %dma_wait3A_600] : memref<160x128xi32, #tpu.memory_space<vmem>> -> memref<1x128xi32, #tpu.memory_space<vmem>>
        %dma_wait3A_602 = tpu.memref_squeeze %dma_wait3A_601 : memref<1x128xi32, #tpu.memory_space<vmem>> -> memref<128xi32, #tpu.memory_space<vmem>>
        %dma_wait3A_603 = arith.constant 0 : i32
        %dma_wait3A_604 = arith.constant 0 : i32
        %dma_wait3A_605 = tpu.memref_slice %arg30[%dma_wait3A_603, %dma_wait3A_604] : memref<10112x64xbf16, #tpu.memory_space<vmem_shared>> -> memref<10112x64xbf16, #tpu.memory_space<vmem_shared>>
        tpu.wait_indirect_dma semaphore(%arg22 : memref<!tpu.dma_semaphore, #tpu.memory_space<semaphore_mem>>) src(%dma_wait3A_599 : memref<128x64xbf16, #tpu.memory_space<vmem>>) dst(%dma_wait3A_605 : memref<10112x64xbf16, #tpu.memory_space<vmem_shared>>)
        %dma_start3A_606 = arith.constant 2 : i32
        %dma_start3A_607 = arith.constant 0 : i32
        %dma_start3A_608 = arith.constant 0 : i32
        %dma_start3A_609 = tpu.memref_slice %arg9[%dma_start3A_606, %dma_start3A_607, %dma_start3A_608] : memref<10x128x64xbf16, #tpu.memory_space<vmem>> -> memref<1x128x64xbf16, #tpu.memory_space<vmem>>
        %dma_start3A_610 = tpu.memref_squeeze %dma_start3A_609 : memref<1x128x64xbf16, #tpu.memory_space<vmem>> -> memref<128x64xbf16, #tpu.memory_space<vmem>>
        %dma_start3A_611 = arith.constant 0 : i32
        %dma_start3A_612 = tpu.memref_slice %arg7[%sub3A_368, %dma_start3A_611] : memref<160x128xi32, #tpu.memory_space<vmem>> -> memref<1x128xi32, #tpu.memory_space<vmem>>
        %dma_start3A_613 = tpu.memref_squeeze %dma_start3A_612 : memref<1x128xi32, #tpu.memory_space<vmem>> -> memref<128xi32, #tpu.memory_space<vmem>>
        %dma_start3A_614 = arith.constant 0 : i32
        %dma_start3A_615 = arith.constant 0 : i32
        %dma_start3A_616 = tpu.memref_slice %arg2[%dma_start3A_614, %dma_start3A_615] : memref<20224x64xbf16, #tpu.memory_space<hbm>> -> memref<20224x64xbf16, #tpu.memory_space<hbm>>
        tpu.enqueue_indirect_dma source(%dma_start3A_616 : memref<20224x64xbf16, #tpu.memory_space<hbm>>) target(%dma_start3A_610 : memref<128x64xbf16, #tpu.memory_space<vmem>>) offsets(%dma_start3A_613 : memref<128xi32, #tpu.memory_space<vmem>>) semaphore(%arg12 : memref<!tpu.dma_semaphore, #tpu.memory_space<semaphore_mem>>)
      } else {
      }
      %add3A_377 = arith.constant 4 : i32
      %add3A_378 = arith.addi %mul3A_235, %add3A_377 : i32
      %dma_wait3A_379 = arith.constant 4 : i32
      %dma_wait3A_380 = arith.constant 0 : i32
      %dma_wait3A_381 = arith.constant 0 : i32
      %dma_wait3A_382 = tpu.memref_slice %arg9[%dma_wait3A_379, %dma_wait3A_380, %dma_wait3A_381] : memref<10x128x64xbf16, #tpu.memory_space<vmem>> -> memref<1x128x64xbf16, #tpu.memory_space<vmem>>
      %dma_wait3A_383 = tpu.memref_squeeze %dma_wait3A_382 : memref<1x128x64xbf16, #tpu.memory_space<vmem>> -> memref<128x64xbf16, #tpu.memory_space<vmem>>
      %dma_wait3A_384 = arith.constant 0 : i32
      %dma_wait3A_385 = tpu.memref_slice %arg7[%add3A_378, %dma_wait3A_384] : memref<160x128xi32, #tpu.memory_space<vmem>> -> memref<1x128xi32, #tpu.memory_space<vmem>>
      %dma_wait3A_386 = tpu.memref_squeeze %dma_wait3A_385 : memref<1x128xi32, #tpu.memory_space<vmem>> -> memref<128xi32, #tpu.memory_space<vmem>>
      %dma_wait3A_387 = arith.constant 0 : i32
      %dma_wait3A_388 = arith.constant 0 : i32
      %dma_wait3A_389 = tpu.memref_slice %arg2[%dma_wait3A_387, %dma_wait3A_388] : memref<20224x64xbf16, #tpu.memory_space<hbm>> -> memref<20224x64xbf16, #tpu.memory_space<hbm>>
      tpu.wait_indirect_dma semaphore(%arg14 : memref<!tpu.dma_semaphore, #tpu.memory_space<semaphore_mem>>) src(%dma_wait3A_389 : memref<20224x64xbf16, #tpu.memory_space<hbm>>) dst(%dma_wait3A_383 : memref<128x64xbf16, #tpu.memory_space<vmem>>)
      %dma_start3A_390 = arith.constant 4 : i32
      %dma_start3A_391 = arith.constant 0 : i32
      %dma_start3A_392 = arith.constant 0 : i32
      %dma_start3A_393 = tpu.memref_slice %arg9[%dma_start3A_390, %dma_start3A_391, %dma_start3A_392] : memref<10x128x64xbf16, #tpu.memory_space<vmem>> -> memref<1x128x64xbf16, #tpu.memory_space<vmem>>
      %dma_start3A_394 = tpu.memref_squeeze %dma_start3A_393 : memref<1x128x64xbf16, #tpu.memory_space<vmem>> -> memref<128x64xbf16, #tpu.memory_space<vmem>>
      %dma_start3A_395 = arith.constant 0 : i32
      %dma_start3A_396 = tpu.memref_slice %arg8[%add3A_378, %dma_start3A_395] : memref<160x128xi32, #tpu.memory_space<vmem>> -> memref<1x128xi32, #tpu.memory_space<vmem>>
      %dma_start3A_397 = tpu.memref_squeeze %dma_start3A_396 : memref<1x128xi32, #tpu.memory_space<vmem>> -> memref<128xi32, #tpu.memory_space<vmem>>
      %dma_start3A_398 = arith.constant 0 : i32
      %dma_start3A_399 = arith.constant 0 : i32
      %dma_start3A_400 = tpu.memref_slice %arg30[%dma_start3A_398, %dma_start3A_399] : memref<10112x64xbf16, #tpu.memory_space<vmem_shared>> -> memref<10112x64xbf16, #tpu.memory_space<vmem_shared>>
      tpu.enqueue_indirect_dma source(%dma_start3A_394 : memref<128x64xbf16, #tpu.memory_space<vmem>>) target(%dma_start3A_400 : memref<10112x64xbf16, #tpu.memory_space<vmem_shared>>) offsets(%dma_start3A_397 : memref<128xi32, #tpu.memory_space<vmem>>) semaphore(%arg24 : memref<!tpu.dma_semaphore, #tpu.memory_space<semaphore_mem>>) {add = true}
      %add3A_401 = arith.constant 10 : i32
      %add3A_402 = arith.addi %add3A_378, %add3A_401 : i32
      %sub3A_403 = arith.constant 1 : i32
      %sub3A_404 = arith.subi %add3A_402, %sub3A_403 : i32
      %ge3A_405 = arith.constant 1 : i32
      %ge3A_406 = arith.cmpi sge, %add3A_378, %ge3A_405 : i32
      %lt3A_407 = arith.constant 160 : i32
      %lt3A_408 = arith.cmpi slt, %sub3A_404, %lt3A_407 : i32
      %and3A_409 = arith.andi %ge3A_406, %lt3A_408 : i1
      %convert_element_type3A_410 = arith.extui %and3A_409 : i1 to i32
      %cond3A_411 = arith.constant 0 : i32
      %cond3A_412 = arith.cmpi ne, %convert_element_type3A_410, %cond3A_411 : i32
      scf.if %cond3A_412 {
        %sub3A_593 = arith.constant 1 : i32
        %sub3A_594 = arith.subi %add3A_378, %sub3A_593 : i32
        %dma_wait3A_595 = arith.constant 3 : i32
        %dma_wait3A_596 = arith.constant 0 : i32
        %dma_wait3A_597 = arith.constant 0 : i32
        %dma_wait3A_598 = tpu.memref_slice %arg9[%dma_wait3A_595, %dma_wait3A_596, %dma_wait3A_597] : memref<10x128x64xbf16, #tpu.memory_space<vmem>> -> memref<1x128x64xbf16, #tpu.memory_space<vmem>>
        %dma_wait3A_599 = tpu.memref_squeeze %dma_wait3A_598 : memref<1x128x64xbf16, #tpu.memory_space<vmem>> -> memref<128x64xbf16, #tpu.memory_space<vmem>>
        %dma_wait3A_600 = arith.constant 0 : i32
        %dma_wait3A_601 = tpu.memref_slice %arg8[%sub3A_594, %dma_wait3A_600] : memref<160x128xi32, #tpu.memory_space<vmem>> -> memref<1x128xi32, #tpu.memory_space<vmem>>
        %dma_wait3A_602 = tpu.memref_squeeze %dma_wait3A_601 : memref<1x128xi32, #tpu.memory_space<vmem>> -> memref<128xi32, #tpu.memory_space<vmem>>
        %dma_wait3A_603 = arith.constant 0 : i32
        %dma_wait3A_604 = arith.constant 0 : i32
        %dma_wait3A_605 = tpu.memref_slice %arg30[%dma_wait3A_603, %dma_wait3A_604] : memref<10112x64xbf16, #tpu.memory_space<vmem_shared>> -> memref<10112x64xbf16, #tpu.memory_space<vmem_shared>>
        tpu.wait_indirect_dma semaphore(%arg23 : memref<!tpu.dma_semaphore, #tpu.memory_space<semaphore_mem>>) src(%dma_wait3A_599 : memref<128x64xbf16, #tpu.memory_space<vmem>>) dst(%dma_wait3A_605 : memref<10112x64xbf16, #tpu.memory_space<vmem_shared>>)
        %dma_start3A_606 = arith.constant 3 : i32
        %dma_start3A_607 = arith.constant 0 : i32
        %dma_start3A_608 = arith.constant 0 : i32
        %dma_start3A_609 = tpu.memref_slice %arg9[%dma_start3A_606, %dma_start3A_607, %dma_start3A_608] : memref<10x128x64xbf16, #tpu.memory_space<vmem>> -> memref<1x128x64xbf16, #tpu.memory_space<vmem>>
        %dma_start3A_610 = tpu.memref_squeeze %dma_start3A_609 : memref<1x128x64xbf16, #tpu.memory_space<vmem>> -> memref<128x64xbf16, #tpu.memory_space<vmem>>
        %dma_start3A_611 = arith.constant 0 : i32
        %dma_start3A_612 = tpu.memref_slice %arg7[%sub3A_404, %dma_start3A_611] : memref<160x128xi32, #tpu.memory_space<vmem>> -> memref<1x128xi32, #tpu.memory_space<vmem>>
        %dma_start3A_613 = tpu.memref_squeeze %dma_start3A_612 : memref<1x128xi32, #tpu.memory_space<vmem>> -> memref<128xi32, #tpu.memory_space<vmem>>
        %dma_start3A_614 = arith.constant 0 : i32
        %dma_start3A_615 = arith.constant 0 : i32
        %dma_start3A_616 = tpu.memref_slice %arg2[%dma_start3A_614, %dma_start3A_615] : memref<20224x64xbf16, #tpu.memory_space<hbm>> -> memref<20224x64xbf16, #tpu.memory_space<hbm>>
        tpu.enqueue_indirect_dma source(%dma_start3A_616 : memref<20224x64xbf16, #tpu.memory_space<hbm>>) target(%dma_start3A_610 : memref<128x64xbf16, #tpu.memory_space<vmem>>) offsets(%dma_start3A_613 : memref<128xi32, #tpu.memory_space<vmem>>) semaphore(%arg13 : memref<!tpu.dma_semaphore, #tpu.memory_space<semaphore_mem>>)
      } else {
      }
      %add3A_413 = arith.constant 5 : i32
      %add3A_414 = arith.addi %mul3A_235, %add3A_413 : i32
      %dma_wait3A_415 = arith.constant 5 : i32
      %dma_wait3A_416 = arith.constant 0 : i32
      %dma_wait3A_417 = arith.constant 0 : i32
      %dma_wait3A_418 = tpu.memref_slice %arg9[%dma_wait3A_415, %dma_wait3A_416, %dma_wait3A_417] : memref<10x128x64xbf16, #tpu.memory_space<vmem>> -> memref<1x128x64xbf16, #tpu.memory_space<vmem>>
      %dma_wait3A_419 = tpu.memref_squeeze %dma_wait3A_418 : memref<1x128x64xbf16, #tpu.memory_space<vmem>> -> memref<128x64xbf16, #tpu.memory_space<vmem>>
      %dma_wait3A_420 = arith.constant 0 : i32
      %dma_wait3A_421 = tpu.memref_slice %arg7[%add3A_414, %dma_wait3A_420] : memref<160x128xi32, #tpu.memory_space<vmem>> -> memref<1x128xi32, #tpu.memory_space<vmem>>
      %dma_wait3A_422 = tpu.memref_squeeze %dma_wait3A_421 : memref<1x128xi32, #tpu.memory_space<vmem>> -> memref<128xi32, #tpu.memory_space<vmem>>
      %dma_wait3A_423 = arith.constant 0 : i32
      %dma_wait3A_424 = arith.constant 0 : i32
      %dma_wait3A_425 = tpu.memref_slice %arg2[%dma_wait3A_423, %dma_wait3A_424] : memref<20224x64xbf16, #tpu.memory_space<hbm>> -> memref<20224x64xbf16, #tpu.memory_space<hbm>>
      tpu.wait_indirect_dma semaphore(%arg15 : memref<!tpu.dma_semaphore, #tpu.memory_space<semaphore_mem>>) src(%dma_wait3A_425 : memref<20224x64xbf16, #tpu.memory_space<hbm>>) dst(%dma_wait3A_419 : memref<128x64xbf16, #tpu.memory_space<vmem>>)
      %dma_start3A_426 = arith.constant 5 : i32
      %dma_start3A_427 = arith.constant 0 : i32
      %dma_start3A_428 = arith.constant 0 : i32
      %dma_start3A_429 = tpu.memref_slice %arg9[%dma_start3A_426, %dma_start3A_427, %dma_start3A_428] : memref<10x128x64xbf16, #tpu.memory_space<vmem>> -> memref<1x128x64xbf16, #tpu.memory_space<vmem>>
      %dma_start3A_430 = tpu.memref_squeeze %dma_start3A_429 : memref<1x128x64xbf16, #tpu.memory_space<vmem>> -> memref<128x64xbf16, #tpu.memory_space<vmem>>
      %dma_start3A_431 = arith.constant 0 : i32
      %dma_start3A_432 = tpu.memref_slice %arg8[%add3A_414, %dma_start3A_431] : memref<160x128xi32, #tpu.memory_space<vmem>> -> memref<1x128xi32, #tpu.memory_space<vmem>>
      %dma_start3A_433 = tpu.memref_squeeze %dma_start3A_432 : memref<1x128xi32, #tpu.memory_space<vmem>> -> memref<128xi32, #tpu.memory_space<vmem>>
      %dma_start3A_434 = arith.constant 0 : i32
      %dma_start3A_435 = arith.constant 0 : i32
      %dma_start3A_436 = tpu.memref_slice %arg30[%dma_start3A_434, %dma_start3A_435] : memref<10112x64xbf16, #tpu.memory_space<vmem_shared>> -> memref<10112x64xbf16, #tpu.memory_space<vmem_shared>>
      tpu.enqueue_indirect_dma source(%dma_start3A_430 : memref<128x64xbf16, #tpu.memory_space<vmem>>) target(%dma_start3A_436 : memref<10112x64xbf16, #tpu.memory_space<vmem_shared>>) offsets(%dma_start3A_433 : memref<128xi32, #tpu.memory_space<vmem>>) semaphore(%arg25 : memref<!tpu.dma_semaphore, #tpu.memory_space<semaphore_mem>>) {add = true}
      %add3A_437 = arith.constant 10 : i32
      %add3A_438 = arith.addi %add3A_414, %add3A_437 : i32
      %sub3A_439 = arith.constant 1 : i32
      %sub3A_440 = arith.subi %add3A_438, %sub3A_439 : i32
      %ge3A_441 = arith.constant 1 : i32
      %ge3A_442 = arith.cmpi sge, %add3A_414, %ge3A_441 : i32
      %lt3A_443 = arith.constant 160 : i32
      %lt3A_444 = arith.cmpi slt, %sub3A_440, %lt3A_443 : i32
      %and3A_445 = arith.andi %ge3A_442, %lt3A_444 : i1
      %convert_element_type3A_446 = arith.extui %and3A_445 : i1 to i32
      %cond3A_447 = arith.constant 0 : i32
      %cond3A_448 = arith.cmpi ne, %convert_element_type3A_446, %cond3A_447 : i32
      scf.if %cond3A_448 {
        %sub3A_593 = arith.constant 1 : i32
        %sub3A_594 = arith.subi %add3A_414, %sub3A_593 : i32
        %dma_wait3A_595 = arith.constant 4 : i32
        %dma_wait3A_596 = arith.constant 0 : i32
        %dma_wait3A_597 = arith.constant 0 : i32
        %dma_wait3A_598 = tpu.memref_slice %arg9[%dma_wait3A_595, %dma_wait3A_596, %dma_wait3A_597] : memref<10x128x64xbf16, #tpu.memory_space<vmem>> -> memref<1x128x64xbf16, #tpu.memory_space<vmem>>
        %dma_wait3A_599 = tpu.memref_squeeze %dma_wait3A_598 : memref<1x128x64xbf16, #tpu.memory_space<vmem>> -> memref<128x64xbf16, #tpu.memory_space<vmem>>
        %dma_wait3A_600 = arith.constant 0 : i32
        %dma_wait3A_601 = tpu.memref_slice %arg8[%sub3A_594, %dma_wait3A_600] : memref<160x128xi32, #tpu.memory_space<vmem>> -> memref<1x128xi32, #tpu.memory_space<vmem>>
        %dma_wait3A_602 = tpu.memref_squeeze %dma_wait3A_601 : memref<1x128xi32, #tpu.memory_space<vmem>> -> memref<128xi32, #tpu.memory_space<vmem>>
        %dma_wait3A_603 = arith.constant 0 : i32
        %dma_wait3A_604 = arith.constant 0 : i32
        %dma_wait3A_605 = tpu.memref_slice %arg30[%dma_wait3A_603, %dma_wait3A_604] : memref<10112x64xbf16, #tpu.memory_space<vmem_shared>> -> memref<10112x64xbf16, #tpu.memory_space<vmem_shared>>
        tpu.wait_indirect_dma semaphore(%arg24 : memref<!tpu.dma_semaphore, #tpu.memory_space<semaphore_mem>>) src(%dma_wait3A_599 : memref<128x64xbf16, #tpu.memory_space<vmem>>) dst(%dma_wait3A_605 : memref<10112x64xbf16, #tpu.memory_space<vmem_shared>>)
        %dma_start3A_606 = arith.constant 4 : i32
        %dma_start3A_607 = arith.constant 0 : i32
        %dma_start3A_608 = arith.constant 0 : i32
        %dma_start3A_609 = tpu.memref_slice %arg9[%dma_start3A_606, %dma_start3A_607, %dma_start3A_608] : memref<10x128x64xbf16, #tpu.memory_space<vmem>> -> memref<1x128x64xbf16, #tpu.memory_space<vmem>>
        %dma_start3A_610 = tpu.memref_squeeze %dma_start3A_609 : memref<1x128x64xbf16, #tpu.memory_space<vmem>> -> memref<128x64xbf16, #tpu.memory_space<vmem>>
        %dma_start3A_611 = arith.constant 0 : i32
        %dma_start3A_612 = tpu.memref_slice %arg7[%sub3A_440, %dma_start3A_611] : memref<160x128xi32, #tpu.memory_space<vmem>> -> memref<1x128xi32, #tpu.memory_space<vmem>>
        %dma_start3A_613 = tpu.memref_squeeze %dma_start3A_612 : memref<1x128xi32, #tpu.memory_space<vmem>> -> memref<128xi32, #tpu.memory_space<vmem>>
        %dma_start3A_614 = arith.constant 0 : i32
        %dma_start3A_615 = arith.constant 0 : i32
        %dma_start3A_616 = tpu.memref_slice %arg2[%dma_start3A_614, %dma_start3A_615] : memref<20224x64xbf16, #tpu.memory_space<hbm>> -> memref<20224x64xbf16, #tpu.memory_space<hbm>>
        tpu.enqueue_indirect_dma source(%dma_start3A_616 : memref<20224x64xbf16, #tpu.memory_space<hbm>>) target(%dma_start3A_610 : memref<128x64xbf16, #tpu.memory_space<vmem>>) offsets(%dma_start3A_613 : memref<128xi32, #tpu.memory_space<vmem>>) semaphore(%arg14 : memref<!tpu.dma_semaphore, #tpu.memory_space<semaphore_mem>>)
      } else {
      }
      %add3A_449 = arith.constant 6 : i32
      %add3A_450 = arith.addi %mul3A_235, %add3A_449 : i32
      %dma_wait3A_451 = arith.constant 6 : i32
      %dma_wait3A_452 = arith.constant 0 : i32
      %dma_wait3A_453 = arith.constant 0 : i32
      %dma_wait3A_454 = tpu.memref_slice %arg9[%dma_wait3A_451, %dma_wait3A_452, %dma_wait3A_453] : memref<10x128x64xbf16, #tpu.memory_space<vmem>> -> memref<1x128x64xbf16, #tpu.memory_space<vmem>>
      %dma_wait3A_455 = tpu.memref_squeeze %dma_wait3A_454 : memref<1x128x64xbf16, #tpu.memory_space<vmem>> -> memref<128x64xbf16, #tpu.memory_space<vmem>>
      %dma_wait3A_456 = arith.constant 0 : i32
      %dma_wait3A_457 = tpu.memref_slice %arg7[%add3A_450, %dma_wait3A_456] : memref<160x128xi32, #tpu.memory_space<vmem>> -> memref<1x128xi32, #tpu.memory_space<vmem>>
      %dma_wait3A_458 = tpu.memref_squeeze %dma_wait3A_457 : memref<1x128xi32, #tpu.memory_space<vmem>> -> memref<128xi32, #tpu.memory_space<vmem>>
      %dma_wait3A_459 = arith.constant 0 : i32
      %dma_wait3A_460 = arith.constant 0 : i32
      %dma_wait3A_461 = tpu.memref_slice %arg2[%dma_wait3A_459, %dma_wait3A_460] : memref<20224x64xbf16, #tpu.memory_space<hbm>> -> memref<20224x64xbf16, #tpu.memory_space<hbm>>
      tpu.wait_indirect_dma semaphore(%arg16 : memref<!tpu.dma_semaphore, #tpu.memory_space<semaphore_mem>>) src(%dma_wait3A_461 : memref<20224x64xbf16, #tpu.memory_space<hbm>>) dst(%dma_wait3A_455 : memref<128x64xbf16, #tpu.memory_space<vmem>>)
      %dma_start3A_462 = arith.constant 6 : i32
      %dma_start3A_463 = arith.constant 0 : i32
      %dma_start3A_464 = arith.constant 0 : i32
      %dma_start3A_465 = tpu.memref_slice %arg9[%dma_start3A_462, %dma_start3A_463, %dma_start3A_464] : memref<10x128x64xbf16, #tpu.memory_space<vmem>> -> memref<1x128x64xbf16, #tpu.memory_space<vmem>>
      %dma_start3A_466 = tpu.memref_squeeze %dma_start3A_465 : memref<1x128x64xbf16, #tpu.memory_space<vmem>> -> memref<128x64xbf16, #tpu.memory_space<vmem>>
      %dma_start3A_467 = arith.constant 0 : i32
      %dma_start3A_468 = tpu.memref_slice %arg8[%add3A_450, %dma_start3A_467] : memref<160x128xi32, #tpu.memory_space<vmem>> -> memref<1x128xi32, #tpu.memory_space<vmem>>
      %dma_start3A_469 = tpu.memref_squeeze %dma_start3A_468 : memref<1x128xi32, #tpu.memory_space<vmem>> -> memref<128xi32, #tpu.memory_space<vmem>>
      %dma_start3A_470 = arith.constant 0 : i32
      %dma_start3A_471 = arith.constant 0 : i32
      %dma_start3A_472 = tpu.memref_slice %arg30[%dma_start3A_470, %dma_start3A_471] : memref<10112x64xbf16, #tpu.memory_space<vmem_shared>> -> memref<10112x64xbf16, #tpu.memory_space<vmem_shared>>
      tpu.enqueue_indirect_dma source(%dma_start3A_466 : memref<128x64xbf16, #tpu.memory_space<vmem>>) target(%dma_start3A_472 : memref<10112x64xbf16, #tpu.memory_space<vmem_shared>>) offsets(%dma_start3A_469 : memref<128xi32, #tpu.memory_space<vmem>>) semaphore(%arg26 : memref<!tpu.dma_semaphore, #tpu.memory_space<semaphore_mem>>) {add = true}
      %add3A_473 = arith.constant 10 : i32
      %add3A_474 = arith.addi %add3A_450, %add3A_473 : i32
      %sub3A_475 = arith.constant 1 : i32
      %sub3A_476 = arith.subi %add3A_474, %sub3A_475 : i32
      %ge3A_477 = arith.constant 1 : i32
      %ge3A_478 = arith.cmpi sge, %add3A_450, %ge3A_477 : i32
      %lt3A_479 = arith.constant 160 : i32
      %lt3A_480 = arith.cmpi slt, %sub3A_476, %lt3A_479 : i32
      %and3A_481 = arith.andi %ge3A_478, %lt3A_480 : i1
      %convert_element_type3A_482 = arith.extui %and3A_481 : i1 to i32
      %cond3A_483 = arith.constant 0 : i32
      %cond3A_484 = arith.cmpi ne, %convert_element_type3A_482, %cond3A_483 : i32
      scf.if %cond3A_484 {
        %sub3A_593 = arith.constant 1 : i32
        %sub3A_594 = arith.subi %add3A_450, %sub3A_593 : i32
        %dma_wait3A_595 = arith.constant 5 : i32
        %dma_wait3A_596 = arith.constant 0 : i32
        %dma_wait3A_597 = arith.constant 0 : i32
        %dma_wait3A_598 = tpu.memref_slice %arg9[%dma_wait3A_595, %dma_wait3A_596, %dma_wait3A_597] : memref<10x128x64xbf16, #tpu.memory_space<vmem>> -> memref<1x128x64xbf16, #tpu.memory_space<vmem>>
        %dma_wait3A_599 = tpu.memref_squeeze %dma_wait3A_598 : memref<1x128x64xbf16, #tpu.memory_space<vmem>> -> memref<128x64xbf16, #tpu.memory_space<vmem>>
        %dma_wait3A_600 = arith.constant 0 : i32
        %dma_wait3A_601 = tpu.memref_slice %arg8[%sub3A_594, %dma_wait3A_600] : memref<160x128xi32, #tpu.memory_space<vmem>> -> memref<1x128xi32, #tpu.memory_space<vmem>>
        %dma_wait3A_602 = tpu.memref_squeeze %dma_wait3A_601 : memref<1x128xi32, #tpu.memory_space<vmem>> -> memref<128xi32, #tpu.memory_space<vmem>>
        %dma_wait3A_603 = arith.constant 0 : i32
        %dma_wait3A_604 = arith.constant 0 : i32
        %dma_wait3A_605 = tpu.memref_slice %arg30[%dma_wait3A_603, %dma_wait3A_604] : memref<10112x64xbf16, #tpu.memory_space<vmem_shared>> -> memref<10112x64xbf16, #tpu.memory_space<vmem_shared>>
        tpu.wait_indirect_dma semaphore(%arg25 : memref<!tpu.dma_semaphore, #tpu.memory_space<semaphore_mem>>) src(%dma_wait3A_599 : memref<128x64xbf16, #tpu.memory_space<vmem>>) dst(%dma_wait3A_605 : memref<10112x64xbf16, #tpu.memory_space<vmem_shared>>)
        %dma_start3A_606 = arith.constant 5 : i32
        %dma_start3A_607 = arith.constant 0 : i32
        %dma_start3A_608 = arith.constant 0 : i32
        %dma_start3A_609 = tpu.memref_slice %arg9[%dma_start3A_606, %dma_start3A_607, %dma_start3A_608] : memref<10x128x64xbf16, #tpu.memory_space<vmem>> -> memref<1x128x64xbf16, #tpu.memory_space<vmem>>
        %dma_start3A_610 = tpu.memref_squeeze %dma_start3A_609 : memref<1x128x64xbf16, #tpu.memory_space<vmem>> -> memref<128x64xbf16, #tpu.memory_space<vmem>>
        %dma_start3A_611 = arith.constant 0 : i32
        %dma_start3A_612 = tpu.memref_slice %arg7[%sub3A_476, %dma_start3A_611] : memref<160x128xi32, #tpu.memory_space<vmem>> -> memref<1x128xi32, #tpu.memory_space<vmem>>
        %dma_start3A_613 = tpu.memref_squeeze %dma_start3A_612 : memref<1x128xi32, #tpu.memory_space<vmem>> -> memref<128xi32, #tpu.memory_space<vmem>>
        %dma_start3A_614 = arith.constant 0 : i32
        %dma_start3A_615 = arith.constant 0 : i32
        %dma_start3A_616 = tpu.memref_slice %arg2[%dma_start3A_614, %dma_start3A_615] : memref<20224x64xbf16, #tpu.memory_space<hbm>> -> memref<20224x64xbf16, #tpu.memory_space<hbm>>
        tpu.enqueue_indirect_dma source(%dma_start3A_616 : memref<20224x64xbf16, #tpu.memory_space<hbm>>) target(%dma_start3A_610 : memref<128x64xbf16, #tpu.memory_space<vmem>>) offsets(%dma_start3A_613 : memref<128xi32, #tpu.memory_space<vmem>>) semaphore(%arg15 : memref<!tpu.dma_semaphore, #tpu.memory_space<semaphore_mem>>)
      } else {
      }
      %add3A_485 = arith.constant 7 : i32
      %add3A_486 = arith.addi %mul3A_235, %add3A_485 : i32
      %dma_wait3A_487 = arith.constant 7 : i32
      %dma_wait3A_488 = arith.constant 0 : i32
      %dma_wait3A_489 = arith.constant 0 : i32
      %dma_wait3A_490 = tpu.memref_slice %arg9[%dma_wait3A_487, %dma_wait3A_488, %dma_wait3A_489] : memref<10x128x64xbf16, #tpu.memory_space<vmem>> -> memref<1x128x64xbf16, #tpu.memory_space<vmem>>
      %dma_wait3A_491 = tpu.memref_squeeze %dma_wait3A_490 : memref<1x128x64xbf16, #tpu.memory_space<vmem>> -> memref<128x64xbf16, #tpu.memory_space<vmem>>
      %dma_wait3A_492 = arith.constant 0 : i32
      %dma_wait3A_493 = tpu.memref_slice %arg7[%add3A_486, %dma_wait3A_492] : memref<160x128xi32, #tpu.memory_space<vmem>> -> memref<1x128xi32, #tpu.memory_space<vmem>>
      %dma_wait3A_494 = tpu.memref_squeeze %dma_wait3A_493 : memref<1x128xi32, #tpu.memory_space<vmem>> -> memref<128xi32, #tpu.memory_space<vmem>>
      %dma_wait3A_495 = arith.constant 0 : i32
      %dma_wait3A_496 = arith.constant 0 : i32
      %dma_wait3A_497 = tpu.memref_slice %arg2[%dma_wait3A_495, %dma_wait3A_496] : memref<20224x64xbf16, #tpu.memory_space<hbm>> -> memref<20224x64xbf16, #tpu.memory_space<hbm>>
      tpu.wait_indirect_dma semaphore(%arg17 : memref<!tpu.dma_semaphore, #tpu.memory_space<semaphore_mem>>) src(%dma_wait3A_497 : memref<20224x64xbf16, #tpu.memory_space<hbm>>) dst(%dma_wait3A_491 : memref<128x64xbf16, #tpu.memory_space<vmem>>)
      %dma_start3A_498 = arith.constant 7 : i32
      %dma_start3A_499 = arith.constant 0 : i32
      %dma_start3A_500 = arith.constant 0 : i32
      %dma_start3A_501 = tpu.memref_slice %arg9[%dma_start3A_498, %dma_start3A_499, %dma_start3A_500] : memref<10x128x64xbf16, #tpu.memory_space<vmem>> -> memref<1x128x64xbf16, #tpu.memory_space<vmem>>
      %dma_start3A_502 = tpu.memref_squeeze %dma_start3A_501 : memref<1x128x64xbf16, #tpu.memory_space<vmem>> -> memref<128x64xbf16, #tpu.memory_space<vmem>>
      %dma_start3A_503 = arith.constant 0 : i32
      %dma_start3A_504 = tpu.memref_slice %arg8[%add3A_486, %dma_start3A_503] : memref<160x128xi32, #tpu.memory_space<vmem>> -> memref<1x128xi32, #tpu.memory_space<vmem>>
      %dma_start3A_505 = tpu.memref_squeeze %dma_start3A_504 : memref<1x128xi32, #tpu.memory_space<vmem>> -> memref<128xi32, #tpu.memory_space<vmem>>
      %dma_start3A_506 = arith.constant 0 : i32
      %dma_start3A_507 = arith.constant 0 : i32
      %dma_start3A_508 = tpu.memref_slice %arg30[%dma_start3A_506, %dma_start3A_507] : memref<10112x64xbf16, #tpu.memory_space<vmem_shared>> -> memref<10112x64xbf16, #tpu.memory_space<vmem_shared>>
      tpu.enqueue_indirect_dma source(%dma_start3A_502 : memref<128x64xbf16, #tpu.memory_space<vmem>>) target(%dma_start3A_508 : memref<10112x64xbf16, #tpu.memory_space<vmem_shared>>) offsets(%dma_start3A_505 : memref<128xi32, #tpu.memory_space<vmem>>) semaphore(%arg27 : memref<!tpu.dma_semaphore, #tpu.memory_space<semaphore_mem>>) {add = true}
      %add3A_509 = arith.constant 10 : i32
      %add3A_510 = arith.addi %add3A_486, %add3A_509 : i32
      %sub3A_511 = arith.constant 1 : i32
      %sub3A_512 = arith.subi %add3A_510, %sub3A_511 : i32
      %ge3A_513 = arith.constant 1 : i32
      %ge3A_514 = arith.cmpi sge, %add3A_486, %ge3A_513 : i32
      %lt3A_515 = arith.constant 160 : i32
      %lt3A_516 = arith.cmpi slt, %sub3A_512, %lt3A_515 : i32
      %and3A_517 = arith.andi %ge3A_514, %lt3A_516 : i1
      %convert_element_type3A_518 = arith.extui %and3A_517 : i1 to i32
      %cond3A_519 = arith.constant 0 : i32
      %cond3A_520 = arith.cmpi ne, %convert_element_type3A_518, %cond3A_519 : i32
      scf.if %cond3A_520 {
        %sub3A_593 = arith.constant 1 : i32
        %sub3A_594 = arith.subi %add3A_486, %sub3A_593 : i32
        %dma_wait3A_595 = arith.constant 6 : i32
        %dma_wait3A_596 = arith.constant 0 : i32
        %dma_wait3A_597 = arith.constant 0 : i32
        %dma_wait3A_598 = tpu.memref_slice %arg9[%dma_wait3A_595, %dma_wait3A_596, %dma_wait3A_597] : memref<10x128x64xbf16, #tpu.memory_space<vmem>> -> memref<1x128x64xbf16, #tpu.memory_space<vmem>>
        %dma_wait3A_599 = tpu.memref_squeeze %dma_wait3A_598 : memref<1x128x64xbf16, #tpu.memory_space<vmem>> -> memref<128x64xbf16, #tpu.memory_space<vmem>>
        %dma_wait3A_600 = arith.constant 0 : i32
        %dma_wait3A_601 = tpu.memref_slice %arg8[%sub3A_594, %dma_wait3A_600] : memref<160x128xi32, #tpu.memory_space<vmem>> -> memref<1x128xi32, #tpu.memory_space<vmem>>
        %dma_wait3A_602 = tpu.memref_squeeze %dma_wait3A_601 : memref<1x128xi32, #tpu.memory_space<vmem>> -> memref<128xi32, #tpu.memory_space<vmem>>
        %dma_wait3A_603 = arith.constant 0 : i32
        %dma_wait3A_604 = arith.constant 0 : i32
        %dma_wait3A_605 = tpu.memref_slice %arg30[%dma_wait3A_603, %dma_wait3A_604] : memref<10112x64xbf16, #tpu.memory_space<vmem_shared>> -> memref<10112x64xbf16, #tpu.memory_space<vmem_shared>>
        tpu.wait_indirect_dma semaphore(%arg26 : memref<!tpu.dma_semaphore, #tpu.memory_space<semaphore_mem>>) src(%dma_wait3A_599 : memref<128x64xbf16, #tpu.memory_space<vmem>>) dst(%dma_wait3A_605 : memref<10112x64xbf16, #tpu.memory_space<vmem_shared>>)
        %dma_start3A_606 = arith.constant 6 : i32
        %dma_start3A_607 = arith.constant 0 : i32
        %dma_start3A_608 = arith.constant 0 : i32
        %dma_start3A_609 = tpu.memref_slice %arg9[%dma_start3A_606, %dma_start3A_607, %dma_start3A_608] : memref<10x128x64xbf16, #tpu.memory_space<vmem>> -> memref<1x128x64xbf16, #tpu.memory_space<vmem>>
        %dma_start3A_610 = tpu.memref_squeeze %dma_start3A_609 : memref<1x128x64xbf16, #tpu.memory_space<vmem>> -> memref<128x64xbf16, #tpu.memory_space<vmem>>
        %dma_start3A_611 = arith.constant 0 : i32
        %dma_start3A_612 = tpu.memref_slice %arg7[%sub3A_512, %dma_start3A_611] : memref<160x128xi32, #tpu.memory_space<vmem>> -> memref<1x128xi32, #tpu.memory_space<vmem>>
        %dma_start3A_613 = tpu.memref_squeeze %dma_start3A_612 : memref<1x128xi32, #tpu.memory_space<vmem>> -> memref<128xi32, #tpu.memory_space<vmem>>
        %dma_start3A_614 = arith.constant 0 : i32
        %dma_start3A_615 = arith.constant 0 : i32
        %dma_start3A_616 = tpu.memref_slice %arg2[%dma_start3A_614, %dma_start3A_615] : memref<20224x64xbf16, #tpu.memory_space<hbm>> -> memref<20224x64xbf16, #tpu.memory_space<hbm>>
        tpu.enqueue_indirect_dma source(%dma_start3A_616 : memref<20224x64xbf16, #tpu.memory_space<hbm>>) target(%dma_start3A_610 : memref<128x64xbf16, #tpu.memory_space<vmem>>) offsets(%dma_start3A_613 : memref<128xi32, #tpu.memory_space<vmem>>) semaphore(%arg16 : memref<!tpu.dma_semaphore, #tpu.memory_space<semaphore_mem>>)
      } else {
      }
      %add3A_521 = arith.constant 8 : i32
      %add3A_522 = arith.addi %mul3A_235, %add3A_521 : i32
      %dma_wait3A_523 = arith.constant 8 : i32
      %dma_wait3A_524 = arith.constant 0 : i32
      %dma_wait3A_525 = arith.constant 0 : i32
      %dma_wait3A_526 = tpu.memref_slice %arg9[%dma_wait3A_523, %dma_wait3A_524, %dma_wait3A_525] : memref<10x128x64xbf16, #tpu.memory_space<vmem>> -> memref<1x128x64xbf16, #tpu.memory_space<vmem>>
      %dma_wait3A_527 = tpu.memref_squeeze %dma_wait3A_526 : memref<1x128x64xbf16, #tpu.memory_space<vmem>> -> memref<128x64xbf16, #tpu.memory_space<vmem>>
      %dma_wait3A_528 = arith.constant 0 : i32
      %dma_wait3A_529 = tpu.memref_slice %arg7[%add3A_522, %dma_wait3A_528] : memref<160x128xi32, #tpu.memory_space<vmem>> -> memref<1x128xi32, #tpu.memory_space<vmem>>
      %dma_wait3A_530 = tpu.memref_squeeze %dma_wait3A_529 : memref<1x128xi32, #tpu.memory_space<vmem>> -> memref<128xi32, #tpu.memory_space<vmem>>
      %dma_wait3A_531 = arith.constant 0 : i32
      %dma_wait3A_532 = arith.constant 0 : i32
      %dma_wait3A_533 = tpu.memref_slice %arg2[%dma_wait3A_531, %dma_wait3A_532] : memref<20224x64xbf16, #tpu.memory_space<hbm>> -> memref<20224x64xbf16, #tpu.memory_space<hbm>>
      tpu.wait_indirect_dma semaphore(%arg18 : memref<!tpu.dma_semaphore, #tpu.memory_space<semaphore_mem>>) src(%dma_wait3A_533 : memref<20224x64xbf16, #tpu.memory_space<hbm>>) dst(%dma_wait3A_527 : memref<128x64xbf16, #tpu.memory_space<vmem>>)
      %dma_start3A_534 = arith.constant 8 : i32
      %dma_start3A_535 = arith.constant 0 : i32
      %dma_start3A_536 = arith.constant 0 : i32
      %dma_start3A_537 = tpu.memref_slice %arg9[%dma_start3A_534, %dma_start3A_535, %dma_start3A_536] : memref<10x128x64xbf16, #tpu.memory_space<vmem>> -> memref<1x128x64xbf16, #tpu.memory_space<vmem>>
      %dma_start3A_538 = tpu.memref_squeeze %dma_start3A_537 : memref<1x128x64xbf16, #tpu.memory_space<vmem>> -> memref<128x64xbf16, #tpu.memory_space<vmem>>
      %dma_start3A_539 = arith.constant 0 : i32
      %dma_start3A_540 = tpu.memref_slice %arg8[%add3A_522, %dma_start3A_539] : memref<160x128xi32, #tpu.memory_space<vmem>> -> memref<1x128xi32, #tpu.memory_space<vmem>>
      %dma_start3A_541 = tpu.memref_squeeze %dma_start3A_540 : memref<1x128xi32, #tpu.memory_space<vmem>> -> memref<128xi32, #tpu.memory_space<vmem>>
      %dma_start3A_542 = arith.constant 0 : i32
      %dma_start3A_543 = arith.constant 0 : i32
      %dma_start3A_544 = tpu.memref_slice %arg30[%dma_start3A_542, %dma_start3A_543] : memref<10112x64xbf16, #tpu.memory_space<vmem_shared>> -> memref<10112x64xbf16, #tpu.memory_space<vmem_shared>>
      tpu.enqueue_indirect_dma source(%dma_start3A_538 : memref<128x64xbf16, #tpu.memory_space<vmem>>) target(%dma_start3A_544 : memref<10112x64xbf16, #tpu.memory_space<vmem_shared>>) offsets(%dma_start3A_541 : memref<128xi32, #tpu.memory_space<vmem>>) semaphore(%arg28 : memref<!tpu.dma_semaphore, #tpu.memory_space<semaphore_mem>>) {add = true}
      %add3A_545 = arith.constant 10 : i32
      %add3A_546 = arith.addi %add3A_522, %add3A_545 : i32
      %sub3A_547 = arith.constant 1 : i32
      %sub3A_548 = arith.subi %add3A_546, %sub3A_547 : i32
      %ge3A_549 = arith.constant 1 : i32
      %ge3A_550 = arith.cmpi sge, %add3A_522, %ge3A_549 : i32
      %lt3A_551 = arith.constant 160 : i32
      %lt3A_552 = arith.cmpi slt, %sub3A_548, %lt3A_551 : i32
      %and3A_553 = arith.andi %ge3A_550, %lt3A_552 : i1
      %convert_element_type3A_554 = arith.extui %and3A_553 : i1 to i32
      %cond3A_555 = arith.constant 0 : i32
      %cond3A_556 = arith.cmpi ne, %convert_element_type3A_554, %cond3A_555 : i32
      scf.if %cond3A_556 {
        %sub3A_593 = arith.constant 1 : i32
        %sub3A_594 = arith.subi %add3A_522, %sub3A_593 : i32
        %dma_wait3A_595 = arith.constant 7 : i32
        %dma_wait3A_596 = arith.constant 0 : i32
        %dma_wait3A_597 = arith.constant 0 : i32
        %dma_wait3A_598 = tpu.memref_slice %arg9[%dma_wait3A_595, %dma_wait3A_596, %dma_wait3A_597] : memref<10x128x64xbf16, #tpu.memory_space<vmem>> -> memref<1x128x64xbf16, #tpu.memory_space<vmem>>
        %dma_wait3A_599 = tpu.memref_squeeze %dma_wait3A_598 : memref<1x128x64xbf16, #tpu.memory_space<vmem>> -> memref<128x64xbf16, #tpu.memory_space<vmem>>
        %dma_wait3A_600 = arith.constant 0 : i32
        %dma_wait3A_601 = tpu.memref_slice %arg8[%sub3A_594, %dma_wait3A_600] : memref<160x128xi32, #tpu.memory_space<vmem>> -> memref<1x128xi32, #tpu.memory_space<vmem>>
        %dma_wait3A_602 = tpu.memref_squeeze %dma_wait3A_601 : memref<1x128xi32, #tpu.memory_space<vmem>> -> memref<128xi32, #tpu.memory_space<vmem>>
        %dma_wait3A_603 = arith.constant 0 : i32
        %dma_wait3A_604 = arith.constant 0 : i32
        %dma_wait3A_605 = tpu.memref_slice %arg30[%dma_wait3A_603, %dma_wait3A_604] : memref<10112x64xbf16, #tpu.memory_space<vmem_shared>> -> memref<10112x64xbf16, #tpu.memory_space<vmem_shared>>
        tpu.wait_indirect_dma semaphore(%arg27 : memref<!tpu.dma_semaphore, #tpu.memory_space<semaphore_mem>>) src(%dma_wait3A_599 : memref<128x64xbf16, #tpu.memory_space<vmem>>) dst(%dma_wait3A_605 : memref<10112x64xbf16, #tpu.memory_space<vmem_shared>>)
        %dma_start3A_606 = arith.constant 7 : i32
        %dma_start3A_607 = arith.constant 0 : i32
        %dma_start3A_608 = arith.constant 0 : i32
        %dma_start3A_609 = tpu.memref_slice %arg9[%dma_start3A_606, %dma_start3A_607, %dma_start3A_608] : memref<10x128x64xbf16, #tpu.memory_space<vmem>> -> memref<1x128x64xbf16, #tpu.memory_space<vmem>>
        %dma_start3A_610 = tpu.memref_squeeze %dma_start3A_609 : memref<1x128x64xbf16, #tpu.memory_space<vmem>> -> memref<128x64xbf16, #tpu.memory_space<vmem>>
        %dma_start3A_611 = arith.constant 0 : i32
        %dma_start3A_612 = tpu.memref_slice %arg7[%sub3A_548, %dma_start3A_611] : memref<160x128xi32, #tpu.memory_space<vmem>> -> memref<1x128xi32, #tpu.memory_space<vmem>>
        %dma_start3A_613 = tpu.memref_squeeze %dma_start3A_612 : memref<1x128xi32, #tpu.memory_space<vmem>> -> memref<128xi32, #tpu.memory_space<vmem>>
        %dma_start3A_614 = arith.constant 0 : i32
        %dma_start3A_615 = arith.constant 0 : i32
        %dma_start3A_616 = tpu.memref_slice %arg2[%dma_start3A_614, %dma_start3A_615] : memref<20224x64xbf16, #tpu.memory_space<hbm>> -> memref<20224x64xbf16, #tpu.memory_space<hbm>>
        tpu.enqueue_indirect_dma source(%dma_start3A_616 : memref<20224x64xbf16, #tpu.memory_space<hbm>>) target(%dma_start3A_610 : memref<128x64xbf16, #tpu.memory_space<vmem>>) offsets(%dma_start3A_613 : memref<128xi32, #tpu.memory_space<vmem>>) semaphore(%arg17 : memref<!tpu.dma_semaphore, #tpu.memory_space<semaphore_mem>>)
      } else {
      }
      %add3A_557 = arith.constant 9 : i32
      %add3A_558 = arith.addi %mul3A_235, %add3A_557 : i32
      %dma_wait3A_559 = arith.constant 9 : i32
      %dma_wait3A_560 = arith.constant 0 : i32
      %dma_wait3A_561 = arith.constant 0 : i32
      %dma_wait3A_562 = tpu.memref_slice %arg9[%dma_wait3A_559, %dma_wait3A_560, %dma_wait3A_561] : memref<10x128x64xbf16, #tpu.memory_space<vmem>> -> memref<1x128x64xbf16, #tpu.memory_space<vmem>>
      %dma_wait3A_563 = tpu.memref_squeeze %dma_wait3A_562 : memref<1x128x64xbf16, #tpu.memory_space<vmem>> -> memref<128x64xbf16, #tpu.memory_space<vmem>>
      %dma_wait3A_564 = arith.constant 0 : i32
      %dma_wait3A_565 = tpu.memref_slice %arg7[%add3A_558, %dma_wait3A_564] : memref<160x128xi32, #tpu.memory_space<vmem>> -> memref<1x128xi32, #tpu.memory_space<vmem>>
      %dma_wait3A_566 = tpu.memref_squeeze %dma_wait3A_565 : memref<1x128xi32, #tpu.memory_space<vmem>> -> memref<128xi32, #tpu.memory_space<vmem>>
      %dma_wait3A_567 = arith.constant 0 : i32
      %dma_wait3A_568 = arith.constant 0 : i32
      %dma_wait3A_569 = tpu.memref_slice %arg2[%dma_wait3A_567, %dma_wait3A_568] : memref<20224x64xbf16, #tpu.memory_space<hbm>> -> memref<20224x64xbf16, #tpu.memory_space<hbm>>
      tpu.wait_indirect_dma semaphore(%arg19 : memref<!tpu.dma_semaphore, #tpu.memory_space<semaphore_mem>>) src(%dma_wait3A_569 : memref<20224x64xbf16, #tpu.memory_space<hbm>>) dst(%dma_wait3A_563 : memref<128x64xbf16, #tpu.memory_space<vmem>>)
      %dma_start3A_570 = arith.constant 9 : i32
      %dma_start3A_571 = arith.constant 0 : i32
      %dma_start3A_572 = arith.constant 0 : i32
      %dma_start3A_573 = tpu.memref_slice %arg9[%dma_start3A_570, %dma_start3A_571, %dma_start3A_572] : memref<10x128x64xbf16, #tpu.memory_space<vmem>> -> memref<1x128x64xbf16, #tpu.memory_space<vmem>>
      %dma_start3A_574 = tpu.memref_squeeze %dma_start3A_573 : memref<1x128x64xbf16, #tpu.memory_space<vmem>> -> memref<128x64xbf16, #tpu.memory_space<vmem>>
      %dma_start3A_575 = arith.constant 0 : i32
      %dma_start3A_576 = tpu.memref_slice %arg8[%add3A_558, %dma_start3A_575] : memref<160x128xi32, #tpu.memory_space<vmem>> -> memref<1x128xi32, #tpu.memory_space<vmem>>
      %dma_start3A_577 = tpu.memref_squeeze %dma_start3A_576 : memref<1x128xi32, #tpu.memory_space<vmem>> -> memref<128xi32, #tpu.memory_space<vmem>>
      %dma_start3A_578 = arith.constant 0 : i32
      %dma_start3A_579 = arith.constant 0 : i32
      %dma_start3A_580 = tpu.memref_slice %arg30[%dma_start3A_578, %dma_start3A_579] : memref<10112x64xbf16, #tpu.memory_space<vmem_shared>> -> memref<10112x64xbf16, #tpu.memory_space<vmem_shared>>
      tpu.enqueue_indirect_dma source(%dma_start3A_574 : memref<128x64xbf16, #tpu.memory_space<vmem>>) target(%dma_start3A_580 : memref<10112x64xbf16, #tpu.memory_space<vmem_shared>>) offsets(%dma_start3A_577 : memref<128xi32, #tpu.memory_space<vmem>>) semaphore(%arg29 : memref<!tpu.dma_semaphore, #tpu.memory_space<semaphore_mem>>) {add = true}
      %add3A_581 = arith.constant 10 : i32
      %add3A_582 = arith.addi %add3A_558, %add3A_581 : i32
      %sub3A_583 = arith.constant 1 : i32
      %sub3A_584 = arith.subi %add3A_582, %sub3A_583 : i32
      %ge3A_585 = arith.constant 1 : i32
      %ge3A_586 = arith.cmpi sge, %add3A_558, %ge3A_585 : i32
      %lt3A_587 = arith.constant 160 : i32
      %lt3A_588 = arith.cmpi slt, %sub3A_584, %lt3A_587 : i32
      %and3A_589 = arith.andi %ge3A_586, %lt3A_588 : i1
      %convert_element_type3A_590 = arith.extui %and3A_589 : i1 to i32
      %cond3A_591 = arith.constant 0 : i32
      %cond3A_592 = arith.cmpi ne, %convert_element_type3A_590, %cond3A_591 : i32
      scf.if %cond3A_592 {
        %sub3A_593 = arith.constant 1 : i32
        %sub3A_594 = arith.subi %add3A_558, %sub3A_593 : i32
        %dma_wait3A_595 = arith.constant 8 : i32
        %dma_wait3A_596 = arith.constant 0 : i32
        %dma_wait3A_597 = arith.constant 0 : i32
        %dma_wait3A_598 = tpu.memref_slice %arg9[%dma_wait3A_595, %dma_wait3A_596, %dma_wait3A_597] : memref<10x128x64xbf16, #tpu.memory_space<vmem>> -> memref<1x128x64xbf16, #tpu.memory_space<vmem>>
        %dma_wait3A_599 = tpu.memref_squeeze %dma_wait3A_598 : memref<1x128x64xbf16, #tpu.memory_space<vmem>> -> memref<128x64xbf16, #tpu.memory_space<vmem>>
        %dma_wait3A_600 = arith.constant 0 : i32
        %dma_wait3A_601 = tpu.memref_slice %arg8[%sub3A_594, %dma_wait3A_600] : memref<160x128xi32, #tpu.memory_space<vmem>> -> memref<1x128xi32, #tpu.memory_space<vmem>>
        %dma_wait3A_602 = tpu.memref_squeeze %dma_wait3A_601 : memref<1x128xi32, #tpu.memory_space<vmem>> -> memref<128xi32, #tpu.memory_space<vmem>>
        %dma_wait3A_603 = arith.constant 0 : i32
        %dma_wait3A_604 = arith.constant 0 : i32
        %dma_wait3A_605 = tpu.memref_slice %arg30[%dma_wait3A_603, %dma_wait3A_604] : memref<10112x64xbf16, #tpu.memory_space<vmem_shared>> -> memref<10112x64xbf16, #tpu.memory_space<vmem_shared>>
        tpu.wait_indirect_dma semaphore(%arg28 : memref<!tpu.dma_semaphore, #tpu.memory_space<semaphore_mem>>) src(%dma_wait3A_599 : memref<128x64xbf16, #tpu.memory_space<vmem>>) dst(%dma_wait3A_605 : memref<10112x64xbf16, #tpu.memory_space<vmem_shared>>)
        %dma_start3A_606 = arith.constant 8 : i32
        %dma_start3A_607 = arith.constant 0 : i32
        %dma_start3A_608 = arith.constant 0 : i32
        %dma_start3A_609 = tpu.memref_slice %arg9[%dma_start3A_606, %dma_start3A_607, %dma_start3A_608] : memref<10x128x64xbf16, #tpu.memory_space<vmem>> -> memref<1x128x64xbf16, #tpu.memory_space<vmem>>
        %dma_start3A_610 = tpu.memref_squeeze %dma_start3A_609 : memref<1x128x64xbf16, #tpu.memory_space<vmem>> -> memref<128x64xbf16, #tpu.memory_space<vmem>>
        %dma_start3A_611 = arith.constant 0 : i32
        %dma_start3A_612 = tpu.memref_slice %arg7[%sub3A_584, %dma_start3A_611] : memref<160x128xi32, #tpu.memory_space<vmem>> -> memref<1x128xi32, #tpu.memory_space<vmem>>
        %dma_start3A_613 = tpu.memref_squeeze %dma_start3A_612 : memref<1x128xi32, #tpu.memory_space<vmem>> -> memref<128xi32, #tpu.memory_space<vmem>>
        %dma_start3A_614 = arith.constant 0 : i32
        %dma_start3A_615 = arith.constant 0 : i32
        %dma_start3A_616 = tpu.memref_slice %arg2[%dma_start3A_614, %dma_start3A_615] : memref<20224x64xbf16, #tpu.memory_space<hbm>> -> memref<20224x64xbf16, #tpu.memory_space<hbm>>
        tpu.enqueue_indirect_dma source(%dma_start3A_616 : memref<20224x64xbf16, #tpu.memory_space<hbm>>) target(%dma_start3A_610 : memref<128x64xbf16, #tpu.memory_space<vmem>>) offsets(%dma_start3A_613 : memref<128xi32, #tpu.memory_space<vmem>>) semaphore(%arg18 : memref<!tpu.dma_semaphore, #tpu.memory_space<semaphore_mem>>)
      } else {
      }
    }
    %scan3A_112 = arith.constant 16 : i32
    %dma_wait3A = arith.constant 0 : i32
    %dma_wait3A_113 = arith.constant 150 : i32
    %dma_wait3A_114 = arith.constant 0 : i32
    %dma_wait3A_115 = arith.constant 0 : i32
    %dma_wait3A_116 = tpu.memref_slice %arg9[%dma_wait3A, %dma_wait3A_114, %dma_wait3A_115] : memref<10x128x64xbf16, #tpu.memory_space<vmem>> -> memref<1x128x64xbf16, #tpu.memory_space<vmem>>
    %dma_wait3A_117 = tpu.memref_squeeze %dma_wait3A_116 : memref<1x128x64xbf16, #tpu.memory_space<vmem>> -> memref<128x64xbf16, #tpu.memory_space<vmem>>
    %dma_wait3A_118 = arith.constant 0 : i32
    %dma_wait3A_119 = tpu.memref_slice %arg8[%dma_wait3A_113, %dma_wait3A_118] : memref<160x128xi32, #tpu.memory_space<vmem>> -> memref<1x128xi32, #tpu.memory_space<vmem>>
    %dma_wait3A_120 = tpu.memref_squeeze %dma_wait3A_119 : memref<1x128xi32, #tpu.memory_space<vmem>> -> memref<128xi32, #tpu.memory_space<vmem>>
    %dma_wait3A_121 = arith.constant 0 : i32
    %dma_wait3A_122 = arith.constant 0 : i32
    %dma_wait3A_123 = tpu.memref_slice %arg30[%dma_wait3A_121, %dma_wait3A_122] : memref<10112x64xbf16, #tpu.memory_space<vmem_shared>> -> memref<10112x64xbf16, #tpu.memory_space<vmem_shared>>
    tpu.wait_indirect_dma semaphore(%arg20 : memref<!tpu.dma_semaphore, #tpu.memory_space<semaphore_mem>>) src(%dma_wait3A_117 : memref<128x64xbf16, #tpu.memory_space<vmem>>) dst(%dma_wait3A_123 : memref<10112x64xbf16, #tpu.memory_space<vmem_shared>>)
    %dma_wait3A_124 = arith.constant 1 : i32
    %dma_wait3A_125 = arith.constant 151 : i32
    %dma_wait3A_126 = arith.constant 0 : i32
    %dma_wait3A_127 = arith.constant 0 : i32
    %dma_wait3A_128 = tpu.memref_slice %arg9[%dma_wait3A_124, %dma_wait3A_126, %dma_wait3A_127] : memref<10x128x64xbf16, #tpu.memory_space<vmem>> -> memref<1x128x64xbf16, #tpu.memory_space<vmem>>
    %dma_wait3A_129 = tpu.memref_squeeze %dma_wait3A_128 : memref<1x128x64xbf16, #tpu.memory_space<vmem>> -> memref<128x64xbf16, #tpu.memory_space<vmem>>
    %dma_wait3A_130 = arith.constant 0 : i32
    %dma_wait3A_131 = tpu.memref_slice %arg8[%dma_wait3A_125, %dma_wait3A_130] : memref<160x128xi32, #tpu.memory_space<vmem>> -> memref<1x128xi32, #tpu.memory_space<vmem>>
    %dma_wait3A_132 = tpu.memref_squeeze %dma_wait3A_131 : memref<1x128xi32, #tpu.memory_space<vmem>> -> memref<128xi32, #tpu.memory_space<vmem>>
    %dma_wait3A_133 = arith.constant 0 : i32
    %dma_wait3A_134 = arith.constant 0 : i32
    %dma_wait3A_135 = tpu.memref_slice %arg30[%dma_wait3A_133, %dma_wait3A_134] : memref<10112x64xbf16, #tpu.memory_space<vmem_shared>> -> memref<10112x64xbf16, #tpu.memory_space<vmem_shared>>
    tpu.wait_indirect_dma semaphore(%arg21 : memref<!tpu.dma_semaphore, #tpu.memory_space<semaphore_mem>>) src(%dma_wait3A_129 : memref<128x64xbf16, #tpu.memory_space<vmem>>) dst(%dma_wait3A_135 : memref<10112x64xbf16, #tpu.memory_space<vmem_shared>>)
    %dma_wait3A_136 = arith.constant 2 : i32
    %dma_wait3A_137 = arith.constant 152 : i32
    %dma_wait3A_138 = arith.constant 0 : i32
    %dma_wait3A_139 = arith.constant 0 : i32
    %dma_wait3A_140 = tpu.memref_slice %arg9[%dma_wait3A_136, %dma_wait3A_138, %dma_wait3A_139] : memref<10x128x64xbf16, #tpu.memory_space<vmem>> -> memref<1x128x64xbf16, #tpu.memory_space<vmem>>
    %dma_wait3A_141 = tpu.memref_squeeze %dma_wait3A_140 : memref<1x128x64xbf16, #tpu.memory_space<vmem>> -> memref<128x64xbf16, #tpu.memory_space<vmem>>
    %dma_wait3A_142 = arith.constant 0 : i32
    %dma_wait3A_143 = tpu.memref_slice %arg8[%dma_wait3A_137, %dma_wait3A_142] : memref<160x128xi32, #tpu.memory_space<vmem>> -> memref<1x128xi32, #tpu.memory_space<vmem>>
    %dma_wait3A_144 = tpu.memref_squeeze %dma_wait3A_143 : memref<1x128xi32, #tpu.memory_space<vmem>> -> memref<128xi32, #tpu.memory_space<vmem>>
    %dma_wait3A_145 = arith.constant 0 : i32
    %dma_wait3A_146 = arith.constant 0 : i32
    %dma_wait3A_147 = tpu.memref_slice %arg30[%dma_wait3A_145, %dma_wait3A_146] : memref<10112x64xbf16, #tpu.memory_space<vmem_shared>> -> memref<10112x64xbf16, #tpu.memory_space<vmem_shared>>
    tpu.wait_indirect_dma semaphore(%arg22 : memref<!tpu.dma_semaphore, #tpu.memory_space<semaphore_mem>>) src(%dma_wait3A_141 : memref<128x64xbf16, #tpu.memory_space<vmem>>) dst(%dma_wait3A_147 : memref<10112x64xbf16, #tpu.memory_space<vmem_shared>>)
    %dma_wait3A_148 = arith.constant 3 : i32
    %dma_wait3A_149 = arith.constant 153 : i32
    %dma_wait3A_150 = arith.constant 0 : i32
    %dma_wait3A_151 = arith.constant 0 : i32
    %dma_wait3A_152 = tpu.memref_slice %arg9[%dma_wait3A_148, %dma_wait3A_150, %dma_wait3A_151] : memref<10x128x64xbf16, #tpu.memory_space<vmem>> -> memref<1x128x64xbf16, #tpu.memory_space<vmem>>
    %dma_wait3A_153 = tpu.memref_squeeze %dma_wait3A_152 : memref<1x128x64xbf16, #tpu.memory_space<vmem>> -> memref<128x64xbf16, #tpu.memory_space<vmem>>
    %dma_wait3A_154 = arith.constant 0 : i32
    %dma_wait3A_155 = tpu.memref_slice %arg8[%dma_wait3A_149, %dma_wait3A_154] : memref<160x128xi32, #tpu.memory_space<vmem>> -> memref<1x128xi32, #tpu.memory_space<vmem>>
    %dma_wait3A_156 = tpu.memref_squeeze %dma_wait3A_155 : memref<1x128xi32, #tpu.memory_space<vmem>> -> memref<128xi32, #tpu.memory_space<vmem>>
    %dma_wait3A_157 = arith.constant 0 : i32
    %dma_wait3A_158 = arith.constant 0 : i32
    %dma_wait3A_159 = tpu.memref_slice %arg30[%dma_wait3A_157, %dma_wait3A_158] : memref<10112x64xbf16, #tpu.memory_space<vmem_shared>> -> memref<10112x64xbf16, #tpu.memory_space<vmem_shared>>
    tpu.wait_indirect_dma semaphore(%arg23 : memref<!tpu.dma_semaphore, #tpu.memory_space<semaphore_mem>>) src(%dma_wait3A_153 : memref<128x64xbf16, #tpu.memory_space<vmem>>) dst(%dma_wait3A_159 : memref<10112x64xbf16, #tpu.memory_space<vmem_shared>>)
    %dma_wait3A_160 = arith.constant 4 : i32
    %dma_wait3A_161 = arith.constant 154 : i32
    %dma_wait3A_162 = arith.constant 0 : i32
    %dma_wait3A_163 = arith.constant 0 : i32
    %dma_wait3A_164 = tpu.memref_slice %arg9[%dma_wait3A_160, %dma_wait3A_162, %dma_wait3A_163] : memref<10x128x64xbf16, #tpu.memory_space<vmem>> -> memref<1x128x64xbf16, #tpu.memory_space<vmem>>
    %dma_wait3A_165 = tpu.memref_squeeze %dma_wait3A_164 : memref<1x128x64xbf16, #tpu.memory_space<vmem>> -> memref<128x64xbf16, #tpu.memory_space<vmem>>
    %dma_wait3A_166 = arith.constant 0 : i32
    %dma_wait3A_167 = tpu.memref_slice %arg8[%dma_wait3A_161, %dma_wait3A_166] : memref<160x128xi32, #tpu.memory_space<vmem>> -> memref<1x128xi32, #tpu.memory_space<vmem>>
    %dma_wait3A_168 = tpu.memref_squeeze %dma_wait3A_167 : memref<1x128xi32, #tpu.memory_space<vmem>> -> memref<128xi32, #tpu.memory_space<vmem>>
    %dma_wait3A_169 = arith.constant 0 : i32
    %dma_wait3A_170 = arith.constant 0 : i32
    %dma_wait3A_171 = tpu.memref_slice %arg30[%dma_wait3A_169, %dma_wait3A_170] : memref<10112x64xbf16, #tpu.memory_space<vmem_shared>> -> memref<10112x64xbf16, #tpu.memory_space<vmem_shared>>
    tpu.wait_indirect_dma semaphore(%arg24 : memref<!tpu.dma_semaphore, #tpu.memory_space<semaphore_mem>>) src(%dma_wait3A_165 : memref<128x64xbf16, #tpu.memory_space<vmem>>) dst(%dma_wait3A_171 : memref<10112x64xbf16, #tpu.memory_space<vmem_shared>>)
    %dma_wait3A_172 = arith.constant 5 : i32
    %dma_wait3A_173 = arith.constant 155 : i32
    %dma_wait3A_174 = arith.constant 0 : i32
    %dma_wait3A_175 = arith.constant 0 : i32
    %dma_wait3A_176 = tpu.memref_slice %arg9[%dma_wait3A_172, %dma_wait3A_174, %dma_wait3A_175] : memref<10x128x64xbf16, #tpu.memory_space<vmem>> -> memref<1x128x64xbf16, #tpu.memory_space<vmem>>
    %dma_wait3A_177 = tpu.memref_squeeze %dma_wait3A_176 : memref<1x128x64xbf16, #tpu.memory_space<vmem>> -> memref<128x64xbf16, #tpu.memory_space<vmem>>
    %dma_wait3A_178 = arith.constant 0 : i32
    %dma_wait3A_179 = tpu.memref_slice %arg8[%dma_wait3A_173, %dma_wait3A_178] : memref<160x128xi32, #tpu.memory_space<vmem>> -> memref<1x128xi32, #tpu.memory_space<vmem>>
    %dma_wait3A_180 = tpu.memref_squeeze %dma_wait3A_179 : memref<1x128xi32, #tpu.memory_space<vmem>> -> memref<128xi32, #tpu.memory_space<vmem>>
    %dma_wait3A_181 = arith.constant 0 : i32
    %dma_wait3A_182 = arith.constant 0 : i32
    %dma_wait3A_183 = tpu.memref_slice %arg30[%dma_wait3A_181, %dma_wait3A_182] : memref<10112x64xbf16, #tpu.memory_space<vmem_shared>> -> memref<10112x64xbf16, #tpu.memory_space<vmem_shared>>
    tpu.wait_indirect_dma semaphore(%arg25 : memref<!tpu.dma_semaphore, #tpu.memory_space<semaphore_mem>>) src(%dma_wait3A_177 : memref<128x64xbf16, #tpu.memory_space<vmem>>) dst(%dma_wait3A_183 : memref<10112x64xbf16, #tpu.memory_space<vmem_shared>>)
    %dma_wait3A_184 = arith.constant 6 : i32
    %dma_wait3A_185 = arith.constant 156 : i32
    %dma_wait3A_186 = arith.constant 0 : i32
    %dma_wait3A_187 = arith.constant 0 : i32
    %dma_wait3A_188 = tpu.memref_slice %arg9[%dma_wait3A_184, %dma_wait3A_186, %dma_wait3A_187] : memref<10x128x64xbf16, #tpu.memory_space<vmem>> -> memref<1x128x64xbf16, #tpu.memory_space<vmem>>
    %dma_wait3A_189 = tpu.memref_squeeze %dma_wait3A_188 : memref<1x128x64xbf16, #tpu.memory_space<vmem>> -> memref<128x64xbf16, #tpu.memory_space<vmem>>
    %dma_wait3A_190 = arith.constant 0 : i32
    %dma_wait3A_191 = tpu.memref_slice %arg8[%dma_wait3A_185, %dma_wait3A_190] : memref<160x128xi32, #tpu.memory_space<vmem>> -> memref<1x128xi32, #tpu.memory_space<vmem>>
    %dma_wait3A_192 = tpu.memref_squeeze %dma_wait3A_191 : memref<1x128xi32, #tpu.memory_space<vmem>> -> memref<128xi32, #tpu.memory_space<vmem>>
    %dma_wait3A_193 = arith.constant 0 : i32
    %dma_wait3A_194 = arith.constant 0 : i32
    %dma_wait3A_195 = tpu.memref_slice %arg30[%dma_wait3A_193, %dma_wait3A_194] : memref<10112x64xbf16, #tpu.memory_space<vmem_shared>> -> memref<10112x64xbf16, #tpu.memory_space<vmem_shared>>
    tpu.wait_indirect_dma semaphore(%arg26 : memref<!tpu.dma_semaphore, #tpu.memory_space<semaphore_mem>>) src(%dma_wait3A_189 : memref<128x64xbf16, #tpu.memory_space<vmem>>) dst(%dma_wait3A_195 : memref<10112x64xbf16, #tpu.memory_space<vmem_shared>>)
    %dma_wait3A_196 = arith.constant 7 : i32
    %dma_wait3A_197 = arith.constant 157 : i32
    %dma_wait3A_198 = arith.constant 0 : i32
    %dma_wait3A_199 = arith.constant 0 : i32
    %dma_wait3A_200 = tpu.memref_slice %arg9[%dma_wait3A_196, %dma_wait3A_198, %dma_wait3A_199] : memref<10x128x64xbf16, #tpu.memory_space<vmem>> -> memref<1x128x64xbf16, #tpu.memory_space<vmem>>
    %dma_wait3A_201 = tpu.memref_squeeze %dma_wait3A_200 : memref<1x128x64xbf16, #tpu.memory_space<vmem>> -> memref<128x64xbf16, #tpu.memory_space<vmem>>
    %dma_wait3A_202 = arith.constant 0 : i32
    %dma_wait3A_203 = tpu.memref_slice %arg8[%dma_wait3A_197, %dma_wait3A_202] : memref<160x128xi32, #tpu.memory_space<vmem>> -> memref<1x128xi32, #tpu.memory_space<vmem>>
    %dma_wait3A_204 = tpu.memref_squeeze %dma_wait3A_203 : memref<1x128xi32, #tpu.memory_space<vmem>> -> memref<128xi32, #tpu.memory_space<vmem>>
    %dma_wait3A_205 = arith.constant 0 : i32
    %dma_wait3A_206 = arith.constant 0 : i32
    %dma_wait3A_207 = tpu.memref_slice %arg30[%dma_wait3A_205, %dma_wait3A_206] : memref<10112x64xbf16, #tpu.memory_space<vmem_shared>> -> memref<10112x64xbf16, #tpu.memory_space<vmem_shared>>
    tpu.wait_indirect_dma semaphore(%arg27 : memref<!tpu.dma_semaphore, #tpu.memory_space<semaphore_mem>>) src(%dma_wait3A_201 : memref<128x64xbf16, #tpu.memory_space<vmem>>) dst(%dma_wait3A_207 : memref<10112x64xbf16, #tpu.memory_space<vmem_shared>>)
    %dma_wait3A_208 = arith.constant 8 : i32
    %dma_wait3A_209 = arith.constant 158 : i32
    %dma_wait3A_210 = arith.constant 0 : i32
    %dma_wait3A_211 = arith.constant 0 : i32
    %dma_wait3A_212 = tpu.memref_slice %arg9[%dma_wait3A_208, %dma_wait3A_210, %dma_wait3A_211] : memref<10x128x64xbf16, #tpu.memory_space<vmem>> -> memref<1x128x64xbf16, #tpu.memory_space<vmem>>
    %dma_wait3A_213 = tpu.memref_squeeze %dma_wait3A_212 : memref<1x128x64xbf16, #tpu.memory_space<vmem>> -> memref<128x64xbf16, #tpu.memory_space<vmem>>
    %dma_wait3A_214 = arith.constant 0 : i32
    %dma_wait3A_215 = tpu.memref_slice %arg8[%dma_wait3A_209, %dma_wait3A_214] : memref<160x128xi32, #tpu.memory_space<vmem>> -> memref<1x128xi32, #tpu.memory_space<vmem>>
    %dma_wait3A_216 = tpu.memref_squeeze %dma_wait3A_215 : memref<1x128xi32, #tpu.memory_space<vmem>> -> memref<128xi32, #tpu.memory_space<vmem>>
    %dma_wait3A_217 = arith.constant 0 : i32
    %dma_wait3A_218 = arith.constant 0 : i32
    %dma_wait3A_219 = tpu.memref_slice %arg30[%dma_wait3A_217, %dma_wait3A_218] : memref<10112x64xbf16, #tpu.memory_space<vmem_shared>> -> memref<10112x64xbf16, #tpu.memory_space<vmem_shared>>
    tpu.wait_indirect_dma semaphore(%arg28 : memref<!tpu.dma_semaphore, #tpu.memory_space<semaphore_mem>>) src(%dma_wait3A_213 : memref<128x64xbf16, #tpu.memory_space<vmem>>) dst(%dma_wait3A_219 : memref<10112x64xbf16, #tpu.memory_space<vmem_shared>>)
    %dma_wait3A_220 = arith.constant 9 : i32
    %dma_wait3A_221 = arith.constant 159 : i32
    %dma_wait3A_222 = arith.constant 0 : i32
    %dma_wait3A_223 = arith.constant 0 : i32
    %dma_wait3A_224 = tpu.memref_slice %arg9[%dma_wait3A_220, %dma_wait3A_222, %dma_wait3A_223] : memref<10x128x64xbf16, #tpu.memory_space<vmem>> -> memref<1x128x64xbf16, #tpu.memory_space<vmem>>
    %dma_wait3A_225 = tpu.memref_squeeze %dma_wait3A_224 : memref<1x128x64xbf16, #tpu.memory_space<vmem>> -> memref<128x64xbf16, #tpu.memory_space<vmem>>
    %dma_wait3A_226 = arith.constant 0 : i32
    %dma_wait3A_227 = tpu.memref_slice %arg8[%dma_wait3A_221, %dma_wait3A_226] : memref<160x128xi32, #tpu.memory_space<vmem>> -> memref<1x128xi32, #tpu.memory_space<vmem>>
    %dma_wait3A_228 = tpu.memref_squeeze %dma_wait3A_227 : memref<1x128xi32, #tpu.memory_space<vmem>> -> memref<128xi32, #tpu.memory_space<vmem>>
    %dma_wait3A_229 = arith.constant 0 : i32
    %dma_wait3A_230 = arith.constant 0 : i32
    %dma_wait3A_231 = tpu.memref_slice %arg30[%dma_wait3A_229, %dma_wait3A_230] : memref<10112x64xbf16, #tpu.memory_space<vmem_shared>> -> memref<10112x64xbf16, #tpu.memory_space<vmem_shared>>
    tpu.wait_indirect_dma semaphore(%arg29 : memref<!tpu.dma_semaphore, #tpu.memory_space<semaphore_mem>>) src(%dma_wait3A_225 : memref<128x64xbf16, #tpu.memory_space<vmem>>) dst(%dma_wait3A_231 : memref<10112x64xbf16, #tpu.memory_space<vmem_shared>>)
    %barrier3A_232 = arith.constant 0 : index
    tpu.barrier barrier_id(%barrier3A_232)
    "tpu.region"() ({
      %run_scoped3A = tpu.sem_alloc : memref<!tpu.dma_semaphore, #tpu.memory_space<semaphore_mem>>
      %dma_start3A_233 = arith.constant 0 : i32
      %dma_start3A_234 = arith.constant 0 : i32
      %dma_start3A_235 = tpu.memref_slice %arg6[%arg0, %dma_start3A_233, %dma_start3A_234] : memref<2x10112x64xbf16, #tpu.memory_space<hbm>> -> memref<1x10112x64xbf16, #tpu.memory_space<hbm>>
      %dma_start3A_236 = tpu.memref_squeeze %dma_start3A_235 : memref<1x10112x64xbf16, #tpu.memory_space<hbm>> -> memref<10112x64xbf16, #tpu.memory_space<hbm>>
      %dma_start3A_237 = arith.constant 0 : i32
      %dma_start3A_238 = tpu.memref_slice %dma_start3A_236[%mul3A_0, %dma_start3A_237] : memref<10112x64xbf16, #tpu.memory_space<hbm>> -> memref<632x64xbf16, #tpu.memory_space<hbm>>
      %dma_start3A_239 = arith.constant 0 : i32
      %dma_start3A_240 = tpu.memref_slice %arg30[%mul3A_0, %dma_start3A_239] : memref<10112x64xbf16, #tpu.memory_space<vmem_shared>> -> memref<632x64xbf16, #tpu.memory_space<vmem_shared>>
      tpu.enqueue_dma source(%dma_start3A_240 : memref<632x64xbf16, #tpu.memory_space<vmem_shared>>) target(%dma_start3A_238 : memref<632x64xbf16, #tpu.memory_space<hbm>>) target_semaphore(%run_scoped3A : memref<!tpu.dma_semaphore, #tpu.memory_space<semaphore_mem>>)
      %dma_wait3A_241 = arith.constant 0 : i32
      %dma_wait3A_242 = arith.constant 0 : i32
      %dma_wait3A_243 = tpu.memref_slice %arg6[%arg0, %dma_wait3A_241, %dma_wait3A_242] : memref<2x10112x64xbf16, #tpu.memory_space<hbm>> -> memref<1x10112x64xbf16, #tpu.memory_space<hbm>>
      %dma_wait3A_244 = tpu.memref_squeeze %dma_wait3A_243 : memref<1x10112x64xbf16, #tpu.memory_space<hbm>> -> memref<10112x64xbf16, #tpu.memory_space<hbm>>
      %dma_wait3A_245 = arith.constant 0 : i32
      %dma_wait3A_246 = tpu.memref_slice %dma_wait3A_244[%mul3A_0, %dma_wait3A_245] : memref<10112x64xbf16, #tpu.memory_space<hbm>> -> memref<632x64xbf16, #tpu.memory_space<hbm>>
      %dma_wait3A_247 = arith.constant 0 : i32
      %dma_wait3A_248 = tpu.memref_slice %arg30[%mul3A_0, %dma_wait3A_247] : memref<10112x64xbf16, #tpu.memory_space<vmem_shared>> -> memref<632x64xbf16, #tpu.memory_space<vmem_shared>>
      tpu.wait_dma2 semaphore(%run_scoped3A : memref<!tpu.dma_semaphore, #tpu.memory_space<semaphore_mem>>) src(%dma_wait3A_248 : memref<632x64xbf16, #tpu.memory_space<vmem_shared>>) dst(%dma_wait3A_246 : memref<632x64xbf16, #tpu.memory_space<hbm>>)
      tpu.yield
    }) : () -> ()
    return
  }
}

#map = affine_map<(d0, d1) -> (0, 0, 0, 0)>
#map1 = affine_map<(d0, d1) -> (0, 0)>
#map2 = affine_map<(d0, d1) -> (0, 0, 0)>
module attributes {stable_mosaic.version = 14 : i64} {
  func.func @_deg_body(%arg0: i32, %arg1: i32, %arg2: memref<2x16x80x128xi32, #tpu.memory_space<hbm>>, %arg3: memref<10112x16xf32, #tpu.memory_space<hbm>>, %arg4: memref<128x16xf32, #tpu.memory_space<hbm>>, %arg5: memref<2x10112x16xf32, #tpu.memory_space<hbm>>, %arg6: memref<80x128xi32, #tpu.memory_space<vmem>>, %arg7: memref<128x16xf32, #tpu.memory_space<vmem>>, %arg8: memref<10112x16xf32, #tpu.memory_space<vmem_shared>>) attributes {dimension_semantics = [#tpu.dimension_semantics<core_parallel>, #tpu.dimension_semantics<subcore_parallel>], iteration_bounds = array<i64: 2, 16>, scalar_prefetch = 0 : i64, scratch_operands = 3 : i64, tpu.core_type = #tpu.core_type<sc_vector_subcore>, window_params = [{transform_indices = #map}, {transform_indices = #map1}, {transform_indices = #map1}, {transform_indices = #map2}]} {
    %mul3A = arith.constant 632 : i32
    %mul3A_0 = arith.muli %arg1, %mul3A : i32
    "tpu.region"() ({
      %run_scoped3A = tpu.sem_alloc : memref<!tpu.dma_semaphore, #tpu.memory_space<semaphore_mem>>
      %dma_start3A = arith.constant 0 : i32
      %dma_start3A_7 = tpu.memref_slice %arg8[%mul3A_0, %dma_start3A] : memref<10112x16xf32, #tpu.memory_space<vmem_shared>> -> memref<632x16xf32, #tpu.memory_space<vmem_shared>>
      %dma_start3A_8 = arith.constant 0 : i32
      %dma_start3A_9 = tpu.memref_slice %arg3[%mul3A_0, %dma_start3A_8] : memref<10112x16xf32, #tpu.memory_space<hbm>> -> memref<632x16xf32, #tpu.memory_space<hbm>>
      tpu.enqueue_dma source(%dma_start3A_9 : memref<632x16xf32, #tpu.memory_space<hbm>>) target(%dma_start3A_7 : memref<632x16xf32, #tpu.memory_space<vmem_shared>>) target_semaphore(%run_scoped3A : memref<!tpu.dma_semaphore, #tpu.memory_space<semaphore_mem>>)
      %dma_wait3A = arith.constant 0 : i32
      %dma_wait3A_10 = tpu.memref_slice %arg8[%mul3A_0, %dma_wait3A] : memref<10112x16xf32, #tpu.memory_space<vmem_shared>> -> memref<632x16xf32, #tpu.memory_space<vmem_shared>>
      %dma_wait3A_11 = arith.constant 0 : i32
      %dma_wait3A_12 = tpu.memref_slice %arg3[%mul3A_0, %dma_wait3A_11] : memref<10112x16xf32, #tpu.memory_space<hbm>> -> memref<632x16xf32, #tpu.memory_space<hbm>>
      tpu.wait_dma2 semaphore(%run_scoped3A : memref<!tpu.dma_semaphore, #tpu.memory_space<semaphore_mem>>) src(%dma_wait3A_12 : memref<632x16xf32, #tpu.memory_space<hbm>>) dst(%dma_wait3A_10 : memref<632x16xf32, #tpu.memory_space<vmem_shared>>)
      tpu.yield
    }) : () -> ()
    "tpu.region"() ({
      %run_scoped3A = tpu.sem_alloc : memref<!tpu.dma_semaphore, #tpu.memory_space<semaphore_mem>>
      %dma_start3A = arith.constant 0 : i32
      %dma_start3A_7 = arith.constant 0 : i32
      %dma_start3A_8 = tpu.memref_slice %arg2[%arg0, %arg1, %dma_start3A, %dma_start3A_7] : memref<2x16x80x128xi32, #tpu.memory_space<hbm>> -> memref<1x1x80x128xi32, #tpu.memory_space<hbm>>
      %dma_start3A_9 = tpu.memref_squeeze %dma_start3A_8 : memref<1x1x80x128xi32, #tpu.memory_space<hbm>> -> memref<80x128xi32, #tpu.memory_space<hbm>>
      %dma_start3A_10 = arith.constant 0 : i32
      %dma_start3A_11 = arith.constant 0 : i32
      %dma_start3A_12 = tpu.memref_slice %arg2[%arg0, %arg1, %dma_start3A_10, %dma_start3A_11] : memref<2x16x80x128xi32, #tpu.memory_space<hbm>> -> memref<1x1x80x128xi32, #tpu.memory_space<hbm>>
      %dma_start3A_13 = tpu.memref_squeeze %dma_start3A_12 : memref<1x1x80x128xi32, #tpu.memory_space<hbm>> -> memref<80x128xi32, #tpu.memory_space<hbm>>
      tpu.enqueue_dma source(%dma_start3A_13 : memref<80x128xi32, #tpu.memory_space<hbm>>) target(%arg6 : memref<80x128xi32, #tpu.memory_space<vmem>>) target_semaphore(%run_scoped3A : memref<!tpu.dma_semaphore, #tpu.memory_space<semaphore_mem>>)
      %dma_wait3A = arith.constant 0 : i32
      %dma_wait3A_14 = arith.constant 0 : i32
      %dma_wait3A_15 = tpu.memref_slice %arg2[%arg0, %arg1, %dma_wait3A, %dma_wait3A_14] : memref<2x16x80x128xi32, #tpu.memory_space<hbm>> -> memref<1x1x80x128xi32, #tpu.memory_space<hbm>>
      %dma_wait3A_16 = tpu.memref_squeeze %dma_wait3A_15 : memref<1x1x80x128xi32, #tpu.memory_space<hbm>> -> memref<80x128xi32, #tpu.memory_space<hbm>>
      %dma_wait3A_17 = arith.constant 0 : i32
      %dma_wait3A_18 = arith.constant 0 : i32
      %dma_wait3A_19 = tpu.memref_slice %arg2[%arg0, %arg1, %dma_wait3A_17, %dma_wait3A_18] : memref<2x16x80x128xi32, #tpu.memory_space<hbm>> -> memref<1x1x80x128xi32, #tpu.memory_space<hbm>>
      %dma_wait3A_20 = tpu.memref_squeeze %dma_wait3A_19 : memref<1x1x80x128xi32, #tpu.memory_space<hbm>> -> memref<80x128xi32, #tpu.memory_space<hbm>>
      tpu.wait_dma2 semaphore(%run_scoped3A : memref<!tpu.dma_semaphore, #tpu.memory_space<semaphore_mem>>) src(%dma_wait3A_20 : memref<80x128xi32, #tpu.memory_space<hbm>>) dst(%arg6 : memref<80x128xi32, #tpu.memory_space<vmem>>)
      tpu.yield
    }) : () -> ()
    "tpu.region"() ({
      %run_scoped3A = tpu.sem_alloc : memref<!tpu.dma_semaphore, #tpu.memory_space<semaphore_mem>>
      tpu.enqueue_dma source(%arg4 : memref<128x16xf32, #tpu.memory_space<hbm>>) target(%arg7 : memref<128x16xf32, #tpu.memory_space<vmem>>) target_semaphore(%run_scoped3A : memref<!tpu.dma_semaphore, #tpu.memory_space<semaphore_mem>>)
      tpu.wait_dma2 semaphore(%run_scoped3A : memref<!tpu.dma_semaphore, #tpu.memory_space<semaphore_mem>>) src(%arg4 : memref<128x16xf32, #tpu.memory_space<hbm>>) dst(%arg7 : memref<128x16xf32, #tpu.memory_space<vmem>>)
      tpu.yield
    }) : () -> ()
    %barrier3A = arith.constant 0 : index
    tpu.barrier barrier_id(%barrier3A)
    %scan3A = arith.constant 0 : i32
    %scan3A_1 = arith.constant 0 : i32
    %scan3A_2 = arith.constant 80 : i32
    %scan3A_3 = arith.addi %scan3A_1, %scan3A_2 : i32
    %scan3A_4 = arith.constant 1 : i32
    scf.for %scan3A_7 = %scan3A_1 to %scan3A_3 step %scan3A_4  : i32 {
      "tpu.region"() ({
        %run_scoped3A = tpu.sem_alloc : memref<!tpu.dma_semaphore, #tpu.memory_space<semaphore_mem>>
        %dma_start3A = arith.constant 0 : i32
        %dma_start3A_8 = tpu.memref_slice %arg6[%scan3A_7, %dma_start3A] : memref<80x128xi32, #tpu.memory_space<vmem>> -> memref<1x128xi32, #tpu.memory_space<vmem>>
        %dma_start3A_9 = tpu.memref_squeeze %dma_start3A_8 : memref<1x128xi32, #tpu.memory_space<vmem>> -> memref<128xi32, #tpu.memory_space<vmem>>
        %dma_start3A_10 = arith.constant 0 : i32
        %dma_start3A_11 = arith.constant 0 : i32
        %dma_start3A_12 = tpu.memref_slice %arg8[%dma_start3A_10, %dma_start3A_11] : memref<10112x16xf32, #tpu.memory_space<vmem_shared>> -> memref<10112x16xf32, #tpu.memory_space<vmem_shared>>
        tpu.enqueue_indirect_dma source(%arg7 : memref<128x16xf32, #tpu.memory_space<vmem>>) target(%dma_start3A_12 : memref<10112x16xf32, #tpu.memory_space<vmem_shared>>) offsets(%dma_start3A_9 : memref<128xi32, #tpu.memory_space<vmem>>) semaphore(%run_scoped3A : memref<!tpu.dma_semaphore, #tpu.memory_space<semaphore_mem>>) {add = true}
        %dma_wait3A = arith.constant 0 : i32
        %dma_wait3A_13 = tpu.memref_slice %arg6[%scan3A_7, %dma_wait3A] : memref<80x128xi32, #tpu.memory_space<vmem>> -> memref<1x128xi32, #tpu.memory_space<vmem>>
        %dma_wait3A_14 = tpu.memref_squeeze %dma_wait3A_13 : memref<1x128xi32, #tpu.memory_space<vmem>> -> memref<128xi32, #tpu.memory_space<vmem>>
        %dma_wait3A_15 = arith.constant 0 : i32
        %dma_wait3A_16 = arith.constant 0 : i32
        %dma_wait3A_17 = tpu.memref_slice %arg8[%dma_wait3A_15, %dma_wait3A_16] : memref<10112x16xf32, #tpu.memory_space<vmem_shared>> -> memref<10112x16xf32, #tpu.memory_space<vmem_shared>>
        tpu.wait_indirect_dma semaphore(%run_scoped3A : memref<!tpu.dma_semaphore, #tpu.memory_space<semaphore_mem>>) src(%arg7 : memref<128x16xf32, #tpu.memory_space<vmem>>) dst(%dma_wait3A_17 : memref<10112x16xf32, #tpu.memory_space<vmem_shared>>)
        tpu.yield
      }) : () -> ()
    }
    %scan3A_5 = arith.constant 80 : i32
    %barrier3A_6 = arith.constant 0 : index
    tpu.barrier barrier_id(%barrier3A_6)
    "tpu.region"() ({
      %run_scoped3A = tpu.sem_alloc : memref<!tpu.dma_semaphore, #tpu.memory_space<semaphore_mem>>
      %dma_start3A = arith.constant 0 : i32
      %dma_start3A_7 = arith.constant 0 : i32
      %dma_start3A_8 = tpu.memref_slice %arg5[%arg0, %dma_start3A, %dma_start3A_7] : memref<2x10112x16xf32, #tpu.memory_space<hbm>> -> memref<1x10112x16xf32, #tpu.memory_space<hbm>>
      %dma_start3A_9 = tpu.memref_squeeze %dma_start3A_8 : memref<1x10112x16xf32, #tpu.memory_space<hbm>> -> memref<10112x16xf32, #tpu.memory_space<hbm>>
      %dma_start3A_10 = arith.constant 0 : i32
      %dma_start3A_11 = tpu.memref_slice %dma_start3A_9[%mul3A_0, %dma_start3A_10] : memref<10112x16xf32, #tpu.memory_space<hbm>> -> memref<632x16xf32, #tpu.memory_space<hbm>>
      %dma_start3A_12 = arith.constant 0 : i32
      %dma_start3A_13 = tpu.memref_slice %arg8[%mul3A_0, %dma_start3A_12] : memref<10112x16xf32, #tpu.memory_space<vmem_shared>> -> memref<632x16xf32, #tpu.memory_space<vmem_shared>>
      tpu.enqueue_dma source(%dma_start3A_13 : memref<632x16xf32, #tpu.memory_space<vmem_shared>>) target(%dma_start3A_11 : memref<632x16xf32, #tpu.memory_space<hbm>>) target_semaphore(%run_scoped3A : memref<!tpu.dma_semaphore, #tpu.memory_space<semaphore_mem>>)
      %dma_wait3A = arith.constant 0 : i32
      %dma_wait3A_14 = arith.constant 0 : i32
      %dma_wait3A_15 = tpu.memref_slice %arg5[%arg0, %dma_wait3A, %dma_wait3A_14] : memref<2x10112x16xf32, #tpu.memory_space<hbm>> -> memref<1x10112x16xf32, #tpu.memory_space<hbm>>
      %dma_wait3A_16 = tpu.memref_squeeze %dma_wait3A_15 : memref<1x10112x16xf32, #tpu.memory_space<hbm>> -> memref<10112x16xf32, #tpu.memory_space<hbm>>
      %dma_wait3A_17 = arith.constant 0 : i32
      %dma_wait3A_18 = tpu.memref_slice %dma_wait3A_16[%mul3A_0, %dma_wait3A_17] : memref<10112x16xf32, #tpu.memory_space<hbm>> -> memref<632x16xf32, #tpu.memory_space<hbm>>
      %dma_wait3A_19 = arith.constant 0 : i32
      %dma_wait3A_20 = tpu.memref_slice %arg8[%mul3A_0, %dma_wait3A_19] : memref<10112x16xf32, #tpu.memory_space<vmem_shared>> -> memref<632x16xf32, #tpu.memory_space<vmem_shared>>
      tpu.wait_dma2 semaphore(%run_scoped3A : memref<!tpu.dma_semaphore, #tpu.memory_space<semaphore_mem>>) src(%dma_wait3A_20 : memref<632x16xf32, #tpu.memory_space<vmem_shared>>) dst(%dma_wait3A_18 : memref<632x16xf32, #tpu.memory_space<hbm>>)
      tpu.yield
    }) : () -> ()
    return
  }
}

module attributes {stable_mosaic.version = 14 : i64} {
  func.func @_t0_body(%arg0: memref<10112x128xf32, #tpu.memory_space<vmem>>, %arg1: memref<128x128xf32, #tpu.memory_space<vmem>>, %arg2: memref<2x10112x16xf32, #tpu.memory_space<vmem>>, %arg3: memref<2x10112x64xbf16, #tpu.memory_space<vmem>>, %arg4: memref<10112x128xf32, #tpu.memory_space<vmem>>) attributes {dimension_semantics = [], scalar_prefetch = 0 : i64, scratch_operands = 0 : i64, tpu.core_type = #tpu.core_type<tc>} {
    %get3A = arith.constant 0 : index
    %get3A_0 = arith.constant 0 : index
    %get3A_1 = arith.constant 0 : index
    %get3A_2 = vector.load %arg2[%get3A, %get3A_0, %get3A_1] : memref<2x10112x16xf32, #tpu.memory_space<vmem>>, vector<1x10112x1xf32>
    %get3A_3 = vector.shape_cast %get3A_2 : vector<1x10112x1xf32> to vector<10112x1xf32>
    %add3A = arith.constant 1.000000e+00 : f32
    %add3A_4 = vector.broadcast %add3A : f32 to vector<10112x1xf32>
    %add3A_5 = arith.addf %add3A_4, %get3A_3 : vector<10112x1xf32>
    %get3A_6 = arith.constant 1 : index
    %get3A_7 = arith.constant 0 : index
    %get3A_8 = arith.constant 0 : index
    %get3A_9 = vector.load %arg2[%get3A_6, %get3A_7, %get3A_8] : memref<2x10112x16xf32, #tpu.memory_space<vmem>>, vector<1x10112x1xf32>
    %get3A_10 = vector.shape_cast %get3A_9 : vector<1x10112x1xf32> to vector<10112x1xf32>
    %add3A_11 = arith.addf %add3A_5, %get3A_10 : vector<10112x1xf32>
    %rsqrt3A = math.rsqrt %add3A_11 : vector<10112x1xf32>
    %get3A_12 = arith.constant 0 : index
    %get3A_13 = arith.constant 0 : index
    %get3A_14 = vector.load %arg0[%get3A_12, %get3A_13] : memref<10112x128xf32, #tpu.memory_space<vmem>>, vector<10112x128xf32>
    %get3A_15 = arith.constant 0 : index
    %get3A_16 = arith.constant 0 : index
    %get3A_17 = vector.load %arg1[%get3A_15, %get3A_16] : memref<128x128xf32, #tpu.memory_space<vmem>>, vector<128x128xf32>
    %dot_general3A = arith.constant dense<0.000000e+00> : vector<10112x128xf32>
    %dot_general3A_18 = tpu.matmul %get3A_14, %get3A_17, %dot_general3A {dimension_numbers = #tpu.dot_dimension_numbers<[1], [0], [0], [1], [0, 0, 1, 1], [], []>, transpose_lhs_hint = false} : vector<10112x128xf32>, vector<128x128xf32>, vector<10112x128xf32> -> vector<10112x128xf32>
    %swap3A = arith.constant 0 : index
    %swap3A_19 = arith.constant 0 : index
    %swap3A_20 = vector.load %arg4[%swap3A, %swap3A_19] : memref<10112x128xf32, #tpu.memory_space<vmem>>, vector<10112x128xf32>
    tpu.vector_store %arg4[%swap3A, %swap3A_19], %dot_general3A_18 {strides = array<i32>} : memref<10112x128xf32, #tpu.memory_space<vmem>>, vector<10112x128xf32>,
    %mul3A = vector.broadcast %rsqrt3A : vector<10112x1xf32> to vector<10112x128xf32>
    %mul3A_21 = arith.mulf %mul3A, %dot_general3A_18 : vector<10112x128xf32>
    %convert_element_type3A = arith.truncf %mul3A_21 : vector<10112x128xf32> to vector<10112x128xbf16>
    %slice3A = vector.extract_strided_slice %convert_element_type3A {offsets = [0, 0], sizes = [10112, 64], strides = [1, 1]} : vector<10112x128xbf16> to vector<10112x64xbf16>
    %swap3A_22 = arith.constant 0 : index
    %swap3A_23 = arith.constant 0 : index
    %swap3A_24 = arith.constant 0 : index
    %swap3A_25 = vector.load %arg3[%swap3A_22, %swap3A_23, %swap3A_24] : memref<2x10112x64xbf16, #tpu.memory_space<vmem>>, vector<1x10112x64xbf16>
    %swap3A_26 = vector.shape_cast %swap3A_25 : vector<1x10112x64xbf16> to vector<10112x64xbf16>
    %swap3A_27 = vector.shape_cast %slice3A : vector<10112x64xbf16> to vector<1x10112x64xbf16>
    tpu.vector_store %arg3[%swap3A_22, %swap3A_23, %swap3A_24], %swap3A_27 {strides = array<i32>} : memref<2x10112x64xbf16, #tpu.memory_space<vmem>>, vector<1x10112x64xbf16>,
    %slice3A_28 = vector.extract_strided_slice %convert_element_type3A {offsets = [0, 64], sizes = [10112, 64], strides = [1, 1]} : vector<10112x128xbf16> to vector<10112x64xbf16>
    %swap3A_29 = arith.constant 1 : index
    %swap3A_30 = arith.constant 0 : index
    %swap3A_31 = arith.constant 0 : index
    %swap3A_32 = vector.load %arg3[%swap3A_29, %swap3A_30, %swap3A_31] : memref<2x10112x64xbf16, #tpu.memory_space<vmem>>, vector<1x10112x64xbf16>
    %swap3A_33 = vector.shape_cast %swap3A_32 : vector<1x10112x64xbf16> to vector<10112x64xbf16>
    %swap3A_34 = vector.shape_cast %slice3A_28 : vector<10112x64xbf16> to vector<1x10112x64xbf16>
    tpu.vector_store %arg3[%swap3A_29, %swap3A_30, %swap3A_31], %swap3A_34 {strides = array<i32>} : memref<2x10112x64xbf16, #tpu.memory_space<vmem>>, vector<1x10112x64xbf16>,
    return
  }
}

module attributes {stable_mosaic.version = 14 : i64} {
  func.func @_mid_body(%arg0: memref<2x10112x64xbf16, #tpu.memory_space<vmem>>, %arg1: memref<10112x128xf32, #tpu.memory_space<vmem>>, %arg2: memref<2x10112x16xf32, #tpu.memory_space<vmem>>, %arg3: memref<128x128xf32, #tpu.memory_space<vmem>>, %arg4: memref<1x128xf32, #tpu.memory_space<vmem>>, %arg5: memref<2x10112x64xbf16, #tpu.memory_space<vmem>>, %arg6: memref<10112x128xf32, #tpu.memory_space<vmem>>) attributes {dimension_semantics = [], scalar_prefetch = 0 : i64, scratch_operands = 0 : i64, tpu.core_type = #tpu.core_type<tc>} {
    %get3A = arith.constant 0 : index
    %get3A_0 = arith.constant 0 : index
    %get3A_1 = arith.constant 0 : index
    %get3A_2 = vector.load %arg2[%get3A, %get3A_0, %get3A_1] : memref<2x10112x16xf32, #tpu.memory_space<vmem>>, vector<1x10112x1xf32>
    %get3A_3 = vector.shape_cast %get3A_2 : vector<1x10112x1xf32> to vector<10112x1xf32>
    %add3A = arith.constant 1.000000e+00 : f32
    %add3A_4 = vector.broadcast %add3A : f32 to vector<10112x1xf32>
    %add3A_5 = arith.addf %add3A_4, %get3A_3 : vector<10112x1xf32>
    %get3A_6 = arith.constant 1 : index
    %get3A_7 = arith.constant 0 : index
    %get3A_8 = arith.constant 0 : index
    %get3A_9 = vector.load %arg2[%get3A_6, %get3A_7, %get3A_8] : memref<2x10112x16xf32, #tpu.memory_space<vmem>>, vector<1x10112x1xf32>
    %get3A_10 = vector.shape_cast %get3A_9 : vector<1x10112x1xf32> to vector<10112x1xf32>
    %add3A_11 = arith.addf %add3A_5, %get3A_10 : vector<10112x1xf32>
    %rsqrt3A = math.rsqrt %add3A_11 : vector<10112x1xf32>
    %get3A_12 = arith.constant 0 : index
    %get3A_13 = arith.constant 0 : index
    %get3A_14 = arith.constant 0 : index
    %get3A_15 = vector.load %arg0[%get3A_12, %get3A_13, %get3A_14] : memref<2x10112x64xbf16, #tpu.memory_space<vmem>>, vector<1x10112x64xbf16>
    %get3A_16 = vector.shape_cast %get3A_15 : vector<1x10112x64xbf16> to vector<10112x64xbf16>
    %get3A_17 = arith.constant 1 : index
    %get3A_18 = arith.constant 0 : index
    %get3A_19 = arith.constant 0 : index
    %get3A_20 = vector.load %arg0[%get3A_17, %get3A_18, %get3A_19] : memref<2x10112x64xbf16, #tpu.memory_space<vmem>>, vector<1x10112x64xbf16>
    %get3A_21 = vector.shape_cast %get3A_20 : vector<1x10112x64xbf16> to vector<10112x64xbf16>
    %concatenate3A = tpu.concatenate %get3A_16, %get3A_21 in 1 : vector<10112x64xbf16>, vector<10112x64xbf16> -> vector<10112x128xbf16>
    %convert_element_type3A = arith.extf %concatenate3A : vector<10112x128xbf16> to vector<10112x128xf32>
    %mul3A = vector.broadcast %rsqrt3A : vector<10112x1xf32> to vector<10112x128xf32>
    %mul3A_22 = arith.mulf %mul3A, %convert_element_type3A : vector<10112x128xf32>
    %mul3A_23 = arith.mulf %rsqrt3A, %rsqrt3A : vector<10112x1xf32>
    %get3A_24 = arith.constant 0 : index
    %get3A_25 = arith.constant 0 : index
    %get3A_26 = vector.load %arg1[%get3A_24, %get3A_25] : memref<10112x128xf32, #tpu.memory_space<vmem>>, vector<10112x128xf32>
    %mul3A_27 = vector.broadcast %mul3A_23 : vector<10112x1xf32> to vector<10112x128xf32>
    %mul3A_28 = arith.mulf %mul3A_27, %get3A_26 : vector<10112x128xf32>
    %add3A_29 = arith.addf %mul3A_22, %mul3A_28 : vector<10112x128xf32>
    %get3A_30 = arith.constant 0 : index
    %get3A_31 = arith.constant 0 : index
    %get3A_32 = vector.load %arg4[%get3A_30, %get3A_31] : memref<1x128xf32, #tpu.memory_space<vmem>>, vector<1x128xf32>
    %add3A_33 = vector.broadcast %get3A_32 : vector<1x128xf32> to vector<10112x128xf32>
    %add3A_34 = arith.addf %add3A_29, %add3A_33 : vector<10112x128xf32>
    %max3A = arith.constant 0.000000e+00 : f32
    %max3A_35 = vector.broadcast %max3A : f32 to vector<10112x128xf32>
    %max3A_36 = arith.maximumf %add3A_34, %max3A_35 : vector<10112x128xf32>
    %iota3A = tpu.iota {dimensions = array<i32: 0>} : vector<10112x1xi32>
    %lt3A = arith.constant 10000 : i32
    %lt3A_37 = vector.broadcast %lt3A : i32 to vector<10112x1xi32>
    %lt3A_38 = arith.cmpi slt, %iota3A, %lt3A_37 : vector<10112x1xi32>
    %jit3A = arith.constant 0.000000e+00 : f32
    %broadcast_in_dim3A = vector.shape_cast %lt3A_38 : vector<10112x1xi1> to vector<10112x1xi1>
    %broadcast_in_dim3A_39 = vector.broadcast %broadcast_in_dim3A : vector<10112x1xi1> to vector<10112x128xi1>
    %broadcast_in_dim3A_40 = vector.broadcast %jit3A : f32 to vector<10112x128xf32>
    %select_n3A = arith.select %broadcast_in_dim3A_39, %max3A_36, %broadcast_in_dim3A_40 : vector<10112x128xi1>, vector<10112x128xf32>
    %get3A_41 = arith.constant 0 : index
    %get3A_42 = arith.constant 0 : index
    %get3A_43 = vector.load %arg3[%get3A_41, %get3A_42] : memref<128x128xf32, #tpu.memory_space<vmem>>, vector<128x128xf32>
    %dot_general3A = arith.constant dense<0.000000e+00> : vector<10112x128xf32>
    %dot_general3A_44 = tpu.matmul %select_n3A, %get3A_43, %dot_general3A {dimension_numbers = #tpu.dot_dimension_numbers<[1], [0], [0], [1], [0, 0, 1, 1], [], []>, transpose_lhs_hint = false} : vector<10112x128xf32>, vector<128x128xf32>, vector<10112x128xf32> -> vector<10112x128xf32>
    %swap3A = arith.constant 0 : index
    %swap3A_45 = arith.constant 0 : index
    %swap3A_46 = vector.load %arg6[%swap3A, %swap3A_45] : memref<10112x128xf32, #tpu.memory_space<vmem>>, vector<10112x128xf32>
    tpu.vector_store %arg6[%swap3A, %swap3A_45], %dot_general3A_44 {strides = array<i32>} : memref<10112x128xf32, #tpu.memory_space<vmem>>, vector<10112x128xf32>,
    %mul3A_47 = vector.broadcast %rsqrt3A : vector<10112x1xf32> to vector<10112x128xf32>
    %mul3A_48 = arith.mulf %mul3A_47, %dot_general3A_44 : vector<10112x128xf32>
    %convert_element_type3A_49 = arith.truncf %mul3A_48 : vector<10112x128xf32> to vector<10112x128xbf16>
    %slice3A = vector.extract_strided_slice %convert_element_type3A_49 {offsets = [0, 0], sizes = [10112, 64], strides = [1, 1]} : vector<10112x128xbf16> to vector<10112x64xbf16>
    %swap3A_50 = arith.constant 0 : index
    %swap3A_51 = arith.constant 0 : index
    %swap3A_52 = arith.constant 0 : index
    %swap3A_53 = vector.load %arg5[%swap3A_50, %swap3A_51, %swap3A_52] : memref<2x10112x64xbf16, #tpu.memory_space<vmem>>, vector<1x10112x64xbf16>
    %swap3A_54 = vector.shape_cast %swap3A_53 : vector<1x10112x64xbf16> to vector<10112x64xbf16>
    %swap3A_55 = vector.shape_cast %slice3A : vector<10112x64xbf16> to vector<1x10112x64xbf16>
    tpu.vector_store %arg5[%swap3A_50, %swap3A_51, %swap3A_52], %swap3A_55 {strides = array<i32>} : memref<2x10112x64xbf16, #tpu.memory_space<vmem>>, vector<1x10112x64xbf16>,
    %slice3A_56 = vector.extract_strided_slice %convert_element_type3A_49 {offsets = [0, 64], sizes = [10112, 64], strides = [1, 1]} : vector<10112x128xbf16> to vector<10112x64xbf16>
    %swap3A_57 = arith.constant 1 : index
    %swap3A_58 = arith.constant 0 : index
    %swap3A_59 = arith.constant 0 : index
    %swap3A_60 = vector.load %arg5[%swap3A_57, %swap3A_58, %swap3A_59] : memref<2x10112x64xbf16, #tpu.memory_space<vmem>>, vector<1x10112x64xbf16>
    %swap3A_61 = vector.shape_cast %swap3A_60 : vector<1x10112x64xbf16> to vector<10112x64xbf16>
    %swap3A_62 = vector.shape_cast %slice3A_56 : vector<10112x64xbf16> to vector<1x10112x64xbf16>
    tpu.vector_store %arg5[%swap3A_57, %swap3A_58, %swap3A_59], %swap3A_62 {strides = array<i32>} : memref<2x10112x64xbf16, #tpu.memory_space<vmem>>, vector<1x10112x64xbf16>,
    return
  }
}

module attributes {stable_mosaic.version = 14 : i64} {
  func.func @_t2_body(%arg0: memref<2x10112x64xbf16, #tpu.memory_space<vmem>>, %arg1: memref<10112x128xf32, #tpu.memory_space<vmem>>, %arg2: memref<2x10112x16xf32, #tpu.memory_space<vmem>>, %arg3: memref<1x128xf32, #tpu.memory_space<vmem>>, %arg4: memref<128x5xf32, #tpu.memory_space<vmem>>, %arg5: memref<1x5xf32, #tpu.memory_space<vmem>>, %arg6: memref<1x5xf32, #tpu.memory_space<vmem>>) attributes {dimension_semantics = [], scalar_prefetch = 0 : i64, scratch_operands = 0 : i64, tpu.core_type = #tpu.core_type<tc>} {
    %get3A = arith.constant 0 : index
    %get3A_0 = arith.constant 0 : index
    %get3A_1 = arith.constant 0 : index
    %get3A_2 = vector.load %arg2[%get3A, %get3A_0, %get3A_1] : memref<2x10112x16xf32, #tpu.memory_space<vmem>>, vector<1x10112x1xf32>
    %get3A_3 = vector.shape_cast %get3A_2 : vector<1x10112x1xf32> to vector<10112x1xf32>
    %add3A = arith.constant 1.000000e+00 : f32
    %add3A_4 = vector.broadcast %add3A : f32 to vector<10112x1xf32>
    %add3A_5 = arith.addf %add3A_4, %get3A_3 : vector<10112x1xf32>
    %get3A_6 = arith.constant 1 : index
    %get3A_7 = arith.constant 0 : index
    %get3A_8 = arith.constant 0 : index
    %get3A_9 = vector.load %arg2[%get3A_6, %get3A_7, %get3A_8] : memref<2x10112x16xf32, #tpu.memory_space<vmem>>, vector<1x10112x1xf32>
    %get3A_10 = vector.shape_cast %get3A_9 : vector<1x10112x1xf32> to vector<10112x1xf32>
    %add3A_11 = arith.addf %add3A_5, %get3A_10 : vector<10112x1xf32>
    %rsqrt3A = math.rsqrt %add3A_11 : vector<10112x1xf32>
    %get3A_12 = arith.constant 0 : index
    %get3A_13 = arith.constant 0 : index
    %get3A_14 = arith.constant 0 : index
    %get3A_15 = vector.load %arg0[%get3A_12, %get3A_13, %get3A_14] : memref<2x10112x64xbf16, #tpu.memory_space<vmem>>, vector<1x10112x64xbf16>
    %get3A_16 = vector.shape_cast %get3A_15 : vector<1x10112x64xbf16> to vector<10112x64xbf16>
    %get3A_17 = arith.constant 1 : index
    %get3A_18 = arith.constant 0 : index
    %get3A_19 = arith.constant 0 : index
    %get3A_20 = vector.load %arg0[%get3A_17, %get3A_18, %get3A_19] : memref<2x10112x64xbf16, #tpu.memory_space<vmem>>, vector<1x10112x64xbf16>
    %get3A_21 = vector.shape_cast %get3A_20 : vector<1x10112x64xbf16> to vector<10112x64xbf16>
    %concatenate3A = tpu.concatenate %get3A_16, %get3A_21 in 1 : vector<10112x64xbf16>, vector<10112x64xbf16> -> vector<10112x128xbf16>
    %convert_element_type3A = arith.extf %concatenate3A : vector<10112x128xbf16> to vector<10112x128xf32>
    %mul3A = vector.broadcast %rsqrt3A : vector<10112x1xf32> to vector<10112x128xf32>
    %mul3A_22 = arith.mulf %mul3A, %convert_element_type3A : vector<10112x128xf32>
    %mul3A_23 = arith.mulf %rsqrt3A, %rsqrt3A : vector<10112x1xf32>
    %get3A_24 = arith.constant 0 : index
    %get3A_25 = arith.constant 0 : index
    %get3A_26 = vector.load %arg1[%get3A_24, %get3A_25] : memref<10112x128xf32, #tpu.memory_space<vmem>>, vector<10112x128xf32>
    %mul3A_27 = vector.broadcast %mul3A_23 : vector<10112x1xf32> to vector<10112x128xf32>
    %mul3A_28 = arith.mulf %mul3A_27, %get3A_26 : vector<10112x128xf32>
    %add3A_29 = arith.addf %mul3A_22, %mul3A_28 : vector<10112x128xf32>
    %get3A_30 = arith.constant 0 : index
    %get3A_31 = arith.constant 0 : index
    %get3A_32 = vector.load %arg3[%get3A_30, %get3A_31] : memref<1x128xf32, #tpu.memory_space<vmem>>, vector<1x128xf32>
    %add3A_33 = vector.broadcast %get3A_32 : vector<1x128xf32> to vector<10112x128xf32>
    %add3A_34 = arith.addf %add3A_29, %add3A_33 : vector<10112x128xf32>
    %max3A = arith.constant 0.000000e+00 : f32
    %max3A_35 = vector.broadcast %max3A : f32 to vector<10112x128xf32>
    %max3A_36 = arith.maximumf %add3A_34, %max3A_35 : vector<10112x128xf32>
    %iota3A = tpu.iota {dimensions = array<i32: 0>} : vector<10112x1xi32>
    %lt3A = arith.constant 10000 : i32
    %lt3A_37 = vector.broadcast %lt3A : i32 to vector<10112x1xi32>
    %lt3A_38 = arith.cmpi slt, %iota3A, %lt3A_37 : vector<10112x1xi32>
    %jit3A = arith.constant 0.000000e+00 : f32
    %broadcast_in_dim3A = vector.shape_cast %lt3A_38 : vector<10112x1xi1> to vector<10112x1xi1>
    %broadcast_in_dim3A_39 = vector.broadcast %broadcast_in_dim3A : vector<10112x1xi1> to vector<10112x128xi1>
    %broadcast_in_dim3A_40 = vector.broadcast %jit3A : f32 to vector<10112x128xf32>
    %select_n3A = arith.select %broadcast_in_dim3A_39, %max3A_36, %broadcast_in_dim3A_40 : vector<10112x128xi1>, vector<10112x128xf32>
    %reduce_sum3A = arith.constant dense<0.000000e+00> : vector<128xf32>
    %reduce_sum3A_41 = vector.multi_reduction <add>, %select_n3A, %reduce_sum3A [0] : vector<10112x128xf32> to vector<128xf32>
    %broadcast_in_dim3A_42 = vector.shape_cast %reduce_sum3A_41 : vector<128xf32> to vector<1x128xf32>
    %mul3A_43 = arith.constant 9.99999974E-5 : f32
    %mul3A_44 = vector.broadcast %mul3A_43 : f32 to vector<1x128xf32>
    %mul3A_45 = arith.mulf %broadcast_in_dim3A_42, %mul3A_44 : vector<1x128xf32>
    %get3A_46 = arith.constant 0 : index
    %get3A_47 = arith.constant 0 : index
    %get3A_48 = vector.load %arg4[%get3A_46, %get3A_47] : memref<128x5xf32, #tpu.memory_space<vmem>>, vector<128x5xf32>
    %dot_general3A = arith.constant dense<0.000000e+00> : vector<1x5xf32>
    %dot_general3A_49 = tpu.matmul %mul3A_45, %get3A_48, %dot_general3A {dimension_numbers = #tpu.dot_dimension_numbers<[1], [0], [0], [1], [0, 0, 1, 1], [], []>, transpose_lhs_hint = false} : vector<1x128xf32>, vector<128x5xf32>, vector<1x5xf32> -> vector<1x5xf32>
    %get3A_50 = arith.constant 0 : index
    %get3A_51 = arith.constant 0 : index
    %get3A_52 = vector.load %arg5[%get3A_50, %get3A_51] : memref<1x5xf32, #tpu.memory_space<vmem>>, vector<1x5xf32>
    %add3A_53 = arith.addf %dot_general3A_49, %get3A_52 : vector<1x5xf32>
    %reduce_max3A = arith.constant dense<0xFF800000> : vector<1xf32>
    %reduce_max3A_54 = vector.multi_reduction <maximumf>, %add3A_53, %reduce_max3A [1] : vector<1x5xf32> to vector<1xf32>
    %broadcast_in_dim3A_55 = vector.shape_cast %reduce_max3A_54 : vector<1xf32> to vector<1x1xf32>
    %sub3A = vector.broadcast %broadcast_in_dim3A_55 : vector<1x1xf32> to vector<1x5xf32>
    %sub3A_56 = arith.subf %add3A_53, %sub3A : vector<1x5xf32>
    %exp3A = math.exp %sub3A_56 : vector<1x5xf32>
    %reduce_sum3A_57 = arith.constant dense<0.000000e+00> : vector<1xf32>
    %reduce_sum3A_58 = vector.multi_reduction <add>, %exp3A, %reduce_sum3A_57 [1] : vector<1x5xf32> to vector<1xf32>
    %broadcast_in_dim3A_59 = vector.shape_cast %reduce_sum3A_58 : vector<1xf32> to vector<1x1xf32>
    %log3A = math.log %broadcast_in_dim3A_59 : vector<1x1xf32>
    %sub3A_60 = vector.broadcast %broadcast_in_dim3A_55 : vector<1x1xf32> to vector<1x5xf32>
    %sub3A_61 = arith.subf %add3A_53, %sub3A_60 : vector<1x5xf32>
    %sub3A_62 = vector.broadcast %log3A : vector<1x1xf32> to vector<1x5xf32>
    %sub3A_63 = arith.subf %sub3A_61, %sub3A_62 : vector<1x5xf32>
    %swap3A = arith.constant 0 : index
    %swap3A_64 = arith.constant 0 : index
    %swap3A_65 = vector.load %arg6[%swap3A, %swap3A_64] : memref<1x5xf32, #tpu.memory_space<vmem>>, vector<1x5xf32>
    tpu.vector_store %arg6[%swap3A, %swap3A_64], %sub3A_63 {strides = array<i32>} : memref<1x5xf32, #tpu.memory_space<vmem>>, vector<1x5xf32>,
    return
  }
}

</mosaic_0001>

<sc_bundles>
// kernel: kernel.11.cloned.1.call-start
scs
__scs_entry_jumppad:
0x0: {  	(pc) =	sbr.rel $0x88, $3  }
0x1: {  	(tag) =	ssettag $0x0;
	lr =	simm.s32 $0x1  }
0x2: {  	[smem:$0x3F99] =	sst lr;
	_ =	strace $0xD0000000  }
0x3: {  	_ = 	snop  }
0x4: {  	_ = 	snop  }
0x5: {  	_ = 	snop  }
0x6: {  	_ = 	snop  }
0x7: {  	_ = 	snop  }
__scs_overlays_trampoline_lowered:
0x8: {  	[smem:$0x3FA8] =	sst s0  }
0x9: {  	[smem:$0x3FA9] =	sst s1  }
0xa: {  	[smem:$0x3FAA] =	sst s2  }
0xb: {  	[smem:$0x3FAB] =	sst s3  }
0xc: {  	[smem:$0x3FAC] =	sst s4  }
0xd: {  	[smem:$0x3FAD] =	sst s5  }
0xe: {  	[smem:$0x3FAE] =	sst s6  }
0xf: {  	[smem:$0x3FAF] =	sst s7  }
0x10: {  	[smem:$0x3FB0] =	sst s8  }
0x11: {  	[smem:$0x3FB1] =	sst s9;
	s0 =	simm.s32 @!p0 $0x0  }
0x12: {  	s1 =	sld [smem:$0x3F97];
	s0 =	simm.s32 @p0 $0x1  }
0x13: {  	[smem:$0x3FB2] =	sst s0;
	s0 =	simm.s32 @!p1 $0x0  }
0x14: {  	s2 =	sld [smem:$0x3F96];
	s0 =	simm.s32 @p1 $0x1  }
0x15: {  	[smem:$0x3FB3] =	sst s0;
	s0 =	simm.s32 @!p2 $0x0  }
0x16: {  	s3 =	sld [smem:$0x3FDB];
	s0 =	simm.s32 @p2 $0x1  }
0x17: {  	s4 =	simm.s32 $0x1BF5;
	[smem:$0x3FB5] =	sst s0  }
0x18: {  	s0 =	sld [smem:$0x3F98];
	_ =	swait.ge [sflag:s4], $0x0  }
0x19: {  	s7 =	sld [smem:$0x3F99]  }
0x1a: {  	s8 =	sadd.s32 $0xFFFFE003, lr  }
0x1b: {  	s9 =	sadd.s32 $0xFFFFFEF7, lr;
	s5 =	simm.s32 $0xFFFFFFFF;
	p2 =	slt.u32 s8, $0xFFFFF086  }
0x1c: {  	p1 =	slt.u32 s9, $0xF7A;
	s5 =	simm.s32 @!p2 $0x0  }
0x1d: {  	s5 =	simm.s32 @p1 $0x1;
	p0 =	seq.s32 s7, s2  }
0x1e: {  	s7 =	smul.u32 @!p0 $0xF7A, s2;
	p2 =	seq.s32 @!p0 s5, $0x0  }
0x1f: {  	s9 =	smul.u32 $0xF7A, s1;
	s8 =	simm.s32 @!p0 $0x1BF5;
	p2 =	por !p2, p0  }
0x20: {  	[sflag:s8] =	ssyncset.s32 @!p0 $0xFFFFF086;
	s6 =	sadd.s32 @!p0 s3, s7;
	s7 =	simm.s32 @!p0 $0x108  }
0x21: {  	s3 =	sadd.s32 s3, s9;
	s6 =	sadd.s32 @!p0 $0x88, s6;
	s7 =	simm.s32 @p2 $0x1082  }
0x22: {  	[simem:s7], [sflag:s8] =	dma.local @!p0 [hbm:s6], $0xF7A  }
0x23: {  	s9 =	sor.u32 $0xD0000000, s2;
	s6 =	simm.s32 $0x108;
	_ =	swait.ge @!p0 [sflag:s8], $0x0  }
0x24: {  	s3 =	sadd.s32 $0x88, s3;
	s6 =	simm.s32 @!p1 $0x1082;
	[sflag:s4] =	ssyncset.s32 $0xFFFFF086  }
0x25: {  	[simem:s6], [sflag:s4] =	dma.local [hbm:s3], $0xF7A  }
0x26: {  	[smem:$0x3F99] =	sst s1;
	(tag) =	ssettag s2;
	_ =	strace s9  }
0x27: {  	s1 =	sld [smem:$0x3FA9]  }
0x28: {  	s2 =	sld [smem:$0x3FAA]  }
0x29: {  	s4 =	sld [smem:$0x3FAC]  }
0x2a: {  	p0 =	seq.s32 s5, $0x0;
	s5 =	sld [smem:$0x3FAD]  }
0x2b: {  	s6 =	sld [smem:$0x3FAE]  }
0x2c: {  	s7 =	sld [smem:$0x3FAF]  }
0x2d: {  	s3 =	simm.s32 $0x108;
	s8 =	sld [smem:$0x3FB0]  }
0x2e: {  	s3 =	simm.s32 @!p0 $0x1082;
	s9 =	sld [smem:$0x3FB1]  }
0x2f: {  	lr =	sadd.s32 s0, s3;
	s0 =	sld [smem:$0x3FA8]  }
0x30: {  	s3 =	sld [smem:$0x3FAB]  }
0x31: {  	[smem:$0x3FB4] =	sst s10  }
0x32: {  	s10 =	sld [smem:$0x3FB2];
	_ =	sdelay $0x3  }
0x33: {  	p0 =	seq.s32 s10, $0x1;
	s10 =	sld [smem:$0x3FB4];
	_ =	sdelay $0x3  }
0x34: {  	[smem:$0x3FB4] =	sst s10  }
0x35: {  	s10 =	sld [smem:$0x3FB3];
	_ =	sdelay $0x3  }
0x36: {  	p1 =	seq.s32 s10, $0x1;
	s10 =	sld [smem:$0x3FB4];
	_ =	sdelay $0x3  }
0x37: {  	[smem:$0x3FB4] =	sst s10  }
0x38: {  	s10 =	sld [smem:$0x3FB5]  }
0x39: {  	_ = 	snop;
	(pc) =	sbr.ind lr, $3  }
0x3a: {  	_ = 	snop  }
0x3b: {  	_ = 	snop  }
0x3c: {  	p2 =	seq.s32 s10, $0x1;
	s10 =	sld [smem:$0x3FB4]  }
0x3d: {  	_ =	shalt  }
0x3e: {  	_ =	shalt  }
0x3f: {  	_ =	shalt  }
0x40: {  	_ =	shalt  }
0x41: {  	_ =	shalt  }
0x42: {  	_ =	shalt  }
0x43: {  	_ =	shalt  }
0x44: {  	_ =	shalt  }
0x45: {  	_ =	shalt  }
0x46: {  	_ =	shalt  }
0x47: {  	_ =	shalt  }
0x48: {  	_ =	shalt  }
0x49: {  	_ =	shalt  }
0x4a: {  	_ =	shalt  }
0x4b: {  	_ =	shalt  }
0x4c: {  	_ =	shalt  }
0x4d: {  	_ =	shalt  }
0x4e: {  	_ =	shalt  }
0x4f: {  	_ =	shalt  }
0x50: {  	_ =	shalt  }
0x51: {  	_ =	shalt  }
0x52: {  	_ =	shalt  }
0x53: {  	_ =	shalt  }
0x54: {  	_ =	shalt  }
0x55: {  	_ =	shalt  }
0x56: {  	_ =	shalt  }
0x57: {  	_ =	shalt  }
0x58: {  	_ =	shalt  }
0x59: {  	_ =	shalt  }
0x5a: {  	_ =	shalt  }
0x5b: {  	_ =	shalt  }
0x5c: {  	_ =	shalt  }
0x5d: {  	_ =	shalt  }
0x5e: {  	_ =	shalt  }
0x5f: {  	_ =	shalt  }
0x60: {  	_ =	shalt  }
0x61: {  	_ =	shalt  }
0x62: {  	_ =	shalt  }
0x63: {  	_ =	shalt  }
0x64: {  	_ =	shalt  }
0x65: {  	_ =	shalt  }
0x66: {  	_ =	shalt  }
0x67: {  	_ =	shalt  }
0x68: {  	_ =	shalt  }
0x69: {  	_ =	shalt  }
0x6a: {  	_ =	shalt  }
0x6b: {  	_ =	shalt  }
0x6c: {  	_ =	shalt  }
0x6d: {  	_ =	shalt  }
0x6e: {  	_ =	shalt  }
0x6f: {  	_ =	shalt  }
0x70: {  	_ =	shalt  }
0x71: {  	_ =	shalt  }
0x72: {  	_ =	shalt  }
0x73: {  	_ =	shalt  }
0x74: {  	_ =	shalt  }
0x75: {  	_ =	shalt  }
0x76: {  	_ =	shalt  }
0x77: {  	_ =	shalt  }
0x78: {  	_ =	shalt  }
0x79: {  	_ =	shalt  }
0x7a: {  	_ =	shalt  }
0x7b: {  	_ =	shalt  }
0x7c: {  	_ =	shalt  }
0x7d: {  	_ =	shalt  }
0x7e: {  	_ =	shalt  }
0x7f: {  	_ =	shalt  }
0x80: {  	_ =	shalt  }
0x81: {  	_ =	shalt  }
0x82: {  	_ =	shalt  }
0x83: {  	_ =	shalt  }
0x84: {  	_ =	shalt  }
0x85: {  	_ =	shalt  }
0x86: {  	_ =	shalt  }
0x87: {  	_ =	shalt  }
.Lfunc_end0:
.L_simem_size_0:
called_computation.1_lowered:
.L_overlay_start_0:
0x88: {  	s2 =	sld [smem:$0x3FD9]  }
0x89: {  	s3 =	sld [smem:$0x3FFE];
	_ =	sdelay $0x1  }
0x8a: {  	s1 =	srdreg.scid  }
0x8b: {  	s0 =	sand.u32 $0x1, s1  }
0x8c: {  	s16 =	sshll.u32 s0, $0xA;
	s2 =	sadd.s32 s3, s2  }
0x8d: {  	s2 =	sadd.s32 s2, s16  }
0x8e: {  	[smem:$0x3FC0] =	sst s2  }
0x8f: {  	_ = 	snop  }
0x90: {  	(tm) =	ssettm $0x1  }
0x91: {  	s17 =	sld [smem:$0x3FFB];
	_ =	sdelay $0x3  }
0x92: {  	_ =	strace s17  }
0x93: {  	s2 =	sld [smem:$0x3FFC];
	_ =	sdelay $0x3  }
0x94: {  	_ =	strace s2  }
0x95: {  	s2 =	sld [smem:$0x3FFD];
	_ =	sdelay $0x3  }
0x96: {  	_ =	strace s2  }
0x97: {  	_ =	strace $0x8FFFFFFF  }
0x98: {  	s18 =	sld [smem:$0x3FDB];
	_ =	sdelay $0x1  }
0x99: {  	s19 =	simm.s32 $_scs_section_size  }
0x9a: {  	s4 =	simm.s32 $_size__tile_overlayer_lowered;
	s5 =	simm.s32 $_tile_overlayer_lowered  }
0x9b: {  	s22 =	simm.s32 $0x1BFF;
	s21 =	sshll.u32 s5, $0x1;
	s2 =	sadd.s32 s19, s18  }
0x9c: {  	s6 =	simm.s32 $0x0;
	s20 =	sshll.u32 s4, $0x1;
	s4 =	sadd.s32 s21, s2  }
0x9d: {  	[timem:s6], [sflag:s22] =	dma.local [hbm:s4], s20  }
0x9e: {  	_ =	swait.ge [sflag:s22], s20  }
0x9f: {  	s3 =	ssub.s32 $0x0, s20;
	[sflag:s22] =	ssyncset.done $0x0  }
0xa0: {  	[sflag:s22] =	ssyncadd.s32 s3;
	_ =	sdelay $0x1  }
0xa1: {  	s23 =	simm.s32 $0x1B8B  }
0xa2: {  	_ =	swait.ge [sflag:s23], $0x1  }
0xa3: {  	[sflag:s23] =	ssyncset.done $0x0  }
0xa4: {  	s25 =	simm.s32 $0x1B8E;
	s24 =	sld [smem:$0x3FFE];
	[sflag:s23] =	ssyncadd.s32 $0xFFFFFFFF  }
0xa5: {  	s26 =	simm.s32 $execute0_lowered;
	[smem:$0x3FD2] =	sst s25  }
0xa6: {  	s4 =	sshll.u32 s26, $0x1;
	_ =	strace $0x80000049;
	[dreg:$0x1] =	wrdreg $0xFFFFFFFF  }
0xa7: {  	s28 =	simm.s32 $_size_execute0_lowered;
	s2 =	sadd.s32 s2, s4;
	[dreg:$0x0] =	wrdreg $0x0  }
0xa8: {  	s4 =	sshll.u32 s28, $0x1;
	[dreg:$0x2] =	wrdreg s2  }
0xa9: {  	[dreg:$0x3] =	wrdreg s4  }
0xaa: {  	[dreg:$0x4] =	wrdreg $0xC0  }
0xab: {  	_ =	task [dreg:s6], $0x5FFFF  }
0xac: {  	[dreg:$0x1] =	wrdreg $0xFFFFFFFF  }
0xad: {  	[dreg:$0x0] =	wrdreg $0x60  }
0xae: {  	[dreg:$0x2] =	wrdreg s24  }
0xaf: {  	[dreg:$0x3] =	wrdreg $0x140000  }
0xb0: {  	[dreg:$0x4] =	wrdreg $0x9  }
0xb1: {  	_ =	task.clear_ibuf [dreg:s6], $0x5FFFF;
	_ =	strace $0x90000049  }
0xb2: {  	s29 =	simm.s32 $0x9;
	_ =	strace $0x8000004B  }
0xb3: {  	_ =	swait.ge [sflag:s29], $0x1  }
0xb4: {  	[sflag:s29] =	ssyncadd.s32 $0xFFFFFFFF  }
0xb5: {  	_ =	strace $0x9000004B  }
0xb6: {  	_ =	sfence  }
0xb7: {  	s30 =	sld [smem:$0x0];
	_ =	sdelay $0x2  }
0xb8: {  	s31 =	sshll.u32 s1, $0xD;
	s1 =	sshrl.u32 s1, $0x2  }
0xb9: {  	s3 =	sand.u32 $0x4000, s31;
	s1 =	sadd.s32 s1, s30  }
0xba: {  	s0 =	sor.u32 s3, s0;
	s1 =	sshll.u32 s1, $0x11  }
0xbb: {  	s0 =	sor.u32 s1, s0  }
0xbc: {  	s0 =	sadd.s32 $0x8F2B, s0  }
0xbd: {  	[sflag:s0] =	ssyncadd.remote.s32 $0x1  }
0xbe: {  	_ =	sfence.sel $0xFFFF  }
0xbf: {  	[dreg:$0x0] =	wrdreg $0xFFFFFFFF;
	(pc) =	sbr.abs _section_cstart, $3  }
0xc0: {  	[dreg:$0x1] =	wrdreg $0xFFFFFFFF  }
0xc1: {  	_ =	task.clear_ibuf [dreg:s6], $0x2FFFF;
	_ =	strace $0x9FFFFFFF  }
0xc2: {  	(tm) =	ssettm $0x7FFFFFFF  }
0xc3: {  	_ =	shalt  }
tec
execute0_lowered:
.L_overlay_start_1:
0x0: {  	(tag) =	ssettag $0x1  }
0x1: {  	s0 =	srdreg.scid;
	s3 =	rddreg [dreg:$0x0]  }
0x2: {  	s10 =	stileid.u32;
	s2 =	rddreg [dreg:$0x1];
	s5 =	simm.s32 $0x0  }
0x3: {  	s11 =	simm.s32 $0x15;
	s13 =	simm.s32 $0x80;
	s14 =	simm.s32 $0xA000  }
0x4: {  	s15 =	simm.s32 $0xB000;
	s19 =	simm.s32 $0xD000;
	s29 =	simm.s32 $0x11000  }
0x5: {  	s31 =	simm.s32 $0x12000;
	s12 =	simm.s32 $0x2;
	s16 =	simm.s32 $0x4  }
0x6: {  	s17 =	simm.s32 $0x6;
	s18 =	simm.s32 $0x8;
	s1 =	smul.u32 $0x5000, s10  }
0x7: {  	s20 =	simm.s32 $0xA;
	s0 =	sand.u32 $0x1, s0;
	s6 =	smul.u32 $0x9E00, s10  }
0x8: {  	[smem:$0x7FF] =	sst s5;
	s26 =	sshll.u32 s10, $0x6;
	s4 =	smul.u32 $0x50000, s0  }
0x9: {  	_ =	strace $0x8000004A;
	s8 =	smul.u32 $0x9E00, s0;
	s0 =	ssub.s32 $0x2, s0  }
0xa: {  	s7 =	sshrl.u32 s6, $0x4;
	s24 =	sshrl.u32 s0, $0x1;
	s6 =	sshrl.u32 s6, $0x1  }
0xb: {  	s4 =	sadd.s32 s1, s4;
	s1 =	sshrl.u32 s1, $0x3;
	s9 =	sadd.s32 s7, s3  }
0xc: {  	s0 =	ssub.s32 s0, s24;
	s25 =	sadd.s32 s6, s2;
	s6 =	sor.u32 $0x1C15, s26  }
0xd: {  	s24 =	simm.s32 $0x0;
	s23 =	sshrl.u32 s4, $0x3;
	s4 =	sadd.s32 $0x88600, s3  }
0xe: {  	s1 =	sadd.s32 s1, s3;
	s9 =	sadd.s32 $0x1B800, s9;
	s0 =	smax.u32 s0, $0x1  }
0xf: {  	s10 =	sshrl.u32 s25, $0x3;
	s5 =	sadd.s32 s23, s3;
	s3 =	sadd.s32 s8, s3  }
.Ltmp0:
0x10: {  	[dreg:$0x3] =	wrdreg s9;
	s1 =	sadd.s32 $0x2800, s1;
	(pc) =	sbr.rel .LBB2_1-.Ltmp0, $4  }
0x11: {  	[dreg:$0x6] =	wrdreg s0;
	s23 =	simm.s32 $0xF000;
	s0 =	simm.s32 $0x13000  }
0x12: {  	s5 =	sadd.s32 $0x25600, s5;
	[dreg:$0x5] =	wrdreg s1;
	s28 =	sadd.s32 $0x9C200, s3  }
0x13: {  	s8 =	simm.s32 $0x13;
	[dreg:$0x4] =	wrdreg s5;
	s30 =	sadd.s32 s7, s28  }
0x14: {  	s9 =	simm.s32 $0x14;
	s1 =	simm.s32 $0x1;
	[dreg:$0x7] =	wrdreg s30  }
.LBB2_4:
0x15: {  	s3 =	simm.s32 $0xB  }
0x16: {  	_ =	swait.ge [sflag:s3], $0x1000  }
0x17: {  	[sflag:s3] =	ssyncset.done $0x0  }
0x18: {  	s30 =	simm.s32 $0xC;
	[sflag:s3] =	ssyncadd.s32 $0xFFFFF000  }
0x19: {  	_ =	swait.ge [sflag:s30], $0x1000  }
0x1a: {  	[sflag:s30] =	ssyncset.done $0x0  }
0x1b: {  	s5 =	simm.s32 $0xD;
	[sflag:s30] =	ssyncadd.s32 $0xFFFFF000  }
0x1c: {  	_ =	swait.ge [sflag:s5], $0x1000  }
0x1d: {  	[sflag:s5] =	ssyncset.done $0x0  }
0x1e: {  	s7 =	simm.s32 $0xE;
	[sflag:s5] =	ssyncadd.s32 $0xFFFFF000  }
0x1f: {  	_ =	swait.ge [sflag:s7], $0x1000  }
0x20: {  	[sflag:s7] =	ssyncset.done $0x0  }
0x21: {  	s21 =	simm.s32 $0xF;
	[sflag:s7] =	ssyncadd.s32 $0xFFFFF000  }
0x22: {  	_ =	swait.ge [sflag:s21], $0x1000  }
0x23: {  	[sflag:s21] =	ssyncset.done $0x0  }
0x24: {  	s22 =	simm.s32 $0x10;
	[sflag:s21] =	ssyncadd.s32 $0xFFFFF000  }
0x25: {  	_ =	swait.ge [sflag:s22], $0x1000  }
0x26: {  	[sflag:s22] =	ssyncset.done $0x0  }
0x27: {  	s25 =	simm.s32 $0x11;
	[sflag:s22] =	ssyncadd.s32 $0xFFFFF000  }
0x28: {  	_ =	swait.ge [sflag:s25], $0x1000  }
0x29: {  	[sflag:s25] =	ssyncset.done $0x0  }
0x2a: {  	s26 =	simm.s32 $0x12;
	[sflag:s25] =	ssyncadd.s32 $0xFFFFF000  }
0x2b: {  	_ =	swait.ge [sflag:s26], $0x1000  }
0x2c: {  	[sflag:s26] =	ssyncset.done $0x0  }
0x2d: {  	[sflag:s26] =	ssyncadd.s32 $0xFFFFF000  }
0x2e: {  	_ =	swait.ge [sflag:s8], $0x1000  }
0x2f: {  	[sflag:s8] =	ssyncset.done $0x0  }
0x30: {  	[sflag:s8] =	ssyncadd.s32 $0xFFFFF000  }
0x31: {  	_ =	swait.ge [sflag:s9], $0x1000  }
0x32: {  	[sflag:s9] =	ssyncset.done $0x0  }
0x33: {  	[sflag:s9] =	ssyncadd.s32 $0xFFFFF000  }
0x34: {  	[bflag:$0x0] =	sbarrier.arrive $0xFFFF  }
0x35: {  	s28 =	rddreg [dreg:$0x7]  }
0x36: {  	[hbm:s28], [sflag:s6] =	dma.local [spmem:s10], $0x9E0  }
0x37: {  	_ =	swait.ge [sflag:s11], $0x9E0  }
0x38: {  	s24 =	sadd.s32 $0x1, s24;
	s30 =	rddreg [dreg:$0x6]  }
0x39: {  	p0 =	sne.s32 s24, s30  }
.Ltmp1:
0x3a: {  	_ = 	snop;
	(pc) =	sbr.rel @!p0 .LBB2_5-.Ltmp1, $3  }
0x3b: {  	_ =	sdelay $0x1  }
0x3c: {  	[sflag:s11] =	ssyncset.done $0x0  }
0x3d: {  	[sflag:s11] =	ssyncadd.s32 $0xFFFFF620  }
.LBB2_1:
0x3e: {  	s3 =	rddreg [dreg:$0x3]  }
0x3f: {  	[spmem:s10], [sflag:s6] =	dma.local [hbm:s3], $0x9E0  }
0x40: {  	_ =	swait.ge [sflag:s11], $0x9E0  }
0x41: {  	[sflag:s11] =	ssyncset.done $0x0  }
0x42: {  	s25 =	simm.s32 $0x0;
	s5 =	rddreg [dreg:$0x4];
	[sflag:s11] =	ssyncadd.s32 $0xFFFFF620  }
0x43: {  	[tilespmem:s25], [sflag:$0x15] =	stream.linear.gather [hbm4b:s5+s25], $0x5000, $0x38;
	[tilespmem:$0x18F00] =	vst v63  }
0x44: {  	_ =	swait.ge [sflag:s11], $0x5000  }
0x45: {  	[sflag:s11] =	ssyncset.done $0x0  }
0x46: {  	s7 =	simm.s32 $0x5000;
	s26 =	rddreg [dreg:$0x5];
	[sflag:s11] =	ssyncadd.s32 $0xFFFFB000  }
0x47: {  	[tilespmem:s7], [sflag:$0x15] =	stream.linear.gather [hbm4b:s26+s25], $0x5000, $0x38;
	[tilespmem:$0x18F00] =	vst v63  }
0x48: {  	_ =	swait.ge [sflag:s11], $0x5000  }
0x49: {  	[sflag:s11] =	ssyncset.done $0x0  }
0x4a: {  	[sflag:s11] =	ssyncadd.s32 $0xFFFFB000  }
0x4b: {  	[bflag:$0x0] =	sbarrier.arrive $0xFFFF  }
0x4c: {  	[tilespmem:s14], [sflag:$0x1] =	stream.indirect.gather [hbm4b:s4+s13], $0x20, s25, s13, $0xb8;
	[tilespmem:$0x18F00] =	vst v63  }
0x4d: {  	_ = 	snop  }
0x4e: {  	[tilespmem:s15], [sflag:$0x2] =	stream.indirect.gather [hbm4b:s4+s13], $0x20, s13, s13, $0xb8;
	[tilespmem:$0x18F00] =	vst v63  }
0x4f: {  	s28 =	simm.s32 $0x100;
	s30 =	simm.s32 $0xC000  }
0x50: {  	[tilespmem:s30], [sflag:$0x3] =	stream.indirect.gather [hbm4b:s4+s13], $0x20, s28, s13, $0xb8;
	[tilespmem:$0x18F00] =	vst v63  }
0x51: {  	s5 =	simm.s32 $0x180  }
0x52: {  	[tilespmem:s19], [sflag:$0x4] =	stream.indirect.gather [hbm4b:s4+s13], $0x20, s5, s13, $0xb8;
	[tilespmem:$0x18F00] =	vst v63  }
0x53: {  	s21 =	simm.s32 $0xE000;
	s7 =	simm.s32 $0x200  }
0x54: {  	[tilespmem:s21], [sflag:$0x5] =	stream.indirect.gather [hbm4b:s4+s13], $0x20, s7, s13, $0xb8;
	[tilespmem:$0x18F00] =	vst v63  }
0x55: {  	s22 =	simm.s32 $0x280  }
0x56: {  	[tilespmem:s23], [sflag:$0x6] =	stream.indirect.gather [hbm4b:s4+s13], $0x20, s22, s13, $0xb8;
	[tilespmem:$0x18F00] =	vst v63  }
0x57: {  	s26 =	simm.s32 $0x10000;
	s25 =	simm.s32 $0x300  }
0x58: {  	[tilespmem:s26], [sflag:$0x7] =	stream.indirect.gather [hbm4b:s4+s13], $0x20, s25, s13, $0xb8;
	[tilespmem:$0x18F00] =	vst v63  }
0x59: {  	s28 =	simm.s32 $0x380  }
0x5a: {  	[tilespmem:s29], [sflag:$0x8] =	stream.indirect.gather [hbm4b:s4+s13], $0x20, s28, s13, $0xb8;
	[tilespmem:$0x18F00] =	vst v63  }
0x5b: {  	s3 =	simm.s32 $0x0;
	s30 =	simm.s32 $0x400  }
0x5c: {  	[tilespmem:s31], [sflag:$0x9] =	stream.indirect.gather [hbm4b:s4+s13], $0x20, s30, s13, $0xb8;
	[tilespmem:$0x18F00] =	vst v63  }
.LBB2_2:
0x5d: {  	_ =	swait.ge [sflag:s1], $0x1000  }
0x5e: {  	s21 =	sshra.s32 s3, $0x2;
	[sflag:s1] =	ssyncset.done $0x0  }
0x5f: {  	p0 =	seq.s32 s3, $0x0;
	s22 =	sadd.s32 $0x5000, s21;
	[sflag:s1] =	ssyncadd.s32 $0xFFFFF000  }
0x60: {  	[spmem:s2] =	stream.indirect.scatter.add.bf16 [tilespmem:s14], [sflag:$0xB], $0x20, s22, s13, $0xb8;
	[tilespmem:$0x18F00] =	vst v63  }
0x61: {  	s22 =	simm.s32 @!p0 $0x14  }
0x62: {  	s25 =	sshra.s32 @!p0 s3, $0x2;
	_ =	swait.ge @!p0 [sflag:s22], $0x1000  }
0x63: {  	s25 =	sadd.s32 @!p0 $0x480, s25;
	[sflag:s22] =	ssyncset.done @!p0 $0x0  }
0x64: {  	s25 =	simm.s32 @p0 $0x480;
	[sflag:s22] =	ssyncadd.s32 @!p0 $0xFFFFF000  }
0x65: {  	[tilespmem:s0], [sflag:$0xA] =	stream.indirect.gather [hbm4b:s4+s13], $0x20, s25, s13, $0xb8;
	[tilespmem:$0x18F00] =	vst v63  }
0x66: {  	_ =	swait.ge [sflag:s12], $0x1000  }
0x67: {  	p0 =	seq.s32 s3, $0x12C00;
	[sflag:s12] =	ssyncset.done $0x0  }
0x68: {  	s5 =	sadd.s32 $0x5080, s21;
	s22 =	simm.s32 @p0 $0x3;
	[sflag:s12] =	ssyncadd.s32 $0xFFFFF000  }
0x69: {  	[spmem:s2] =	stream.indirect.scatter.add.bf16 [tilespmem:s15], [sflag:$0xC], $0x20, s5, s13, $0xb8;
	[tilespmem:$0x18F00] =	vst v63  }
0x6a: {  	_ =	swait.ge @p0 [sflag:s22], $0x1000  }
0x6b: {  	s26 =	sshra.s32 @p0 s3, $0x2;
	s28 =	simm.s32 @p0 $0x80;
	[sflag:s22] =	ssyncset.done @p0 $0x0  }
0x6c: {  	s25 =	simm.s32 @p0 $0xC000;
	[sflag:s22] =	ssyncadd.s32 @p0 $0xFFFFF000;
	s22 =	sadd.s32 @p0 $0x5100, s26  }
0x6d: {  	[spmem:s2] =	stream.indirect.scatter.add.bf16 @p0 [tilespmem:s25], [sflag:$0xD], $0x20, s22, s28, $0xb8;
	[tilespmem:$0x18F00] =	vst v63  }
0x6e: {  	s22 =	simm.s32 @!p0 $0xB  }
0x6f: {  	_ =	swait.ge @!p0 [sflag:s22], $0x1000  }
0x70: {  	[sflag:s22] =	ssyncset.done @!p0 $0x0  }
0x71: {  	[sflag:s22] =	ssyncadd.s32 @!p0 $0xFFFFF000;
	s22 =	sshra.s32 @!p0 s3, $0x2  }
0x72: {  	s5 =	simm.s32 @!p0 $0xA000;
	s25 =	simm.s32 @!p0 $0x80;
	s30 =	sadd.s32 @!p0 $0x500, s22  }
0x73: {  	[tilespmem:s5], [sflag:$0x1] =	stream.indirect.gather @!p0 [hbm4b:s4+s25], $0x20, s30, s25, $0xb8;
	[tilespmem:$0x18F00] =	vst v63  }
0x74: {  	s5 =	simm.s32 @!p0 $0x3  }
0x75: {  	_ =	swait.ge @!p0 [sflag:s5], $0x1000  }
0x76: {  	[sflag:s5] =	ssyncset.done @!p0 $0x0  }
0x77: {  	s30 =	simm.s32 @!p0 $0xC000;
	[sflag:s5] =	ssyncadd.s32 @!p0 $0xFFFFF000;
	s5 =	sadd.s32 @!p0 $0x5100, s22  }
0x78: {  	[spmem:s2] =	stream.indirect.scatter.add.bf16 @!p0 [tilespmem:s30], [sflag:$0xD], $0x20, s5, s25, $0xb8;
	[tilespmem:$0x18F00] =	vst v63  }
0x79: {  	s5 =	simm.s32 @!p0 $0xC  }
0x7a: {  	_ =	swait.ge @!p0 [sflag:s5], $0x1000  }
0x7b: {  	[sflag:s5] =	ssyncset.done @!p0 $0x0  }
0x7c: {  	s7 =	simm.s32 @!p0 $0xB000;
	[sflag:s5] =	ssyncadd.s32 @!p0 $0xFFFFF000;
	s5 =	sadd.s32 @!p0 $0x580, s22  }
0x7d: {  	[tilespmem:s7], [sflag:$0x2] =	stream.indirect.gather @!p0 [hbm4b:s4+s25], $0x20, s5, s25, $0xb8;
	[tilespmem:$0x18F00] =	vst v63  }
0x7e: {  	_ =	swait.ge [sflag:s16], $0x1000  }
0x7f: {  	[sflag:s16] =	ssyncset.done $0x0  }
0x80: {  	s7 =	sadd.s32 $0x5180, s21;
	s5 =	simm.s32 @p0 $0x5;
	[sflag:s16] =	ssyncadd.s32 $0xFFFFF000  }
0x81: {  	[spmem:s2] =	stream.indirect.scatter.add.bf16 [tilespmem:s19], [sflag:$0xE], $0x20, s7, s13, $0xb8;
	[tilespmem:$0x18F00] =	vst v63  }
0x82: {  	_ =	swait.ge @p0 [sflag:s5], $0x1000  }
0x83: {  	[sflag:s5] =	ssyncset.done @p0 $0x0  }
0x84: {  	s7 =	simm.s32 @p0 $0xE000;
	[sflag:s5] =	ssyncadd.s32 @p0 $0xFFFFF000;
	s5 =	sadd.s32 @p0 $0x5200, s26  }
0x85: {  	[spmem:s2] =	stream.indirect.scatter.add.bf16 @p0 [tilespmem:s7], [sflag:$0xF], $0x20, s5, s28, $0xb8;
	[tilespmem:$0x18F00] =	vst v63  }
0x86: {  	s5 =	simm.s32 @!p0 $0xD  }
0x87: {  	_ =	swait.ge @!p0 [sflag:s5], $0x1000  }
0x88: {  	[sflag:s5] =	ssyncset.done @!p0 $0x0  }
0x89: {  	[sflag:s5] =	ssyncadd.s32 @!p0 $0xFFFFF000;
	s5 =	sadd.s32 @!p0 $0x600, s22  }
0x8a: {  	[tilespmem:s30], [sflag:$0x3] =	stream.indirect.gather @!p0 [hbm4b:s4+s25], $0x20, s5, s25, $0xb8;
	[tilespmem:$0x18F00] =	vst v63  }
0x8b: {  	s5 =	simm.s32 @!p0 $0x5  }
0x8c: {  	_ =	swait.ge @!p0 [sflag:s5], $0x1000  }
0x8d: {  	[sflag:s5] =	ssyncset.done @!p0 $0x0  }
0x8e: {  	s7 =	simm.s32 @!p0 $0xE000;
	[sflag:s5] =	ssyncadd.s32 @!p0 $0xFFFFF000;
	s5 =	sadd.s32 @!p0 $0x5200, s22  }
0x8f: {  	[spmem:s2] =	stream.indirect.scatter.add.bf16 @!p0 [tilespmem:s7], [sflag:$0xF], $0x20, s5, s25, $0xb8;
	[tilespmem:$0x18F00] =	vst v63  }
0x90: {  	s5 =	simm.s32 @!p0 $0xE  }
0x91: {  	_ =	swait.ge @!p0 [sflag:s5], $0x1000  }
0x92: {  	[sflag:s5] =	ssyncset.done @!p0 $0x0  }
0x93: {  	s30 =	simm.s32 @!p0 $0xD000;
	[sflag:s5] =	ssyncadd.s32 @!p0 $0xFFFFF000;
	s5 =	sadd.s32 @!p0 $0x680, s22  }
0x94: {  	[tilespmem:s30], [sflag:$0x4] =	stream.indirect.gather @!p0 [hbm4b:s4+s25], $0x20, s5, s25, $0xb8;
	[tilespmem:$0x18F00] =	vst v63  }
0x95: {  	_ =	swait.ge [sflag:s17], $0x1000  }
0x96: {  	[sflag:s17] =	ssyncset.done $0x0  }
0x97: {  	s30 =	sadd.s32 $0x5280, s21;
	s5 =	simm.s32 @p0 $0x7;
	[sflag:s17] =	ssyncadd.s32 $0xFFFFF000  }
0x98: {  	[spmem:s2] =	stream.indirect.scatter.add.bf16 [tilespmem:s23], [sflag:$0x10], $0x20, s30, s13, $0xb8;
	[tilespmem:$0x18F00] =	vst v63  }
0x99: {  	_ =	swait.ge @p0 [sflag:s5], $0x1000  }
0x9a: {  	[sflag:s5] =	ssyncset.done @p0 $0x0  }
0x9b: {  	s30 =	simm.s32 @p0 $0x10000;
	[sflag:s5] =	ssyncadd.s32 @p0 $0xFFFFF000;
	s5 =	sadd.s32 @p0 $0x5300, s26  }
0x9c: {  	[spmem:s2] =	stream.indirect.scatter.add.bf16 @p0 [tilespmem:s30], [sflag:$0x11], $0x20, s5, s28, $0xb8;
	[tilespmem:$0x18F00] =	vst v63  }
0x9d: {  	s5 =	simm.s32 @!p0 $0xF  }
0x9e: {  	_ =	swait.ge @!p0 [sflag:s5], $0x1000  }
0x9f: {  	[sflag:s5] =	ssyncset.done @!p0 $0x0  }
0xa0: {  	[sflag:s5] =	ssyncadd.s32 @!p0 $0xFFFFF000;
	s5 =	sadd.s32 @!p0 $0x700, s22  }
0xa1: {  	[tilespmem:s7], [sflag:$0x5] =	stream.indirect.gather @!p0 [hbm4b:s4+s25], $0x20, s5, s25, $0xb8;
	[tilespmem:$0x18F00] =	vst v63  }
0xa2: {  	s5 =	simm.s32 @!p0 $0x7  }
0xa3: {  	_ =	swait.ge @!p0 [sflag:s5], $0x1000  }
0xa4: {  	[sflag:s5] =	ssyncset.done @!p0 $0x0  }
0xa5: {  	s7 =	simm.s32 @!p0 $0x10000;
	[sflag:s5] =	ssyncadd.s32 @!p0 $0xFFFFF000;
	s5 =	sadd.s32 @!p0 $0x5300, s22  }
0xa6: {  	[spmem:s2] =	stream.indirect.scatter.add.bf16 @!p0 [tilespmem:s7], [sflag:$0x11], $0x20, s5, s25, $0xb8;
	[tilespmem:$0x18F00] =	vst v63  }
0xa7: {  	s5 =	simm.s32 @!p0 $0x10  }
0xa8: {  	_ =	swait.ge @!p0 [sflag:s5], $0x1000  }
0xa9: {  	[sflag:s5] =	ssyncset.done @!p0 $0x0  }
0xaa: {  	s30 =	simm.s32 @!p0 $0xF000;
	[sflag:s5] =	ssyncadd.s32 @!p0 $0xFFFFF000;
	s5 =	sadd.s32 @!p0 $0x780, s22  }
0xab: {  	[tilespmem:s30], [sflag:$0x6] =	stream.indirect.gather @!p0 [hbm4b:s4+s25], $0x20, s5, s25, $0xb8;
	[tilespmem:$0x18F00] =	vst v63  }
0xac: {  	_ =	swait.ge [sflag:s18], $0x1000  }
0xad: {  	[sflag:s18] =	ssyncset.done $0x0  }
0xae: {  	s30 =	sadd.s32 $0x5380, s21;
	s5 =	simm.s32 @p0 $0x9;
	[sflag:s18] =	ssyncadd.s32 $0xFFFFF000  }
0xaf: {  	[spmem:s2] =	stream.indirect.scatter.add.bf16 [tilespmem:s29], [sflag:$0x12], $0x20, s30, s13, $0xb8;
	[tilespmem:$0x18F00] =	vst v63  }
0xb0: {  	_ =	swait.ge @p0 [sflag:s5], $0x1000  }
0xb1: {  	[sflag:s5] =	ssyncset.done @p0 $0x0  }
0xb2: {  	[sflag:s5] =	ssyncadd.s32 @p0 $0xFFFFF000;
	s5 =	sadd.s32 @p0 $0x5400, s26;
	s26 =	simm.s32 @p0 $0x12000  }
0xb3: {  	[spmem:s2] =	stream.indirect.scatter.add.bf16 @p0 [tilespmem:s26], [sflag:$0x13], $0x20, s5, s28, $0xb8;
	[tilespmem:$0x18F00] =	vst v63  }
0xb4: {  	s5 =	simm.s32 @!p0 $0x11  }
0xb5: {  	_ =	swait.ge @!p0 [sflag:s5], $0x1000  }
0xb6: {  	[sflag:s5] =	ssyncset.done @!p0 $0x0  }
0xb7: {  	[sflag:s5] =	ssyncadd.s32 @!p0 $0xFFFFF000;
	s5 =	sadd.s32 @!p0 $0x800, s22  }
0xb8: {  	[tilespmem:s7], [sflag:$0x7] =	stream.indirect.gather @!p0 [hbm4b:s4+s25], $0x20, s5, s25, $0xb8;
	[tilespmem:$0x18F00] =	vst v63  }
0xb9: {  	s5 =	simm.s32 @!p0 $0x9  }
0xba: {  	_ =	swait.ge @!p0 [sflag:s5], $0x1000  }
0xbb: {  	[sflag:s5] =	ssyncset.done @!p0 $0x0  }
0xbc: {  	s7 =	simm.s32 @!p0 $0x12000;
	[sflag:s5] =	ssyncadd.s32 @!p0 $0xFFFFF000;
	s5 =	sadd.s32 @!p0 $0x5400, s22  }
0xbd: {  	[spmem:s2] =	stream.indirect.scatter.add.bf16 @!p0 [tilespmem:s7], [sflag:$0x13], $0x20, s5, s25, $0xb8;
	[tilespmem:$0x18F00] =	vst v63  }
0xbe: {  	s5 =	simm.s32 @!p0 $0x12  }
0xbf: {  	_ =	swait.ge @!p0 [sflag:s5], $0x1000  }
0xc0: {  	[sflag:s5] =	ssyncset.done @!p0 $0x0  }
0xc1: {  	s7 =	simm.s32 @!p0 $0x11000;
	[sflag:s5] =	ssyncadd.s32 @!p0 $0xFFFFF000;
	s5 =	sadd.s32 @!p0 $0x880, s22  }
0xc2: {  	[tilespmem:s7], [sflag:$0x8] =	stream.indirect.gather @!p0 [hbm4b:s4+s25], $0x20, s5, s25, $0xb8;
	[tilespmem:$0x18F00] =	vst v63  }
.Ltmp2:
0xc3: {  	_ = 	snop;
	(pc) =	sbr.rel @p0 .LBB2_4-.Ltmp2, $4  }
0xc4: {  	_ =	swait.ge [sflag:s20], $0x1000  }
0xc5: {  	[sflag:s20] =	ssyncset.done $0x0  }
0xc6: {  	s30 =	sadd.s32 $0x5480, s21;
	[sflag:s20] =	ssyncadd.s32 $0xFFFFF000  }
0xc7: {  	[spmem:s2] =	stream.indirect.scatter.add.bf16 [tilespmem:s0], [sflag:$0x14], $0x20, s30, s13, $0xb8;
	[tilespmem:$0x18F00] =	vst v63  }
.Ltmp3:
0xc8: {  	(pc) =	sbr.rel .LBB2_2-.Ltmp3, $4  }
0xc9: {  	_ =	swait.ge [sflag:s8], $0x1000  }
0xca: {  	[sflag:s8] =	ssyncset.done $0x0  }
0xcb: {  	s5 =	sadd.s32 $0x900, s21;
	s3 =	sadd.s32 $0x1400, s3;
	[sflag:s8] =	ssyncadd.s32 $0xFFFFF000  }
0xcc: {  	[tilespmem:s31], [sflag:$0x9] =	stream.indirect.gather [hbm4b:s4+s13], $0x20, s5, s13, $0xb8;
	[tilespmem:$0x18F00] =	vst v63  }
.LBB2_5:
0xcd: {  	_ =	sfence.sel $0x180000  }
0xce: {  	[bflag:$0x0] =	sbarrier.arrive $0xFFFF  }
0xcf: {  	_ =	strace $0x9000004A  }
0xd0: {  	s0 =	stileid.u32;
	[bflag:$0x2] =	sbarrier.arrive $0xFFFF  }
0xd1: {  	p0 =	sne.s32 s0, $0x0;
	s0 =	rddreg [dreg:$0x2]  }
0xd2: {  	s0 =	sadd.s32 @!p0 $0x100000, s0  }
0xd3: {  	[sflag:s0] =	ssyncadd.tile.s32 @!p0 $0x1;
	_ =	shalt  }
.Lfunc_end2:
_tile_overlayer_lowered:
.L_overlay_start_2:
0xd4: {  	(tag) =	ssettag $0x2  }
0xd5: {  	s0 =	rddreg [dreg:$0x0];
	s2 =	stileid.u32  }
0xd6: {  	s1 =	rddreg [dreg:$0x1];
	p0 =	sne.s32 s2, $0x0  }
0xd7: {  	s3 =	rddreg [dreg:$0x2];
	[bflag:$0x3] =	sbarrier.arrive $0xFFFF;
	s2 =	simm.s32 @!p0 $0x1C15  }
0xd8: {  	[timem:s3], [sflag:s2] =	dma.local @!p0 [hbm:s0], s1  }
0xd9: {  	s0 =	simm.s32 @!p0 $0x15  }
0xda: {  	_ =	swait.ge @!p0 [sflag:s0], s1  }
0xdb: {  	s1 =	ssub.s32 @!p0 $0x0, s1;
	[sflag:s0] =	ssyncset.done @!p0 $0x0  }
0xdc: {  	[sflag:s0] =	ssyncadd.s32 @!p0 s1  }
0xdd: {  	[bflag:$0x3] =	sbarrier.arrive $0xFFFF  }
0xde: {  	_ =	shalt  }

// kernel: kernel.14.cloned.1.call-start
scs
__scs_entry_jumppad:
0x0: {  	(pc) =	sbr.rel $0x88, $3  }
0x1: {  	(tag) =	ssettag $0x0;
	lr =	simm.s32 $0x1  }
0x2: {  	[smem:$0x3F99] =	sst lr;
	_ =	strace $0xD0000000  }
0x3: {  	_ = 	snop  }
0x4: {  	_ = 	snop  }
0x5: {  	_ = 	snop  }
0x6: {  	_ = 	snop  }
0x7: {  	_ = 	snop  }
__scs_overlays_trampoline_lowered:
0x8: {  	[smem:$0x3FA8] =	sst s0  }
0x9: {  	[smem:$0x3FA9] =	sst s1  }
0xa: {  	[smem:$0x3FAA] =	sst s2  }
0xb: {  	[smem:$0x3FAB] =	sst s3  }
0xc: {  	[smem:$0x3FAC] =	sst s4  }
0xd: {  	[smem:$0x3FAD] =	sst s5  }
0xe: {  	[smem:$0x3FAE] =	sst s6  }
0xf: {  	[smem:$0x3FAF] =	sst s7  }
0x10: {  	[smem:$0x3FB0] =	sst s8  }
0x11: {  	[smem:$0x3FB1] =	sst s9;
	s0 =	simm.s32 @!p0 $0x0  }
0x12: {  	s1 =	sld [smem:$0x3F97];
	s0 =	simm.s32 @p0 $0x1  }
0x13: {  	[smem:$0x3FB2] =	sst s0;
	s0 =	simm.s32 @!p1 $0x0  }
0x14: {  	s2 =	sld [smem:$0x3F96];
	s0 =	simm.s32 @p1 $0x1  }
0x15: {  	[smem:$0x3FB3] =	sst s0;
	s0 =	simm.s32 @!p2 $0x0  }
0x16: {  	s3 =	sld [smem:$0x3FDB];
	s0 =	simm.s32 @p2 $0x1  }
0x17: {  	s4 =	simm.s32 $0x1BF5;
	[smem:$0x3FB5] =	sst s0  }
0x18: {  	s0 =	sld [smem:$0x3F98];
	_ =	swait.ge [sflag:s4], $0x0  }
0x19: {  	s7 =	sld [smem:$0x3F99]  }
0x1a: {  	s8 =	sadd.s32 $0xFFFFE003, lr  }
0x1b: {  	s9 =	sadd.s32 $0xFFFFFEF7, lr;
	s5 =	simm.s32 $0xFFFFFFFF;
	p2 =	slt.u32 s8, $0xFFFFF086  }
0x1c: {  	p1 =	slt.u32 s9, $0xF7A;
	s5 =	simm.s32 @!p2 $0x0  }
0x1d: {  	s5 =	simm.s32 @p1 $0x1;
	p0 =	seq.s32 s7, s2  }
0x1e: {  	s7 =	smul.u32 @!p0 $0xF7A, s2;
	p2 =	seq.s32 @!p0 s5, $0x0  }
0x1f: {  	s9 =	smul.u32 $0xF7A, s1;
	s8 =	simm.s32 @!p0 $0x1BF5;
	p2 =	por !p2, p0  }
0x20: {  	[sflag:s8] =	ssyncset.s32 @!p0 $0xFFFFF086;
	s6 =	sadd.s32 @!p0 s3, s7;
	s7 =	simm.s32 @!p0 $0x108  }
0x21: {  	s3 =	sadd.s32 s3, s9;
	s6 =	sadd.s32 @!p0 $0x88, s6;
	s7 =	simm.s32 @p2 $0x1082  }
0x22: {  	[simem:s7], [sflag:s8] =	dma.local @!p0 [hbm:s6], $0xF7A  }
0x23: {  	s9 =	sor.u32 $0xD0000000, s2;
	s6 =	simm.s32 $0x108;
	_ =	swait.ge @!p0 [sflag:s8], $0x0  }
0x24: {  	s3 =	sadd.s32 $0x88, s3;
	s6 =	simm.s32 @!p1 $0x1082;
	[sflag:s4] =	ssyncset.s32 $0xFFFFF086  }
0x25: {  	[simem:s6], [sflag:s4] =	dma.local [hbm:s3], $0xF7A  }
0x26: {  	[smem:$0x3F99] =	sst s1;
	(tag) =	ssettag s2;
	_ =	strace s9  }
0x27: {  	s1 =	sld [smem:$0x3FA9]  }
0x28: {  	s2 =	sld [smem:$0x3FAA]  }
0x29: {  	s4 =	sld [smem:$0x3FAC]  }
0x2a: {  	p0 =	seq.s32 s5, $0x0;
	s5 =	sld [smem:$0x3FAD]  }
0x2b: {  	s6 =	sld [smem:$0x3FAE]  }
0x2c: {  	s7 =	sld [smem:$0x3FAF]  }
0x2d: {  	s3 =	simm.s32 $0x108;
	s8 =	sld [smem:$0x3FB0]  }
0x2e: {  	s3 =	simm.s32 @!p0 $0x1082;
	s9 =	sld [smem:$0x3FB1]  }
0x2f: {  	lr =	sadd.s32 s0, s3;
	s0 =	sld [smem:$0x3FA8]  }
0x30: {  	s3 =	sld [smem:$0x3FAB]  }
0x31: {  	[smem:$0x3FB4] =	sst s10  }
0x32: {  	s10 =	sld [smem:$0x3FB2];
	_ =	sdelay $0x3  }
0x33: {  	p0 =	seq.s32 s10, $0x1;
	s10 =	sld [smem:$0x3FB4];
	_ =	sdelay $0x3  }
0x34: {  	[smem:$0x3FB4] =	sst s10  }
0x35: {  	s10 =	sld [smem:$0x3FB3];
	_ =	sdelay $0x3  }
0x36: {  	p1 =	seq.s32 s10, $0x1;
	s10 =	sld [smem:$0x3FB4];
	_ =	sdelay $0x3  }
0x37: {  	[smem:$0x3FB4] =	sst s10  }
0x38: {  	s10 =	sld [smem:$0x3FB5]  }
0x39: {  	_ = 	snop;
	(pc) =	sbr.ind lr, $3  }
0x3a: {  	_ = 	snop  }
0x3b: {  	_ = 	snop  }
0x3c: {  	p2 =	seq.s32 s10, $0x1;
	s10 =	sld [smem:$0x3FB4]  }
0x3d: {  	_ =	shalt  }
0x3e: {  	_ =	shalt  }
0x3f: {  	_ =	shalt  }
0x40: {  	_ =	shalt  }
0x41: {  	_ =	shalt  }
0x42: {  	_ =	shalt  }
0x43: {  	_ =	shalt  }
0x44: {  	_ =	shalt  }
0x45: {  	_ =	shalt  }
0x46: {  	_ =	shalt  }
0x47: {  	_ =	shalt  }
0x48: {  	_ =	shalt  }
0x49: {  	_ =	shalt  }
0x4a: {  	_ =	shalt  }
0x4b: {  	_ =	shalt  }
0x4c: {  	_ =	shalt  }
0x4d: {  	_ =	shalt  }
0x4e: {  	_ =	shalt  }
0x4f: {  	_ =	shalt  }
0x50: {  	_ =	shalt  }
0x51: {  	_ =	shalt  }
0x52: {  	_ =	shalt  }
0x53: {  	_ =	shalt  }
0x54: {  	_ =	shalt  }
0x55: {  	_ =	shalt  }
0x56: {  	_ =	shalt  }
0x57: {  	_ =	shalt  }
0x58: {  	_ =	shalt  }
0x59: {  	_ =	shalt  }
0x5a: {  	_ =	shalt  }
0x5b: {  	_ =	shalt  }
0x5c: {  	_ =	shalt  }
0x5d: {  	_ =	shalt  }
0x5e: {  	_ =	shalt  }
0x5f: {  	_ =	shalt  }
0x60: {  	_ =	shalt  }
0x61: {  	_ =	shalt  }
0x62: {  	_ =	shalt  }
0x63: {  	_ =	shalt  }
0x64: {  	_ =	shalt  }
0x65: {  	_ =	shalt  }
0x66: {  	_ =	shalt  }
0x67: {  	_ =	shalt  }
0x68: {  	_ =	shalt  }
0x69: {  	_ =	shalt  }
0x6a: {  	_ =	shalt  }
0x6b: {  	_ =	shalt  }
0x6c: {  	_ =	shalt  }
0x6d: {  	_ =	shalt  }
0x6e: {  	_ =	shalt  }
0x6f: {  	_ =	shalt  }
0x70: {  	_ =	shalt  }
0x71: {  	_ =	shalt  }
0x72: {  	_ =	shalt  }
0x73: {  	_ =	shalt  }
0x74: {  	_ =	shalt  }
0x75: {  	_ =	shalt  }
0x76: {  	_ =	shalt  }
0x77: {  	_ =	shalt  }
0x78: {  	_ =	shalt  }
0x79: {  	_ =	shalt  }
0x7a: {  	_ =	shalt  }
0x7b: {  	_ =	shalt  }
0x7c: {  	_ =	shalt  }
0x7d: {  	_ =	shalt  }
0x7e: {  	_ =	shalt  }
0x7f: {  	_ =	shalt  }
0x80: {  	_ =	shalt  }
0x81: {  	_ =	shalt  }
0x82: {  	_ =	shalt  }
0x83: {  	_ =	shalt  }
0x84: {  	_ =	shalt  }
0x85: {  	_ =	shalt  }
0x86: {  	_ =	shalt  }
0x87: {  	_ =	shalt  }
.Lfunc_end0:
.L_simem_size_0:
called_computation.2_lowered:
.L_overlay_start_0:
0x88: {  	s2 =	sld [smem:$0x3FD9]  }
0x89: {  	s3 =	sld [smem:$0x3FFE];
	_ =	sdelay $0x1  }
0x8a: {  	s1 =	srdreg.scid  }
0x8b: {  	s0 =	sand.u32 $0x1, s1  }
0x8c: {  	s16 =	sshll.u32 s0, $0xA;
	s2 =	sadd.s32 s3, s2  }
0x8d: {  	s2 =	sadd.s32 s2, s16  }
0x8e: {  	[smem:$0x3FC0] =	sst s2  }
0x8f: {  	_ = 	snop  }
0x90: {  	(tm) =	ssettm $0x1  }
0x91: {  	s17 =	sld [smem:$0x3FFB];
	_ =	sdelay $0x3  }
0x92: {  	_ =	strace s17  }
0x93: {  	s2 =	sld [smem:$0x3FFC];
	_ =	sdelay $0x3  }
0x94: {  	_ =	strace s2  }
0x95: {  	s2 =	sld [smem:$0x3FFD];
	_ =	sdelay $0x3  }
0x96: {  	_ =	strace s2  }
0x97: {  	_ =	strace $0x8FFFFFFF  }
0x98: {  	s18 =	sld [smem:$0x3FDB];
	_ =	sdelay $0x1  }
0x99: {  	s19 =	simm.s32 $_scs_section_size  }
0x9a: {  	s4 =	simm.s32 $_size__tile_overlayer_lowered;
	s5 =	simm.s32 $_tile_overlayer_lowered  }
0x9b: {  	s22 =	simm.s32 $0x1BFF;
	s21 =	sshll.u32 s5, $0x1;
	s2 =	sadd.s32 s19, s18  }
0x9c: {  	s6 =	simm.s32 $0x0;
	s20 =	sshll.u32 s4, $0x1;
	s4 =	sadd.s32 s21, s2  }
0x9d: {  	[timem:s6], [sflag:s22] =	dma.local [hbm:s4], s20  }
0x9e: {  	_ =	swait.ge [sflag:s22], s20  }
0x9f: {  	s3 =	ssub.s32 $0x0, s20;
	[sflag:s22] =	ssyncset.done $0x0  }
0xa0: {  	[sflag:s22] =	ssyncadd.s32 s3;
	_ =	sdelay $0x1  }
0xa1: {  	s23 =	simm.s32 $0x1B8B  }
0xa2: {  	_ =	swait.ge [sflag:s23], $0x1  }
0xa3: {  	[sflag:s23] =	ssyncset.done $0x0  }
0xa4: {  	s25 =	simm.s32 $0x1B8E;
	s24 =	sld [smem:$0x3FFE];
	[sflag:s23] =	ssyncadd.s32 $0xFFFFFFFF  }
0xa5: {  	s26 =	simm.s32 $execute0_lowered;
	[smem:$0x3FD2] =	sst s25  }
0xa6: {  	s4 =	sshll.u32 s26, $0x1;
	_ =	strace $0x8000004C;
	[dreg:$0x1] =	wrdreg $0xFFFFFFFF  }
0xa7: {  	s28 =	simm.s32 $_size_execute0_lowered;
	s2 =	sadd.s32 s2, s4;
	[dreg:$0x0] =	wrdreg $0x0  }
0xa8: {  	s4 =	sshll.u32 s28, $0x1;
	[dreg:$0x2] =	wrdreg s2  }
0xa9: {  	[dreg:$0x3] =	wrdreg s4  }
0xaa: {  	[dreg:$0x4] =	wrdreg $0xC0  }
0xab: {  	_ =	task [dreg:s6], $0x5FFFF  }
0xac: {  	[dreg:$0x1] =	wrdreg $0xFFFFFFFF  }
0xad: {  	[dreg:$0x0] =	wrdreg $0x60  }
0xae: {  	[dreg:$0x2] =	wrdreg s24  }
0xaf: {  	[dreg:$0x3] =	wrdreg $0x140000  }
0xb0: {  	[dreg:$0x4] =	wrdreg $0x9  }
0xb1: {  	_ =	task.clear_ibuf [dreg:s6], $0x5FFFF;
	_ =	strace $0x9000004C  }
0xb2: {  	s29 =	simm.s32 $0x9;
	_ =	strace $0x8000004E  }
0xb3: {  	_ =	swait.ge [sflag:s29], $0x1  }
0xb4: {  	[sflag:s29] =	ssyncadd.s32 $0xFFFFFFFF  }
0xb5: {  	_ =	strace $0x9000004E  }
0xb6: {  	_ =	sfence  }
0xb7: {  	s30 =	sld [smem:$0x0];
	_ =	sdelay $0x2  }
0xb8: {  	s31 =	sshll.u32 s1, $0xD;
	s1 =	sshrl.u32 s1, $0x2  }
0xb9: {  	s3 =	sand.u32 $0x4000, s31;
	s1 =	sadd.s32 s1, s30  }
0xba: {  	s0 =	sor.u32 s3, s0;
	s1 =	sshll.u32 s1, $0x11  }
0xbb: {  	s0 =	sor.u32 s1, s0  }
0xbc: {  	s0 =	sadd.s32 $0x8F2B, s0  }
0xbd: {  	[sflag:s0] =	ssyncadd.remote.s32 $0x1  }
0xbe: {  	_ =	sfence.sel $0xFFFF  }
0xbf: {  	[dreg:$0x0] =	wrdreg $0xFFFFFFFF;
	(pc) =	sbr.abs _section_cstart, $3  }
0xc0: {  	[dreg:$0x1] =	wrdreg $0xFFFFFFFF  }
0xc1: {  	_ =	task.clear_ibuf [dreg:s6], $0x2FFFF;
	_ =	strace $0x9FFFFFFF  }
0xc2: {  	(tm) =	ssettm $0x7FFFFFFF  }
0xc3: {  	_ =	shalt  }
tec
execute0_lowered:
.L_overlay_start_1:
0x0: {  	(tag) =	ssettag $0x1  }
0x1: {  	s0 =	srdreg.scid;
	s3 =	rddreg [dreg:$0x0]  }
0x2: {  	s10 =	stileid.u32;
	s2 =	rddreg [dreg:$0x1];
	s5 =	simm.s32 $0x0  }
0x3: {  	s11 =	simm.s32 $0x15;
	s13 =	simm.s32 $0x80;
	s14 =	simm.s32 $0xA000  }
0x4: {  	s15 =	simm.s32 $0xB000;
	s19 =	simm.s32 $0xD000;
	s29 =	simm.s32 $0x11000  }
0x5: {  	s31 =	simm.s32 $0x12000;
	s12 =	simm.s32 $0x2;
	s16 =	simm.s32 $0x4  }
0x6: {  	s17 =	simm.s32 $0x6;
	s18 =	simm.s32 $0x8;
	s1 =	smul.u32 $0x5000, s10  }
0x7: {  	s20 =	simm.s32 $0xA;
	s0 =	sand.u32 $0x1, s0;
	s6 =	smul.u32 $0x9E00, s10  }
0x8: {  	[smem:$0x7FF] =	sst s5;
	s26 =	sshll.u32 s10, $0x6;
	s4 =	smul.u32 $0x50000, s0  }
0x9: {  	_ =	strace $0x8000004D;
	s8 =	smul.u32 $0x9E00, s0;
	s0 =	ssub.s32 $0x2, s0  }
0xa: {  	s7 =	sshrl.u32 s6, $0x4;
	s24 =	sshrl.u32 s0, $0x1;
	s6 =	sshrl.u32 s6, $0x1  }
0xb: {  	s4 =	sadd.s32 s1, s4;
	s1 =	sshrl.u32 s1, $0x3;
	s9 =	sadd.s32 s7, s3  }
0xc: {  	s0 =	ssub.s32 s0, s24;
	s25 =	sadd.s32 s6, s2;
	s6 =	sor.u32 $0x1C15, s26  }
0xd: {  	s24 =	simm.s32 $0x0;
	s23 =	sshrl.u32 s4, $0x3;
	s4 =	sadd.s32 $0x88600, s3  }
0xe: {  	s1 =	sadd.s32 s1, s3;
	s9 =	sadd.s32 $0x1B800, s9;
	s0 =	smax.u32 s0, $0x1  }
0xf: {  	s10 =	sshrl.u32 s25, $0x3;
	s5 =	sadd.s32 s23, s3;
	s3 =	sadd.s32 s8, s3  }
.Ltmp0:
0x10: {  	[dreg:$0x3] =	wrdreg s9;
	s1 =	sadd.s32 $0x2800, s1;
	(pc) =	sbr.rel .LBB2_1-.Ltmp0, $4  }
0x11: {  	[dreg:$0x6] =	wrdreg s0;
	s23 =	simm.s32 $0xF000;
	s0 =	simm.s32 $0x13000  }
0x12: {  	s5 =	sadd.s32 $0x25600, s5;
	[dreg:$0x5] =	wrdreg s1;
	s28 =	sadd.s32 $0x9C200, s3  }
0x13: {  	s8 =	simm.s32 $0x13;
	[dreg:$0x4] =	wrdreg s5;
	s30 =	sadd.s32 s7, s28  }
0x14: {  	s9 =	simm.s32 $0x14;
	s1 =	simm.s32 $0x1;
	[dreg:$0x7] =	wrdreg s30  }
.LBB2_4:
0x15: {  	s3 =	simm.s32 $0xB  }
0x16: {  	_ =	swait.ge [sflag:s3], $0x1000  }
0x17: {  	[sflag:s3] =	ssyncset.done $0x0  }
0x18: {  	s30 =	simm.s32 $0xC;
	[sflag:s3] =	ssyncadd.s32 $0xFFFFF000  }
0x19: {  	_ =	swait.ge [sflag:s30], $0x1000  }
0x1a: {  	[sflag:s30] =	ssyncset.done $0x0  }
0x1b: {  	s5 =	simm.s32 $0xD;
	[sflag:s30] =	ssyncadd.s32 $0xFFFFF000  }
0x1c: {  	_ =	swait.ge [sflag:s5], $0x1000  }
0x1d: {  	[sflag:s5] =	ssyncset.done $0x0  }
0x1e: {  	s7 =	simm.s32 $0xE;
	[sflag:s5] =	ssyncadd.s32 $0xFFFFF000  }
0x1f: {  	_ =	swait.ge [sflag:s7], $0x1000  }
0x20: {  	[sflag:s7] =	ssyncset.done $0x0  }
0x21: {  	s21 =	simm.s32 $0xF;
	[sflag:s7] =	ssyncadd.s32 $0xFFFFF000  }
0x22: {  	_ =	swait.ge [sflag:s21], $0x1000  }
0x23: {  	[sflag:s21] =	ssyncset.done $0x0  }
0x24: {  	s22 =	simm.s32 $0x10;
	[sflag:s21] =	ssyncadd.s32 $0xFFFFF000  }
0x25: {  	_ =	swait.ge [sflag:s22], $0x1000  }
0x26: {  	[sflag:s22] =	ssyncset.done $0x0  }
0x27: {  	s25 =	simm.s32 $0x11;
	[sflag:s22] =	ssyncadd.s32 $0xFFFFF000  }
0x28: {  	_ =	swait.ge [sflag:s25], $0x1000  }
0x29: {  	[sflag:s25] =	ssyncset.done $0x0  }
0x2a: {  	s26 =	simm.s32 $0x12;
	[sflag:s25] =	ssyncadd.s32 $0xFFFFF000  }
0x2b: {  	_ =	swait.ge [sflag:s26], $0x1000  }
0x2c: {  	[sflag:s26] =	ssyncset.done $0x0  }
0x2d: {  	[sflag:s26] =	ssyncadd.s32 $0xFFFFF000  }
0x2e: {  	_ =	swait.ge [sflag:s8], $0x1000  }
0x2f: {  	[sflag:s8] =	ssyncset.done $0x0  }
0x30: {  	[sflag:s8] =	ssyncadd.s32 $0xFFFFF000  }
0x31: {  	_ =	swait.ge [sflag:s9], $0x1000  }
0x32: {  	[sflag:s9] =	ssyncset.done $0x0  }
0x33: {  	[sflag:s9] =	ssyncadd.s32 $0xFFFFF000  }
0x34: {  	[bflag:$0x0] =	sbarrier.arrive $0xFFFF  }
0x35: {  	s28 =	rddreg [dreg:$0x7]  }
0x36: {  	[hbm:s28], [sflag:s6] =	dma.local [spmem:s10], $0x9E0  }
0x37: {  	_ =	swait.ge [sflag:s11], $0x9E0  }
0x38: {  	s24 =	sadd.s32 $0x1, s24;
	s30 =	rddreg [dreg:$0x6]  }
0x39: {  	p0 =	sne.s32 s24, s30  }
.Ltmp1:
0x3a: {  	_ = 	snop;
	(pc) =	sbr.rel @!p0 .LBB2_5-.Ltmp1, $3  }
0x3b: {  	_ =	sdelay $0x1  }
0x3c: {  	[sflag:s11] =	ssyncset.done $0x0  }
0x3d: {  	[sflag:s11] =	ssyncadd.s32 $0xFFFFF620  }
.LBB2_1:
0x3e: {  	s3 =	rddreg [dreg:$0x3]  }
0x3f: {  	[spmem:s10], [sflag:s6] =	dma.local [hbm:s3], $0x9E0  }
0x40: {  	_ =	swait.ge [sflag:s11], $0x9E0  }
0x41: {  	[sflag:s11] =	ssyncset.done $0x0  }
0x42: {  	s25 =	simm.s32 $0x0;
	s5 =	rddreg [dreg:$0x4];
	[sflag:s11] =	ssyncadd.s32 $0xFFFFF620  }
0x43: {  	[tilespmem:s25], [sflag:$0x15] =	stream.linear.gather [hbm4b:s5+s25], $0x5000, $0x38;
	[tilespmem:$0x18F00] =	vst v63  }
0x44: {  	_ =	swait.ge [sflag:s11], $0x5000  }
0x45: {  	[sflag:s11] =	ssyncset.done $0x0  }
0x46: {  	s7 =	simm.s32 $0x5000;
	s26 =	rddreg [dreg:$0x5];
	[sflag:s11] =	ssyncadd.s32 $0xFFFFB000  }
0x47: {  	[tilespmem:s7], [sflag:$0x15] =	stream.linear.gather [hbm4b:s26+s25], $0x5000, $0x38;
	[tilespmem:$0x18F00] =	vst v63  }
0x48: {  	_ =	swait.ge [sflag:s11], $0x5000  }
0x49: {  	[sflag:s11] =	ssyncset.done $0x0  }
0x4a: {  	[sflag:s11] =	ssyncadd.s32 $0xFFFFB000  }
0x4b: {  	[bflag:$0x0] =	sbarrier.arrive $0xFFFF  }
0x4c: {  	[tilespmem:s14], [sflag:$0x1] =	stream.indirect.gather [hbm4b:s4+s13], $0x20, s25, s13, $0xb8;
	[tilespmem:$0x18F00] =	vst v63  }
0x4d: {  	_ = 	snop  }
0x4e: {  	[tilespmem:s15], [sflag:$0x2] =	stream.indirect.gather [hbm4b:s4+s13], $0x20, s13, s13, $0xb8;
	[tilespmem:$0x18F00] =	vst v63  }
0x4f: {  	s28 =	simm.s32 $0x100;
	s30 =	simm.s32 $0xC000  }
0x50: {  	[tilespmem:s30], [sflag:$0x3] =	stream.indirect.gather [hbm4b:s4+s13], $0x20, s28, s13, $0xb8;
	[tilespmem:$0x18F00] =	vst v63  }
0x51: {  	s5 =	simm.s32 $0x180  }
0x52: {  	[tilespmem:s19], [sflag:$0x4] =	stream.indirect.gather [hbm4b:s4+s13], $0x20, s5, s13, $0xb8;
	[tilespmem:$0x18F00] =	vst v63  }
0x53: {  	s21 =	simm.s32 $0xE000;
	s7 =	simm.s32 $0x200  }
0x54: {  	[tilespmem:s21], [sflag:$0x5] =	stream.indirect.gather [hbm4b:s4+s13], $0x20, s7, s13, $0xb8;
	[tilespmem:$0x18F00] =	vst v63  }
0x55: {  	s22 =	simm.s32 $0x280  }
0x56: {  	[tilespmem:s23], [sflag:$0x6] =	stream.indirect.gather [hbm4b:s4+s13], $0x20, s22, s13, $0xb8;
	[tilespmem:$0x18F00] =	vst v63  }
0x57: {  	s26 =	simm.s32 $0x10000;
	s25 =	simm.s32 $0x300  }
0x58: {  	[tilespmem:s26], [sflag:$0x7] =	stream.indirect.gather [hbm4b:s4+s13], $0x20, s25, s13, $0xb8;
	[tilespmem:$0x18F00] =	vst v63  }
0x59: {  	s28 =	simm.s32 $0x380  }
0x5a: {  	[tilespmem:s29], [sflag:$0x8] =	stream.indirect.gather [hbm4b:s4+s13], $0x20, s28, s13, $0xb8;
	[tilespmem:$0x18F00] =	vst v63  }
0x5b: {  	s3 =	simm.s32 $0x0;
	s30 =	simm.s32 $0x400  }
0x5c: {  	[tilespmem:s31], [sflag:$0x9] =	stream.indirect.gather [hbm4b:s4+s13], $0x20, s30, s13, $0xb8;
	[tilespmem:$0x18F00] =	vst v63  }
.LBB2_2:
0x5d: {  	_ =	swait.ge [sflag:s1], $0x1000  }
0x5e: {  	s21 =	sshra.s32 s3, $0x2;
	[sflag:s1] =	ssyncset.done $0x0  }
0x5f: {  	p0 =	seq.s32 s3, $0x0;
	s22 =	sadd.s32 $0x5000, s21;
	[sflag:s1] =	ssyncadd.s32 $0xFFFFF000  }
0x60: {  	[spmem:s2] =	stream.indirect.scatter.add.bf16 [tilespmem:s14], [sflag:$0xB], $0x20, s22, s13, $0xb8;
	[tilespmem:$0x18F00] =	vst v63  }
0x61: {  	s22 =	simm.s32 @!p0 $0x14  }
0x62: {  	s25 =	sshra.s32 @!p0 s3, $0x2;
	_ =	swait.ge @!p0 [sflag:s22], $0x1000  }
0x63: {  	s25 =	sadd.s32 @!p0 $0x480, s25;
	[sflag:s22] =	ssyncset.done @!p0 $0x0  }
0x64: {  	s25 =	simm.s32 @p0 $0x480;
	[sflag:s22] =	ssyncadd.s32 @!p0 $0xFFFFF000  }
0x65: {  	[tilespmem:s0], [sflag:$0xA] =	stream.indirect.gather [hbm4b:s4+s13], $0x20, s25, s13, $0xb8;
	[tilespmem:$0x18F00] =	vst v63  }
0x66: {  	_ =	swait.ge [sflag:s12], $0x1000  }
0x67: {  	p0 =	seq.s32 s3, $0x12C00;
	[sflag:s12] =	ssyncset.done $0x0  }
0x68: {  	s5 =	sadd.s32 $0x5080, s21;
	s22 =	simm.s32 @p0 $0x3;
	[sflag:s12] =	ssyncadd.s32 $0xFFFFF000  }
0x69: {  	[spmem:s2] =	stream.indirect.scatter.add.bf16 [tilespmem:s15], [sflag:$0xC], $0x20, s5, s13, $0xb8;
	[tilespmem:$0x18F00] =	vst v63  }
0x6a: {  	_ =	swait.ge @p0 [sflag:s22], $0x1000  }
0x6b: {  	s26 =	sshra.s32 @p0 s3, $0x2;
	s28 =	simm.s32 @p0 $0x80;
	[sflag:s22] =	ssyncset.done @p0 $0x0  }
0x6c: {  	s25 =	simm.s32 @p0 $0xC000;
	[sflag:s22] =	ssyncadd.s32 @p0 $0xFFFFF000;
	s22 =	sadd.s32 @p0 $0x5100, s26  }
0x6d: {  	[spmem:s2] =	stream.indirect.scatter.add.bf16 @p0 [tilespmem:s25], [sflag:$0xD], $0x20, s22, s28, $0xb8;
	[tilespmem:$0x18F00] =	vst v63  }
0x6e: {  	s22 =	simm.s32 @!p0 $0xB  }
0x6f: {  	_ =	swait.ge @!p0 [sflag:s22], $0x1000  }
0x70: {  	[sflag:s22] =	ssyncset.done @!p0 $0x0  }
0x71: {  	[sflag:s22] =	ssyncadd.s32 @!p0 $0xFFFFF000;
	s22 =	sshra.s32 @!p0 s3, $0x2  }
0x72: {  	s5 =	simm.s32 @!p0 $0xA000;
	s25 =	simm.s32 @!p0 $0x80;
	s30 =	sadd.s32 @!p0 $0x500, s22  }
0x73: {  	[tilespmem:s5], [sflag:$0x1] =	stream.indirect.gather @!p0 [hbm4b:s4+s25], $0x20, s30, s25, $0xb8;
	[tilespmem:$0x18F00] =	vst v63  }
0x74: {  	s5 =	simm.s32 @!p0 $0x3  }
0x75: {  	_ =	swait.ge @!p0 [sflag:s5], $0x1000  }
0x76: {  	[sflag:s5] =	ssyncset.done @!p0 $0x0  }
0x77: {  	s30 =	simm.s32 @!p0 $0xC000;
	[sflag:s5] =	ssyncadd.s32 @!p0 $0xFFFFF000;
	s5 =	sadd.s32 @!p0 $0x5100, s22  }
0x78: {  	[spmem:s2] =	stream.indirect.scatter.add.bf16 @!p0 [tilespmem:s30], [sflag:$0xD], $0x20, s5, s25, $0xb8;
	[tilespmem:$0x18F00] =	vst v63  }
0x79: {  	s5 =	simm.s32 @!p0 $0xC  }
0x7a: {  	_ =	swait.ge @!p0 [sflag:s5], $0x1000  }
0x7b: {  	[sflag:s5] =	ssyncset.done @!p0 $0x0  }
0x7c: {  	s7 =	simm.s32 @!p0 $0xB000;
	[sflag:s5] =	ssyncadd.s32 @!p0 $0xFFFFF000;
	s5 =	sadd.s32 @!p0 $0x580, s22  }
0x7d: {  	[tilespmem:s7], [sflag:$0x2] =	stream.indirect.gather @!p0 [hbm4b:s4+s25], $0x20, s5, s25, $0xb8;
	[tilespmem:$0x18F00] =	vst v63  }
0x7e: {  	_ =	swait.ge [sflag:s16], $0x1000  }
0x7f: {  	[sflag:s16] =	ssyncset.done $0x0  }
0x80: {  	s7 =	sadd.s32 $0x5180, s21;
	s5 =	simm.s32 @p0 $0x5;
	[sflag:s16] =	ssyncadd.s32 $0xFFFFF000  }
0x81: {  	[spmem:s2] =	stream.indirect.scatter.add.bf16 [tilespmem:s19], [sflag:$0xE], $0x20, s7, s13, $0xb8;
	[tilespmem:$0x18F00] =	vst v63  }
0x82: {  	_ =	swait.ge @p0 [sflag:s5], $0x1000  }
0x83: {  	[sflag:s5] =	ssyncset.done @p0 $0x0  }
0x84: {  	s7 =	simm.s32 @p0 $0xE000;
	[sflag:s5] =	ssyncadd.s32 @p0 $0xFFFFF000;
	s5 =	sadd.s32 @p0 $0x5200, s26  }
0x85: {  	[spmem:s2] =	stream.indirect.scatter.add.bf16 @p0 [tilespmem:s7], [sflag:$0xF], $0x20, s5, s28, $0xb8;
	[tilespmem:$0x18F00] =	vst v63  }
0x86: {  	s5 =	simm.s32 @!p0 $0xD  }
0x87: {  	_ =	swait.ge @!p0 [sflag:s5], $0x1000  }
0x88: {  	[sflag:s5] =	ssyncset.done @!p0 $0x0  }
0x89: {  	[sflag:s5] =	ssyncadd.s32 @!p0 $0xFFFFF000;
	s5 =	sadd.s32 @!p0 $0x600, s22  }
0x8a: {  	[tilespmem:s30], [sflag:$0x3] =	stream.indirect.gather @!p0 [hbm4b:s4+s25], $0x20, s5, s25, $0xb8;
	[tilespmem:$0x18F00] =	vst v63  }
0x8b: {  	s5 =	simm.s32 @!p0 $0x5  }
0x8c: {  	_ =	swait.ge @!p0 [sflag:s5], $0x1000  }
0x8d: {  	[sflag:s5] =	ssyncset.done @!p0 $0x0  }
0x8e: {  	s7 =	simm.s32 @!p0 $0xE000;
	[sflag:s5] =	ssyncadd.s32 @!p0 $0xFFFFF000;
	s5 =	sadd.s32 @!p0 $0x5200, s22  }
0x8f: {  	[spmem:s2] =	stream.indirect.scatter.add.bf16 @!p0 [tilespmem:s7], [sflag:$0xF], $0x20, s5, s25, $0xb8;
	[tilespmem:$0x18F00] =	vst v63  }
0x90: {  	s5 =	simm.s32 @!p0 $0xE  }
0x91: {  	_ =	swait.ge @!p0 [sflag:s5], $0x1000  }
0x92: {  	[sflag:s5] =	ssyncset.done @!p0 $0x0  }
0x93: {  	s30 =	simm.s32 @!p0 $0xD000;
	[sflag:s5] =	ssyncadd.s32 @!p0 $0xFFFFF000;
	s5 =	sadd.s32 @!p0 $0x680, s22  }
0x94: {  	[tilespmem:s30], [sflag:$0x4] =	stream.indirect.gather @!p0 [hbm4b:s4+s25], $0x20, s5, s25, $0xb8;
	[tilespmem:$0x18F00] =	vst v63  }
0x95: {  	_ =	swait.ge [sflag:s17], $0x1000  }
0x96: {  	[sflag:s17] =	ssyncset.done $0x0  }
0x97: {  	s30 =	sadd.s32 $0x5280, s21;
	s5 =	simm.s32 @p0 $0x7;
	[sflag:s17] =	ssyncadd.s32 $0xFFFFF000  }
0x98: {  	[spmem:s2] =	stream.indirect.scatter.add.bf16 [tilespmem:s23], [sflag:$0x10], $0x20, s30, s13, $0xb8;
	[tilespmem:$0x18F00] =	vst v63  }
0x99: {  	_ =	swait.ge @p0 [sflag:s5], $0x1000  }
0x9a: {  	[sflag:s5] =	ssyncset.done @p0 $0x0  }
0x9b: {  	s30 =	simm.s32 @p0 $0x10000;
	[sflag:s5] =	ssyncadd.s32 @p0 $0xFFFFF000;
	s5 =	sadd.s32 @p0 $0x5300, s26  }
0x9c: {  	[spmem:s2] =	stream.indirect.scatter.add.bf16 @p0 [tilespmem:s30], [sflag:$0x11], $0x20, s5, s28, $0xb8;
	[tilespmem:$0x18F00] =	vst v63  }
0x9d: {  	s5 =	simm.s32 @!p0 $0xF  }
0x9e: {  	_ =	swait.ge @!p0 [sflag:s5], $0x1000  }
0x9f: {  	[sflag:s5] =	ssyncset.done @!p0 $0x0  }
0xa0: {  	[sflag:s5] =	ssyncadd.s32 @!p0 $0xFFFFF000;
	s5 =	sadd.s32 @!p0 $0x700, s22  }
0xa1: {  	[tilespmem:s7], [sflag:$0x5] =	stream.indirect.gather @!p0 [hbm4b:s4+s25], $0x20, s5, s25, $0xb8;
	[tilespmem:$0x18F00] =	vst v63  }
0xa2: {  	s5 =	simm.s32 @!p0 $0x7  }
0xa3: {  	_ =	swait.ge @!p0 [sflag:s5], $0x1000  }
0xa4: {  	[sflag:s5] =	ssyncset.done @!p0 $0x0  }
0xa5: {  	s7 =	simm.s32 @!p0 $0x10000;
	[sflag:s5] =	ssyncadd.s32 @!p0 $0xFFFFF000;
	s5 =	sadd.s32 @!p0 $0x5300, s22  }
0xa6: {  	[spmem:s2] =	stream.indirect.scatter.add.bf16 @!p0 [tilespmem:s7], [sflag:$0x11], $0x20, s5, s25, $0xb8;
	[tilespmem:$0x18F00] =	vst v63  }
0xa7: {  	s5 =	simm.s32 @!p0 $0x10  }
0xa8: {  	_ =	swait.ge @!p0 [sflag:s5], $0x1000  }
0xa9: {  	[sflag:s5] =	ssyncset.done @!p0 $0x0  }
0xaa: {  	s30 =	simm.s32 @!p0 $0xF000;
	[sflag:s5] =	ssyncadd.s32 @!p0 $0xFFFFF000;
	s5 =	sadd.s32 @!p0 $0x780, s22  }
0xab: {  	[tilespmem:s30], [sflag:$0x6] =	stream.indirect.gather @!p0 [hbm4b:s4+s25], $0x20, s5, s25, $0xb8;
	[tilespmem:$0x18F00] =	vst v63  }
0xac: {  	_ =	swait.ge [sflag:s18], $0x1000  }
0xad: {  	[sflag:s18] =	ssyncset.done $0x0  }
0xae: {  	s30 =	sadd.s32 $0x5380, s21;
	s5 =	simm.s32 @p0 $0x9;
	[sflag:s18] =	ssyncadd.s32 $0xFFFFF000  }
0xaf: {  	[spmem:s2] =	stream.indirect.scatter.add.bf16 [tilespmem:s29], [sflag:$0x12], $0x20, s30, s13, $0xb8;
	[tilespmem:$0x18F00] =	vst v63  }
0xb0: {  	_ =	swait.ge @p0 [sflag:s5], $0x1000  }
0xb1: {  	[sflag:s5] =	ssyncset.done @p0 $0x0  }
0xb2: {  	[sflag:s5] =	ssyncadd.s32 @p0 $0xFFFFF000;
	s5 =	sadd.s32 @p0 $0x5400, s26;
	s26 =	simm.s32 @p0 $0x12000  }
0xb3: {  	[spmem:s2] =	stream.indirect.scatter.add.bf16 @p0 [tilespmem:s26], [sflag:$0x13], $0x20, s5, s28, $0xb8;
	[tilespmem:$0x18F00] =	vst v63  }
0xb4: {  	s5 =	simm.s32 @!p0 $0x11  }
0xb5: {  	_ =	swait.ge @!p0 [sflag:s5], $0x1000  }
0xb6: {  	[sflag:s5] =	ssyncset.done @!p0 $0x0  }
0xb7: {  	[sflag:s5] =	ssyncadd.s32 @!p0 $0xFFFFF000;
	s5 =	sadd.s32 @!p0 $0x800, s22  }
0xb8: {  	[tilespmem:s7], [sflag:$0x7] =	stream.indirect.gather @!p0 [hbm4b:s4+s25], $0x20, s5, s25, $0xb8;
	[tilespmem:$0x18F00] =	vst v63  }
0xb9: {  	s5 =	simm.s32 @!p0 $0x9  }
0xba: {  	_ =	swait.ge @!p0 [sflag:s5], $0x1000  }
0xbb: {  	[sflag:s5] =	ssyncset.done @!p0 $0x0  }
0xbc: {  	s7 =	simm.s32 @!p0 $0x12000;
	[sflag:s5] =	ssyncadd.s32 @!p0 $0xFFFFF000;
	s5 =	sadd.s32 @!p0 $0x5400, s22  }
0xbd: {  	[spmem:s2] =	stream.indirect.scatter.add.bf16 @!p0 [tilespmem:s7], [sflag:$0x13], $0x20, s5, s25, $0xb8;
	[tilespmem:$0x18F00] =	vst v63  }
0xbe: {  	s5 =	simm.s32 @!p0 $0x12  }
0xbf: {  	_ =	swait.ge @!p0 [sflag:s5], $0x1000  }
0xc0: {  	[sflag:s5] =	ssyncset.done @!p0 $0x0  }
0xc1: {  	s7 =	simm.s32 @!p0 $0x11000;
	[sflag:s5] =	ssyncadd.s32 @!p0 $0xFFFFF000;
	s5 =	sadd.s32 @!p0 $0x880, s22  }
0xc2: {  	[tilespmem:s7], [sflag:$0x8] =	stream.indirect.gather @!p0 [hbm4b:s4+s25], $0x20, s5, s25, $0xb8;
	[tilespmem:$0x18F00] =	vst v63  }
.Ltmp2:
0xc3: {  	_ = 	snop;
	(pc) =	sbr.rel @p0 .LBB2_4-.Ltmp2, $4  }
0xc4: {  	_ =	swait.ge [sflag:s20], $0x1000  }
0xc5: {  	[sflag:s20] =	ssyncset.done $0x0  }
0xc6: {  	s30 =	sadd.s32 $0x5480, s21;
	[sflag:s20] =	ssyncadd.s32 $0xFFFFF000  }
0xc7: {  	[spmem:s2] =	stream.indirect.scatter.add.bf16 [tilespmem:s0], [sflag:$0x14], $0x20, s30, s13, $0xb8;
	[tilespmem:$0x18F00] =	vst v63  }
.Ltmp3:
0xc8: {  	(pc) =	sbr.rel .LBB2_2-.Ltmp3, $4  }
0xc9: {  	_ =	swait.ge [sflag:s8], $0x1000  }
0xca: {  	[sflag:s8] =	ssyncset.done $0x0  }
0xcb: {  	s5 =	sadd.s32 $0x900, s21;
	s3 =	sadd.s32 $0x1400, s3;
	[sflag:s8] =	ssyncadd.s32 $0xFFFFF000  }
0xcc: {  	[tilespmem:s31], [sflag:$0x9] =	stream.indirect.gather [hbm4b:s4+s13], $0x20, s5, s13, $0xb8;
	[tilespmem:$0x18F00] =	vst v63  }
.LBB2_5:
0xcd: {  	_ =	sfence.sel $0x180000  }
0xce: {  	[bflag:$0x0] =	sbarrier.arrive $0xFFFF  }
0xcf: {  	_ =	strace $0x9000004D  }
0xd0: {  	s0 =	stileid.u32;
	[bflag:$0x2] =	sbarrier.arrive $0xFFFF  }
0xd1: {  	p0 =	sne.s32 s0, $0x0;
	s0 =	rddreg [dreg:$0x2]  }
0xd2: {  	s0 =	sadd.s32 @!p0 $0x100000, s0  }
0xd3: {  	[sflag:s0] =	ssyncadd.tile.s32 @!p0 $0x1;
	_ =	shalt  }
.Lfunc_end2:
_tile_overlayer_lowered:
.L_overlay_start_2:
0xd4: {  	(tag) =	ssettag $0x2  }
0xd5: {  	s0 =	rddreg [dreg:$0x0];
	s2 =	stileid.u32  }
0xd6: {  	s1 =	rddreg [dreg:$0x1];
	p0 =	sne.s32 s2, $0x0  }
0xd7: {  	s3 =	rddreg [dreg:$0x2];
	[bflag:$0x3] =	sbarrier.arrive $0xFFFF;
	s2 =	simm.s32 @!p0 $0x1C15  }
0xd8: {  	[timem:s3], [sflag:s2] =	dma.local @!p0 [hbm:s0], s1  }
0xd9: {  	s0 =	simm.s32 @!p0 $0x15  }
0xda: {  	_ =	swait.ge @!p0 [sflag:s0], s1  }
0xdb: {  	s1 =	ssub.s32 @!p0 $0x0, s1;
	[sflag:s0] =	ssyncset.done @!p0 $0x0  }
0xdc: {  	[sflag:s0] =	ssyncadd.s32 @!p0 s1  }
0xdd: {  	[bflag:$0x3] =	sbarrier.arrive $0xFFFF  }
0xde: {  	_ =	shalt  }

// kernel: kernel.8.cloned.1.call-start
scs
__scs_entry_jumppad:
0x0: {  	(pc) =	sbr.rel $0x88, $3  }
0x1: {  	(tag) =	ssettag $0x0;
	lr =	simm.s32 $0x1  }
0x2: {  	[smem:$0x3F99] =	sst lr;
	_ =	strace $0xD0000000  }
0x3: {  	_ = 	snop  }
0x4: {  	_ = 	snop  }
0x5: {  	_ = 	snop  }
0x6: {  	_ = 	snop  }
0x7: {  	_ = 	snop  }
__scs_overlays_trampoline_lowered:
0x8: {  	[smem:$0x3FA8] =	sst s0  }
0x9: {  	[smem:$0x3FA9] =	sst s1  }
0xa: {  	[smem:$0x3FAA] =	sst s2  }
0xb: {  	[smem:$0x3FAB] =	sst s3  }
0xc: {  	[smem:$0x3FAC] =	sst s4  }
0xd: {  	[smem:$0x3FAD] =	sst s5  }
0xe: {  	[smem:$0x3FAE] =	sst s6  }
0xf: {  	[smem:$0x3FAF] =	sst s7  }
0x10: {  	[smem:$0x3FB0] =	sst s8  }
0x11: {  	[smem:$0x3FB1] =	sst s9;
	s0 =	simm.s32 @!p0 $0x0  }
0x12: {  	s1 =	sld [smem:$0x3F97];
	s0 =	simm.s32 @p0 $0x1  }
0x13: {  	[smem:$0x3FB2] =	sst s0;
	s0 =	simm.s32 @!p1 $0x0  }
0x14: {  	s2 =	sld [smem:$0x3F96];
	s0 =	simm.s32 @p1 $0x1  }
0x15: {  	[smem:$0x3FB3] =	sst s0;
	s0 =	simm.s32 @!p2 $0x0  }
0x16: {  	s3 =	sld [smem:$0x3FDB];
	s0 =	simm.s32 @p2 $0x1  }
0x17: {  	s4 =	simm.s32 $0x1BF5;
	[smem:$0x3FB5] =	sst s0  }
0x18: {  	s0 =	sld [smem:$0x3F98];
	_ =	swait.ge [sflag:s4], $0x0  }
0x19: {  	s7 =	sld [smem:$0x3F99]  }
0x1a: {  	s8 =	sadd.s32 $0xFFFFE003, lr  }
0x1b: {  	s9 =	sadd.s32 $0xFFFFFEF7, lr;
	s5 =	simm.s32 $0xFFFFFFFF;
	p2 =	slt.u32 s8, $0xFFFFF086  }
0x1c: {  	p1 =	slt.u32 s9, $0xF7A;
	s5 =	simm.s32 @!p2 $0x0  }
0x1d: {  	s5 =	simm.s32 @p1 $0x1;
	p0 =	seq.s32 s7, s2  }
0x1e: {  	s7 =	smul.u32 @!p0 $0xF7A, s2;
	p2 =	seq.s32 @!p0 s5, $0x0  }
0x1f: {  	s9 =	smul.u32 $0xF7A, s1;
	s8 =	simm.s32 @!p0 $0x1BF5;
	p2 =	por !p2, p0  }
0x20: {  	[sflag:s8] =	ssyncset.s32 @!p0 $0xFFFFF086;
	s6 =	sadd.s32 @!p0 s3, s7;
	s7 =	simm.s32 @!p0 $0x108  }
0x21: {  	s3 =	sadd.s32 s3, s9;
	s6 =	sadd.s32 @!p0 $0x88, s6;
	s7 =	simm.s32 @p2 $0x1082  }
0x22: {  	[simem:s7], [sflag:s8] =	dma.local @!p0 [hbm:s6], $0xF7A  }
0x23: {  	s9 =	sor.u32 $0xD0000000, s2;
	s6 =	simm.s32 $0x108;
	_ =	swait.ge @!p0 [sflag:s8], $0x0  }
0x24: {  	s3 =	sadd.s32 $0x88, s3;
	s6 =	simm.s32 @!p1 $0x1082;
	[sflag:s4] =	ssyncset.s32 $0xFFFFF086  }
0x25: {  	[simem:s6], [sflag:s4] =	dma.local [hbm:s3], $0xF7A  }
0x26: {  	[smem:$0x3F99] =	sst s1;
	(tag) =	ssettag s2;
	_ =	strace s9  }
0x27: {  	s1 =	sld [smem:$0x3FA9]  }
0x28: {  	s2 =	sld [smem:$0x3FAA]  }
0x29: {  	s4 =	sld [smem:$0x3FAC]  }
0x2a: {  	p0 =	seq.s32 s5, $0x0;
	s5 =	sld [smem:$0x3FAD]  }
0x2b: {  	s6 =	sld [smem:$0x3FAE]  }
0x2c: {  	s7 =	sld [smem:$0x3FAF]  }
0x2d: {  	s3 =	simm.s32 $0x108;
	s8 =	sld [smem:$0x3FB0]  }
0x2e: {  	s3 =	simm.s32 @!p0 $0x1082;
	s9 =	sld [smem:$0x3FB1]  }
0x2f: {  	lr =	sadd.s32 s0, s3;
	s0 =	sld [smem:$0x3FA8]  }
0x30: {  	s3 =	sld [smem:$0x3FAB]  }
0x31: {  	[smem:$0x3FB4] =	sst s10  }
0x32: {  	s10 =	sld [smem:$0x3FB2];
	_ =	sdelay $0x3  }
0x33: {  	p0 =	seq.s32 s10, $0x1;
	s10 =	sld [smem:$0x3FB4];
	_ =	sdelay $0x3  }
0x34: {  	[smem:$0x3FB4] =	sst s10  }
0x35: {  	s10 =	sld [smem:$0x3FB3];
	_ =	sdelay $0x3  }
0x36: {  	p1 =	seq.s32 s10, $0x1;
	s10 =	sld [smem:$0x3FB4];
	_ =	sdelay $0x3  }
0x37: {  	[smem:$0x3FB4] =	sst s10  }
0x38: {  	s10 =	sld [smem:$0x3FB5]  }
0x39: {  	_ = 	snop;
	(pc) =	sbr.ind lr, $3  }
0x3a: {  	_ = 	snop  }
0x3b: {  	_ = 	snop  }
0x3c: {  	p2 =	seq.s32 s10, $0x1;
	s10 =	sld [smem:$0x3FB4]  }
0x3d: {  	_ =	shalt  }
0x3e: {  	_ =	shalt  }
0x3f: {  	_ =	shalt  }
0x40: {  	_ =	shalt  }
0x41: {  	_ =	shalt  }
0x42: {  	_ =	shalt  }
0x43: {  	_ =	shalt  }
0x44: {  	_ =	shalt  }
0x45: {  	_ =	shalt  }
0x46: {  	_ =	shalt  }
0x47: {  	_ =	shalt  }
0x48: {  	_ =	shalt  }
0x49: {  	_ =	shalt  }
0x4a: {  	_ =	shalt  }
0x4b: {  	_ =	shalt  }
0x4c: {  	_ =	shalt  }
0x4d: {  	_ =	shalt  }
0x4e: {  	_ =	shalt  }
0x4f: {  	_ =	shalt  }
0x50: {  	_ =	shalt  }
0x51: {  	_ =	shalt  }
0x52: {  	_ =	shalt  }
0x53: {  	_ =	shalt  }
0x54: {  	_ =	shalt  }
0x55: {  	_ =	shalt  }
0x56: {  	_ =	shalt  }
0x57: {  	_ =	shalt  }
0x58: {  	_ =	shalt  }
0x59: {  	_ =	shalt  }
0x5a: {  	_ =	shalt  }
0x5b: {  	_ =	shalt  }
0x5c: {  	_ =	shalt  }
0x5d: {  	_ =	shalt  }
0x5e: {  	_ =	shalt  }
0x5f: {  	_ =	shalt  }
0x60: {  	_ =	shalt  }
0x61: {  	_ =	shalt  }
0x62: {  	_ =	shalt  }
0x63: {  	_ =	shalt  }
0x64: {  	_ =	shalt  }
0x65: {  	_ =	shalt  }
0x66: {  	_ =	shalt  }
0x67: {  	_ =	shalt  }
0x68: {  	_ =	shalt  }
0x69: {  	_ =	shalt  }
0x6a: {  	_ =	shalt  }
0x6b: {  	_ =	shalt  }
0x6c: {  	_ =	shalt  }
0x6d: {  	_ =	shalt  }
0x6e: {  	_ =	shalt  }
0x6f: {  	_ =	shalt  }
0x70: {  	_ =	shalt  }
0x71: {  	_ =	shalt  }
0x72: {  	_ =	shalt  }
0x73: {  	_ =	shalt  }
0x74: {  	_ =	shalt  }
0x75: {  	_ =	shalt  }
0x76: {  	_ =	shalt  }
0x77: {  	_ =	shalt  }
0x78: {  	_ =	shalt  }
0x79: {  	_ =	shalt  }
0x7a: {  	_ =	shalt  }
0x7b: {  	_ =	shalt  }
0x7c: {  	_ =	shalt  }
0x7d: {  	_ =	shalt  }
0x7e: {  	_ =	shalt  }
0x7f: {  	_ =	shalt  }
0x80: {  	_ =	shalt  }
0x81: {  	_ =	shalt  }
0x82: {  	_ =	shalt  }
0x83: {  	_ =	shalt  }
0x84: {  	_ =	shalt  }
0x85: {  	_ =	shalt  }
0x86: {  	_ =	shalt  }
0x87: {  	_ =	shalt  }
.Lfunc_end0:
.L_simem_size_0:
called_computation_lowered:
.L_overlay_start_0:
0x88: {  	s2 =	sld [smem:$0x3FD9]  }
0x89: {  	s3 =	sld [smem:$0x3FFE];
	_ =	sdelay $0x1  }
0x8a: {  	s1 =	srdreg.scid  }
0x8b: {  	s0 =	sand.u32 $0x1, s1  }
0x8c: {  	s16 =	sshll.u32 s0, $0xA;
	s2 =	sadd.s32 s3, s2  }
0x8d: {  	s2 =	sadd.s32 s2, s16  }
0x8e: {  	[smem:$0x3FC0] =	sst s2  }
0x8f: {  	_ = 	snop  }
0x90: {  	(tm) =	ssettm $0x1  }
0x91: {  	s17 =	sld [smem:$0x3FFB];
	_ =	sdelay $0x3  }
0x92: {  	_ =	strace s17  }
0x93: {  	s2 =	sld [smem:$0x3FFC];
	_ =	sdelay $0x3  }
0x94: {  	_ =	strace s2  }
0x95: {  	s2 =	sld [smem:$0x3FFD];
	_ =	sdelay $0x3  }
0x96: {  	_ =	strace s2  }
0x97: {  	_ =	strace $0x8FFFFFFF  }
0x98: {  	s18 =	sld [smem:$0x3FDB];
	_ =	sdelay $0x1  }
0x99: {  	s19 =	simm.s32 $_scs_section_size  }
0x9a: {  	s4 =	simm.s32 $_size__tile_overlayer_lowered;
	s5 =	simm.s32 $_tile_overlayer_lowered  }
0x9b: {  	s22 =	simm.s32 $0x1BFF;
	s21 =	sshll.u32 s5, $0x1;
	s2 =	sadd.s32 s19, s18  }
0x9c: {  	s6 =	simm.s32 $0x0;
	s20 =	sshll.u32 s4, $0x1;
	s4 =	sadd.s32 s21, s2  }
0x9d: {  	[timem:s6], [sflag:s22] =	dma.local [hbm:s4], s20  }
0x9e: {  	_ =	swait.ge [sflag:s22], s20  }
0x9f: {  	s3 =	ssub.s32 $0x0, s20;
	[sflag:s22] =	ssyncset.done $0x0  }
0xa0: {  	[sflag:s22] =	ssyncadd.s32 s3;
	_ =	sdelay $0x1  }
0xa1: {  	s23 =	simm.s32 $0x1B8B  }
0xa2: {  	_ =	swait.ge [sflag:s23], $0x1  }
0xa3: {  	[sflag:s23] =	ssyncset.done $0x0  }
0xa4: {  	s25 =	simm.s32 $0x1B8E;
	s24 =	sld [smem:$0x3FFE];
	[sflag:s23] =	ssyncadd.s32 $0xFFFFFFFF  }
0xa5: {  	s26 =	simm.s32 $execute0_lowered;
	[smem:$0x3FD2] =	sst s25  }
0xa6: {  	s4 =	sshll.u32 s26, $0x1;
	_ =	strace $0x80000046;
	[dreg:$0x1] =	wrdreg $0xFFFFFFFF  }
0xa7: {  	s28 =	simm.s32 $_size_execute0_lowered;
	s2 =	sadd.s32 s2, s4;
	[dreg:$0x0] =	wrdreg $0x0  }
0xa8: {  	s4 =	sshll.u32 s28, $0x1;
	[dreg:$0x2] =	wrdreg s2  }
0xa9: {  	[dreg:$0x3] =	wrdreg s4  }
0xaa: {  	[dreg:$0x4] =	wrdreg $0xC0  }
0xab: {  	_ =	task [dreg:s6], $0x5FFFF  }
0xac: {  	[dreg:$0x1] =	wrdreg $0xFFFFFFFF  }
0xad: {  	[dreg:$0x0] =	wrdreg $0x60  }
0xae: {  	[dreg:$0x2] =	wrdreg s24  }
0xaf: {  	[dreg:$0x3] =	wrdreg $0x30000  }
0xb0: {  	[dreg:$0x4] =	wrdreg $0x9  }
0xb1: {  	_ =	task.clear_ibuf [dreg:s6], $0x5FFFF;
	_ =	strace $0x90000046  }
0xb2: {  	s29 =	simm.s32 $0x9;
	_ =	strace $0x80000048  }
0xb3: {  	_ =	swait.ge [sflag:s29], $0x1  }
0xb4: {  	[sflag:s29] =	ssyncadd.s32 $0xFFFFFFFF  }
0xb5: {  	_ =	strace $0x90000048  }
0xb6: {  	_ =	sfence  }
0xb7: {  	s30 =	sld [smem:$0x0];
	_ =	sdelay $0x2  }
0xb8: {  	s31 =	sshll.u32 s1, $0xD;
	s1 =	sshrl.u32 s1, $0x2  }
0xb9: {  	s3 =	sand.u32 $0x4000, s31;
	s1 =	sadd.s32 s1, s30  }
0xba: {  	s0 =	sor.u32 s3, s0;
	s1 =	sshll.u32 s1, $0x11  }
0xbb: {  	s0 =	sor.u32 s1, s0  }
0xbc: {  	s0 =	sadd.s32 $0x8F2B, s0  }
0xbd: {  	[sflag:s0] =	ssyncadd.remote.s32 $0x1  }
0xbe: {  	_ =	sfence.sel $0xFFFF  }
0xbf: {  	[dreg:$0x0] =	wrdreg $0xFFFFFFFF;
	(pc) =	sbr.abs _section_cstart, $3  }
0xc0: {  	[dreg:$0x1] =	wrdreg $0xFFFFFFFF  }
0xc1: {  	_ =	task.clear_ibuf [dreg:s6], $0x2FFFF;
	_ =	strace $0x9FFFFFFF  }
0xc2: {  	(tm) =	ssettm $0x7FFFFFFF  }
0xc3: {  	_ =	shalt  }
tec
execute0_lowered:
.L_overlay_start_1:
0x0: {  	(tag) =	ssettag $0x1  }
0x1: {  	s0 =	srdreg.scid;
	s6 =	rddreg [dreg:$0x0]  }
0x2: {  	s2 =	rddreg [dreg:$0x1];
	s4 =	sand.u32 $0x1, s0  }
0x3: {  	s3 =	simm.s32 $0x0;
	s0 =	stileid.u32;
	s5 =	smul.u32 $0x28000, s4  }
0x4: {  	[smem:$0x7FF] =	sst s3;
	s7 =	smul.u32 $0x2800, s0  }
0x5: {  	s1 =	rddreg [dreg:$0x2];
	s28 =	smul.u32 $0x2780, s0;
	_ =	strace $0x80000047  }
0x6: {  	s29 =	smul.u32 $0x4F00, s4;
	s9 =	ssub.s32 $0x2, s4;
	s4 =	sadd.s32 $0x11800, s6  }
0x7: {  	s30 =	sshll.u32 s0, $0x6;
	s11 =	sshrl.u32 s9, $0x1;
	s5 =	sadd.s32 s7, s5  }
0x8: {  	s13 =	sshrl.u32 s28, $0x3;
	s12 =	sadd.s32 s29, s6;
	s9 =	ssub.s32 s9, s11  }
0x9: {  	s31 =	sadd.s32 s28, s2;
	s11 =	simm.s32 $0x2800;
	s5 =	sshrl.u32 s5, $0x3  }
0xa: {  	s10 =	sadd.s32 s13, s6;
	s14 =	sadd.s32 $0x11A00, s12;
	s12 =	simm.s32 $0x80  }
0xb: {  	s8 =	sadd.s32 s5, s6;
	s5 =	sadd.s32 $0xC800, s10;
	s6 =	sor.u32 $0x1C01, s30  }
0xc: {  	s10 =	simm.s32 $0x1;
	s13 =	sadd.s32 s13, s14;
	s14 =	simm.s32 $0x0  }
0xd: {  	s7 =	sadd.s32 $0x2800, s8;
	s8 =	smax.u32 s9, $0x1;
	s9 =	sshrl.u32 s31, $0x3  }
.LBB2_1:
0xe: {  	[spmem:s9], [sflag:s6] =	dma.local [hbm:s5], $0x4F0  }
0xf: {  	_ =	swait.ge [sflag:s10], $0x4F0  }
0x10: {  	[sflag:s10] =	ssyncset.done $0x0  }
0x11: {  	[sflag:s10] =	ssyncadd.s32 $0xFFFFFB10  }
0x12: {  	[tilespmem:s3], [sflag:$0x1] =	stream.linear.gather [hbm4b:s7+s3], $0x2800, $0x38;
	[tilespmem:$0x5780] =	vst v63  }
0x13: {  	_ =	swait.ge [sflag:s10], $0x2800  }
0x14: {  	[sflag:s10] =	ssyncset.done $0x0  }
0x15: {  	[sflag:s10] =	ssyncadd.s32 $0xFFFFD800  }
0x16: {  	[tilespmem:s11], [sflag:$0x1] =	stream.linear.gather [hbm4b:s4+s3], $0x800, $0x38;
	[tilespmem:$0x5780] =	vst v63  }
0x17: {  	_ =	swait.ge [sflag:s10], $0x800  }
0x18: {  	[sflag:s10] =	ssyncset.done $0x0  }
0x19: {  	[sflag:s10] =	ssyncadd.s32 $0xFFFFF800  }
0x1a: {  	s15 =	simm.s32 $0x0;
	[bflag:$0x0] =	sbarrier.arrive $0xFFFF  }
0x1b: {  	[spmem:s2] =	stream.indirect.scatter.add.f32 [tilespmem:s11], [sflag:$0x1], $0x10, s15, s12, $0xb8;
	[tilespmem:$0x5780] =	vst v63  }
0x1c: {  	_ =	swait.ge [sflag:s10], $0x800  }
0x1d: {  	s15 =	simm.s32 $0x200;
	[sflag:s10] =	ssyncset.done $0x0  }
.LBB2_2:
0x1e: {  	s16 =	sshra.s32 s15, $0x2;
	[sflag:s10] =	ssyncadd.s32 $0xFFFFF800;
	p0 =	sne.s32 s15, $0x9E00  }
0x1f: {  	[spmem:s2] =	stream.indirect.scatter.add.f32 [tilespmem:s11], [sflag:$0x1], $0x10, s16, s12, $0xb8;
	[tilespmem:$0x5780] =	vst v63  }
.Ltmp0:
0x20: {  	_ = 	snop;
	(pc) =	sbr.rel @p0 .LBB2_2-.Ltmp0, $4  }
0x21: {  	_ = 	snop  }
0x22: {  	s15 =	sadd.s32 $0x200, s15  }
0x23: {  	_ =	swait.ge [sflag:s10], $0x800  }
0x24: {  	[sflag:s10] =	ssyncset.done $0x0  }
0x25: {  	s14 =	sadd.s32 $0x1, s14  }
0x26: {  	[sflag:s10] =	ssyncadd.s32 $0xFFFFF800;
	p0 =	sne.s32 s14, s8  }
.Ltmp1:
0x27: {  	[bflag:$0x0] =	sbarrier.arrive $0xFFFF;
	(pc) =	sbr.rel @p0 .LBB2_1-.Ltmp1, $4  }
0x28: {  	[hbm:s13], [sflag:s6] =	dma.local [spmem:s9], $0x4F0  }
0x29: {  	_ =	swait.ge [sflag:s10], $0x4F0  }
0x2a: {  	[sflag:s10] =	ssyncset.done $0x0  }
0x2b: {  	[sflag:s10] =	ssyncadd.s32 $0xFFFFFB10  }
0x2c: {  	_ =	sfence.sel $0x180000  }
0x2d: {  	[bflag:$0x0] =	sbarrier.arrive $0xFFFF  }
0x2e: {  	p0 =	sne.s32 s0, $0x0;
	_ =	strace $0x90000047  }
0x2f: {  	s0 =	sadd.s32 @!p0 $0x100000, s1;
	[bflag:$0x2] =	sbarrier.arrive $0xFFFF  }
0x30: {  	[sflag:s0] =	ssyncadd.tile.s32 @!p0 $0x1;
	_ =	shalt  }
.Lfunc_end2:
_tile_overlayer_lowered:
.L_overlay_start_2:
0x31: {  	(tag) =	ssettag $0x2  }
0x32: {  	s0 =	rddreg [dreg:$0x0];
	s2 =	stileid.u32  }
0x33: {  	s1 =	rddreg [dreg:$0x1];
	p0 =	sne.s32 s2, $0x0  }
0x34: {  	s3 =	rddreg [dreg:$0x2];
	[bflag:$0x3] =	sbarrier.arrive $0xFFFF;
	s2 =	simm.s32 @!p0 $0x1C01  }
0x35: {  	[timem:s3], [sflag:s2] =	dma.local @!p0 [hbm:s0], s1  }
0x36: {  	s0 =	simm.s32 @!p0 $0x1  }
0x37: {  	_ =	swait.ge @!p0 [sflag:s0], s1  }
0x38: {  	s1 =	ssub.s32 @!p0 $0x0, s1;
	[sflag:s0] =	ssyncset.done @!p0 $0x0  }
0x39: {  	[sflag:s0] =	ssyncadd.s32 @!p0 s1  }
0x3a: {  	[bflag:$0x3] =	sbarrier.arrive $0xFFFF  }
0x3b: {  	_ =	shalt  }

</sc_bundles>
